<compile_context>
chip_gen: v7x
topology: tpu7x:2x2x1
jax: 0.10.2.dev20260603
libtpu: 0.0.44.dev20260713+nightly
codegen_flags: <defaults>
</compile_context>

<pallas_src>
import functools
import jax
import jax.numpy as jnp
from jax import lax
from jax.experimental import pallas as pl
from jax.experimental.pallas import tpu as pltpu
from jax.experimental.pallas import tpu_sc as plsc

N = 50000
E = 800000
H = 32
FEAT = 128
ED = 16
P = N + 1
B = 512
L = 32

NC = 2
NS = 16
NW = NC * NS

P2 = 50176
Q = P2 // 4
Q2 = 12672
QPT = Q2 // NS
PAYW = 128
ECH = 200
EPW = E // NW
NFULL = EPW // ECH

_mesh = plsc.VectorSubcoreMesh(core_axis_name="c", subcore_axis_name="s")



GW = 128
GCH = 1000


def _gather_rows(table, idx, n_total):
    per_w = n_total // NW
    nchunks = per_w // GCH
    rem = per_w - nchunks * GCH
    ch = GCH if nchunks > 0 else rem

    @functools.partial(
        pl.kernel, mesh=_mesh,
        out_type=jax.ShapeDtypeStruct((n_total, GW), jnp.float32),
        scratch_types=[pltpu.VMEM((ch,), jnp.int32),
                       pltpu.VMEM((ch, GW), jnp.float32),
                       pltpu.SemaphoreType.DMA],
    )
    def k(table_hbm, idx_hbm, out_hbm, idx_a, rows_a, sem):
        wid = lax.axis_index("s") * NC + lax.axis_index("c")
        base = wid * per_w

        def body(j, carry):
            off = base + j * ch
            pltpu.sync_copy(idx_hbm.at[pl.ds(off, ch)], idx_a)
            pltpu.async_copy(table_hbm.at[idx_a], rows_a, sem).wait()
            pltpu.sync_copy(rows_a, out_hbm.at[pl.ds(off, ch)])
            return carry

        if nchunks > 1:
            lax.fori_loop(0, nchunks, body, 0)
        else:
            body(0, 0)

    return k(table, idx)


def _scatter_quarter(pay, idxq, zeros_tile):
    scratch = [
        pltpu.VMEM((ECH,), jnp.int32),
        pltpu.VMEM((ECH, PAYW), jnp.float32),
        pltpu.VMEM_SHARED((Q2, PAYW), jnp.float32),
    ]

    @functools.partial(
        pl.kernel, mesh=_mesh,
        out_type=jax.ShapeDtypeStruct((NC, Q2, PAYW), jnp.float32),
        scratch_types=scratch,
    )
    def k(pay_hbm, idx_hbm, zeros_hbm, out_hbm, idx_a, pay_a, acc):
        cid = lax.axis_index("c")
        sid = lax.axis_index("s")
        wid = sid * NC + cid
        pltpu.sync_copy(zeros_hbm, acc.at[pl.ds(sid * QPT, QPT)])
        plsc.subcore_barrier()
        base = wid * EPW

        def body(j, carry):
            off = base + j * ECH
            pltpu.sync_copy(idx_hbm.at[pl.ds(off, ECH)], idx_a)
            pltpu.sync_copy(pay_hbm.at[pl.ds(off, ECH)], pay_a)
            pltpu.sync_copy(pay_a, acc.at[idx_a], add=True)
            return carry

        lax.fori_loop(0, NFULL, body, 0)
        plsc.subcore_barrier()
        r0 = sid * QPT
        pltpu.sync_copy(acc.at[pl.ds(r0, QPT)],
                        out_hbm.at[cid, pl.ds(r0, QPT)])

    return k(pay, idxq, zeros_tile)


def _segment_softmax_sum(pay, idx4, zeros_tile):
    outs = [_scatter_quarter(pay, idx4[q], zeros_tile) for q in range(4)]
    return jnp.stack(outs, axis=0)



EBLK = 2000
NBLK = 2000
PBLK = P2 // 16


def _embed_nodes(tf, W_emb, b_emb):
    def body(x_ref, w_ref, b_ref, o_ref):
        o_ref[...] = jnp.dot(x_ref[...], w_ref[...],
                             preferred_element_type=jnp.float32) + b_ref[...]
    return pl.pallas_call(
        body,
        grid=(N // NBLK,),
        in_specs=[pl.BlockSpec((NBLK, FEAT), lambda i: (i, 0)),
                  pl.BlockSpec((FEAT, H), lambda i: (0, 0)),
                  pl.BlockSpec((1, H), lambda i: (0, 0))],
        out_specs=pl.BlockSpec((NBLK, H), lambda i: (i, 0)),
        out_shape=jax.ShapeDtypeStruct((N, H), jnp.float32),
    )(tf, W_emb, b_emb.reshape(1, H))


def _embed_msg(fdg, rij, Wd_a, wd_r, b_dist):
    def body(f_ref, r_ref, wa_ref, wr_ref, b_ref, o_ref):
        o_ref[...] = (jnp.dot(f_ref[...], wa_ref[...],
                              preferred_element_type=jnp.float32)
                      + r_ref[...] * wr_ref[...] + b_ref[...])
    return pl.pallas_call(
        body,
        grid=(E // EBLK,),
        in_specs=[pl.BlockSpec((EBLK, ED), lambda i: (i, 0)),
                  pl.BlockSpec((EBLK, 1), lambda i: (i, 0)),
                  pl.BlockSpec((ED, H), lambda i: (0, 0)),
                  pl.BlockSpec((1, H), lambda i: (0, 0)),
                  pl.BlockSpec((1, H), lambda i: (0, 0))],
        out_specs=pl.BlockSpec((EBLK, H), lambda i: (i, 0)),
        out_shape=jax.ShapeDtypeStruct((E, H), jnp.float32),
    )(fdg, rij.reshape(E, 1), Wd_a, wd_r, b_dist.reshape(1, H))


def _attn_body(nbr, msg, w1_ref, w2_ref, bg_ref, av_ref, pay_ref):
    z = (jnp.dot(nbr, w1_ref[...], preferred_element_type=jnp.float32)
         + jnp.dot(msg, w2_ref[...], preferred_element_type=jnp.float32)
         + bg_ref[...])
    e = jnp.sum(z * av_ref[...], axis=1, keepdims=True)
    e = jnp.where(e >= 0, e, 0.2 * e)
    s = jnp.exp(e)
    pay_ref[...] = jnp.concatenate(
        [s * z, s, jnp.zeros((z.shape[0], PAYW - H - 1), jnp.float32)], axis=1)


def _attn1(nbr, msg, W1, W2, b_gat, a_vec):
    def body(n_ref, m_ref, w1, w2, bg, av, pay_ref):
        _attn_body(n_ref[:, :H], m_ref[...], w1, w2, bg, av, pay_ref)
    return pl.pallas_call(
        body,
        grid=(E // EBLK,),
        in_specs=[pl.BlockSpec((EBLK, GW), lambda i: (i, 0)),
                  pl.BlockSpec((EBLK, H), lambda i: (i, 0)),
                  pl.BlockSpec((H, H), lambda i: (0, 0)),
                  pl.BlockSpec((H, H), lambda i: (0, 0)),
                  pl.BlockSpec((1, H), lambda i: (0, 0)),
                  pl.BlockSpec((1, H), lambda i: (0, 0))],
        out_specs=pl.BlockSpec((EBLK, PAYW), lambda i: (i, 0)),
        out_shape=jax.ShapeDtypeStruct((E, PAYW), jnp.float32),
    )(nbr, msg, W1, W2, b_gat.reshape(1, H), a_vec.reshape(1, H))


def _attn2(u1, u2, nbr, msg0, Wu1, Wu2, W1, W2, b_gat, a_vec):
    def body(u1_ref, u2_ref, n_ref, m_ref, wu1, wu2, w1, w2, bg, av,
             pay_ref):
        pre = (jnp.dot(u1_ref[:, :H], wu1[...],
                       preferred_element_type=jnp.float32)
               + jnp.dot(u2_ref[:, :H], wu2[...],
                         preferred_element_type=jnp.float32)
               + m_ref[...])
        msg1 = jnp.where(pre > 0, pre, jnp.exp(pre) - 1.0)
        _attn_body(n_ref[:, :H], msg1, w1, w2, bg, av, pay_ref)
    return pl.pallas_call(
        body,
        grid=(E // EBLK,),
        in_specs=[pl.BlockSpec((EBLK, GW), lambda i: (i, 0)),
                  pl.BlockSpec((EBLK, GW), lambda i: (i, 0)),
                  pl.BlockSpec((EBLK, GW), lambda i: (i, 0)),
                  pl.BlockSpec((EBLK, H), lambda i: (i, 0)),
                  pl.BlockSpec((H, H), lambda i: (0, 0)),
                  pl.BlockSpec((H, H), lambda i: (0, 0)),
                  pl.BlockSpec((H, H), lambda i: (0, 0)),
                  pl.BlockSpec((H, H), lambda i: (0, 0)),
                  pl.BlockSpec((1, H), lambda i: (0, 0)),
                  pl.BlockSpec((1, H), lambda i: (0, 0))],
        out_specs=pl.BlockSpec((EBLK, PAYW), lambda i: (i, 0)),
        out_shape=jax.ShapeDtypeStruct((E, PAYW), jnp.float32),
    )(u1, u2, nbr, msg0, Wu1, Wu2, W1, W2, b_gat.reshape(1, H),
      a_vec.reshape(1, H))


QB = 784


def _combine_norm(nd):
    def body(nd_ref, o_ref):
        x = nd_ref[0]
        num = x[0, :, :H] + x[1, :, :H]
        den = x[0, :, H:H + 1] + x[1, :, H:H + 1]
        v = num / (den + 1e-9)
        v = jnp.where(v > 0, v, jnp.exp(v) - 1.0)
        o_ref[...] = jnp.concatenate(
            [v, jnp.zeros((v.shape[0], GW - H), jnp.float32)], axis=1)
    return pl.pallas_call(
        body,
        grid=(4, Q // QB),
        in_specs=[pl.BlockSpec((1, NC, QB, PAYW), lambda q, b: (q, 0, b, 0))],
        out_specs=pl.BlockSpec((QB, GW), lambda q, b: (q * (Q // QB) + b, 0)),
        out_shape=jax.ShapeDtypeStruct((P2, GW), jnp.float32),
    )(nd)


def _readout_sum(cmp_enc):
    def body(x_ref, o_ref):
        o_ref[...] = jnp.sum(x_ref[:, :, :H], axis=1)
    return pl.pallas_call(
        body,
        grid=(1,),
        in_specs=[pl.BlockSpec((B, L, GW), lambda i: (0, 0, 0))],
        out_specs=pl.BlockSpec((B, H), lambda i: (0, 0)),
        out_shape=jax.ShapeDtypeStruct((B, H), jnp.float32),
    )(cmp_enc)



def kernel(target_features, feature_dist_graph, rij_dist_pairs, b_scope,
           start_end_env, l_scope, scope_update, scope_update_lig,
           W_emb, b_emb, W_dist, b_dist, W_gat, b_gat, a_vec, W_upd):
    W1 = W_gat[:H]
    W2 = W_gat[H:]
    Wu1 = W_upd[:H]
    Wu2 = W_upd[H:]
    Wd_a = W_dist[:ED]
    wd_r = W_dist[ED:ED + 1]
    zeros_tile = jnp.zeros((QPT, PAYW), jnp.float32)
    idx4 = jnp.stack([
        jnp.where((b_scope >= q * Q) & (b_scope < (q + 1) * Q),
                  b_scope - q * Q, Q)
        for q in range(4)], axis=0)

    h_core = _embed_nodes(target_features, W_emb, b_emb)
    h = jnp.zeros((P2, GW), jnp.float32).at[1:N + 1, :H].set(h_core)
    msg0 = _embed_msg(feature_dist_graph, rij_dist_pairs, Wd_a, wd_r, b_dist)

    nbr = _gather_rows(h, start_end_env, E)
    pay = _attn1(nbr, msg0, W1, W2, b_gat, a_vec)
    nd = _segment_softmax_sum(pay, idx4, zeros_tile)
    h1 = _combine_norm(nd)

    u1 = _gather_rows(h1, scope_update, E)
    u2 = _gather_rows(h1, scope_update_lig, E)
    nbr2 = _gather_rows(h1, start_end_env, E)
    pay2 = _attn2(u1, u2, nbr2, msg0, Wu1, Wu2, W1, W2, b_gat, a_vec)
    nd2 = _segment_softmax_sum(pay2, idx4, zeros_tile)
    h2 = _combine_norm(nd2)

    cmp_flat = _gather_rows(h2, l_scope.reshape(B * L), B * L)
    mol_vecs = _readout_sum(cmp_flat.reshape(B, L, GW))
    return mol_vecs

# --- scband reference (transcript-rebuilt; emitter-appended) ---
"""Pipeline reference for scband-pha-gat-model-48550310314397 (READ-ONLY COPY).

The authoritative reference and input builder live on the scoring server;
editing this copy changes nothing except your own understanding.
"""

import jax, jax.numpy as jnp
import numpy as np

N = 50000
E = 800000
H = 32
FEAT = 128
ED = 16
P = N + 1
B = 512
L = 32
NUM_ITERS = 2


def setup_inputs(seed: int = 0) -> dict:
    key = jax.random.key(seed)
    ks = jax.random.split(key, 20)
    inp = {}
    inp["target_features"] = jax.random.normal(ks[0], (N, FEAT), dtype=jnp.float32)
    inp["feature_dist_graph"] = jax.random.normal(ks[1], (E, ED), dtype=jnp.float32)
    inp["rij_dist_pairs"] = jax.random.uniform(ks[2], (E,), dtype=jnp.float32)
    inp["b_scope"] = jnp.sort(jax.random.randint(ks[3], (E,), 0, P, dtype=jnp.int32))
    inp["start_end_env"] = jax.random.randint(ks[4], (E,), 0, P, dtype=jnp.int32)
    inp["l_scope"] = jax.random.randint(ks[5], (B, L), 0, P, dtype=jnp.int32)
    inp["scope_update"] = jax.random.randint(ks[6], (E,), 0, P, dtype=jnp.int32)
    inp["scope_update_lig"] = jax.random.randint(ks[7], (E,), 0, P, dtype=jnp.int32)
    # learned parameters (embedding Dense, dist_embedding Dense, GAT layer, message update)
    inp["W_emb"] = jax.random.uniform(ks[8], (FEAT, H), dtype=jnp.float32, minval=0.1, maxval=0.9) * 0.05
    inp["b_emb"] = jnp.zeros((H,), dtype=jnp.float32)
    inp["W_dist"] = jax.random.uniform(ks[9], (ED + 1, H), dtype=jnp.float32, minval=0.1, maxval=0.9) * 0.05
    inp["b_dist"] = jnp.zeros((H,), dtype=jnp.float32)
    inp["W_gat"] = jax.random.normal(ks[10], (2 * H, H), dtype=jnp.float32) * 0.05
    inp["b_gat"] = jnp.zeros((H,), dtype=jnp.float32)
    inp["a_vec"] = jax.random.normal(ks[11], (H,), dtype=jnp.float32) * 0.05
    inp["W_upd"] = jax.random.normal(ks[12], (2 * H, H), dtype=jnp.float32) * 0.05
    return inp


def _segment_softmax(e, seg, num_segments):
    m = jax.ops.segment_max(e, seg, num_segments=num_segments)
    m = jnp.where(jnp.isfinite(m), m, 0.0)
    ex = jnp.exp(e - m[seg])
    denom = jax.ops.segment_sum(ex, seg, num_segments=num_segments)
    return ex / (denom[seg] + 1e-9)


def reference(target_features, feature_dist_graph, rij_dist_pairs, b_scope, start_end_env, l_scope, scope_update, scope_update_lig, W_emb, b_emb, W_dist, b_dist, W_gat, b_gat, a_vec, W_upd):
    # embedding over origin features
    h = target_features @ W_emb + b_emb  # [N, H]
    # message = dist_embedding(concat(edge feats, rij))
    rij = jnp.reshape(rij_dist_pairs, (-1, 1))
    msg = jnp.concatenate([feature_dist_graph, rij], axis=1) @ W_dist + b_dist  # [E, H]
    # prepend zero padding row (index 0 = zero vector)
    h = jnp.concatenate([jnp.zeros((1, H), dtype=h.dtype), h], axis=0)  # [P, H]
    for _ in range(NUM_ITERS):
        # getConnectedFeatures: gather neighbor features per edge
        nbr = jnp.take(h, start_end_env, axis=0)  # [E, H]
        # GATLayer: attention over edges grouped by destination (b_scope)
        z = jnp.concatenate([nbr, msg], axis=1) @ W_gat + b_gat  # [E, H]
        e = jax.nn.leaky_relu(z @ a_vec, negative_slope=0.2)  # [E]
        alpha = _segment_softmax(e, b_scope, P)  # [E]
        h_new = jax.nn.elu(jax.ops.segment_sum(alpha[:, None] * z, b_scope, num_segments=P))  # [P, H]
        # updateConnectedDict: refresh per-edge messages from updated node states
        upd = jnp.concatenate([jnp.take(h_new, scope_update, axis=0), jnp.take(h_new, scope_update_lig, axis=0)], axis=1)  # [E, 2H]
        msg = jax.nn.elu(upd @ W_upd + msg)
        h = h_new
    # molecule readout: gather node groups and sum
    cmp_enc = jnp.take(h, l_scope, axis=0)  # [B, L, H]
    mol_vecs = jnp.sum(cmp_enc, axis=1)  # [B, H]
    return mol_vecs

if __name__ == "__main__":
    import jax
    _d = setup_inputs()
    print(jax.jit(kernel)(*tuple(_d.values())))

</pallas_src>

<mosaic_0001>
#map = affine_map<(d0, d1) -> (0, 0)>
#map1 = affine_map<(d0, d1) -> (0)>
#map2 = affine_map<(d0, d1) -> (0, 0, 0)>
module attributes {stable_mosaic.version = 14 : i64} {
  func.func @k(%arg0: i32, %arg1: i32, %arg2: memref<800000x128xf32, #tpu.memory_space<hbm>>, %arg3: memref<800000xi32, #tpu.memory_space<hbm>>, %arg4: memref<792x128xf32, #tpu.memory_space<hbm>>, %arg5: memref<2x12672x128xf32, #tpu.memory_space<hbm>>, %arg6: memref<200xi32, #tpu.memory_space<vmem>>, %arg7: memref<200x128xf32, #tpu.memory_space<vmem>>, %arg8: memref<12672x128xf32, #tpu.memory_space<vmem_shared>>) attributes {dimension_semantics = [#tpu.dimension_semantics<core_parallel>, #tpu.dimension_semantics<subcore_parallel>], iteration_bounds = array<i64: 2, 16>, scalar_prefetch = 0 : i64, scratch_operands = 3 : i64, tpu.core_type = #tpu.core_type<sc_vector_subcore>, window_params = [{transform_indices = #map}, {transform_indices = #map1}, {transform_indices = #map}, {transform_indices = #map2}]} {
    %mul3A = arith.constant 2 : i32
    %mul3A_0 = arith.muli %arg1, %mul3A : i32
    %add3A = arith.addi %mul3A_0, %arg0 : i32
    %mul3A_1 = arith.constant 792 : i32
    %mul3A_2 = arith.muli %arg1, %mul3A_1 : i32
    "tpu.region"() ({
      %run_scoped3A = tpu.sem_alloc : memref<!tpu.dma_semaphore, #tpu.memory_space<semaphore_mem>>
      %dma_start3A = arith.constant 0 : i32
      %dma_start3A_13 = tpu.memref_slice %arg8[%mul3A_2, %dma_start3A] : memref<12672x128xf32, #tpu.memory_space<vmem_shared>> -> memref<792x128xf32, #tpu.memory_space<vmem_shared>>
      tpu.enqueue_dma source(%arg4 : memref<792x128xf32, #tpu.memory_space<hbm>>) target(%dma_start3A_13 : memref<792x128xf32, #tpu.memory_space<vmem_shared>>) target_semaphore(%run_scoped3A : memref<!tpu.dma_semaphore, #tpu.memory_space<semaphore_mem>>)
      %dma_wait3A = arith.constant 0 : i32
      %dma_wait3A_14 = tpu.memref_slice %arg8[%mul3A_2, %dma_wait3A] : memref<12672x128xf32, #tpu.memory_space<vmem_shared>> -> memref<792x128xf32, #tpu.memory_space<vmem_shared>>
      tpu.wait_dma2 semaphore(%run_scoped3A : memref<!tpu.dma_semaphore, #tpu.memory_space<semaphore_mem>>) src(%arg4 : memref<792x128xf32, #tpu.memory_space<hbm>>) dst(%dma_wait3A_14 : memref<792x128xf32, #tpu.memory_space<vmem_shared>>)
      tpu.yield
    }) : () -> ()
    %barrier3A = arith.constant 0 : index
    tpu.barrier barrier_id(%barrier3A)
    %mul3A_3 = arith.constant 25000 : i32
    %mul3A_4 = arith.muli %add3A, %mul3A_3 : i32
    %scan3A = arith.constant 0 : i32
    %scan3A_5 = arith.constant 0 : i32
    %scan3A_6 = arith.constant 125 : i32
    %scan3A_7 = arith.addi %scan3A_5, %scan3A_6 : i32
    %scan3A_8 = arith.constant 1 : i32
    scf.for %scan3A_13 = %scan3A_5 to %scan3A_7 step %scan3A_8  : i32 {
      %mul3A_14 = arith.constant 200 : i32
      %mul3A_15 = arith.muli %scan3A_13, %mul3A_14 : i32
      %add3A_16 = arith.addi %mul3A_4, %mul3A_15 : i32
      "tpu.region"() ({
        %run_scoped3A = tpu.sem_alloc : memref<!tpu.dma_semaphore, #tpu.memory_space<semaphore_mem>>
        %dma_start3A = tpu.memref_slice %arg3[%add3A_16] : memref<800000xi32, #tpu.memory_space<hbm>> -> memref<200xi32, #tpu.memory_space<hbm>>
        %dma_start3A_17 = tpu.memref_slice %arg3[%add3A_16] : memref<800000xi32, #tpu.memory_space<hbm>> -> memref<200xi32, #tpu.memory_space<hbm>>
        tpu.enqueue_dma source(%dma_start3A_17 : memref<200xi32, #tpu.memory_space<hbm>>) target(%arg6 : memref<200xi32, #tpu.memory_space<vmem>>) target_semaphore(%run_scoped3A : memref<!tpu.dma_semaphore, #tpu.memory_space<semaphore_mem>>)
        %dma_wait3A = tpu.memref_slice %arg3[%add3A_16] : memref<800000xi32, #tpu.memory_space<hbm>> -> memref<200xi32, #tpu.memory_space<hbm>>
        %dma_wait3A_18 = tpu.memref_slice %arg3[%add3A_16] : memref<800000xi32, #tpu.memory_space<hbm>> -> memref<200xi32, #tpu.memory_space<hbm>>
        tpu.wait_dma2 semaphore(%run_scoped3A : memref<!tpu.dma_semaphore, #tpu.memory_space<semaphore_mem>>) src(%dma_wait3A_18 : memref<200xi32, #tpu.memory_space<hbm>>) dst(%arg6 : memref<200xi32, #tpu.memory_space<vmem>>)
        tpu.yield
      }) : () -> ()
      "tpu.region"() ({
        %run_scoped3A = tpu.sem_alloc : memref<!tpu.dma_semaphore, #tpu.memory_space<semaphore_mem>>
        %dma_start3A = arith.constant 0 : i32
        %dma_start3A_17 = tpu.memref_slice %arg2[%add3A_16, %dma_start3A] : memref<800000x128xf32, #tpu.memory_space<hbm>> -> memref<200x128xf32, #tpu.memory_space<hbm>>
        %dma_start3A_18 = arith.constant 0 : i32
        %dma_start3A_19 = tpu.memref_slice %arg2[%add3A_16, %dma_start3A_18] : memref<800000x128xf32, #tpu.memory_space<hbm>> -> memref<200x128xf32, #tpu.memory_space<hbm>>
        tpu.enqueue_dma source(%dma_start3A_19 : memref<200x128xf32, #tpu.memory_space<hbm>>) target(%arg7 : memref<200x128xf32, #tpu.memory_space<vmem>>) target_semaphore(%run_scoped3A : memref<!tpu.dma_semaphore, #tpu.memory_space<semaphore_mem>>)
        %dma_wait3A = arith.constant 0 : i32
        %dma_wait3A_20 = tpu.memref_slice %arg2[%add3A_16, %dma_wait3A] : memref<800000x128xf32, #tpu.memory_space<hbm>> -> memref<200x128xf32, #tpu.memory_space<hbm>>
        %dma_wait3A_21 = arith.constant 0 : i32
        %dma_wait3A_22 = tpu.memref_slice %arg2[%add3A_16, %dma_wait3A_21] : memref<800000x128xf32, #tpu.memory_space<hbm>> -> memref<200x128xf32, #tpu.memory_space<hbm>>
        tpu.wait_dma2 semaphore(%run_scoped3A : memref<!tpu.dma_semaphore, #tpu.memory_space<semaphore_mem>>) src(%dma_wait3A_22 : memref<200x128xf32, #tpu.memory_space<hbm>>) dst(%arg7 : memref<200x128xf32, #tpu.memory_space<vmem>>)
        tpu.yield
      }) : () -> ()
      "tpu.region"() ({
        %run_scoped3A = tpu.sem_alloc : memref<!tpu.dma_semaphore, #tpu.memory_space<semaphore_mem>>
        %dma_start3A = arith.constant 0 : i32
        %dma_start3A_17 = arith.constant 0 : i32
        %dma_start3A_18 = tpu.memref_slice %arg8[%dma_start3A, %dma_start3A_17] : memref<12672x128xf32, #tpu.memory_space<vmem_shared>> -> memref<12672x128xf32, #tpu.memory_space<vmem_shared>>
        tpu.enqueue_indirect_dma source(%arg7 : memref<200x128xf32, #tpu.memory_space<vmem>>) target(%dma_start3A_18 : memref<12672x128xf32, #tpu.memory_space<vmem_shared>>) offsets(%arg6 : memref<200xi32, #tpu.memory_space<vmem>>) semaphore(%run_scoped3A : memref<!tpu.dma_semaphore, #tpu.memory_space<semaphore_mem>>) {add = true}
        %dma_wait3A = arith.constant 0 : i32
        %dma_wait3A_19 = arith.constant 0 : i32
        %dma_wait3A_20 = tpu.memref_slice %arg8[%dma_wait3A, %dma_wait3A_19] : memref<12672x128xf32, #tpu.memory_space<vmem_shared>> -> memref<12672x128xf32, #tpu.memory_space<vmem_shared>>
        tpu.wait_indirect_dma semaphore(%run_scoped3A : memref<!tpu.dma_semaphore, #tpu.memory_space<semaphore_mem>>) src(%arg7 : memref<200x128xf32, #tpu.memory_space<vmem>>) dst(%dma_wait3A_20 : memref<12672x128xf32, #tpu.memory_space<vmem_shared>>)
        tpu.yield
      }) : () -> ()
    }
    %scan3A_9 = arith.constant 125 : i32
    %barrier3A_10 = arith.constant 0 : index
    tpu.barrier barrier_id(%barrier3A_10)
    %mul3A_11 = arith.constant 792 : i32
    %mul3A_12 = arith.muli %arg1, %mul3A_11 : i32
    "tpu.region"() ({
      %run_scoped3A = tpu.sem_alloc : memref<!tpu.dma_semaphore, #tpu.memory_space<semaphore_mem>>
      %dma_start3A = arith.constant 0 : i32
      %dma_start3A_13 = tpu.memref_slice %arg5[%arg0, %mul3A_12, %dma_start3A] : memref<2x12672x128xf32, #tpu.memory_space<hbm>> -> memref<1x792x128xf32, #tpu.memory_space<hbm>>
      %dma_start3A_14 = tpu.memref_squeeze %dma_start3A_13 : memref<1x792x128xf32, #tpu.memory_space<hbm>> -> memref<792x128xf32, #tpu.memory_space<hbm>>
      %dma_start3A_15 = arith.constant 0 : i32
      %dma_start3A_16 = tpu.memref_slice %arg8[%mul3A_12, %dma_start3A_15] : memref<12672x128xf32, #tpu.memory_space<vmem_shared>> -> memref<792x128xf32, #tpu.memory_space<vmem_shared>>
      tpu.enqueue_dma source(%dma_start3A_16 : memref<792x128xf32, #tpu.memory_space<vmem_shared>>) target(%dma_start3A_14 : memref<792x128xf32, #tpu.memory_space<hbm>>) target_semaphore(%run_scoped3A : memref<!tpu.dma_semaphore, #tpu.memory_space<semaphore_mem>>)
      %dma_wait3A = arith.constant 0 : i32
      %dma_wait3A_17 = tpu.memref_slice %arg5[%arg0, %mul3A_12, %dma_wait3A] : memref<2x12672x128xf32, #tpu.memory_space<hbm>> -> memref<1x792x128xf32, #tpu.memory_space<hbm>>
      %dma_wait3A_18 = tpu.memref_squeeze %dma_wait3A_17 : memref<1x792x128xf32, #tpu.memory_space<hbm>> -> memref<792x128xf32, #tpu.memory_space<hbm>>
      %dma_wait3A_19 = arith.constant 0 : i32
      %dma_wait3A_20 = tpu.memref_slice %arg8[%mul3A_12, %dma_wait3A_19] : memref<12672x128xf32, #tpu.memory_space<vmem_shared>> -> memref<792x128xf32, #tpu.memory_space<vmem_shared>>
      tpu.wait_dma2 semaphore(%run_scoped3A : memref<!tpu.dma_semaphore, #tpu.memory_space<semaphore_mem>>) src(%dma_wait3A_20 : memref<792x128xf32, #tpu.memory_space<vmem_shared>>) dst(%dma_wait3A_18 : memref<792x128xf32, #tpu.memory_space<hbm>>)
      tpu.yield
    }) : () -> ()
    return
  }
}

#map = affine_map<(d0, d1) -> (0, 0)>
#map1 = affine_map<(d0, d1) -> (0)>
#map2 = affine_map<(d0, d1) -> (0, 0, 0)>
module attributes {stable_mosaic.version = 14 : i64} {
  func.func @k(%arg0: i32, %arg1: i32, %arg2: memref<800000x128xf32, #tpu.memory_space<hbm>>, %arg3: memref<800000xi32, #tpu.memory_space<hbm>>, %arg4: memref<792x128xf32, #tpu.memory_space<hbm>>, %arg5: memref<2x12672x128xf32, #tpu.memory_space<hbm>>, %arg6: memref<200xi32, #tpu.memory_space<vmem>>, %arg7: memref<200x128xf32, #tpu.memory_space<vmem>>, %arg8: memref<12672x128xf32, #tpu.memory_space<vmem_shared>>) attributes {dimension_semantics = [#tpu.dimension_semantics<core_parallel>, #tpu.dimension_semantics<subcore_parallel>], iteration_bounds = array<i64: 2, 16>, scalar_prefetch = 0 : i64, scratch_operands = 3 : i64, tpu.core_type = #tpu.core_type<sc_vector_subcore>, window_params = [{transform_indices = #map}, {transform_indices = #map1}, {transform_indices = #map}, {transform_indices = #map2}]} {
    %mul3A = arith.constant 2 : i32
    %mul3A_0 = arith.muli %arg1, %mul3A : i32
    %add3A = arith.addi %mul3A_0, %arg0 : i32
    %mul3A_1 = arith.constant 792 : i32
    %mul3A_2 = arith.muli %arg1, %mul3A_1 : i32
    "tpu.region"() ({
      %run_scoped3A = tpu.sem_alloc : memref<!tpu.dma_semaphore, #tpu.memory_space<semaphore_mem>>
      %dma_start3A = arith.constant 0 : i32
      %dma_start3A_13 = tpu.memref_slice %arg8[%mul3A_2, %dma_start3A] : memref<12672x128xf32, #tpu.memory_space<vmem_shared>> -> memref<792x128xf32, #tpu.memory_space<vmem_shared>>
      tpu.enqueue_dma source(%arg4 : memref<792x128xf32, #tpu.memory_space<hbm>>) target(%dma_start3A_13 : memref<792x128xf32, #tpu.memory_space<vmem_shared>>) target_semaphore(%run_scoped3A : memref<!tpu.dma_semaphore, #tpu.memory_space<semaphore_mem>>)
      %dma_wait3A = arith.constant 0 : i32
      %dma_wait3A_14 = tpu.memref_slice %arg8[%mul3A_2, %dma_wait3A] : memref<12672x128xf32, #tpu.memory_space<vmem_shared>> -> memref<792x128xf32, #tpu.memory_space<vmem_shared>>
      tpu.wait_dma2 semaphore(%run_scoped3A : memref<!tpu.dma_semaphore, #tpu.memory_space<semaphore_mem>>) src(%arg4 : memref<792x128xf32, #tpu.memory_space<hbm>>) dst(%dma_wait3A_14 : memref<792x128xf32, #tpu.memory_space<vmem_shared>>)
      tpu.yield
    }) : () -> ()
    %barrier3A = arith.constant 0 : index
    tpu.barrier barrier_id(%barrier3A)
    %mul3A_3 = arith.constant 25000 : i32
    %mul3A_4 = arith.muli %add3A, %mul3A_3 : i32
    %scan3A = arith.constant 0 : i32
    %scan3A_5 = arith.constant 0 : i32
    %scan3A_6 = arith.constant 125 : i32
    %scan3A_7 = arith.addi %scan3A_5, %scan3A_6 : i32
    %scan3A_8 = arith.constant 1 : i32
    scf.for %scan3A_13 = %scan3A_5 to %scan3A_7 step %scan3A_8  : i32 {
      %mul3A_14 = arith.constant 200 : i32
      %mul3A_15 = arith.muli %scan3A_13, %mul3A_14 : i32
      %add3A_16 = arith.addi %mul3A_4, %mul3A_15 : i32
      "tpu.region"() ({
        %run_scoped3A = tpu.sem_alloc : memref<!tpu.dma_semaphore, #tpu.memory_space<semaphore_mem>>
        %dma_start3A = tpu.memref_slice %arg3[%add3A_16] : memref<800000xi32, #tpu.memory_space<hbm>> -> memref<200xi32, #tpu.memory_space<hbm>>
        %dma_start3A_17 = tpu.memref_slice %arg3[%add3A_16] : memref<800000xi32, #tpu.memory_space<hbm>> -> memref<200xi32, #tpu.memory_space<hbm>>
        tpu.enqueue_dma source(%dma_start3A_17 : memref<200xi32, #tpu.memory_space<hbm>>) target(%arg6 : memref<200xi32, #tpu.memory_space<vmem>>) target_semaphore(%run_scoped3A : memref<!tpu.dma_semaphore, #tpu.memory_space<semaphore_mem>>)
        %dma_wait3A = tpu.memref_slice %arg3[%add3A_16] : memref<800000xi32, #tpu.memory_space<hbm>> -> memref<200xi32, #tpu.memory_space<hbm>>
        %dma_wait3A_18 = tpu.memref_slice %arg3[%add3A_16] : memref<800000xi32, #tpu.memory_space<hbm>> -> memref<200xi32, #tpu.memory_space<hbm>>
        tpu.wait_dma2 semaphore(%run_scoped3A : memref<!tpu.dma_semaphore, #tpu.memory_space<semaphore_mem>>) src(%dma_wait3A_18 : memref<200xi32, #tpu.memory_space<hbm>>) dst(%arg6 : memref<200xi32, #tpu.memory_space<vmem>>)
        tpu.yield
      }) : () -> ()
      "tpu.region"() ({
        %run_scoped3A = tpu.sem_alloc : memref<!tpu.dma_semaphore, #tpu.memory_space<semaphore_mem>>
        %dma_start3A = arith.constant 0 : i32
        %dma_start3A_17 = tpu.memref_slice %arg2[%add3A_16, %dma_start3A] : memref<800000x128xf32, #tpu.memory_space<hbm>> -> memref<200x128xf32, #tpu.memory_space<hbm>>
        %dma_start3A_18 = arith.constant 0 : i32
        %dma_start3A_19 = tpu.memref_slice %arg2[%add3A_16, %dma_start3A_18] : memref<800000x128xf32, #tpu.memory_space<hbm>> -> memref<200x128xf32, #tpu.memory_space<hbm>>
        tpu.enqueue_dma source(%dma_start3A_19 : memref<200x128xf32, #tpu.memory_space<hbm>>) target(%arg7 : memref<200x128xf32, #tpu.memory_space<vmem>>) target_semaphore(%run_scoped3A : memref<!tpu.dma_semaphore, #tpu.memory_space<semaphore_mem>>)
        %dma_wait3A = arith.constant 0 : i32
        %dma_wait3A_20 = tpu.memref_slice %arg2[%add3A_16, %dma_wait3A] : memref<800000x128xf32, #tpu.memory_space<hbm>> -> memref<200x128xf32, #tpu.memory_space<hbm>>
        %dma_wait3A_21 = arith.constant 0 : i32
        %dma_wait3A_22 = tpu.memref_slice %arg2[%add3A_16, %dma_wait3A_21] : memref<800000x128xf32, #tpu.memory_space<hbm>> -> memref<200x128xf32, #tpu.memory_space<hbm>>
        tpu.wait_dma2 semaphore(%run_scoped3A : memref<!tpu.dma_semaphore, #tpu.memory_space<semaphore_mem>>) src(%dma_wait3A_22 : memref<200x128xf32, #tpu.memory_space<hbm>>) dst(%arg7 : memref<200x128xf32, #tpu.memory_space<vmem>>)
        tpu.yield
      }) : () -> ()
      "tpu.region"() ({
        %run_scoped3A = tpu.sem_alloc : memref<!tpu.dma_semaphore, #tpu.memory_space<semaphore_mem>>
        %dma_start3A = arith.constant 0 : i32
        %dma_start3A_17 = arith.constant 0 : i32
        %dma_start3A_18 = tpu.memref_slice %arg8[%dma_start3A, %dma_start3A_17] : memref<12672x128xf32, #tpu.memory_space<vmem_shared>> -> memref<12672x128xf32, #tpu.memory_space<vmem_shared>>
        tpu.enqueue_indirect_dma source(%arg7 : memref<200x128xf32, #tpu.memory_space<vmem>>) target(%dma_start3A_18 : memref<12672x128xf32, #tpu.memory_space<vmem_shared>>) offsets(%arg6 : memref<200xi32, #tpu.memory_space<vmem>>) semaphore(%run_scoped3A : memref<!tpu.dma_semaphore, #tpu.memory_space<semaphore_mem>>) {add = true}
        %dma_wait3A = arith.constant 0 : i32
        %dma_wait3A_19 = arith.constant 0 : i32
        %dma_wait3A_20 = tpu.memref_slice %arg8[%dma_wait3A, %dma_wait3A_19] : memref<12672x128xf32, #tpu.memory_space<vmem_shared>> -> memref<12672x128xf32, #tpu.memory_space<vmem_shared>>
        tpu.wait_indirect_dma semaphore(%run_scoped3A : memref<!tpu.dma_semaphore, #tpu.memory_space<semaphore_mem>>) src(%arg7 : memref<200x128xf32, #tpu.memory_space<vmem>>) dst(%dma_wait3A_20 : memref<12672x128xf32, #tpu.memory_space<vmem_shared>>)
        tpu.yield
      }) : () -> ()
    }
    %scan3A_9 = arith.constant 125 : i32
    %barrier3A_10 = arith.constant 0 : index
    tpu.barrier barrier_id(%barrier3A_10)
    %mul3A_11 = arith.constant 792 : i32
    %mul3A_12 = arith.muli %arg1, %mul3A_11 : i32
    "tpu.region"() ({
      %run_scoped3A = tpu.sem_alloc : memref<!tpu.dma_semaphore, #tpu.memory_space<semaphore_mem>>
      %dma_start3A = arith.constant 0 : i32
      %dma_start3A_13 = tpu.memref_slice %arg5[%arg0, %mul3A_12, %dma_start3A] : memref<2x12672x128xf32, #tpu.memory_space<hbm>> -> memref<1x792x128xf32, #tpu.memory_space<hbm>>
      %dma_start3A_14 = tpu.memref_squeeze %dma_start3A_13 : memref<1x792x128xf32, #tpu.memory_space<hbm>> -> memref<792x128xf32, #tpu.memory_space<hbm>>
      %dma_start3A_15 = arith.constant 0 : i32
      %dma_start3A_16 = tpu.memref_slice %arg8[%mul3A_12, %dma_start3A_15] : memref<12672x128xf32, #tpu.memory_space<vmem_shared>> -> memref<792x128xf32, #tpu.memory_space<vmem_shared>>
      tpu.enqueue_dma source(%dma_start3A_16 : memref<792x128xf32, #tpu.memory_space<vmem_shared>>) target(%dma_start3A_14 : memref<792x128xf32, #tpu.memory_space<hbm>>) target_semaphore(%run_scoped3A : memref<!tpu.dma_semaphore, #tpu.memory_space<semaphore_mem>>)
      %dma_wait3A = arith.constant 0 : i32
      %dma_wait3A_17 = tpu.memref_slice %arg5[%arg0, %mul3A_12, %dma_wait3A] : memref<2x12672x128xf32, #tpu.memory_space<hbm>> -> memref<1x792x128xf32, #tpu.memory_space<hbm>>
      %dma_wait3A_18 = tpu.memref_squeeze %dma_wait3A_17 : memref<1x792x128xf32, #tpu.memory_space<hbm>> -> memref<792x128xf32, #tpu.memory_space<hbm>>
      %dma_wait3A_19 = arith.constant 0 : i32
      %dma_wait3A_20 = tpu.memref_slice %arg8[%mul3A_12, %dma_wait3A_19] : memref<12672x128xf32, #tpu.memory_space<vmem_shared>> -> memref<792x128xf32, #tpu.memory_space<vmem_shared>>
      tpu.wait_dma2 semaphore(%run_scoped3A : memref<!tpu.dma_semaphore, #tpu.memory_space<semaphore_mem>>) src(%dma_wait3A_20 : memref<792x128xf32, #tpu.memory_space<vmem_shared>>) dst(%dma_wait3A_18 : memref<792x128xf32, #tpu.memory_space<hbm>>)
      tpu.yield
    }) : () -> ()
    return
  }
}

#map = affine_map<(d0, d1) -> (0, 0)>
#map1 = affine_map<(d0, d1) -> (0)>
module attributes {stable_mosaic.version = 14 : i64} {
  func.func @k(%arg0: i32, %arg1: i32, %arg2: memref<50176x128xf32, #tpu.memory_space<hbm>>, %arg3: memref<800000xi32, #tpu.memory_space<hbm>>, %arg4: memref<800000x128xf32, #tpu.memory_space<hbm>>, %arg5: memref<1000xi32, #tpu.memory_space<vmem>>, %arg6: memref<1000x128xf32, #tpu.memory_space<vmem>>, %arg7: memref<!tpu.dma_semaphore, #tpu.memory_space<semaphore_mem>>) attributes {dimension_semantics = [#tpu.dimension_semantics<core_parallel>, #tpu.dimension_semantics<subcore_parallel>], iteration_bounds = array<i64: 2, 16>, scalar_prefetch = 0 : i64, scratch_operands = 3 : i64, tpu.core_type = #tpu.core_type<sc_vector_subcore>, window_params = [{transform_indices = #map}, {transform_indices = #map1}, {transform_indices = #map}]} {
    %mul3A = arith.constant 2 : i32
    %mul3A_0 = arith.muli %arg1, %mul3A : i32
    %add3A = arith.addi %mul3A_0, %arg0 : i32
    %mul3A_1 = arith.constant 25000 : i32
    %mul3A_2 = arith.muli %add3A, %mul3A_1 : i32
    %scan3A = arith.constant 0 : i32
    %scan3A_3 = arith.constant 0 : i32
    %scan3A_4 = arith.constant 25 : i32
    %scan3A_5 = arith.addi %scan3A_3, %scan3A_4 : i32
    %scan3A_6 = arith.constant 1 : i32
    scf.for %scan3A_8 = %scan3A_3 to %scan3A_5 step %scan3A_6  : i32 {
      %mul3A_9 = arith.constant 1000 : i32
      %mul3A_10 = arith.muli %scan3A_8, %mul3A_9 : i32
      %add3A_11 = arith.addi %mul3A_2, %mul3A_10 : i32
      "tpu.region"() ({
        %run_scoped3A = tpu.sem_alloc : memref<!tpu.dma_semaphore, #tpu.memory_space<semaphore_mem>>
        %dma_start3A_16 = tpu.memref_slice %arg3[%add3A_11] : memref<800000xi32, #tpu.memory_space<hbm>> -> memref<1000xi32, #tpu.memory_space<hbm>>
        %dma_start3A_17 = tpu.memref_slice %arg3[%add3A_11] : memref<800000xi32, #tpu.memory_space<hbm>> -> memref<1000xi32, #tpu.memory_space<hbm>>
        tpu.enqueue_dma source(%dma_start3A_17 : memref<1000xi32, #tpu.memory_space<hbm>>) target(%arg5 : memref<1000xi32, #tpu.memory_space<vmem>>) target_semaphore(%run_scoped3A : memref<!tpu.dma_semaphore, #tpu.memory_space<semaphore_mem>>)
        %dma_wait3A_18 = tpu.memref_slice %arg3[%add3A_11] : memref<800000xi32, #tpu.memory_space<hbm>> -> memref<1000xi32, #tpu.memory_space<hbm>>
        %dma_wait3A_19 = tpu.memref_slice %arg3[%add3A_11] : memref<800000xi32, #tpu.memory_space<hbm>> -> memref<1000xi32, #tpu.memory_space<hbm>>
        tpu.wait_dma2 semaphore(%run_scoped3A : memref<!tpu.dma_semaphore, #tpu.memory_space<semaphore_mem>>) src(%dma_wait3A_19 : memref<1000xi32, #tpu.memory_space<hbm>>) dst(%arg5 : memref<1000xi32, #tpu.memory_space<vmem>>)
        tpu.yield
      }) : () -> ()
      %dma_start3A = arith.constant 0 : i32
      %dma_start3A_12 = arith.constant 0 : i32
      %dma_start3A_13 = tpu.memref_slice %arg2[%dma_start3A, %dma_start3A_12] : memref<50176x128xf32, #tpu.memory_space<hbm>> -> memref<50176x128xf32, #tpu.memory_space<hbm>>
      tpu.enqueue_indirect_dma source(%dma_start3A_13 : memref<50176x128xf32, #tpu.memory_space<hbm>>) target(%arg6 : memref<1000x128xf32, #tpu.memory_space<vmem>>) offsets(%arg5 : memref<1000xi32, #tpu.memory_space<vmem>>) semaphore(%arg7 : memref<!tpu.dma_semaphore, #tpu.memory_space<semaphore_mem>>)
      %dma_wait3A = arith.constant 0 : i32
      %dma_wait3A_14 = arith.constant 0 : i32
      %dma_wait3A_15 = tpu.memref_slice %arg2[%dma_wait3A, %dma_wait3A_14] : memref<50176x128xf32, #tpu.memory_space<hbm>> -> memref<50176x128xf32, #tpu.memory_space<hbm>>
      tpu.wait_indirect_dma semaphore(%arg7 : memref<!tpu.dma_semaphore, #tpu.memory_space<semaphore_mem>>) src(%dma_wait3A_15 : memref<50176x128xf32, #tpu.memory_space<hbm>>) dst(%arg6 : memref<1000x128xf32, #tpu.memory_space<vmem>>)
      "tpu.region"() ({
        %run_scoped3A = tpu.sem_alloc : memref<!tpu.dma_semaphore, #tpu.memory_space<semaphore_mem>>
        %dma_start3A_16 = arith.constant 0 : i32
        %dma_start3A_17 = tpu.memref_slice %arg4[%add3A_11, %dma_start3A_16] : memref<800000x128xf32, #tpu.memory_space<hbm>> -> memref<1000x128xf32, #tpu.memory_space<hbm>>
        %dma_start3A_18 = arith.constant 0 : i32
        %dma_start3A_19 = tpu.memref_slice %arg4[%add3A_11, %dma_start3A_18] : memref<800000x128xf32, #tpu.memory_space<hbm>> -> memref<1000x128xf32, #tpu.memory_space<hbm>>
        tpu.enqueue_dma source(%arg6 : memref<1000x128xf32, #tpu.memory_space<vmem>>) target(%dma_start3A_19 : memref<1000x128xf32, #tpu.memory_space<hbm>>) target_semaphore(%run_scoped3A : memref<!tpu.dma_semaphore, #tpu.memory_space<semaphore_mem>>)
        %dma_wait3A_20 = arith.constant 0 : i32
        %dma_wait3A_21 = tpu.memref_slice %arg4[%add3A_11, %dma_wait3A_20] : memref<800000x128xf32, #tpu.memory_space<hbm>> -> memref<1000x128xf32, #tpu.memory_space<hbm>>
        %dma_wait3A_22 = arith.constant 0 : i32
        %dma_wait3A_23 = tpu.memref_slice %arg4[%add3A_11, %dma_wait3A_22] : memref<800000x128xf32, #tpu.memory_space<hbm>> -> memref<1000x128xf32, #tpu.memory_space<hbm>>
        tpu.wait_dma2 semaphore(%run_scoped3A : memref<!tpu.dma_semaphore, #tpu.memory_space<semaphore_mem>>) src(%arg6 : memref<1000x128xf32, #tpu.memory_space<vmem>>) dst(%dma_wait3A_23 : memref<1000x128xf32, #tpu.memory_space<hbm>>)
        tpu.yield
      }) : () -> ()
    }
    %scan3A_7 = arith.constant 25 : i32
    return
  }
}

#map = affine_map<(d0, d1) -> (0, 0)>
#map1 = affine_map<(d0, d1) -> (0)>
#map2 = affine_map<(d0, d1) -> (0, 0, 0)>
module attributes {stable_mosaic.version = 14 : i64} {
  func.func @k(%arg0: i32, %arg1: i32, %arg2: memref<800000x128xf32, #tpu.memory_space<hbm>>, %arg3: memref<800000xi32, #tpu.memory_space<hbm>>, %arg4: memref<792x128xf32, #tpu.memory_space<hbm>>, %arg5: memref<2x12672x128xf32, #tpu.memory_space<hbm>>, %arg6: memref<200xi32, #tpu.memory_space<vmem>>, %arg7: memref<200x128xf32, #tpu.memory_space<vmem>>, %arg8: memref<12672x128xf32, #tpu.memory_space<vmem_shared>>) attributes {dimension_semantics = [#tpu.dimension_semantics<core_parallel>, #tpu.dimension_semantics<subcore_parallel>], iteration_bounds = array<i64: 2, 16>, scalar_prefetch = 0 : i64, scratch_operands = 3 : i64, tpu.core_type = #tpu.core_type<sc_vector_subcore>, window_params = [{transform_indices = #map}, {transform_indices = #map1}, {transform_indices = #map}, {transform_indices = #map2}]} {
    %mul3A = arith.constant 2 : i32
    %mul3A_0 = arith.muli %arg1, %mul3A : i32
    %add3A = arith.addi %mul3A_0, %arg0 : i32
    %mul3A_1 = arith.constant 792 : i32
    %mul3A_2 = arith.muli %arg1, %mul3A_1 : i32
    "tpu.region"() ({
      %run_scoped3A = tpu.sem_alloc : memref<!tpu.dma_semaphore, #tpu.memory_space<semaphore_mem>>
      %dma_start3A = arith.constant 0 : i32
      %dma_start3A_13 = tpu.memref_slice %arg8[%mul3A_2, %dma_start3A] : memref<12672x128xf32, #tpu.memory_space<vmem_shared>> -> memref<792x128xf32, #tpu.memory_space<vmem_shared>>
      tpu.enqueue_dma source(%arg4 : memref<792x128xf32, #tpu.memory_space<hbm>>) target(%dma_start3A_13 : memref<792x128xf32, #tpu.memory_space<vmem_shared>>) target_semaphore(%run_scoped3A : memref<!tpu.dma_semaphore, #tpu.memory_space<semaphore_mem>>)
      %dma_wait3A = arith.constant 0 : i32
      %dma_wait3A_14 = tpu.memref_slice %arg8[%mul3A_2, %dma_wait3A] : memref<12672x128xf32, #tpu.memory_space<vmem_shared>> -> memref<792x128xf32, #tpu.memory_space<vmem_shared>>
      tpu.wait_dma2 semaphore(%run_scoped3A : memref<!tpu.dma_semaphore, #tpu.memory_space<semaphore_mem>>) src(%arg4 : memref<792x128xf32, #tpu.memory_space<hbm>>) dst(%dma_wait3A_14 : memref<792x128xf32, #tpu.memory_space<vmem_shared>>)
      tpu.yield
    }) : () -> ()
    %barrier3A = arith.constant 0 : index
    tpu.barrier barrier_id(%barrier3A)
    %mul3A_3 = arith.constant 25000 : i32
    %mul3A_4 = arith.muli %add3A, %mul3A_3 : i32
    %scan3A = arith.constant 0 : i32
    %scan3A_5 = arith.constant 0 : i32
    %scan3A_6 = arith.constant 125 : i32
    %scan3A_7 = arith.addi %scan3A_5, %scan3A_6 : i32
    %scan3A_8 = arith.constant 1 : i32
    scf.for %scan3A_13 = %scan3A_5 to %scan3A_7 step %scan3A_8  : i32 {
      %mul3A_14 = arith.constant 200 : i32
      %mul3A_15 = arith.muli %scan3A_13, %mul3A_14 : i32
      %add3A_16 = arith.addi %mul3A_4, %mul3A_15 : i32
      "tpu.region"() ({
        %run_scoped3A = tpu.sem_alloc : memref<!tpu.dma_semaphore, #tpu.memory_space<semaphore_mem>>
        %dma_start3A = tpu.memref_slice %arg3[%add3A_16] : memref<800000xi32, #tpu.memory_space<hbm>> -> memref<200xi32, #tpu.memory_space<hbm>>
        %dma_start3A_17 = tpu.memref_slice %arg3[%add3A_16] : memref<800000xi32, #tpu.memory_space<hbm>> -> memref<200xi32, #tpu.memory_space<hbm>>
        tpu.enqueue_dma source(%dma_start3A_17 : memref<200xi32, #tpu.memory_space<hbm>>) target(%arg6 : memref<200xi32, #tpu.memory_space<vmem>>) target_semaphore(%run_scoped3A : memref<!tpu.dma_semaphore, #tpu.memory_space<semaphore_mem>>)
        %dma_wait3A = tpu.memref_slice %arg3[%add3A_16] : memref<800000xi32, #tpu.memory_space<hbm>> -> memref<200xi32, #tpu.memory_space<hbm>>
        %dma_wait3A_18 = tpu.memref_slice %arg3[%add3A_16] : memref<800000xi32, #tpu.memory_space<hbm>> -> memref<200xi32, #tpu.memory_space<hbm>>
        tpu.wait_dma2 semaphore(%run_scoped3A : memref<!tpu.dma_semaphore, #tpu.memory_space<semaphore_mem>>) src(%dma_wait3A_18 : memref<200xi32, #tpu.memory_space<hbm>>) dst(%arg6 : memref<200xi32, #tpu.memory_space<vmem>>)
        tpu.yield
      }) : () -> ()
      "tpu.region"() ({
        %run_scoped3A = tpu.sem_alloc : memref<!tpu.dma_semaphore, #tpu.memory_space<semaphore_mem>>
        %dma_start3A = arith.constant 0 : i32
        %dma_start3A_17 = tpu.memref_slice %arg2[%add3A_16, %dma_start3A] : memref<800000x128xf32, #tpu.memory_space<hbm>> -> memref<200x128xf32, #tpu.memory_space<hbm>>
        %dma_start3A_18 = arith.constant 0 : i32
        %dma_start3A_19 = tpu.memref_slice %arg2[%add3A_16, %dma_start3A_18] : memref<800000x128xf32, #tpu.memory_space<hbm>> -> memref<200x128xf32, #tpu.memory_space<hbm>>
        tpu.enqueue_dma source(%dma_start3A_19 : memref<200x128xf32, #tpu.memory_space<hbm>>) target(%arg7 : memref<200x128xf32, #tpu.memory_space<vmem>>) target_semaphore(%run_scoped3A : memref<!tpu.dma_semaphore, #tpu.memory_space<semaphore_mem>>)
        %dma_wait3A = arith.constant 0 : i32
        %dma_wait3A_20 = tpu.memref_slice %arg2[%add3A_16, %dma_wait3A] : memref<800000x128xf32, #tpu.memory_space<hbm>> -> memref<200x128xf32, #tpu.memory_space<hbm>>
        %dma_wait3A_21 = arith.constant 0 : i32
        %dma_wait3A_22 = tpu.memref_slice %arg2[%add3A_16, %dma_wait3A_21] : memref<800000x128xf32, #tpu.memory_space<hbm>> -> memref<200x128xf32, #tpu.memory_space<hbm>>
        tpu.wait_dma2 semaphore(%run_scoped3A : memref<!tpu.dma_semaphore, #tpu.memory_space<semaphore_mem>>) src(%dma_wait3A_22 : memref<200x128xf32, #tpu.memory_space<hbm>>) dst(%arg7 : memref<200x128xf32, #tpu.memory_space<vmem>>)
        tpu.yield
      }) : () -> ()
      "tpu.region"() ({
        %run_scoped3A = tpu.sem_alloc : memref<!tpu.dma_semaphore, #tpu.memory_space<semaphore_mem>>
        %dma_start3A = arith.constant 0 : i32
        %dma_start3A_17 = arith.constant 0 : i32
        %dma_start3A_18 = tpu.memref_slice %arg8[%dma_start3A, %dma_start3A_17] : memref<12672x128xf32, #tpu.memory_space<vmem_shared>> -> memref<12672x128xf32, #tpu.memory_space<vmem_shared>>
        tpu.enqueue_indirect_dma source(%arg7 : memref<200x128xf32, #tpu.memory_space<vmem>>) target(%dma_start3A_18 : memref<12672x128xf32, #tpu.memory_space<vmem_shared>>) offsets(%arg6 : memref<200xi32, #tpu.memory_space<vmem>>) semaphore(%run_scoped3A : memref<!tpu.dma_semaphore, #tpu.memory_space<semaphore_mem>>) {add = true}
        %dma_wait3A = arith.constant 0 : i32
        %dma_wait3A_19 = arith.constant 0 : i32
        %dma_wait3A_20 = tpu.memref_slice %arg8[%dma_wait3A, %dma_wait3A_19] : memref<12672x128xf32, #tpu.memory_space<vmem_shared>> -> memref<12672x128xf32, #tpu.memory_space<vmem_shared>>
        tpu.wait_indirect_dma semaphore(%run_scoped3A : memref<!tpu.dma_semaphore, #tpu.memory_space<semaphore_mem>>) src(%arg7 : memref<200x128xf32, #tpu.memory_space<vmem>>) dst(%dma_wait3A_20 : memref<12672x128xf32, #tpu.memory_space<vmem_shared>>)
        tpu.yield
      }) : () -> ()
    }
    %scan3A_9 = arith.constant 125 : i32
    %barrier3A_10 = arith.constant 0 : index
    tpu.barrier barrier_id(%barrier3A_10)
    %mul3A_11 = arith.constant 792 : i32
    %mul3A_12 = arith.muli %arg1, %mul3A_11 : i32
    "tpu.region"() ({
      %run_scoped3A = tpu.sem_alloc : memref<!tpu.dma_semaphore, #tpu.memory_space<semaphore_mem>>
      %dma_start3A = arith.constant 0 : i32
      %dma_start3A_13 = tpu.memref_slice %arg5[%arg0, %mul3A_12, %dma_start3A] : memref<2x12672x128xf32, #tpu.memory_space<hbm>> -> memref<1x792x128xf32, #tpu.memory_space<hbm>>
      %dma_start3A_14 = tpu.memref_squeeze %dma_start3A_13 : memref<1x792x128xf32, #tpu.memory_space<hbm>> -> memref<792x128xf32, #tpu.memory_space<hbm>>
      %dma_start3A_15 = arith.constant 0 : i32
      %dma_start3A_16 = tpu.memref_slice %arg8[%mul3A_12, %dma_start3A_15] : memref<12672x128xf32, #tpu.memory_space<vmem_shared>> -> memref<792x128xf32, #tpu.memory_space<vmem_shared>>
      tpu.enqueue_dma source(%dma_start3A_16 : memref<792x128xf32, #tpu.memory_space<vmem_shared>>) target(%dma_start3A_14 : memref<792x128xf32, #tpu.memory_space<hbm>>) target_semaphore(%run_scoped3A : memref<!tpu.dma_semaphore, #tpu.memory_space<semaphore_mem>>)
      %dma_wait3A = arith.constant 0 : i32
      %dma_wait3A_17 = tpu.memref_slice %arg5[%arg0, %mul3A_12, %dma_wait3A] : memref<2x12672x128xf32, #tpu.memory_space<hbm>> -> memref<1x792x128xf32, #tpu.memory_space<hbm>>
      %dma_wait3A_18 = tpu.memref_squeeze %dma_wait3A_17 : memref<1x792x128xf32, #tpu.memory_space<hbm>> -> memref<792x128xf32, #tpu.memory_space<hbm>>
      %dma_wait3A_19 = arith.constant 0 : i32
      %dma_wait3A_20 = tpu.memref_slice %arg8[%mul3A_12, %dma_wait3A_19] : memref<12672x128xf32, #tpu.memory_space<vmem_shared>> -> memref<792x128xf32, #tpu.memory_space<vmem_shared>>
      tpu.wait_dma2 semaphore(%run_scoped3A : memref<!tpu.dma_semaphore, #tpu.memory_space<semaphore_mem>>) src(%dma_wait3A_20 : memref<792x128xf32, #tpu.memory_space<vmem_shared>>) dst(%dma_wait3A_18 : memref<792x128xf32, #tpu.memory_space<hbm>>)
      tpu.yield
    }) : () -> ()
    return
  }
}

#map = affine_map<(d0, d1) -> (0, 0)>
#map1 = affine_map<(d0, d1) -> (0)>
module attributes {stable_mosaic.version = 14 : i64} {
  func.func @k(%arg0: i32, %arg1: i32, %arg2: memref<50176x128xf32, #tpu.memory_space<hbm>>, %arg3: memref<800000xi32, #tpu.memory_space<hbm>>, %arg4: memref<800000x128xf32, #tpu.memory_space<hbm>>, %arg5: memref<1000xi32, #tpu.memory_space<vmem>>, %arg6: memref<1000x128xf32, #tpu.memory_space<vmem>>, %arg7: memref<!tpu.dma_semaphore, #tpu.memory_space<semaphore_mem>>) attributes {dimension_semantics = [#tpu.dimension_semantics<core_parallel>, #tpu.dimension_semantics<subcore_parallel>], iteration_bounds = array<i64: 2, 16>, scalar_prefetch = 0 : i64, scratch_operands = 3 : i64, tpu.core_type = #tpu.core_type<sc_vector_subcore>, window_params = [{transform_indices = #map}, {transform_indices = #map1}, {transform_indices = #map}]} {
    %mul3A = arith.constant 2 : i32
    %mul3A_0 = arith.muli %arg1, %mul3A : i32
    %add3A = arith.addi %mul3A_0, %arg0 : i32
    %mul3A_1 = arith.constant 25000 : i32
    %mul3A_2 = arith.muli %add3A, %mul3A_1 : i32
    %scan3A = arith.constant 0 : i32
    %scan3A_3 = arith.constant 0 : i32
    %scan3A_4 = arith.constant 25 : i32
    %scan3A_5 = arith.addi %scan3A_3, %scan3A_4 : i32
    %scan3A_6 = arith.constant 1 : i32
    scf.for %scan3A_8 = %scan3A_3 to %scan3A_5 step %scan3A_6  : i32 {
      %mul3A_9 = arith.constant 1000 : i32
      %mul3A_10 = arith.muli %scan3A_8, %mul3A_9 : i32
      %add3A_11 = arith.addi %mul3A_2, %mul3A_10 : i32
      "tpu.region"() ({
        %run_scoped3A = tpu.sem_alloc : memref<!tpu.dma_semaphore, #tpu.memory_space<semaphore_mem>>
        %dma_start3A_16 = tpu.memref_slice %arg3[%add3A_11] : memref<800000xi32, #tpu.memory_space<hbm>> -> memref<1000xi32, #tpu.memory_space<hbm>>
        %dma_start3A_17 = tpu.memref_slice %arg3[%add3A_11] : memref<800000xi32, #tpu.memory_space<hbm>> -> memref<1000xi32, #tpu.memory_space<hbm>>
        tpu.enqueue_dma source(%dma_start3A_17 : memref<1000xi32, #tpu.memory_space<hbm>>) target(%arg5 : memref<1000xi32, #tpu.memory_space<vmem>>) target_semaphore(%run_scoped3A : memref<!tpu.dma_semaphore, #tpu.memory_space<semaphore_mem>>)
        %dma_wait3A_18 = tpu.memref_slice %arg3[%add3A_11] : memref<800000xi32, #tpu.memory_space<hbm>> -> memref<1000xi32, #tpu.memory_space<hbm>>
        %dma_wait3A_19 = tpu.memref_slice %arg3[%add3A_11] : memref<800000xi32, #tpu.memory_space<hbm>> -> memref<1000xi32, #tpu.memory_space<hbm>>
        tpu.wait_dma2 semaphore(%run_scoped3A : memref<!tpu.dma_semaphore, #tpu.memory_space<semaphore_mem>>) src(%dma_wait3A_19 : memref<1000xi32, #tpu.memory_space<hbm>>) dst(%arg5 : memref<1000xi32, #tpu.memory_space<vmem>>)
        tpu.yield
      }) : () -> ()
      %dma_start3A = arith.constant 0 : i32
      %dma_start3A_12 = arith.constant 0 : i32
      %dma_start3A_13 = tpu.memref_slice %arg2[%dma_start3A, %dma_start3A_12] : memref<50176x128xf32, #tpu.memory_space<hbm>> -> memref<50176x128xf32, #tpu.memory_space<hbm>>
      tpu.enqueue_indirect_dma source(%dma_start3A_13 : memref<50176x128xf32, #tpu.memory_space<hbm>>) target(%arg6 : memref<1000x128xf32, #tpu.memory_space<vmem>>) offsets(%arg5 : memref<1000xi32, #tpu.memory_space<vmem>>) semaphore(%arg7 : memref<!tpu.dma_semaphore, #tpu.memory_space<semaphore_mem>>)
      %dma_wait3A = arith.constant 0 : i32
      %dma_wait3A_14 = arith.constant 0 : i32
      %dma_wait3A_15 = tpu.memref_slice %arg2[%dma_wait3A, %dma_wait3A_14] : memref<50176x128xf32, #tpu.memory_space<hbm>> -> memref<50176x128xf32, #tpu.memory_space<hbm>>
      tpu.wait_indirect_dma semaphore(%arg7 : memref<!tpu.dma_semaphore, #tpu.memory_space<semaphore_mem>>) src(%dma_wait3A_15 : memref<50176x128xf32, #tpu.memory_space<hbm>>) dst(%arg6 : memref<1000x128xf32, #tpu.memory_space<vmem>>)
      "tpu.region"() ({
        %run_scoped3A = tpu.sem_alloc : memref<!tpu.dma_semaphore, #tpu.memory_space<semaphore_mem>>
        %dma_start3A_16 = arith.constant 0 : i32
        %dma_start3A_17 = tpu.memref_slice %arg4[%add3A_11, %dma_start3A_16] : memref<800000x128xf32, #tpu.memory_space<hbm>> -> memref<1000x128xf32, #tpu.memory_space<hbm>>
        %dma_start3A_18 = arith.constant 0 : i32
        %dma_start3A_19 = tpu.memref_slice %arg4[%add3A_11, %dma_start3A_18] : memref<800000x128xf32, #tpu.memory_space<hbm>> -> memref<1000x128xf32, #tpu.memory_space<hbm>>
        tpu.enqueue_dma source(%arg6 : memref<1000x128xf32, #tpu.memory_space<vmem>>) target(%dma_start3A_19 : memref<1000x128xf32, #tpu.memory_space<hbm>>) target_semaphore(%run_scoped3A : memref<!tpu.dma_semaphore, #tpu.memory_space<semaphore_mem>>)
        %dma_wait3A_20 = arith.constant 0 : i32
        %dma_wait3A_21 = tpu.memref_slice %arg4[%add3A_11, %dma_wait3A_20] : memref<800000x128xf32, #tpu.memory_space<hbm>> -> memref<1000x128xf32, #tpu.memory_space<hbm>>
        %dma_wait3A_22 = arith.constant 0 : i32
        %dma_wait3A_23 = tpu.memref_slice %arg4[%add3A_11, %dma_wait3A_22] : memref<800000x128xf32, #tpu.memory_space<hbm>> -> memref<1000x128xf32, #tpu.memory_space<hbm>>
        tpu.wait_dma2 semaphore(%run_scoped3A : memref<!tpu.dma_semaphore, #tpu.memory_space<semaphore_mem>>) src(%arg6 : memref<1000x128xf32, #tpu.memory_space<vmem>>) dst(%dma_wait3A_23 : memref<1000x128xf32, #tpu.memory_space<hbm>>)
        tpu.yield
      }) : () -> ()
    }
    %scan3A_7 = arith.constant 25 : i32
    return
  }
}

#map = affine_map<(d0, d1) -> (0, 0)>
#map1 = affine_map<(d0, d1) -> (0)>
#map2 = affine_map<(d0, d1) -> (0, 0, 0)>
module attributes {stable_mosaic.version = 14 : i64} {
  func.func @k(%arg0: i32, %arg1: i32, %arg2: memref<800000x128xf32, #tpu.memory_space<hbm>>, %arg3: memref<800000xi32, #tpu.memory_space<hbm>>, %arg4: memref<792x128xf32, #tpu.memory_space<hbm>>, %arg5: memref<2x12672x128xf32, #tpu.memory_space<hbm>>, %arg6: memref<200xi32, #tpu.memory_space<vmem>>, %arg7: memref<200x128xf32, #tpu.memory_space<vmem>>, %arg8: memref<12672x128xf32, #tpu.memory_space<vmem_shared>>) attributes {dimension_semantics = [#tpu.dimension_semantics<core_parallel>, #tpu.dimension_semantics<subcore_parallel>], iteration_bounds = array<i64: 2, 16>, scalar_prefetch = 0 : i64, scratch_operands = 3 : i64, tpu.core_type = #tpu.core_type<sc_vector_subcore>, window_params = [{transform_indices = #map}, {transform_indices = #map1}, {transform_indices = #map}, {transform_indices = #map2}]} {
    %mul3A = arith.constant 2 : i32
    %mul3A_0 = arith.muli %arg1, %mul3A : i32
    %add3A = arith.addi %mul3A_0, %arg0 : i32
    %mul3A_1 = arith.constant 792 : i32
    %mul3A_2 = arith.muli %arg1, %mul3A_1 : i32
    "tpu.region"() ({
      %run_scoped3A = tpu.sem_alloc : memref<!tpu.dma_semaphore, #tpu.memory_space<semaphore_mem>>
      %dma_start3A = arith.constant 0 : i32
      %dma_start3A_13 = tpu.memref_slice %arg8[%mul3A_2, %dma_start3A] : memref<12672x128xf32, #tpu.memory_space<vmem_shared>> -> memref<792x128xf32, #tpu.memory_space<vmem_shared>>
      tpu.enqueue_dma source(%arg4 : memref<792x128xf32, #tpu.memory_space<hbm>>) target(%dma_start3A_13 : memref<792x128xf32, #tpu.memory_space<vmem_shared>>) target_semaphore(%run_scoped3A : memref<!tpu.dma_semaphore, #tpu.memory_space<semaphore_mem>>)
      %dma_wait3A = arith.constant 0 : i32
      %dma_wait3A_14 = tpu.memref_slice %arg8[%mul3A_2, %dma_wait3A] : memref<12672x128xf32, #tpu.memory_space<vmem_shared>> -> memref<792x128xf32, #tpu.memory_space<vmem_shared>>
      tpu.wait_dma2 semaphore(%run_scoped3A : memref<!tpu.dma_semaphore, #tpu.memory_space<semaphore_mem>>) src(%arg4 : memref<792x128xf32, #tpu.memory_space<hbm>>) dst(%dma_wait3A_14 : memref<792x128xf32, #tpu.memory_space<vmem_shared>>)
      tpu.yield
    }) : () -> ()
    %barrier3A = arith.constant 0 : index
    tpu.barrier barrier_id(%barrier3A)
    %mul3A_3 = arith.constant 25000 : i32
    %mul3A_4 = arith.muli %add3A, %mul3A_3 : i32
    %scan3A = arith.constant 0 : i32
    %scan3A_5 = arith.constant 0 : i32
    %scan3A_6 = arith.constant 125 : i32
    %scan3A_7 = arith.addi %scan3A_5, %scan3A_6 : i32
    %scan3A_8 = arith.constant 1 : i32
    scf.for %scan3A_13 = %scan3A_5 to %scan3A_7 step %scan3A_8  : i32 {
      %mul3A_14 = arith.constant 200 : i32
      %mul3A_15 = arith.muli %scan3A_13, %mul3A_14 : i32
      %add3A_16 = arith.addi %mul3A_4, %mul3A_15 : i32
      "tpu.region"() ({
        %run_scoped3A = tpu.sem_alloc : memref<!tpu.dma_semaphore, #tpu.memory_space<semaphore_mem>>
        %dma_start3A = tpu.memref_slice %arg3[%add3A_16] : memref<800000xi32, #tpu.memory_space<hbm>> -> memref<200xi32, #tpu.memory_space<hbm>>
        %dma_start3A_17 = tpu.memref_slice %arg3[%add3A_16] : memref<800000xi32, #tpu.memory_space<hbm>> -> memref<200xi32, #tpu.memory_space<hbm>>
        tpu.enqueue_dma source(%dma_start3A_17 : memref<200xi32, #tpu.memory_space<hbm>>) target(%arg6 : memref<200xi32, #tpu.memory_space<vmem>>) target_semaphore(%run_scoped3A : memref<!tpu.dma_semaphore, #tpu.memory_space<semaphore_mem>>)
        %dma_wait3A = tpu.memref_slice %arg3[%add3A_16] : memref<800000xi32, #tpu.memory_space<hbm>> -> memref<200xi32, #tpu.memory_space<hbm>>
        %dma_wait3A_18 = tpu.memref_slice %arg3[%add3A_16] : memref<800000xi32, #tpu.memory_space<hbm>> -> memref<200xi32, #tpu.memory_space<hbm>>
        tpu.wait_dma2 semaphore(%run_scoped3A : memref<!tpu.dma_semaphore, #tpu.memory_space<semaphore_mem>>) src(%dma_wait3A_18 : memref<200xi32, #tpu.memory_space<hbm>>) dst(%arg6 : memref<200xi32, #tpu.memory_space<vmem>>)
        tpu.yield
      }) : () -> ()
      "tpu.region"() ({
        %run_scoped3A = tpu.sem_alloc : memref<!tpu.dma_semaphore, #tpu.memory_space<semaphore_mem>>
        %dma_start3A = arith.constant 0 : i32
        %dma_start3A_17 = tpu.memref_slice %arg2[%add3A_16, %dma_start3A] : memref<800000x128xf32, #tpu.memory_space<hbm>> -> memref<200x128xf32, #tpu.memory_space<hbm>>
        %dma_start3A_18 = arith.constant 0 : i32
        %dma_start3A_19 = tpu.memref_slice %arg2[%add3A_16, %dma_start3A_18] : memref<800000x128xf32, #tpu.memory_space<hbm>> -> memref<200x128xf32, #tpu.memory_space<hbm>>
        tpu.enqueue_dma source(%dma_start3A_19 : memref<200x128xf32, #tpu.memory_space<hbm>>) target(%arg7 : memref<200x128xf32, #tpu.memory_space<vmem>>) target_semaphore(%run_scoped3A : memref<!tpu.dma_semaphore, #tpu.memory_space<semaphore_mem>>)
        %dma_wait3A = arith.constant 0 : i32
        %dma_wait3A_20 = tpu.memref_slice %arg2[%add3A_16, %dma_wait3A] : memref<800000x128xf32, #tpu.memory_space<hbm>> -> memref<200x128xf32, #tpu.memory_space<hbm>>
        %dma_wait3A_21 = arith.constant 0 : i32
        %dma_wait3A_22 = tpu.memref_slice %arg2[%add3A_16, %dma_wait3A_21] : memref<800000x128xf32, #tpu.memory_space<hbm>> -> memref<200x128xf32, #tpu.memory_space<hbm>>
        tpu.wait_dma2 semaphore(%run_scoped3A : memref<!tpu.dma_semaphore, #tpu.memory_space<semaphore_mem>>) src(%dma_wait3A_22 : memref<200x128xf32, #tpu.memory_space<hbm>>) dst(%arg7 : memref<200x128xf32, #tpu.memory_space<vmem>>)
        tpu.yield
      }) : () -> ()
      "tpu.region"() ({
        %run_scoped3A = tpu.sem_alloc : memref<!tpu.dma_semaphore, #tpu.memory_space<semaphore_mem>>
        %dma_start3A = arith.constant 0 : i32
        %dma_start3A_17 = arith.constant 0 : i32
        %dma_start3A_18 = tpu.memref_slice %arg8[%dma_start3A, %dma_start3A_17] : memref<12672x128xf32, #tpu.memory_space<vmem_shared>> -> memref<12672x128xf32, #tpu.memory_space<vmem_shared>>
        tpu.enqueue_indirect_dma source(%arg7 : memref<200x128xf32, #tpu.memory_space<vmem>>) target(%dma_start3A_18 : memref<12672x128xf32, #tpu.memory_space<vmem_shared>>) offsets(%arg6 : memref<200xi32, #tpu.memory_space<vmem>>) semaphore(%run_scoped3A : memref<!tpu.dma_semaphore, #tpu.memory_space<semaphore_mem>>) {add = true}
        %dma_wait3A = arith.constant 0 : i32
        %dma_wait3A_19 = arith.constant 0 : i32
        %dma_wait3A_20 = tpu.memref_slice %arg8[%dma_wait3A, %dma_wait3A_19] : memref<12672x128xf32, #tpu.memory_space<vmem_shared>> -> memref<12672x128xf32, #tpu.memory_space<vmem_shared>>
        tpu.wait_indirect_dma semaphore(%run_scoped3A : memref<!tpu.dma_semaphore, #tpu.memory_space<semaphore_mem>>) src(%arg7 : memref<200x128xf32, #tpu.memory_space<vmem>>) dst(%dma_wait3A_20 : memref<12672x128xf32, #tpu.memory_space<vmem_shared>>)
        tpu.yield
      }) : () -> ()
    }
    %scan3A_9 = arith.constant 125 : i32
    %barrier3A_10 = arith.constant 0 : index
    tpu.barrier barrier_id(%barrier3A_10)
    %mul3A_11 = arith.constant 792 : i32
    %mul3A_12 = arith.muli %arg1, %mul3A_11 : i32
    "tpu.region"() ({
      %run_scoped3A = tpu.sem_alloc : memref<!tpu.dma_semaphore, #tpu.memory_space<semaphore_mem>>
      %dma_start3A = arith.constant 0 : i32
      %dma_start3A_13 = tpu.memref_slice %arg5[%arg0, %mul3A_12, %dma_start3A] : memref<2x12672x128xf32, #tpu.memory_space<hbm>> -> memref<1x792x128xf32, #tpu.memory_space<hbm>>
      %dma_start3A_14 = tpu.memref_squeeze %dma_start3A_13 : memref<1x792x128xf32, #tpu.memory_space<hbm>> -> memref<792x128xf32, #tpu.memory_space<hbm>>
      %dma_start3A_15 = arith.constant 0 : i32
      %dma_start3A_16 = tpu.memref_slice %arg8[%mul3A_12, %dma_start3A_15] : memref<12672x128xf32, #tpu.memory_space<vmem_shared>> -> memref<792x128xf32, #tpu.memory_space<vmem_shared>>
      tpu.enqueue_dma source(%dma_start3A_16 : memref<792x128xf32, #tpu.memory_space<vmem_shared>>) target(%dma_start3A_14 : memref<792x128xf32, #tpu.memory_space<hbm>>) target_semaphore(%run_scoped3A : memref<!tpu.dma_semaphore, #tpu.memory_space<semaphore_mem>>)
      %dma_wait3A = arith.constant 0 : i32
      %dma_wait3A_17 = tpu.memref_slice %arg5[%arg0, %mul3A_12, %dma_wait3A] : memref<2x12672x128xf32, #tpu.memory_space<hbm>> -> memref<1x792x128xf32, #tpu.memory_space<hbm>>
      %dma_wait3A_18 = tpu.memref_squeeze %dma_wait3A_17 : memref<1x792x128xf32, #tpu.memory_space<hbm>> -> memref<792x128xf32, #tpu.memory_space<hbm>>
      %dma_wait3A_19 = arith.constant 0 : i32
      %dma_wait3A_20 = tpu.memref_slice %arg8[%mul3A_12, %dma_wait3A_19] : memref<12672x128xf32, #tpu.memory_space<vmem_shared>> -> memref<792x128xf32, #tpu.memory_space<vmem_shared>>
      tpu.wait_dma2 semaphore(%run_scoped3A : memref<!tpu.dma_semaphore, #tpu.memory_space<semaphore_mem>>) src(%dma_wait3A_20 : memref<792x128xf32, #tpu.memory_space<vmem_shared>>) dst(%dma_wait3A_18 : memref<792x128xf32, #tpu.memory_space<hbm>>)
      tpu.yield
    }) : () -> ()
    return
  }
}

#map = affine_map<(d0, d1) -> (0, 0)>
#map1 = affine_map<(d0, d1) -> (0)>
module attributes {stable_mosaic.version = 14 : i64} {
  func.func @k(%arg0: i32, %arg1: i32, %arg2: memref<50176x128xf32, #tpu.memory_space<hbm>>, %arg3: memref<800000xi32, #tpu.memory_space<hbm>>, %arg4: memref<800000x128xf32, #tpu.memory_space<hbm>>, %arg5: memref<1000xi32, #tpu.memory_space<vmem>>, %arg6: memref<1000x128xf32, #tpu.memory_space<vmem>>, %arg7: memref<!tpu.dma_semaphore, #tpu.memory_space<semaphore_mem>>) attributes {dimension_semantics = [#tpu.dimension_semantics<core_parallel>, #tpu.dimension_semantics<subcore_parallel>], iteration_bounds = array<i64: 2, 16>, scalar_prefetch = 0 : i64, scratch_operands = 3 : i64, tpu.core_type = #tpu.core_type<sc_vector_subcore>, window_params = [{transform_indices = #map}, {transform_indices = #map1}, {transform_indices = #map}]} {
    %mul3A = arith.constant 2 : i32
    %mul3A_0 = arith.muli %arg1, %mul3A : i32
    %add3A = arith.addi %mul3A_0, %arg0 : i32
    %mul3A_1 = arith.constant 25000 : i32
    %mul3A_2 = arith.muli %add3A, %mul3A_1 : i32
    %scan3A = arith.constant 0 : i32
    %scan3A_3 = arith.constant 0 : i32
    %scan3A_4 = arith.constant 25 : i32
    %scan3A_5 = arith.addi %scan3A_3, %scan3A_4 : i32
    %scan3A_6 = arith.constant 1 : i32
    scf.for %scan3A_8 = %scan3A_3 to %scan3A_5 step %scan3A_6  : i32 {
      %mul3A_9 = arith.constant 1000 : i32
      %mul3A_10 = arith.muli %scan3A_8, %mul3A_9 : i32
      %add3A_11 = arith.addi %mul3A_2, %mul3A_10 : i32
      "tpu.region"() ({
        %run_scoped3A = tpu.sem_alloc : memref<!tpu.dma_semaphore, #tpu.memory_space<semaphore_mem>>
        %dma_start3A_16 = tpu.memref_slice %arg3[%add3A_11] : memref<800000xi32, #tpu.memory_space<hbm>> -> memref<1000xi32, #tpu.memory_space<hbm>>
        %dma_start3A_17 = tpu.memref_slice %arg3[%add3A_11] : memref<800000xi32, #tpu.memory_space<hbm>> -> memref<1000xi32, #tpu.memory_space<hbm>>
        tpu.enqueue_dma source(%dma_start3A_17 : memref<1000xi32, #tpu.memory_space<hbm>>) target(%arg5 : memref<1000xi32, #tpu.memory_space<vmem>>) target_semaphore(%run_scoped3A : memref<!tpu.dma_semaphore, #tpu.memory_space<semaphore_mem>>)
        %dma_wait3A_18 = tpu.memref_slice %arg3[%add3A_11] : memref<800000xi32, #tpu.memory_space<hbm>> -> memref<1000xi32, #tpu.memory_space<hbm>>
        %dma_wait3A_19 = tpu.memref_slice %arg3[%add3A_11] : memref<800000xi32, #tpu.memory_space<hbm>> -> memref<1000xi32, #tpu.memory_space<hbm>>
        tpu.wait_dma2 semaphore(%run_scoped3A : memref<!tpu.dma_semaphore, #tpu.memory_space<semaphore_mem>>) src(%dma_wait3A_19 : memref<1000xi32, #tpu.memory_space<hbm>>) dst(%arg5 : memref<1000xi32, #tpu.memory_space<vmem>>)
        tpu.yield
      }) : () -> ()
      %dma_start3A = arith.constant 0 : i32
      %dma_start3A_12 = arith.constant 0 : i32
      %dma_start3A_13 = tpu.memref_slice %arg2[%dma_start3A, %dma_start3A_12] : memref<50176x128xf32, #tpu.memory_space<hbm>> -> memref<50176x128xf32, #tpu.memory_space<hbm>>
      tpu.enqueue_indirect_dma source(%dma_start3A_13 : memref<50176x128xf32, #tpu.memory_space<hbm>>) target(%arg6 : memref<1000x128xf32, #tpu.memory_space<vmem>>) offsets(%arg5 : memref<1000xi32, #tpu.memory_space<vmem>>) semaphore(%arg7 : memref<!tpu.dma_semaphore, #tpu.memory_space<semaphore_mem>>)
      %dma_wait3A = arith.constant 0 : i32
      %dma_wait3A_14 = arith.constant 0 : i32
      %dma_wait3A_15 = tpu.memref_slice %arg2[%dma_wait3A, %dma_wait3A_14] : memref<50176x128xf32, #tpu.memory_space<hbm>> -> memref<50176x128xf32, #tpu.memory_space<hbm>>
      tpu.wait_indirect_dma semaphore(%arg7 : memref<!tpu.dma_semaphore, #tpu.memory_space<semaphore_mem>>) src(%dma_wait3A_15 : memref<50176x128xf32, #tpu.memory_space<hbm>>) dst(%arg6 : memref<1000x128xf32, #tpu.memory_space<vmem>>)
      "tpu.region"() ({
        %run_scoped3A = tpu.sem_alloc : memref<!tpu.dma_semaphore, #tpu.memory_space<semaphore_mem>>
        %dma_start3A_16 = arith.constant 0 : i32
        %dma_start3A_17 = tpu.memref_slice %arg4[%add3A_11, %dma_start3A_16] : memref<800000x128xf32, #tpu.memory_space<hbm>> -> memref<1000x128xf32, #tpu.memory_space<hbm>>
        %dma_start3A_18 = arith.constant 0 : i32
        %dma_start3A_19 = tpu.memref_slice %arg4[%add3A_11, %dma_start3A_18] : memref<800000x128xf32, #tpu.memory_space<hbm>> -> memref<1000x128xf32, #tpu.memory_space<hbm>>
        tpu.enqueue_dma source(%arg6 : memref<1000x128xf32, #tpu.memory_space<vmem>>) target(%dma_start3A_19 : memref<1000x128xf32, #tpu.memory_space<hbm>>) target_semaphore(%run_scoped3A : memref<!tpu.dma_semaphore, #tpu.memory_space<semaphore_mem>>)
        %dma_wait3A_20 = arith.constant 0 : i32
        %dma_wait3A_21 = tpu.memref_slice %arg4[%add3A_11, %dma_wait3A_20] : memref<800000x128xf32, #tpu.memory_space<hbm>> -> memref<1000x128xf32, #tpu.memory_space<hbm>>
        %dma_wait3A_22 = arith.constant 0 : i32
        %dma_wait3A_23 = tpu.memref_slice %arg4[%add3A_11, %dma_wait3A_22] : memref<800000x128xf32, #tpu.memory_space<hbm>> -> memref<1000x128xf32, #tpu.memory_space<hbm>>
        tpu.wait_dma2 semaphore(%run_scoped3A : memref<!tpu.dma_semaphore, #tpu.memory_space<semaphore_mem>>) src(%arg6 : memref<1000x128xf32, #tpu.memory_space<vmem>>) dst(%dma_wait3A_23 : memref<1000x128xf32, #tpu.memory_space<hbm>>)
        tpu.yield
      }) : () -> ()
    }
    %scan3A_7 = arith.constant 25 : i32
    return
  }
}

#map = affine_map<(d0, d1) -> (0, 0)>
#map1 = affine_map<(d0, d1) -> (0)>
module attributes {stable_mosaic.version = 14 : i64} {
  func.func @k(%arg0: i32, %arg1: i32, %arg2: memref<50176x128xf32, #tpu.memory_space<hbm>>, %arg3: memref<800000xi32, #tpu.memory_space<hbm>>, %arg4: memref<800000x128xf32, #tpu.memory_space<hbm>>, %arg5: memref<1000xi32, #tpu.memory_space<vmem>>, %arg6: memref<1000x128xf32, #tpu.memory_space<vmem>>, %arg7: memref<!tpu.dma_semaphore, #tpu.memory_space<semaphore_mem>>) attributes {dimension_semantics = [#tpu.dimension_semantics<core_parallel>, #tpu.dimension_semantics<subcore_parallel>], iteration_bounds = array<i64: 2, 16>, scalar_prefetch = 0 : i64, scratch_operands = 3 : i64, tpu.core_type = #tpu.core_type<sc_vector_subcore>, window_params = [{transform_indices = #map}, {transform_indices = #map1}, {transform_indices = #map}]} {
    %mul3A = arith.constant 2 : i32
    %mul3A_0 = arith.muli %arg1, %mul3A : i32
    %add3A = arith.addi %mul3A_0, %arg0 : i32
    %mul3A_1 = arith.constant 25000 : i32
    %mul3A_2 = arith.muli %add3A, %mul3A_1 : i32
    %scan3A = arith.constant 0 : i32
    %scan3A_3 = arith.constant 0 : i32
    %scan3A_4 = arith.constant 25 : i32
    %scan3A_5 = arith.addi %scan3A_3, %scan3A_4 : i32
    %scan3A_6 = arith.constant 1 : i32
    scf.for %scan3A_8 = %scan3A_3 to %scan3A_5 step %scan3A_6  : i32 {
      %mul3A_9 = arith.constant 1000 : i32
      %mul3A_10 = arith.muli %scan3A_8, %mul3A_9 : i32
      %add3A_11 = arith.addi %mul3A_2, %mul3A_10 : i32
      "tpu.region"() ({
        %run_scoped3A = tpu.sem_alloc : memref<!tpu.dma_semaphore, #tpu.memory_space<semaphore_mem>>
        %dma_start3A_16 = tpu.memref_slice %arg3[%add3A_11] : memref<800000xi32, #tpu.memory_space<hbm>> -> memref<1000xi32, #tpu.memory_space<hbm>>
        %dma_start3A_17 = tpu.memref_slice %arg3[%add3A_11] : memref<800000xi32, #tpu.memory_space<hbm>> -> memref<1000xi32, #tpu.memory_space<hbm>>
        tpu.enqueue_dma source(%dma_start3A_17 : memref<1000xi32, #tpu.memory_space<hbm>>) target(%arg5 : memref<1000xi32, #tpu.memory_space<vmem>>) target_semaphore(%run_scoped3A : memref<!tpu.dma_semaphore, #tpu.memory_space<semaphore_mem>>)
        %dma_wait3A_18 = tpu.memref_slice %arg3[%add3A_11] : memref<800000xi32, #tpu.memory_space<hbm>> -> memref<1000xi32, #tpu.memory_space<hbm>>
        %dma_wait3A_19 = tpu.memref_slice %arg3[%add3A_11] : memref<800000xi32, #tpu.memory_space<hbm>> -> memref<1000xi32, #tpu.memory_space<hbm>>
        tpu.wait_dma2 semaphore(%run_scoped3A : memref<!tpu.dma_semaphore, #tpu.memory_space<semaphore_mem>>) src(%dma_wait3A_19 : memref<1000xi32, #tpu.memory_space<hbm>>) dst(%arg5 : memref<1000xi32, #tpu.memory_space<vmem>>)
        tpu.yield
      }) : () -> ()
      %dma_start3A = arith.constant 0 : i32
      %dma_start3A_12 = arith.constant 0 : i32
      %dma_start3A_13 = tpu.memref_slice %arg2[%dma_start3A, %dma_start3A_12] : memref<50176x128xf32, #tpu.memory_space<hbm>> -> memref<50176x128xf32, #tpu.memory_space<hbm>>
      tpu.enqueue_indirect_dma source(%dma_start3A_13 : memref<50176x128xf32, #tpu.memory_space<hbm>>) target(%arg6 : memref<1000x128xf32, #tpu.memory_space<vmem>>) offsets(%arg5 : memref<1000xi32, #tpu.memory_space<vmem>>) semaphore(%arg7 : memref<!tpu.dma_semaphore, #tpu.memory_space<semaphore_mem>>)
      %dma_wait3A = arith.constant 0 : i32
      %dma_wait3A_14 = arith.constant 0 : i32
      %dma_wait3A_15 = tpu.memref_slice %arg2[%dma_wait3A, %dma_wait3A_14] : memref<50176x128xf32, #tpu.memory_space<hbm>> -> memref<50176x128xf32, #tpu.memory_space<hbm>>
      tpu.wait_indirect_dma semaphore(%arg7 : memref<!tpu.dma_semaphore, #tpu.memory_space<semaphore_mem>>) src(%dma_wait3A_15 : memref<50176x128xf32, #tpu.memory_space<hbm>>) dst(%arg6 : memref<1000x128xf32, #tpu.memory_space<vmem>>)
      "tpu.region"() ({
        %run_scoped3A = tpu.sem_alloc : memref<!tpu.dma_semaphore, #tpu.memory_space<semaphore_mem>>
        %dma_start3A_16 = arith.constant 0 : i32
        %dma_start3A_17 = tpu.memref_slice %arg4[%add3A_11, %dma_start3A_16] : memref<800000x128xf32, #tpu.memory_space<hbm>> -> memref<1000x128xf32, #tpu.memory_space<hbm>>
        %dma_start3A_18 = arith.constant 0 : i32
        %dma_start3A_19 = tpu.memref_slice %arg4[%add3A_11, %dma_start3A_18] : memref<800000x128xf32, #tpu.memory_space<hbm>> -> memref<1000x128xf32, #tpu.memory_space<hbm>>
        tpu.enqueue_dma source(%arg6 : memref<1000x128xf32, #tpu.memory_space<vmem>>) target(%dma_start3A_19 : memref<1000x128xf32, #tpu.memory_space<hbm>>) target_semaphore(%run_scoped3A : memref<!tpu.dma_semaphore, #tpu.memory_space<semaphore_mem>>)
        %dma_wait3A_20 = arith.constant 0 : i32
        %dma_wait3A_21 = tpu.memref_slice %arg4[%add3A_11, %dma_wait3A_20] : memref<800000x128xf32, #tpu.memory_space<hbm>> -> memref<1000x128xf32, #tpu.memory_space<hbm>>
        %dma_wait3A_22 = arith.constant 0 : i32
        %dma_wait3A_23 = tpu.memref_slice %arg4[%add3A_11, %dma_wait3A_22] : memref<800000x128xf32, #tpu.memory_space<hbm>> -> memref<1000x128xf32, #tpu.memory_space<hbm>>
        tpu.wait_dma2 semaphore(%run_scoped3A : memref<!tpu.dma_semaphore, #tpu.memory_space<semaphore_mem>>) src(%arg6 : memref<1000x128xf32, #tpu.memory_space<vmem>>) dst(%dma_wait3A_23 : memref<1000x128xf32, #tpu.memory_space<hbm>>)
        tpu.yield
      }) : () -> ()
    }
    %scan3A_7 = arith.constant 25 : i32
    return
  }
}

#map = affine_map<(d0, d1) -> (0, 0)>
#map1 = affine_map<(d0, d1) -> (0)>
#map2 = affine_map<(d0, d1) -> (0, 0, 0)>
module attributes {stable_mosaic.version = 14 : i64} {
  func.func @k(%arg0: i32, %arg1: i32, %arg2: memref<800000x128xf32, #tpu.memory_space<hbm>>, %arg3: memref<800000xi32, #tpu.memory_space<hbm>>, %arg4: memref<792x128xf32, #tpu.memory_space<hbm>>, %arg5: memref<2x12672x128xf32, #tpu.memory_space<hbm>>, %arg6: memref<200xi32, #tpu.memory_space<vmem>>, %arg7: memref<200x128xf32, #tpu.memory_space<vmem>>, %arg8: memref<12672x128xf32, #tpu.memory_space<vmem_shared>>) attributes {dimension_semantics = [#tpu.dimension_semantics<core_parallel>, #tpu.dimension_semantics<subcore_parallel>], iteration_bounds = array<i64: 2, 16>, scalar_prefetch = 0 : i64, scratch_operands = 3 : i64, tpu.core_type = #tpu.core_type<sc_vector_subcore>, window_params = [{transform_indices = #map}, {transform_indices = #map1}, {transform_indices = #map}, {transform_indices = #map2}]} {
    %mul3A = arith.constant 2 : i32
    %mul3A_0 = arith.muli %arg1, %mul3A : i32
    %add3A = arith.addi %mul3A_0, %arg0 : i32
    %mul3A_1 = arith.constant 792 : i32
    %mul3A_2 = arith.muli %arg1, %mul3A_1 : i32
    "tpu.region"() ({
      %run_scoped3A = tpu.sem_alloc : memref<!tpu.dma_semaphore, #tpu.memory_space<semaphore_mem>>
      %dma_start3A = arith.constant 0 : i32
      %dma_start3A_13 = tpu.memref_slice %arg8[%mul3A_2, %dma_start3A] : memref<12672x128xf32, #tpu.memory_space<vmem_shared>> -> memref<792x128xf32, #tpu.memory_space<vmem_shared>>
      tpu.enqueue_dma source(%arg4 : memref<792x128xf32, #tpu.memory_space<hbm>>) target(%dma_start3A_13 : memref<792x128xf32, #tpu.memory_space<vmem_shared>>) target_semaphore(%run_scoped3A : memref<!tpu.dma_semaphore, #tpu.memory_space<semaphore_mem>>)
      %dma_wait3A = arith.constant 0 : i32
      %dma_wait3A_14 = tpu.memref_slice %arg8[%mul3A_2, %dma_wait3A] : memref<12672x128xf32, #tpu.memory_space<vmem_shared>> -> memref<792x128xf32, #tpu.memory_space<vmem_shared>>
      tpu.wait_dma2 semaphore(%run_scoped3A : memref<!tpu.dma_semaphore, #tpu.memory_space<semaphore_mem>>) src(%arg4 : memref<792x128xf32, #tpu.memory_space<hbm>>) dst(%dma_wait3A_14 : memref<792x128xf32, #tpu.memory_space<vmem_shared>>)
      tpu.yield
    }) : () -> ()
    %barrier3A = arith.constant 0 : index
    tpu.barrier barrier_id(%barrier3A)
    %mul3A_3 = arith.constant 25000 : i32
    %mul3A_4 = arith.muli %add3A, %mul3A_3 : i32
    %scan3A = arith.constant 0 : i32
    %scan3A_5 = arith.constant 0 : i32
    %scan3A_6 = arith.constant 125 : i32
    %scan3A_7 = arith.addi %scan3A_5, %scan3A_6 : i32
    %scan3A_8 = arith.constant 1 : i32
    scf.for %scan3A_13 = %scan3A_5 to %scan3A_7 step %scan3A_8  : i32 {
      %mul3A_14 = arith.constant 200 : i32
      %mul3A_15 = arith.muli %scan3A_13, %mul3A_14 : i32
      %add3A_16 = arith.addi %mul3A_4, %mul3A_15 : i32
      "tpu.region"() ({
        %run_scoped3A = tpu.sem_alloc : memref<!tpu.dma_semaphore, #tpu.memory_space<semaphore_mem>>
        %dma_start3A = tpu.memref_slice %arg3[%add3A_16] : memref<800000xi32, #tpu.memory_space<hbm>> -> memref<200xi32, #tpu.memory_space<hbm>>
        %dma_start3A_17 = tpu.memref_slice %arg3[%add3A_16] : memref<800000xi32, #tpu.memory_space<hbm>> -> memref<200xi32, #tpu.memory_space<hbm>>
        tpu.enqueue_dma source(%dma_start3A_17 : memref<200xi32, #tpu.memory_space<hbm>>) target(%arg6 : memref<200xi32, #tpu.memory_space<vmem>>) target_semaphore(%run_scoped3A : memref<!tpu.dma_semaphore, #tpu.memory_space<semaphore_mem>>)
        %dma_wait3A = tpu.memref_slice %arg3[%add3A_16] : memref<800000xi32, #tpu.memory_space<hbm>> -> memref<200xi32, #tpu.memory_space<hbm>>
        %dma_wait3A_18 = tpu.memref_slice %arg3[%add3A_16] : memref<800000xi32, #tpu.memory_space<hbm>> -> memref<200xi32, #tpu.memory_space<hbm>>
        tpu.wait_dma2 semaphore(%run_scoped3A : memref<!tpu.dma_semaphore, #tpu.memory_space<semaphore_mem>>) src(%dma_wait3A_18 : memref<200xi32, #tpu.memory_space<hbm>>) dst(%arg6 : memref<200xi32, #tpu.memory_space<vmem>>)
        tpu.yield
      }) : () -> ()
      "tpu.region"() ({
        %run_scoped3A = tpu.sem_alloc : memref<!tpu.dma_semaphore, #tpu.memory_space<semaphore_mem>>
        %dma_start3A = arith.constant 0 : i32
        %dma_start3A_17 = tpu.memref_slice %arg2[%add3A_16, %dma_start3A] : memref<800000x128xf32, #tpu.memory_space<hbm>> -> memref<200x128xf32, #tpu.memory_space<hbm>>
        %dma_start3A_18 = arith.constant 0 : i32
        %dma_start3A_19 = tpu.memref_slice %arg2[%add3A_16, %dma_start3A_18] : memref<800000x128xf32, #tpu.memory_space<hbm>> -> memref<200x128xf32, #tpu.memory_space<hbm>>
        tpu.enqueue_dma source(%dma_start3A_19 : memref<200x128xf32, #tpu.memory_space<hbm>>) target(%arg7 : memref<200x128xf32, #tpu.memory_space<vmem>>) target_semaphore(%run_scoped3A : memref<!tpu.dma_semaphore, #tpu.memory_space<semaphore_mem>>)
        %dma_wait3A = arith.constant 0 : i32
        %dma_wait3A_20 = tpu.memref_slice %arg2[%add3A_16, %dma_wait3A] : memref<800000x128xf32, #tpu.memory_space<hbm>> -> memref<200x128xf32, #tpu.memory_space<hbm>>
        %dma_wait3A_21 = arith.constant 0 : i32
        %dma_wait3A_22 = tpu.memref_slice %arg2[%add3A_16, %dma_wait3A_21] : memref<800000x128xf32, #tpu.memory_space<hbm>> -> memref<200x128xf32, #tpu.memory_space<hbm>>
        tpu.wait_dma2 semaphore(%run_scoped3A : memref<!tpu.dma_semaphore, #tpu.memory_space<semaphore_mem>>) src(%dma_wait3A_22 : memref<200x128xf32, #tpu.memory_space<hbm>>) dst(%arg7 : memref<200x128xf32, #tpu.memory_space<vmem>>)
        tpu.yield
      }) : () -> ()
      "tpu.region"() ({
        %run_scoped3A = tpu.sem_alloc : memref<!tpu.dma_semaphore, #tpu.memory_space<semaphore_mem>>
        %dma_start3A = arith.constant 0 : i32
        %dma_start3A_17 = arith.constant 0 : i32
        %dma_start3A_18 = tpu.memref_slice %arg8[%dma_start3A, %dma_start3A_17] : memref<12672x128xf32, #tpu.memory_space<vmem_shared>> -> memref<12672x128xf32, #tpu.memory_space<vmem_shared>>
        tpu.enqueue_indirect_dma source(%arg7 : memref<200x128xf32, #tpu.memory_space<vmem>>) target(%dma_start3A_18 : memref<12672x128xf32, #tpu.memory_space<vmem_shared>>) offsets(%arg6 : memref<200xi32, #tpu.memory_space<vmem>>) semaphore(%run_scoped3A : memref<!tpu.dma_semaphore, #tpu.memory_space<semaphore_mem>>) {add = true}
        %dma_wait3A = arith.constant 0 : i32
        %dma_wait3A_19 = arith.constant 0 : i32
        %dma_wait3A_20 = tpu.memref_slice %arg8[%dma_wait3A, %dma_wait3A_19] : memref<12672x128xf32, #tpu.memory_space<vmem_shared>> -> memref<12672x128xf32, #tpu.memory_space<vmem_shared>>
        tpu.wait_indirect_dma semaphore(%run_scoped3A : memref<!tpu.dma_semaphore, #tpu.memory_space<semaphore_mem>>) src(%arg7 : memref<200x128xf32, #tpu.memory_space<vmem>>) dst(%dma_wait3A_20 : memref<12672x128xf32, #tpu.memory_space<vmem_shared>>)
        tpu.yield
      }) : () -> ()
    }
    %scan3A_9 = arith.constant 125 : i32
    %barrier3A_10 = arith.constant 0 : index
    tpu.barrier barrier_id(%barrier3A_10)
    %mul3A_11 = arith.constant 792 : i32
    %mul3A_12 = arith.muli %arg1, %mul3A_11 : i32
    "tpu.region"() ({
      %run_scoped3A = tpu.sem_alloc : memref<!tpu.dma_semaphore, #tpu.memory_space<semaphore_mem>>
      %dma_start3A = arith.constant 0 : i32
      %dma_start3A_13 = tpu.memref_slice %arg5[%arg0, %mul3A_12, %dma_start3A] : memref<2x12672x128xf32, #tpu.memory_space<hbm>> -> memref<1x792x128xf32, #tpu.memory_space<hbm>>
      %dma_start3A_14 = tpu.memref_squeeze %dma_start3A_13 : memref<1x792x128xf32, #tpu.memory_space<hbm>> -> memref<792x128xf32, #tpu.memory_space<hbm>>
      %dma_start3A_15 = arith.constant 0 : i32
      %dma_start3A_16 = tpu.memref_slice %arg8[%mul3A_12, %dma_start3A_15] : memref<12672x128xf32, #tpu.memory_space<vmem_shared>> -> memref<792x128xf32, #tpu.memory_space<vmem_shared>>
      tpu.enqueue_dma source(%dma_start3A_16 : memref<792x128xf32, #tpu.memory_space<vmem_shared>>) target(%dma_start3A_14 : memref<792x128xf32, #tpu.memory_space<hbm>>) target_semaphore(%run_scoped3A : memref<!tpu.dma_semaphore, #tpu.memory_space<semaphore_mem>>)
      %dma_wait3A = arith.constant 0 : i32
      %dma_wait3A_17 = tpu.memref_slice %arg5[%arg0, %mul3A_12, %dma_wait3A] : memref<2x12672x128xf32, #tpu.memory_space<hbm>> -> memref<1x792x128xf32, #tpu.memory_space<hbm>>
      %dma_wait3A_18 = tpu.memref_squeeze %dma_wait3A_17 : memref<1x792x128xf32, #tpu.memory_space<hbm>> -> memref<792x128xf32, #tpu.memory_space<hbm>>
      %dma_wait3A_19 = arith.constant 0 : i32
      %dma_wait3A_20 = tpu.memref_slice %arg8[%mul3A_12, %dma_wait3A_19] : memref<12672x128xf32, #tpu.memory_space<vmem_shared>> -> memref<792x128xf32, #tpu.memory_space<vmem_shared>>
      tpu.wait_dma2 semaphore(%run_scoped3A : memref<!tpu.dma_semaphore, #tpu.memory_space<semaphore_mem>>) src(%dma_wait3A_20 : memref<792x128xf32, #tpu.memory_space<vmem_shared>>) dst(%dma_wait3A_18 : memref<792x128xf32, #tpu.memory_space<hbm>>)
      tpu.yield
    }) : () -> ()
    return
  }
}

#map = affine_map<(d0, d1) -> (0, 0)>
#map1 = affine_map<(d0, d1) -> (0)>
#map2 = affine_map<(d0, d1) -> (0, 0, 0)>
module attributes {stable_mosaic.version = 14 : i64} {
  func.func @k(%arg0: i32, %arg1: i32, %arg2: memref<800000x128xf32, #tpu.memory_space<hbm>>, %arg3: memref<800000xi32, #tpu.memory_space<hbm>>, %arg4: memref<792x128xf32, #tpu.memory_space<hbm>>, %arg5: memref<2x12672x128xf32, #tpu.memory_space<hbm>>, %arg6: memref<200xi32, #tpu.memory_space<vmem>>, %arg7: memref<200x128xf32, #tpu.memory_space<vmem>>, %arg8: memref<12672x128xf32, #tpu.memory_space<vmem_shared>>) attributes {dimension_semantics = [#tpu.dimension_semantics<core_parallel>, #tpu.dimension_semantics<subcore_parallel>], iteration_bounds = array<i64: 2, 16>, scalar_prefetch = 0 : i64, scratch_operands = 3 : i64, tpu.core_type = #tpu.core_type<sc_vector_subcore>, window_params = [{transform_indices = #map}, {transform_indices = #map1}, {transform_indices = #map}, {transform_indices = #map2}]} {
    %mul3A = arith.constant 2 : i32
    %mul3A_0 = arith.muli %arg1, %mul3A : i32
    %add3A = arith.addi %mul3A_0, %arg0 : i32
    %mul3A_1 = arith.constant 792 : i32
    %mul3A_2 = arith.muli %arg1, %mul3A_1 : i32
    "tpu.region"() ({
      %run_scoped3A = tpu.sem_alloc : memref<!tpu.dma_semaphore, #tpu.memory_space<semaphore_mem>>
      %dma_start3A = arith.constant 0 : i32
      %dma_start3A_13 = tpu.memref_slice %arg8[%mul3A_2, %dma_start3A] : memref<12672x128xf32, #tpu.memory_space<vmem_shared>> -> memref<792x128xf32, #tpu.memory_space<vmem_shared>>
      tpu.enqueue_dma source(%arg4 : memref<792x128xf32, #tpu.memory_space<hbm>>) target(%dma_start3A_13 : memref<792x128xf32, #tpu.memory_space<vmem_shared>>) target_semaphore(%run_scoped3A : memref<!tpu.dma_semaphore, #tpu.memory_space<semaphore_mem>>)
      %dma_wait3A = arith.constant 0 : i32
      %dma_wait3A_14 = tpu.memref_slice %arg8[%mul3A_2, %dma_wait3A] : memref<12672x128xf32, #tpu.memory_space<vmem_shared>> -> memref<792x128xf32, #tpu.memory_space<vmem_shared>>
      tpu.wait_dma2 semaphore(%run_scoped3A : memref<!tpu.dma_semaphore, #tpu.memory_space<semaphore_mem>>) src(%arg4 : memref<792x128xf32, #tpu.memory_space<hbm>>) dst(%dma_wait3A_14 : memref<792x128xf32, #tpu.memory_space<vmem_shared>>)
      tpu.yield
    }) : () -> ()
    %barrier3A = arith.constant 0 : index
    tpu.barrier barrier_id(%barrier3A)
    %mul3A_3 = arith.constant 25000 : i32
    %mul3A_4 = arith.muli %add3A, %mul3A_3 : i32
    %scan3A = arith.constant 0 : i32
    %scan3A_5 = arith.constant 0 : i32
    %scan3A_6 = arith.constant 125 : i32
    %scan3A_7 = arith.addi %scan3A_5, %scan3A_6 : i32
    %scan3A_8 = arith.constant 1 : i32
    scf.for %scan3A_13 = %scan3A_5 to %scan3A_7 step %scan3A_8  : i32 {
      %mul3A_14 = arith.constant 200 : i32
      %mul3A_15 = arith.muli %scan3A_13, %mul3A_14 : i32
      %add3A_16 = arith.addi %mul3A_4, %mul3A_15 : i32
      "tpu.region"() ({
        %run_scoped3A = tpu.sem_alloc : memref<!tpu.dma_semaphore, #tpu.memory_space<semaphore_mem>>
        %dma_start3A = tpu.memref_slice %arg3[%add3A_16] : memref<800000xi32, #tpu.memory_space<hbm>> -> memref<200xi32, #tpu.memory_space<hbm>>
        %dma_start3A_17 = tpu.memref_slice %arg3[%add3A_16] : memref<800000xi32, #tpu.memory_space<hbm>> -> memref<200xi32, #tpu.memory_space<hbm>>
        tpu.enqueue_dma source(%dma_start3A_17 : memref<200xi32, #tpu.memory_space<hbm>>) target(%arg6 : memref<200xi32, #tpu.memory_space<vmem>>) target_semaphore(%run_scoped3A : memref<!tpu.dma_semaphore, #tpu.memory_space<semaphore_mem>>)
        %dma_wait3A = tpu.memref_slice %arg3[%add3A_16] : memref<800000xi32, #tpu.memory_space<hbm>> -> memref<200xi32, #tpu.memory_space<hbm>>
        %dma_wait3A_18 = tpu.memref_slice %arg3[%add3A_16] : memref<800000xi32, #tpu.memory_space<hbm>> -> memref<200xi32, #tpu.memory_space<hbm>>
        tpu.wait_dma2 semaphore(%run_scoped3A : memref<!tpu.dma_semaphore, #tpu.memory_space<semaphore_mem>>) src(%dma_wait3A_18 : memref<200xi32, #tpu.memory_space<hbm>>) dst(%arg6 : memref<200xi32, #tpu.memory_space<vmem>>)
        tpu.yield
      }) : () -> ()
      "tpu.region"() ({
        %run_scoped3A = tpu.sem_alloc : memref<!tpu.dma_semaphore, #tpu.memory_space<semaphore_mem>>
        %dma_start3A = arith.constant 0 : i32
        %dma_start3A_17 = tpu.memref_slice %arg2[%add3A_16, %dma_start3A] : memref<800000x128xf32, #tpu.memory_space<hbm>> -> memref<200x128xf32, #tpu.memory_space<hbm>>
        %dma_start3A_18 = arith.constant 0 : i32
        %dma_start3A_19 = tpu.memref_slice %arg2[%add3A_16, %dma_start3A_18] : memref<800000x128xf32, #tpu.memory_space<hbm>> -> memref<200x128xf32, #tpu.memory_space<hbm>>
        tpu.enqueue_dma source(%dma_start3A_19 : memref<200x128xf32, #tpu.memory_space<hbm>>) target(%arg7 : memref<200x128xf32, #tpu.memory_space<vmem>>) target_semaphore(%run_scoped3A : memref<!tpu.dma_semaphore, #tpu.memory_space<semaphore_mem>>)
        %dma_wait3A = arith.constant 0 : i32
        %dma_wait3A_20 = tpu.memref_slice %arg2[%add3A_16, %dma_wait3A] : memref<800000x128xf32, #tpu.memory_space<hbm>> -> memref<200x128xf32, #tpu.memory_space<hbm>>
        %dma_wait3A_21 = arith.constant 0 : i32
        %dma_wait3A_22 = tpu.memref_slice %arg2[%add3A_16, %dma_wait3A_21] : memref<800000x128xf32, #tpu.memory_space<hbm>> -> memref<200x128xf32, #tpu.memory_space<hbm>>
        tpu.wait_dma2 semaphore(%run_scoped3A : memref<!tpu.dma_semaphore, #tpu.memory_space<semaphore_mem>>) src(%dma_wait3A_22 : memref<200x128xf32, #tpu.memory_space<hbm>>) dst(%arg7 : memref<200x128xf32, #tpu.memory_space<vmem>>)
        tpu.yield
      }) : () -> ()
      "tpu.region"() ({
        %run_scoped3A = tpu.sem_alloc : memref<!tpu.dma_semaphore, #tpu.memory_space<semaphore_mem>>
        %dma_start3A = arith.constant 0 : i32
        %dma_start3A_17 = arith.constant 0 : i32
        %dma_start3A_18 = tpu.memref_slice %arg8[%dma_start3A, %dma_start3A_17] : memref<12672x128xf32, #tpu.memory_space<vmem_shared>> -> memref<12672x128xf32, #tpu.memory_space<vmem_shared>>
        tpu.enqueue_indirect_dma source(%arg7 : memref<200x128xf32, #tpu.memory_space<vmem>>) target(%dma_start3A_18 : memref<12672x128xf32, #tpu.memory_space<vmem_shared>>) offsets(%arg6 : memref<200xi32, #tpu.memory_space<vmem>>) semaphore(%run_scoped3A : memref<!tpu.dma_semaphore, #tpu.memory_space<semaphore_mem>>) {add = true}
        %dma_wait3A = arith.constant 0 : i32
        %dma_wait3A_19 = arith.constant 0 : i32
        %dma_wait3A_20 = tpu.memref_slice %arg8[%dma_wait3A, %dma_wait3A_19] : memref<12672x128xf32, #tpu.memory_space<vmem_shared>> -> memref<12672x128xf32, #tpu.memory_space<vmem_shared>>
        tpu.wait_indirect_dma semaphore(%run_scoped3A : memref<!tpu.dma_semaphore, #tpu.memory_space<semaphore_mem>>) src(%arg7 : memref<200x128xf32, #tpu.memory_space<vmem>>) dst(%dma_wait3A_20 : memref<12672x128xf32, #tpu.memory_space<vmem_shared>>)
        tpu.yield
      }) : () -> ()
    }
    %scan3A_9 = arith.constant 125 : i32
    %barrier3A_10 = arith.constant 0 : index
    tpu.barrier barrier_id(%barrier3A_10)
    %mul3A_11 = arith.constant 792 : i32
    %mul3A_12 = arith.muli %arg1, %mul3A_11 : i32
    "tpu.region"() ({
      %run_scoped3A = tpu.sem_alloc : memref<!tpu.dma_semaphore, #tpu.memory_space<semaphore_mem>>
      %dma_start3A = arith.constant 0 : i32
      %dma_start3A_13 = tpu.memref_slice %arg5[%arg0, %mul3A_12, %dma_start3A] : memref<2x12672x128xf32, #tpu.memory_space<hbm>> -> memref<1x792x128xf32, #tpu.memory_space<hbm>>
      %dma_start3A_14 = tpu.memref_squeeze %dma_start3A_13 : memref<1x792x128xf32, #tpu.memory_space<hbm>> -> memref<792x128xf32, #tpu.memory_space<hbm>>
      %dma_start3A_15 = arith.constant 0 : i32
      %dma_start3A_16 = tpu.memref_slice %arg8[%mul3A_12, %dma_start3A_15] : memref<12672x128xf32, #tpu.memory_space<vmem_shared>> -> memref<792x128xf32, #tpu.memory_space<vmem_shared>>
      tpu.enqueue_dma source(%dma_start3A_16 : memref<792x128xf32, #tpu.memory_space<vmem_shared>>) target(%dma_start3A_14 : memref<792x128xf32, #tpu.memory_space<hbm>>) target_semaphore(%run_scoped3A : memref<!tpu.dma_semaphore, #tpu.memory_space<semaphore_mem>>)
      %dma_wait3A = arith.constant 0 : i32
      %dma_wait3A_17 = tpu.memref_slice %arg5[%arg0, %mul3A_12, %dma_wait3A] : memref<2x12672x128xf32, #tpu.memory_space<hbm>> -> memref<1x792x128xf32, #tpu.memory_space<hbm>>
      %dma_wait3A_18 = tpu.memref_squeeze %dma_wait3A_17 : memref<1x792x128xf32, #tpu.memory_space<hbm>> -> memref<792x128xf32, #tpu.memory_space<hbm>>
      %dma_wait3A_19 = arith.constant 0 : i32
      %dma_wait3A_20 = tpu.memref_slice %arg8[%mul3A_12, %dma_wait3A_19] : memref<12672x128xf32, #tpu.memory_space<vmem_shared>> -> memref<792x128xf32, #tpu.memory_space<vmem_shared>>
      tpu.wait_dma2 semaphore(%run_scoped3A : memref<!tpu.dma_semaphore, #tpu.memory_space<semaphore_mem>>) src(%dma_wait3A_20 : memref<792x128xf32, #tpu.memory_space<vmem_shared>>) dst(%dma_wait3A_18 : memref<792x128xf32, #tpu.memory_space<hbm>>)
      tpu.yield
    }) : () -> ()
    return
  }
}

#map = affine_map<(d0, d1) -> (0, 0)>
#map1 = affine_map<(d0, d1) -> (0)>
#map2 = affine_map<(d0, d1) -> (0, 0, 0)>
module attributes {stable_mosaic.version = 14 : i64} {
  func.func @k(%arg0: i32, %arg1: i32, %arg2: memref<800000x128xf32, #tpu.memory_space<hbm>>, %arg3: memref<800000xi32, #tpu.memory_space<hbm>>, %arg4: memref<792x128xf32, #tpu.memory_space<hbm>>, %arg5: memref<2x12672x128xf32, #tpu.memory_space<hbm>>, %arg6: memref<200xi32, #tpu.memory_space<vmem>>, %arg7: memref<200x128xf32, #tpu.memory_space<vmem>>, %arg8: memref<12672x128xf32, #tpu.memory_space<vmem_shared>>) attributes {dimension_semantics = [#tpu.dimension_semantics<core_parallel>, #tpu.dimension_semantics<subcore_parallel>], iteration_bounds = array<i64: 2, 16>, scalar_prefetch = 0 : i64, scratch_operands = 3 : i64, tpu.core_type = #tpu.core_type<sc_vector_subcore>, window_params = [{transform_indices = #map}, {transform_indices = #map1}, {transform_indices = #map}, {transform_indices = #map2}]} {
    %mul3A = arith.constant 2 : i32
    %mul3A_0 = arith.muli %arg1, %mul3A : i32
    %add3A = arith.addi %mul3A_0, %arg0 : i32
    %mul3A_1 = arith.constant 792 : i32
    %mul3A_2 = arith.muli %arg1, %mul3A_1 : i32
    "tpu.region"() ({
      %run_scoped3A = tpu.sem_alloc : memref<!tpu.dma_semaphore, #tpu.memory_space<semaphore_mem>>
      %dma_start3A = arith.constant 0 : i32
      %dma_start3A_13 = tpu.memref_slice %arg8[%mul3A_2, %dma_start3A] : memref<12672x128xf32, #tpu.memory_space<vmem_shared>> -> memref<792x128xf32, #tpu.memory_space<vmem_shared>>
      tpu.enqueue_dma source(%arg4 : memref<792x128xf32, #tpu.memory_space<hbm>>) target(%dma_start3A_13 : memref<792x128xf32, #tpu.memory_space<vmem_shared>>) target_semaphore(%run_scoped3A : memref<!tpu.dma_semaphore, #tpu.memory_space<semaphore_mem>>)
      %dma_wait3A = arith.constant 0 : i32
      %dma_wait3A_14 = tpu.memref_slice %arg8[%mul3A_2, %dma_wait3A] : memref<12672x128xf32, #tpu.memory_space<vmem_shared>> -> memref<792x128xf32, #tpu.memory_space<vmem_shared>>
      tpu.wait_dma2 semaphore(%run_scoped3A : memref<!tpu.dma_semaphore, #tpu.memory_space<semaphore_mem>>) src(%arg4 : memref<792x128xf32, #tpu.memory_space<hbm>>) dst(%dma_wait3A_14 : memref<792x128xf32, #tpu.memory_space<vmem_shared>>)
      tpu.yield
    }) : () -> ()
    %barrier3A = arith.constant 0 : index
    tpu.barrier barrier_id(%barrier3A)
    %mul3A_3 = arith.constant 25000 : i32
    %mul3A_4 = arith.muli %add3A, %mul3A_3 : i32
    %scan3A = arith.constant 0 : i32
    %scan3A_5 = arith.constant 0 : i32
    %scan3A_6 = arith.constant 125 : i32
    %scan3A_7 = arith.addi %scan3A_5, %scan3A_6 : i32
    %scan3A_8 = arith.constant 1 : i32
    scf.for %scan3A_13 = %scan3A_5 to %scan3A_7 step %scan3A_8  : i32 {
      %mul3A_14 = arith.constant 200 : i32
      %mul3A_15 = arith.muli %scan3A_13, %mul3A_14 : i32
      %add3A_16 = arith.addi %mul3A_4, %mul3A_15 : i32
      "tpu.region"() ({
        %run_scoped3A = tpu.sem_alloc : memref<!tpu.dma_semaphore, #tpu.memory_space<semaphore_mem>>
        %dma_start3A = tpu.memref_slice %arg3[%add3A_16] : memref<800000xi32, #tpu.memory_space<hbm>> -> memref<200xi32, #tpu.memory_space<hbm>>
        %dma_start3A_17 = tpu.memref_slice %arg3[%add3A_16] : memref<800000xi32, #tpu.memory_space<hbm>> -> memref<200xi32, #tpu.memory_space<hbm>>
        tpu.enqueue_dma source(%dma_start3A_17 : memref<200xi32, #tpu.memory_space<hbm>>) target(%arg6 : memref<200xi32, #tpu.memory_space<vmem>>) target_semaphore(%run_scoped3A : memref<!tpu.dma_semaphore, #tpu.memory_space<semaphore_mem>>)
        %dma_wait3A = tpu.memref_slice %arg3[%add3A_16] : memref<800000xi32, #tpu.memory_space<hbm>> -> memref<200xi32, #tpu.memory_space<hbm>>
        %dma_wait3A_18 = tpu.memref_slice %arg3[%add3A_16] : memref<800000xi32, #tpu.memory_space<hbm>> -> memref<200xi32, #tpu.memory_space<hbm>>
        tpu.wait_dma2 semaphore(%run_scoped3A : memref<!tpu.dma_semaphore, #tpu.memory_space<semaphore_mem>>) src(%dma_wait3A_18 : memref<200xi32, #tpu.memory_space<hbm>>) dst(%arg6 : memref<200xi32, #tpu.memory_space<vmem>>)
        tpu.yield
      }) : () -> ()
      "tpu.region"() ({
        %run_scoped3A = tpu.sem_alloc : memref<!tpu.dma_semaphore, #tpu.memory_space<semaphore_mem>>
        %dma_start3A = arith.constant 0 : i32
        %dma_start3A_17 = tpu.memref_slice %arg2[%add3A_16, %dma_start3A] : memref<800000x128xf32, #tpu.memory_space<hbm>> -> memref<200x128xf32, #tpu.memory_space<hbm>>
        %dma_start3A_18 = arith.constant 0 : i32
        %dma_start3A_19 = tpu.memref_slice %arg2[%add3A_16, %dma_start3A_18] : memref<800000x128xf32, #tpu.memory_space<hbm>> -> memref<200x128xf32, #tpu.memory_space<hbm>>
        tpu.enqueue_dma source(%dma_start3A_19 : memref<200x128xf32, #tpu.memory_space<hbm>>) target(%arg7 : memref<200x128xf32, #tpu.memory_space<vmem>>) target_semaphore(%run_scoped3A : memref<!tpu.dma_semaphore, #tpu.memory_space<semaphore_mem>>)
        %dma_wait3A = arith.constant 0 : i32
        %dma_wait3A_20 = tpu.memref_slice %arg2[%add3A_16, %dma_wait3A] : memref<800000x128xf32, #tpu.memory_space<hbm>> -> memref<200x128xf32, #tpu.memory_space<hbm>>
        %dma_wait3A_21 = arith.constant 0 : i32
        %dma_wait3A_22 = tpu.memref_slice %arg2[%add3A_16, %dma_wait3A_21] : memref<800000x128xf32, #tpu.memory_space<hbm>> -> memref<200x128xf32, #tpu.memory_space<hbm>>
        tpu.wait_dma2 semaphore(%run_scoped3A : memref<!tpu.dma_semaphore, #tpu.memory_space<semaphore_mem>>) src(%dma_wait3A_22 : memref<200x128xf32, #tpu.memory_space<hbm>>) dst(%arg7 : memref<200x128xf32, #tpu.memory_space<vmem>>)
        tpu.yield
      }) : () -> ()
      "tpu.region"() ({
        %run_scoped3A = tpu.sem_alloc : memref<!tpu.dma_semaphore, #tpu.memory_space<semaphore_mem>>
        %dma_start3A = arith.constant 0 : i32
        %dma_start3A_17 = arith.constant 0 : i32
        %dma_start3A_18 = tpu.memref_slice %arg8[%dma_start3A, %dma_start3A_17] : memref<12672x128xf32, #tpu.memory_space<vmem_shared>> -> memref<12672x128xf32, #tpu.memory_space<vmem_shared>>
        tpu.enqueue_indirect_dma source(%arg7 : memref<200x128xf32, #tpu.memory_space<vmem>>) target(%dma_start3A_18 : memref<12672x128xf32, #tpu.memory_space<vmem_shared>>) offsets(%arg6 : memref<200xi32, #tpu.memory_space<vmem>>) semaphore(%run_scoped3A : memref<!tpu.dma_semaphore, #tpu.memory_space<semaphore_mem>>) {add = true}
        %dma_wait3A = arith.constant 0 : i32
        %dma_wait3A_19 = arith.constant 0 : i32
        %dma_wait3A_20 = tpu.memref_slice %arg8[%dma_wait3A, %dma_wait3A_19] : memref<12672x128xf32, #tpu.memory_space<vmem_shared>> -> memref<12672x128xf32, #tpu.memory_space<vmem_shared>>
        tpu.wait_indirect_dma semaphore(%run_scoped3A : memref<!tpu.dma_semaphore, #tpu.memory_space<semaphore_mem>>) src(%arg7 : memref<200x128xf32, #tpu.memory_space<vmem>>) dst(%dma_wait3A_20 : memref<12672x128xf32, #tpu.memory_space<vmem_shared>>)
        tpu.yield
      }) : () -> ()
    }
    %scan3A_9 = arith.constant 125 : i32
    %barrier3A_10 = arith.constant 0 : index
    tpu.barrier barrier_id(%barrier3A_10)
    %mul3A_11 = arith.constant 792 : i32
    %mul3A_12 = arith.muli %arg1, %mul3A_11 : i32
    "tpu.region"() ({
      %run_scoped3A = tpu.sem_alloc : memref<!tpu.dma_semaphore, #tpu.memory_space<semaphore_mem>>
      %dma_start3A = arith.constant 0 : i32
      %dma_start3A_13 = tpu.memref_slice %arg5[%arg0, %mul3A_12, %dma_start3A] : memref<2x12672x128xf32, #tpu.memory_space<hbm>> -> memref<1x792x128xf32, #tpu.memory_space<hbm>>
      %dma_start3A_14 = tpu.memref_squeeze %dma_start3A_13 : memref<1x792x128xf32, #tpu.memory_space<hbm>> -> memref<792x128xf32, #tpu.memory_space<hbm>>
      %dma_start3A_15 = arith.constant 0 : i32
      %dma_start3A_16 = tpu.memref_slice %arg8[%mul3A_12, %dma_start3A_15] : memref<12672x128xf32, #tpu.memory_space<vmem_shared>> -> memref<792x128xf32, #tpu.memory_space<vmem_shared>>
      tpu.enqueue_dma source(%dma_start3A_16 : memref<792x128xf32, #tpu.memory_space<vmem_shared>>) target(%dma_start3A_14 : memref<792x128xf32, #tpu.memory_space<hbm>>) target_semaphore(%run_scoped3A : memref<!tpu.dma_semaphore, #tpu.memory_space<semaphore_mem>>)
      %dma_wait3A = arith.constant 0 : i32
      %dma_wait3A_17 = tpu.memref_slice %arg5[%arg0, %mul3A_12, %dma_wait3A] : memref<2x12672x128xf32, #tpu.memory_space<hbm>> -> memref<1x792x128xf32, #tpu.memory_space<hbm>>
      %dma_wait3A_18 = tpu.memref_squeeze %dma_wait3A_17 : memref<1x792x128xf32, #tpu.memory_space<hbm>> -> memref<792x128xf32, #tpu.memory_space<hbm>>
      %dma_wait3A_19 = arith.constant 0 : i32
      %dma_wait3A_20 = tpu.memref_slice %arg8[%mul3A_12, %dma_wait3A_19] : memref<12672x128xf32, #tpu.memory_space<vmem_shared>> -> memref<792x128xf32, #tpu.memory_space<vmem_shared>>
      tpu.wait_dma2 semaphore(%run_scoped3A : memref<!tpu.dma_semaphore, #tpu.memory_space<semaphore_mem>>) src(%dma_wait3A_20 : memref<792x128xf32, #tpu.memory_space<vmem_shared>>) dst(%dma_wait3A_18 : memref<792x128xf32, #tpu.memory_space<hbm>>)
      tpu.yield
    }) : () -> ()
    return
  }
}

#map = affine_map<(d0, d1) -> (0, 0)>
#map1 = affine_map<(d0, d1) -> (0)>
#map2 = affine_map<(d0, d1) -> (0, 0, 0)>
module attributes {stable_mosaic.version = 14 : i64} {
  func.func @k(%arg0: i32, %arg1: i32, %arg2: memref<800000x128xf32, #tpu.memory_space<hbm>>, %arg3: memref<800000xi32, #tpu.memory_space<hbm>>, %arg4: memref<792x128xf32, #tpu.memory_space<hbm>>, %arg5: memref<2x12672x128xf32, #tpu.memory_space<hbm>>, %arg6: memref<200xi32, #tpu.memory_space<vmem>>, %arg7: memref<200x128xf32, #tpu.memory_space<vmem>>, %arg8: memref<12672x128xf32, #tpu.memory_space<vmem_shared>>) attributes {dimension_semantics = [#tpu.dimension_semantics<core_parallel>, #tpu.dimension_semantics<subcore_parallel>], iteration_bounds = array<i64: 2, 16>, scalar_prefetch = 0 : i64, scratch_operands = 3 : i64, tpu.core_type = #tpu.core_type<sc_vector_subcore>, window_params = [{transform_indices = #map}, {transform_indices = #map1}, {transform_indices = #map}, {transform_indices = #map2}]} {
    %mul3A = arith.constant 2 : i32
    %mul3A_0 = arith.muli %arg1, %mul3A : i32
    %add3A = arith.addi %mul3A_0, %arg0 : i32
    %mul3A_1 = arith.constant 792 : i32
    %mul3A_2 = arith.muli %arg1, %mul3A_1 : i32
    "tpu.region"() ({
      %run_scoped3A = tpu.sem_alloc : memref<!tpu.dma_semaphore, #tpu.memory_space<semaphore_mem>>
      %dma_start3A = arith.constant 0 : i32
      %dma_start3A_13 = tpu.memref_slice %arg8[%mul3A_2, %dma_start3A] : memref<12672x128xf32, #tpu.memory_space<vmem_shared>> -> memref<792x128xf32, #tpu.memory_space<vmem_shared>>
      tpu.enqueue_dma source(%arg4 : memref<792x128xf32, #tpu.memory_space<hbm>>) target(%dma_start3A_13 : memref<792x128xf32, #tpu.memory_space<vmem_shared>>) target_semaphore(%run_scoped3A : memref<!tpu.dma_semaphore, #tpu.memory_space<semaphore_mem>>)
      %dma_wait3A = arith.constant 0 : i32
      %dma_wait3A_14 = tpu.memref_slice %arg8[%mul3A_2, %dma_wait3A] : memref<12672x128xf32, #tpu.memory_space<vmem_shared>> -> memref<792x128xf32, #tpu.memory_space<vmem_shared>>
      tpu.wait_dma2 semaphore(%run_scoped3A : memref<!tpu.dma_semaphore, #tpu.memory_space<semaphore_mem>>) src(%arg4 : memref<792x128xf32, #tpu.memory_space<hbm>>) dst(%dma_wait3A_14 : memref<792x128xf32, #tpu.memory_space<vmem_shared>>)
      tpu.yield
    }) : () -> ()
    %barrier3A = arith.constant 0 : index
    tpu.barrier barrier_id(%barrier3A)
    %mul3A_3 = arith.constant 25000 : i32
    %mul3A_4 = arith.muli %add3A, %mul3A_3 : i32
    %scan3A = arith.constant 0 : i32
    %scan3A_5 = arith.constant 0 : i32
    %scan3A_6 = arith.constant 125 : i32
    %scan3A_7 = arith.addi %scan3A_5, %scan3A_6 : i32
    %scan3A_8 = arith.constant 1 : i32
    scf.for %scan3A_13 = %scan3A_5 to %scan3A_7 step %scan3A_8  : i32 {
      %mul3A_14 = arith.constant 200 : i32
      %mul3A_15 = arith.muli %scan3A_13, %mul3A_14 : i32
      %add3A_16 = arith.addi %mul3A_4, %mul3A_15 : i32
      "tpu.region"() ({
        %run_scoped3A = tpu.sem_alloc : memref<!tpu.dma_semaphore, #tpu.memory_space<semaphore_mem>>
        %dma_start3A = tpu.memref_slice %arg3[%add3A_16] : memref<800000xi32, #tpu.memory_space<hbm>> -> memref<200xi32, #tpu.memory_space<hbm>>
        %dma_start3A_17 = tpu.memref_slice %arg3[%add3A_16] : memref<800000xi32, #tpu.memory_space<hbm>> -> memref<200xi32, #tpu.memory_space<hbm>>
        tpu.enqueue_dma source(%dma_start3A_17 : memref<200xi32, #tpu.memory_space<hbm>>) target(%arg6 : memref<200xi32, #tpu.memory_space<vmem>>) target_semaphore(%run_scoped3A : memref<!tpu.dma_semaphore, #tpu.memory_space<semaphore_mem>>)
        %dma_wait3A = tpu.memref_slice %arg3[%add3A_16] : memref<800000xi32, #tpu.memory_space<hbm>> -> memref<200xi32, #tpu.memory_space<hbm>>
        %dma_wait3A_18 = tpu.memref_slice %arg3[%add3A_16] : memref<800000xi32, #tpu.memory_space<hbm>> -> memref<200xi32, #tpu.memory_space<hbm>>
        tpu.wait_dma2 semaphore(%run_scoped3A : memref<!tpu.dma_semaphore, #tpu.memory_space<semaphore_mem>>) src(%dma_wait3A_18 : memref<200xi32, #tpu.memory_space<hbm>>) dst(%arg6 : memref<200xi32, #tpu.memory_space<vmem>>)
        tpu.yield
      }) : () -> ()
      "tpu.region"() ({
        %run_scoped3A = tpu.sem_alloc : memref<!tpu.dma_semaphore, #tpu.memory_space<semaphore_mem>>
        %dma_start3A = arith.constant 0 : i32
        %dma_start3A_17 = tpu.memref_slice %arg2[%add3A_16, %dma_start3A] : memref<800000x128xf32, #tpu.memory_space<hbm>> -> memref<200x128xf32, #tpu.memory_space<hbm>>
        %dma_start3A_18 = arith.constant 0 : i32
        %dma_start3A_19 = tpu.memref_slice %arg2[%add3A_16, %dma_start3A_18] : memref<800000x128xf32, #tpu.memory_space<hbm>> -> memref<200x128xf32, #tpu.memory_space<hbm>>
        tpu.enqueue_dma source(%dma_start3A_19 : memref<200x128xf32, #tpu.memory_space<hbm>>) target(%arg7 : memref<200x128xf32, #tpu.memory_space<vmem>>) target_semaphore(%run_scoped3A : memref<!tpu.dma_semaphore, #tpu.memory_space<semaphore_mem>>)
        %dma_wait3A = arith.constant 0 : i32
        %dma_wait3A_20 = tpu.memref_slice %arg2[%add3A_16, %dma_wait3A] : memref<800000x128xf32, #tpu.memory_space<hbm>> -> memref<200x128xf32, #tpu.memory_space<hbm>>
        %dma_wait3A_21 = arith.constant 0 : i32
        %dma_wait3A_22 = tpu.memref_slice %arg2[%add3A_16, %dma_wait3A_21] : memref<800000x128xf32, #tpu.memory_space<hbm>> -> memref<200x128xf32, #tpu.memory_space<hbm>>
        tpu.wait_dma2 semaphore(%run_scoped3A : memref<!tpu.dma_semaphore, #tpu.memory_space<semaphore_mem>>) src(%dma_wait3A_22 : memref<200x128xf32, #tpu.memory_space<hbm>>) dst(%arg7 : memref<200x128xf32, #tpu.memory_space<vmem>>)
        tpu.yield
      }) : () -> ()
      "tpu.region"() ({
        %run_scoped3A = tpu.sem_alloc : memref<!tpu.dma_semaphore, #tpu.memory_space<semaphore_mem>>
        %dma_start3A = arith.constant 0 : i32
        %dma_start3A_17 = arith.constant 0 : i32
        %dma_start3A_18 = tpu.memref_slice %arg8[%dma_start3A, %dma_start3A_17] : memref<12672x128xf32, #tpu.memory_space<vmem_shared>> -> memref<12672x128xf32, #tpu.memory_space<vmem_shared>>
        tpu.enqueue_indirect_dma source(%arg7 : memref<200x128xf32, #tpu.memory_space<vmem>>) target(%dma_start3A_18 : memref<12672x128xf32, #tpu.memory_space<vmem_shared>>) offsets(%arg6 : memref<200xi32, #tpu.memory_space<vmem>>) semaphore(%run_scoped3A : memref<!tpu.dma_semaphore, #tpu.memory_space<semaphore_mem>>) {add = true}
        %dma_wait3A = arith.constant 0 : i32
        %dma_wait3A_19 = arith.constant 0 : i32
        %dma_wait3A_20 = tpu.memref_slice %arg8[%dma_wait3A, %dma_wait3A_19] : memref<12672x128xf32, #tpu.memory_space<vmem_shared>> -> memref<12672x128xf32, #tpu.memory_space<vmem_shared>>
        tpu.wait_indirect_dma semaphore(%run_scoped3A : memref<!tpu.dma_semaphore, #tpu.memory_space<semaphore_mem>>) src(%arg7 : memref<200x128xf32, #tpu.memory_space<vmem>>) dst(%dma_wait3A_20 : memref<12672x128xf32, #tpu.memory_space<vmem_shared>>)
        tpu.yield
      }) : () -> ()
    }
    %scan3A_9 = arith.constant 125 : i32
    %barrier3A_10 = arith.constant 0 : index
    tpu.barrier barrier_id(%barrier3A_10)
    %mul3A_11 = arith.constant 792 : i32
    %mul3A_12 = arith.muli %arg1, %mul3A_11 : i32
    "tpu.region"() ({
      %run_scoped3A = tpu.sem_alloc : memref<!tpu.dma_semaphore, #tpu.memory_space<semaphore_mem>>
      %dma_start3A = arith.constant 0 : i32
      %dma_start3A_13 = tpu.memref_slice %arg5[%arg0, %mul3A_12, %dma_start3A] : memref<2x12672x128xf32, #tpu.memory_space<hbm>> -> memref<1x792x128xf32, #tpu.memory_space<hbm>>
      %dma_start3A_14 = tpu.memref_squeeze %dma_start3A_13 : memref<1x792x128xf32, #tpu.memory_space<hbm>> -> memref<792x128xf32, #tpu.memory_space<hbm>>
      %dma_start3A_15 = arith.constant 0 : i32
      %dma_start3A_16 = tpu.memref_slice %arg8[%mul3A_12, %dma_start3A_15] : memref<12672x128xf32, #tpu.memory_space<vmem_shared>> -> memref<792x128xf32, #tpu.memory_space<vmem_shared>>
      tpu.enqueue_dma source(%dma_start3A_16 : memref<792x128xf32, #tpu.memory_space<vmem_shared>>) target(%dma_start3A_14 : memref<792x128xf32, #tpu.memory_space<hbm>>) target_semaphore(%run_scoped3A : memref<!tpu.dma_semaphore, #tpu.memory_space<semaphore_mem>>)
      %dma_wait3A = arith.constant 0 : i32
      %dma_wait3A_17 = tpu.memref_slice %arg5[%arg0, %mul3A_12, %dma_wait3A] : memref<2x12672x128xf32, #tpu.memory_space<hbm>> -> memref<1x792x128xf32, #tpu.memory_space<hbm>>
      %dma_wait3A_18 = tpu.memref_squeeze %dma_wait3A_17 : memref<1x792x128xf32, #tpu.memory_space<hbm>> -> memref<792x128xf32, #tpu.memory_space<hbm>>
      %dma_wait3A_19 = arith.constant 0 : i32
      %dma_wait3A_20 = tpu.memref_slice %arg8[%mul3A_12, %dma_wait3A_19] : memref<12672x128xf32, #tpu.memory_space<vmem_shared>> -> memref<792x128xf32, #tpu.memory_space<vmem_shared>>
      tpu.wait_dma2 semaphore(%run_scoped3A : memref<!tpu.dma_semaphore, #tpu.memory_space<semaphore_mem>>) src(%dma_wait3A_20 : memref<792x128xf32, #tpu.memory_space<vmem_shared>>) dst(%dma_wait3A_18 : memref<792x128xf32, #tpu.memory_space<hbm>>)
      tpu.yield
    }) : () -> ()
    return
  }
}

#map = affine_map<(d0, d1) -> (0, 0)>
#map1 = affine_map<(d0, d1) -> (0)>
module attributes {stable_mosaic.version = 14 : i64} {
  func.func @k(%arg0: i32, %arg1: i32, %arg2: memref<50176x128xf32, #tpu.memory_space<hbm>>, %arg3: memref<16384xi32, #tpu.memory_space<hbm>>, %arg4: memref<16384x128xf32, #tpu.memory_space<hbm>>, %arg5: memref<512xi32, #tpu.memory_space<vmem>>, %arg6: memref<512x128xf32, #tpu.memory_space<vmem>>, %arg7: memref<!tpu.dma_semaphore, #tpu.memory_space<semaphore_mem>>) attributes {dimension_semantics = [#tpu.dimension_semantics<core_parallel>, #tpu.dimension_semantics<subcore_parallel>], iteration_bounds = array<i64: 2, 16>, scalar_prefetch = 0 : i64, scratch_operands = 3 : i64, tpu.core_type = #tpu.core_type<sc_vector_subcore>, window_params = [{transform_indices = #map}, {transform_indices = #map1}, {transform_indices = #map}]} {
    %mul3A = arith.constant 2 : i32
    %mul3A_0 = arith.muli %arg1, %mul3A : i32
    %add3A = arith.addi %mul3A_0, %arg0 : i32
    %mul3A_1 = arith.constant 512 : i32
    %mul3A_2 = arith.muli %add3A, %mul3A_1 : i32
    %add3A_3 = arith.constant 0 : i32
    %add3A_4 = arith.addi %mul3A_2, %add3A_3 : i32
    "tpu.region"() ({
      %run_scoped3A = tpu.sem_alloc : memref<!tpu.dma_semaphore, #tpu.memory_space<semaphore_mem>>
      %dma_start3A_9 = tpu.memref_slice %arg3[%add3A_4] : memref<16384xi32, #tpu.memory_space<hbm>> -> memref<512xi32, #tpu.memory_space<hbm>>
      %dma_start3A_10 = tpu.memref_slice %arg3[%add3A_4] : memref<16384xi32, #tpu.memory_space<hbm>> -> memref<512xi32, #tpu.memory_space<hbm>>
      tpu.enqueue_dma source(%dma_start3A_10 : memref<512xi32, #tpu.memory_space<hbm>>) target(%arg5 : memref<512xi32, #tpu.memory_space<vmem>>) target_semaphore(%run_scoped3A : memref<!tpu.dma_semaphore, #tpu.memory_space<semaphore_mem>>)
      %dma_wait3A_11 = tpu.memref_slice %arg3[%add3A_4] : memref<16384xi32, #tpu.memory_space<hbm>> -> memref<512xi32, #tpu.memory_space<hbm>>
      %dma_wait3A_12 = tpu.memref_slice %arg3[%add3A_4] : memref<16384xi32, #tpu.memory_space<hbm>> -> memref<512xi32, #tpu.memory_space<hbm>>
      tpu.wait_dma2 semaphore(%run_scoped3A : memref<!tpu.dma_semaphore, #tpu.memory_space<semaphore_mem>>) src(%dma_wait3A_12 : memref<512xi32, #tpu.memory_space<hbm>>) dst(%arg5 : memref<512xi32, #tpu.memory_space<vmem>>)
      tpu.yield
    }) : () -> ()
    %dma_start3A = arith.constant 0 : i32
    %dma_start3A_5 = arith.constant 0 : i32
    %dma_start3A_6 = tpu.memref_slice %arg2[%dma_start3A, %dma_start3A_5] : memref<50176x128xf32, #tpu.memory_space<hbm>> -> memref<50176x128xf32, #tpu.memory_space<hbm>>
    tpu.enqueue_indirect_dma source(%dma_start3A_6 : memref<50176x128xf32, #tpu.memory_space<hbm>>) target(%arg6 : memref<512x128xf32, #tpu.memory_space<vmem>>) offsets(%arg5 : memref<512xi32, #tpu.memory_space<vmem>>) semaphore(%arg7 : memref<!tpu.dma_semaphore, #tpu.memory_space<semaphore_mem>>)
    %dma_wait3A = arith.constant 0 : i32
    %dma_wait3A_7 = arith.constant 0 : i32
    %dma_wait3A_8 = tpu.memref_slice %arg2[%dma_wait3A, %dma_wait3A_7] : memref<50176x128xf32, #tpu.memory_space<hbm>> -> memref<50176x128xf32, #tpu.memory_space<hbm>>
    tpu.wait_indirect_dma semaphore(%arg7 : memref<!tpu.dma_semaphore, #tpu.memory_space<semaphore_mem>>) src(%dma_wait3A_8 : memref<50176x128xf32, #tpu.memory_space<hbm>>) dst(%arg6 : memref<512x128xf32, #tpu.memory_space<vmem>>)
    "tpu.region"() ({
      %run_scoped3A = tpu.sem_alloc : memref<!tpu.dma_semaphore, #tpu.memory_space<semaphore_mem>>
      %dma_start3A_9 = arith.constant 0 : i32
      %dma_start3A_10 = tpu.memref_slice %arg4[%add3A_4, %dma_start3A_9] : memref<16384x128xf32, #tpu.memory_space<hbm>> -> memref<512x128xf32, #tpu.memory_space<hbm>>
      %dma_start3A_11 = arith.constant 0 : i32
      %dma_start3A_12 = tpu.memref_slice %arg4[%add3A_4, %dma_start3A_11] : memref<16384x128xf32, #tpu.memory_space<hbm>> -> memref<512x128xf32, #tpu.memory_space<hbm>>
      tpu.enqueue_dma source(%arg6 : memref<512x128xf32, #tpu.memory_space<vmem>>) target(%dma_start3A_12 : memref<512x128xf32, #tpu.memory_space<hbm>>) target_semaphore(%run_scoped3A : memref<!tpu.dma_semaphore, #tpu.memory_space<semaphore_mem>>)
      %dma_wait3A_13 = arith.constant 0 : i32
      %dma_wait3A_14 = tpu.memref_slice %arg4[%add3A_4, %dma_wait3A_13] : memref<16384x128xf32, #tpu.memory_space<hbm>> -> memref<512x128xf32, #tpu.memory_space<hbm>>
      %dma_wait3A_15 = arith.constant 0 : i32
      %dma_wait3A_16 = tpu.memref_slice %arg4[%add3A_4, %dma_wait3A_15] : memref<16384x128xf32, #tpu.memory_space<hbm>> -> memref<512x128xf32, #tpu.memory_space<hbm>>
      tpu.wait_dma2 semaphore(%run_scoped3A : memref<!tpu.dma_semaphore, #tpu.memory_space<semaphore_mem>>) src(%arg6 : memref<512x128xf32, #tpu.memory_space<vmem>>) dst(%dma_wait3A_16 : memref<512x128xf32, #tpu.memory_space<hbm>>)
      tpu.yield
    }) : () -> ()
    return
  }
}

module attributes {stable_mosaic.version = 14 : i64} {
  func.func @body(%arg0: i32, %arg1: memref<2000x128xf32, #tpu.memory_space<vmem>>, %arg2: memref<128x32xf32, #tpu.memory_space<vmem>>, %arg3: memref<1x32xf32, #tpu.memory_space<vmem>>, %arg4: memref<2000x32xf32, #tpu.memory_space<vmem>>) attributes {dimension_semantics = [#tpu.dimension_semantics<arbitrary>], iteration_bounds = array<i64: 25>, scalar_prefetch = 0 : i64, scratch_operands = 0 : i64, tpu.core_type = #tpu.core_type<tc>, window_params = [{transform_indices = @transform_0, window_bounds = array<i64: 2000, 128>}, {pipeline_mode = #tpu.pipeline_mode<synchronous>, transform_indices = @transform_1, window_bounds = array<i64: 128, 32>}, {pipeline_mode = #tpu.pipeline_mode<synchronous>, transform_indices = @transform_2, window_bounds = array<i64: 1, 32>}, {transform_indices = @transform_3, window_bounds = array<i64: 2000, 32>}]} {
    %get3A = arith.constant 0 : index
    %get3A_0 = arith.constant 0 : index
    %get3A_1 = vector.load %arg1[%get3A, %get3A_0] : memref<2000x128xf32, #tpu.memory_space<vmem>>, vector<2000x128xf32>
    %get3A_2 = arith.constant 0 : index
    %get3A_3 = arith.constant 0 : index
    %get3A_4 = vector.load %arg2[%get3A_2, %get3A_3] : memref<128x32xf32, #tpu.memory_space<vmem>>, vector<128x32xf32>
    %dot_general3A = arith.constant dense<0.000000e+00> : vector<2000x32xf32>
    %dot_general3A_5 = tpu.matmul %get3A_1, %get3A_4, %dot_general3A {dimension_numbers = #tpu.dot_dimension_numbers<[1], [0], [0], [1], [0, 0, 1, 1], [], []>, transpose_lhs_hint = false} : vector<2000x128xf32>, vector<128x32xf32>, vector<2000x32xf32> -> vector<2000x32xf32>
    %get3A_6 = arith.constant 0 : index
    %get3A_7 = arith.constant 0 : index
    %get3A_8 = vector.load %arg3[%get3A_6, %get3A_7] : memref<1x32xf32, #tpu.memory_space<vmem>>, vector<1x32xf32>
    %add3A = vector.broadcast %get3A_8 : vector<1x32xf32> to vector<2000x32xf32>
    %add3A_9 = arith.addf %dot_general3A_5, %add3A : vector<2000x32xf32>
    %swap3A = arith.constant 0 : index
    %swap3A_10 = arith.constant 0 : index
    %swap3A_11 = vector.load %arg4[%swap3A, %swap3A_10] : memref<2000x32xf32, #tpu.memory_space<vmem>>, vector<2000x32xf32>
    tpu.vector_store %arg4[%swap3A, %swap3A_10], %add3A_9 {strides = array<i32>} : memref<2000x32xf32, #tpu.memory_space<vmem>>, vector<2000x32xf32>,
    return
  }
  func.func @transform_0(%arg0: i32) -> (i32, i32) {
    %c0_i32 = arith.constant 0 : i32
    %c0_i32_0 = arith.constant 0 : i32
    return %arg0, %c0_i32 : i32, i32
  }
  func.func @transform_1(%arg0: i32) -> (i32, i32) {
    %c0_i32 = arith.constant 0 : i32
    %c0_i32_0 = arith.constant 0 : i32
    %c0_i32_1 = arith.constant 0 : i32
    return %c0_i32, %c0_i32_0 : i32, i32
  }
  func.func @transform_2(%arg0: i32) -> (i32, i32) {
    %c0_i32 = arith.constant 0 : i32
    %c0_i32_0 = arith.constant 0 : i32
    %c0_i32_1 = arith.constant 0 : i32
    return %c0_i32, %c0_i32_0 : i32, i32
  }
  func.func @transform_3(%arg0: i32) -> (i32, i32) {
    %c0_i32 = arith.constant 0 : i32
    %c0_i32_0 = arith.constant 0 : i32
    return %arg0, %c0_i32 : i32, i32
  }
}

module attributes {stable_mosaic.version = 14 : i64} {
  func.func @body(%arg0: i32, %arg1: memref<2000x16xf32, #tpu.memory_space<vmem>>, %arg2: memref<2000x1xf32, #tpu.memory_space<vmem>>, %arg3: memref<16x32xf32, #tpu.memory_space<vmem>>, %arg4: memref<1x32xf32, #tpu.memory_space<vmem>>, %arg5: memref<1x32xf32, #tpu.memory_space<vmem>>, %arg6: memref<2000x32xf32, #tpu.memory_space<vmem>>) attributes {dimension_semantics = [#tpu.dimension_semantics<arbitrary>], iteration_bounds = array<i64: 400>, scalar_prefetch = 0 : i64, scratch_operands = 0 : i64, tpu.core_type = #tpu.core_type<tc>, window_params = [{transform_indices = @transform_0, window_bounds = array<i64: 2000, 16>}, {transform_indices = @transform_1, window_bounds = array<i64: 2000, 1>}, {pipeline_mode = #tpu.pipeline_mode<synchronous>, transform_indices = @transform_2, window_bounds = array<i64: 16, 32>}, {pipeline_mode = #tpu.pipeline_mode<synchronous>, transform_indices = @transform_3, window_bounds = array<i64: 1, 32>}, {pipeline_mode = #tpu.pipeline_mode<synchronous>, transform_indices = @transform_4, window_bounds = array<i64: 1, 32>}, {transform_indices = @transform_5, window_bounds = array<i64: 2000, 32>}]} {
    %get3A = arith.constant 0 : index
    %get3A_0 = arith.constant 0 : index
    %get3A_1 = vector.load %arg1[%get3A, %get3A_0] : memref<2000x16xf32, #tpu.memory_space<vmem>>, vector<2000x16xf32>
    %get3A_2 = arith.constant 0 : index
    %get3A_3 = arith.constant 0 : index
    %get3A_4 = vector.load %arg3[%get3A_2, %get3A_3] : memref<16x32xf32, #tpu.memory_space<vmem>>, vector<16x32xf32>
    %dot_general3A = arith.constant dense<0.000000e+00> : vector<2000x32xf32>
    %dot_general3A_5 = tpu.matmul %get3A_1, %get3A_4, %dot_general3A {dimension_numbers = #tpu.dot_dimension_numbers<[1], [0], [0], [1], [0, 0, 1, 1], [], []>, transpose_lhs_hint = false} : vector<2000x16xf32>, vector<16x32xf32>, vector<2000x32xf32> -> vector<2000x32xf32>
    %get3A_6 = arith.constant 0 : index
    %get3A_7 = arith.constant 0 : index
    %get3A_8 = vector.load %arg2[%get3A_6, %get3A_7] : memref<2000x1xf32, #tpu.memory_space<vmem>>, vector<2000x1xf32>
    %get3A_9 = arith.constant 0 : index
    %get3A_10 = arith.constant 0 : index
    %get3A_11 = vector.load %arg4[%get3A_9, %get3A_10] : memref<1x32xf32, #tpu.memory_space<vmem>>, vector<1x32xf32>
    %mul3A = vector.broadcast %get3A_8 : vector<2000x1xf32> to vector<2000x32xf32>
    %mul3A_12 = vector.broadcast %get3A_11 : vector<1x32xf32> to vector<2000x32xf32>
    %mul3A_13 = arith.mulf %mul3A, %mul3A_12 : vector<2000x32xf32>
    %add3A = arith.addf %dot_general3A_5, %mul3A_13 : vector<2000x32xf32>
    %get3A_14 = arith.constant 0 : index
    %get3A_15 = arith.constant 0 : index
    %get3A_16 = vector.load %arg5[%get3A_14, %get3A_15] : memref<1x32xf32, #tpu.memory_space<vmem>>, vector<1x32xf32>
    %add3A_17 = vector.broadcast %get3A_16 : vector<1x32xf32> to vector<2000x32xf32>
    %add3A_18 = arith.addf %add3A, %add3A_17 : vector<2000x32xf32>
    %swap3A = arith.constant 0 : index
    %swap3A_19 = arith.constant 0 : index
    %swap3A_20 = vector.load %arg6[%swap3A, %swap3A_19] : memref<2000x32xf32, #tpu.memory_space<vmem>>, vector<2000x32xf32>
    tpu.vector_store %arg6[%swap3A, %swap3A_19], %add3A_18 {strides = array<i32>} : memref<2000x32xf32, #tpu.memory_space<vmem>>, vector<2000x32xf32>,
    return
  }
  func.func @transform_0(%arg0: i32) -> (i32, i32) {
    %c0_i32 = arith.constant 0 : i32
    %c0_i32_0 = arith.constant 0 : i32
    return %arg0, %c0_i32 : i32, i32
  }
  func.func @transform_1(%arg0: i32) -> (i32, i32) {
    %c0_i32 = arith.constant 0 : i32
    %c0_i32_0 = arith.constant 0 : i32
    return %arg0, %c0_i32 : i32, i32
  }
  func.func @transform_2(%arg0: i32) -> (i32, i32) {
    %c0_i32 = arith.constant 0 : i32
    %c0_i32_0 = arith.constant 0 : i32
    %c0_i32_1 = arith.constant 0 : i32
    return %c0_i32, %c0_i32_0 : i32, i32
  }
  func.func @transform_3(%arg0: i32) -> (i32, i32) {
    %c0_i32 = arith.constant 0 : i32
    %c0_i32_0 = arith.constant 0 : i32
    %c0_i32_1 = arith.constant 0 : i32
    return %c0_i32, %c0_i32_0 : i32, i32
  }
  func.func @transform_4(%arg0: i32) -> (i32, i32) {
    %c0_i32 = arith.constant 0 : i32
    %c0_i32_0 = arith.constant 0 : i32
    %c0_i32_1 = arith.constant 0 : i32
    return %c0_i32, %c0_i32_0 : i32, i32
  }
  func.func @transform_5(%arg0: i32) -> (i32, i32) {
    %c0_i32 = arith.constant 0 : i32
    %c0_i32_0 = arith.constant 0 : i32
    return %arg0, %c0_i32 : i32, i32
  }
}

module attributes {stable_mosaic.version = 14 : i64} {
  func.func @body(%arg0: i32, %arg1: memref<2000x128xf32, #tpu.memory_space<vmem>>, %arg2: memref<2000x32xf32, #tpu.memory_space<vmem>>, %arg3: memref<32x32xf32, #tpu.memory_space<vmem>>, %arg4: memref<32x32xf32, #tpu.memory_space<vmem>>, %arg5: memref<1x32xf32, #tpu.memory_space<vmem>>, %arg6: memref<1x32xf32, #tpu.memory_space<vmem>>, %arg7: memref<2000x128xf32, #tpu.memory_space<vmem>>) attributes {dimension_semantics = [#tpu.dimension_semantics<arbitrary>], iteration_bounds = array<i64: 400>, scalar_prefetch = 0 : i64, scratch_operands = 0 : i64, tpu.core_type = #tpu.core_type<tc>, window_params = [{transform_indices = @transform_0, window_bounds = array<i64: 2000, 128>}, {transform_indices = @transform_1, window_bounds = array<i64: 2000, 32>}, {pipeline_mode = #tpu.pipeline_mode<synchronous>, transform_indices = @transform_2, window_bounds = array<i64: 32, 32>}, {pipeline_mode = #tpu.pipeline_mode<synchronous>, transform_indices = @transform_3, window_bounds = array<i64: 32, 32>}, {pipeline_mode = #tpu.pipeline_mode<synchronous>, transform_indices = @transform_4, window_bounds = array<i64: 1, 32>}, {pipeline_mode = #tpu.pipeline_mode<synchronous>, transform_indices = @transform_5, window_bounds = array<i64: 1, 32>}, {transform_indices = @transform_6, window_bounds = array<i64: 2000, 128>}]} {
    %get3A = arith.constant 0 : index
    %get3A_0 = arith.constant 0 : index
    %get3A_1 = vector.load %arg1[%get3A, %get3A_0] : memref<2000x128xf32, #tpu.memory_space<vmem>>, vector<2000x32xf32>
    %get3A_2 = arith.constant 0 : index
    %get3A_3 = arith.constant 0 : index
    %get3A_4 = vector.load %arg2[%get3A_2, %get3A_3] : memref<2000x32xf32, #tpu.memory_space<vmem>>, vector<2000x32xf32>
    %get3A_5 = arith.constant 0 : index
    %get3A_6 = arith.constant 0 : index
    %get3A_7 = vector.load %arg3[%get3A_5, %get3A_6] : memref<32x32xf32, #tpu.memory_space<vmem>>, vector<32x32xf32>
    %dot_general3A = arith.constant dense<0.000000e+00> : vector<2000x32xf32>
    %dot_general3A_8 = tpu.matmul %get3A_1, %get3A_7, %dot_general3A {dimension_numbers = #tpu.dot_dimension_numbers<[1], [0], [0], [1], [0, 0, 1, 1], [], []>, transpose_lhs_hint = false} : vector<2000x32xf32>, vector<32x32xf32>, vector<2000x32xf32> -> vector<2000x32xf32>
    %get3A_9 = arith.constant 0 : index
    %get3A_10 = arith.constant 0 : index
    %get3A_11 = vector.load %arg4[%get3A_9, %get3A_10] : memref<32x32xf32, #tpu.memory_space<vmem>>, vector<32x32xf32>
    %dot_general3A_12 = arith.constant dense<0.000000e+00> : vector<2000x32xf32>
    %dot_general3A_13 = tpu.matmul %get3A_4, %get3A_11, %dot_general3A_12 {dimension_numbers = #tpu.dot_dimension_numbers<[1], [0], [0], [1], [0, 0, 1, 1], [], []>, transpose_lhs_hint = false} : vector<2000x32xf32>, vector<32x32xf32>, vector<2000x32xf32> -> vector<2000x32xf32>
    %add3A = arith.addf %dot_general3A_8, %dot_general3A_13 : vector<2000x32xf32>
    %get3A_14 = arith.constant 0 : index
    %get3A_15 = arith.constant 0 : index
    %get3A_16 = vector.load %arg5[%get3A_14, %get3A_15] : memref<1x32xf32, #tpu.memory_space<vmem>>, vector<1x32xf32>
    %add3A_17 = vector.broadcast %get3A_16 : vector<1x32xf32> to vector<2000x32xf32>
    %add3A_18 = arith.addf %add3A, %add3A_17 : vector<2000x32xf32>
    %get3A_19 = arith.constant 0 : index
    %get3A_20 = arith.constant 0 : index
    %get3A_21 = vector.load %arg6[%get3A_19, %get3A_20] : memref<1x32xf32, #tpu.memory_space<vmem>>, vector<1x32xf32>
    %mul3A = vector.broadcast %get3A_21 : vector<1x32xf32> to vector<2000x32xf32>
    %mul3A_22 = arith.mulf %add3A_18, %mul3A : vector<2000x32xf32>
    %reduce_sum3A = arith.constant dense<0.000000e+00> : vector<2000xf32>
    %reduce_sum3A_23 = vector.multi_reduction <add>, %mul3A_22, %reduce_sum3A [1] : vector<2000x32xf32> to vector<2000xf32>
    %broadcast_in_dim3A = vector.shape_cast %reduce_sum3A_23 : vector<2000xf32> to vector<2000x1xf32>
    %ge3A = arith.constant 0.000000e+00 : f32
    %ge3A_24 = vector.broadcast %ge3A : f32 to vector<2000x1xf32>
    %ge3A_25 = arith.cmpf oge, %broadcast_in_dim3A, %ge3A_24 : vector<2000x1xf32>
    %mul3A_26 = arith.constant 2.000000e-01 : f32
    %mul3A_27 = vector.broadcast %mul3A_26 : f32 to vector<2000x1xf32>
    %mul3A_28 = arith.mulf %mul3A_27, %broadcast_in_dim3A : vector<2000x1xf32>
    %select_n3A = arith.select %ge3A_25, %broadcast_in_dim3A, %mul3A_28 : vector<2000x1xi1>, vector<2000x1xf32>
    %exp3A = math.exp %select_n3A : vector<2000x1xf32>
    %mul3A_29 = vector.broadcast %exp3A : vector<2000x1xf32> to vector<2000x32xf32>
    %mul3A_30 = arith.mulf %mul3A_29, %add3A_18 : vector<2000x32xf32>
    %broadcast_in_dim3A_31 = arith.constant 0.000000e+00 : f32
    %broadcast_in_dim3A_32 = vector.broadcast %broadcast_in_dim3A_31 : f32 to vector<2000x95xf32>
    %concatenate3A = tpu.concatenate %mul3A_30, %exp3A, %broadcast_in_dim3A_32 in 1 : vector<2000x32xf32>, vector<2000x1xf32>, vector<2000x95xf32> -> vector<2000x128xf32>
    %swap3A = arith.constant 0 : index
    %swap3A_33 = arith.constant 0 : index
    %swap3A_34 = vector.load %arg7[%swap3A, %swap3A_33] : memref<2000x128xf32, #tpu.memory_space<vmem>>, vector<2000x128xf32>
    tpu.vector_store %arg7[%swap3A, %swap3A_33], %concatenate3A {strides = array<i32>} : memref<2000x128xf32, #tpu.memory_space<vmem>>, vector<2000x128xf32>,
    return
  }
  func.func @transform_0(%arg0: i32) -> (i32, i32) {
    %c0_i32 = arith.constant 0 : i32
    %c0_i32_0 = arith.constant 0 : i32
    return %arg0, %c0_i32 : i32, i32
  }
  func.func @transform_1(%arg0: i32) -> (i32, i32) {
    %c0_i32 = arith.constant 0 : i32
    %c0_i32_0 = arith.constant 0 : i32
    return %arg0, %c0_i32 : i32, i32
  }
  func.func @transform_2(%arg0: i32) -> (i32, i32) {
    %c0_i32 = arith.constant 0 : i32
    %c0_i32_0 = arith.constant 0 : i32
    %c0_i32_1 = arith.constant 0 : i32
    return %c0_i32, %c0_i32_0 : i32, i32
  }
  func.func @transform_3(%arg0: i32) -> (i32, i32) {
    %c0_i32 = arith.constant 0 : i32
    %c0_i32_0 = arith.constant 0 : i32
    %c0_i32_1 = arith.constant 0 : i32
    return %c0_i32, %c0_i32_0 : i32, i32
  }
  func.func @transform_4(%arg0: i32) -> (i32, i32) {
    %c0_i32 = arith.constant 0 : i32
    %c0_i32_0 = arith.constant 0 : i32
    %c0_i32_1 = arith.constant 0 : i32
    return %c0_i32, %c0_i32_0 : i32, i32
  }
  func.func @transform_5(%arg0: i32) -> (i32, i32) {
    %c0_i32 = arith.constant 0 : i32
    %c0_i32_0 = arith.constant 0 : i32
    %c0_i32_1 = arith.constant 0 : i32
    return %c0_i32, %c0_i32_0 : i32, i32
  }
  func.func @transform_6(%arg0: i32) -> (i32, i32) {
    %c0_i32 = arith.constant 0 : i32
    %c0_i32_0 = arith.constant 0 : i32
    return %arg0, %c0_i32 : i32, i32
  }
}

module attributes {stable_mosaic.version = 14 : i64} {
  func.func @body(%arg0: i32, %arg1: i32, %arg2: memref<1x2x784x128xf32, #tpu.memory_space<vmem>>, %arg3: memref<784x128xf32, #tpu.memory_space<vmem>>) attributes {dimension_semantics = [#tpu.dimension_semantics<arbitrary>, #tpu.dimension_semantics<arbitrary>], iteration_bounds = array<i64: 4, 16>, scalar_prefetch = 0 : i64, scratch_operands = 0 : i64, tpu.core_type = #tpu.core_type<tc>, window_params = [{transform_indices = @transform_0, window_bounds = array<i64: 1, 2, 784, 128>}, {transform_indices = @transform_1, window_bounds = array<i64: 784, 128>}]} {
    %get3A = arith.constant 0 : index
    %get3A_0 = arith.constant 0 : index
    %get3A_1 = arith.constant 0 : index
    %get3A_2 = arith.constant 0 : index
    %get3A_3 = vector.load %arg2[%get3A, %get3A_0, %get3A_1, %get3A_2] : memref<1x2x784x128xf32, #tpu.memory_space<vmem>>, vector<1x2x784x128xf32>
    %get3A_4 = vector.shape_cast %get3A_3 : vector<1x2x784x128xf32> to vector<2x784x128xf32>
    %slice3A = vector.extract_strided_slice %get3A_4 {offsets = [0, 0, 0], sizes = [1, 784, 32], strides = [1, 1, 1]} : vector<2x784x128xf32> to vector<1x784x32xf32>
    %squeeze3A = vector.shape_cast %slice3A : vector<1x784x32xf32> to vector<784x32xf32>
    %slice3A_5 = vector.extract_strided_slice %get3A_4 {offsets = [1, 0, 0], sizes = [1, 784, 32], strides = [1, 1, 1]} : vector<2x784x128xf32> to vector<1x784x32xf32>
    %squeeze3A_6 = vector.shape_cast %slice3A_5 : vector<1x784x32xf32> to vector<784x32xf32>
    %add3A = arith.addf %squeeze3A, %squeeze3A_6 : vector<784x32xf32>
    %slice3A_7 = vector.extract_strided_slice %get3A_4 {offsets = [0, 0, 32], sizes = [1, 784, 1], strides = [1, 1, 1]} : vector<2x784x128xf32> to vector<1x784x1xf32>
    %squeeze3A_8 = vector.shape_cast %slice3A_7 : vector<1x784x1xf32> to vector<784x1xf32>
    %slice3A_9 = vector.extract_strided_slice %get3A_4 {offsets = [1, 0, 32], sizes = [1, 784, 1], strides = [1, 1, 1]} : vector<2x784x128xf32> to vector<1x784x1xf32>
    %squeeze3A_10 = vector.shape_cast %slice3A_9 : vector<1x784x1xf32> to vector<784x1xf32>
    %add3A_11 = arith.addf %squeeze3A_8, %squeeze3A_10 : vector<784x1xf32>
    %add3A_12 = arith.constant 9.99999971E-10 : f32
    %add3A_13 = vector.broadcast %add3A_12 : f32 to vector<784x1xf32>
    %add3A_14 = arith.addf %add3A_11, %add3A_13 : vector<784x1xf32>
    %div3A = vector.broadcast %add3A_14 : vector<784x1xf32> to vector<784x32xf32>
    %div3A_15 = arith.divf %add3A, %div3A : vector<784x32xf32>
    %gt3A = arith.constant 0.000000e+00 : f32
    %gt3A_16 = vector.broadcast %gt3A : f32 to vector<784x32xf32>
    %gt3A_17 = arith.cmpf ogt, %div3A_15, %gt3A_16 : vector<784x32xf32>
    %exp3A = math.exp %div3A_15 : vector<784x32xf32>
    %sub3A = arith.constant 1.000000e+00 : f32
    %sub3A_18 = vector.broadcast %sub3A : f32 to vector<784x32xf32>
    %sub3A_19 = arith.subf %exp3A, %sub3A_18 : vector<784x32xf32>
    %select_n3A = arith.select %gt3A_17, %div3A_15, %sub3A_19 : vector<784x32xi1>, vector<784x32xf32>
    %broadcast_in_dim3A = arith.constant 0.000000e+00 : f32
    %broadcast_in_dim3A_20 = vector.broadcast %broadcast_in_dim3A : f32 to vector<784x96xf32>
    %concatenate3A = tpu.concatenate %select_n3A, %broadcast_in_dim3A_20 in 1 : vector<784x32xf32>, vector<784x96xf32> -> vector<784x128xf32>
    %swap3A = arith.constant 0 : index
    %swap3A_21 = arith.constant 0 : index
    %swap3A_22 = vector.load %arg3[%swap3A, %swap3A_21] : memref<784x128xf32, #tpu.memory_space<vmem>>, vector<784x128xf32>
    tpu.vector_store %arg3[%swap3A, %swap3A_21], %concatenate3A {strides = array<i32>} : memref<784x128xf32, #tpu.memory_space<vmem>>, vector<784x128xf32>,
    return
  }
  func.func @transform_0(%arg0: i32, %arg1: i32) -> (i32, i32, i32, i32) {
    %c0_i32 = arith.constant 0 : i32
    %c0_i32_0 = arith.constant 0 : i32
    %c0_i32_1 = arith.constant 0 : i32
    return %arg0, %c0_i32, %arg1, %c0_i32_0 : i32, i32, i32, i32
  }
  func.func @transform_1(%arg0: i32, %arg1: i32) -> (i32, i32) {
    %mul3A = arith.constant 16 : i32
    %mul3A_0 = arith.muli %arg0, %mul3A : i32
    %add3A = arith.addi %mul3A_0, %arg1 : i32
    %c0_i32 = arith.constant 0 : i32
    %c0_i32_1 = arith.constant 0 : i32
    return %add3A, %c0_i32 : i32, i32
  }
}

module attributes {stable_mosaic.version = 14 : i64} {
  func.func @body(%arg0: i32, %arg1: memref<2000x128xf32, #tpu.memory_space<vmem>>, %arg2: memref<2000x128xf32, #tpu.memory_space<vmem>>, %arg3: memref<2000x128xf32, #tpu.memory_space<vmem>>, %arg4: memref<2000x32xf32, #tpu.memory_space<vmem>>, %arg5: memref<32x32xf32, #tpu.memory_space<vmem>>, %arg6: memref<32x32xf32, #tpu.memory_space<vmem>>, %arg7: memref<32x32xf32, #tpu.memory_space<vmem>>, %arg8: memref<32x32xf32, #tpu.memory_space<vmem>>, %arg9: memref<1x32xf32, #tpu.memory_space<vmem>>, %arg10: memref<1x32xf32, #tpu.memory_space<vmem>>, %arg11: memref<2000x128xf32, #tpu.memory_space<vmem>>) attributes {dimension_semantics = [#tpu.dimension_semantics<arbitrary>], iteration_bounds = array<i64: 400>, scalar_prefetch = 0 : i64, scratch_operands = 0 : i64, tpu.core_type = #tpu.core_type<tc>, window_params = [{transform_indices = @transform_0, window_bounds = array<i64: 2000, 128>}, {transform_indices = @transform_1, window_bounds = array<i64: 2000, 128>}, {transform_indices = @transform_2, window_bounds = array<i64: 2000, 128>}, {transform_indices = @transform_3, window_bounds = array<i64: 2000, 32>}, {pipeline_mode = #tpu.pipeline_mode<synchronous>, transform_indices = @transform_4, window_bounds = array<i64: 32, 32>}, {pipeline_mode = #tpu.pipeline_mode<synchronous>, transform_indices = @transform_5, window_bounds = array<i64: 32, 32>}, {pipeline_mode = #tpu.pipeline_mode<synchronous>, transform_indices = @transform_6, window_bounds = array<i64: 32, 32>}, {pipeline_mode = #tpu.pipeline_mode<synchronous>, transform_indices = @transform_7, window_bounds = array<i64: 32, 32>}, {pipeline_mode = #tpu.pipeline_mode<synchronous>, transform_indices = @transform_8, window_bounds = array<i64: 1, 32>}, {pipeline_mode = #tpu.pipeline_mode<synchronous>, transform_indices = @transform_9, window_bounds = array<i64: 1, 32>}, {transform_indices = @transform_10, window_bounds = array<i64: 2000, 128>}]} {
    %get3A = arith.constant 0 : index
    %get3A_0 = arith.constant 0 : index
    %get3A_1 = vector.load %arg1[%get3A, %get3A_0] : memref<2000x128xf32, #tpu.memory_space<vmem>>, vector<2000x32xf32>
    %get3A_2 = arith.constant 0 : index
    %get3A_3 = arith.constant 0 : index
    %get3A_4 = vector.load %arg5[%get3A_2, %get3A_3] : memref<32x32xf32, #tpu.memory_space<vmem>>, vector<32x32xf32>
    %dot_general3A = arith.constant dense<0.000000e+00> : vector<2000x32xf32>
    %dot_general3A_5 = tpu.matmul %get3A_1, %get3A_4, %dot_general3A {dimension_numbers = #tpu.dot_dimension_numbers<[1], [0], [0], [1], [0, 0, 1, 1], [], []>, transpose_lhs_hint = false} : vector<2000x32xf32>, vector<32x32xf32>, vector<2000x32xf32> -> vector<2000x32xf32>
    %get3A_6 = arith.constant 0 : index
    %get3A_7 = arith.constant 0 : index
    %get3A_8 = vector.load %arg2[%get3A_6, %get3A_7] : memref<2000x128xf32, #tpu.memory_space<vmem>>, vector<2000x32xf32>
    %get3A_9 = arith.constant 0 : index
    %get3A_10 = arith.constant 0 : index
    %get3A_11 = vector.load %arg6[%get3A_9, %get3A_10] : memref<32x32xf32, #tpu.memory_space<vmem>>, vector<32x32xf32>
    %dot_general3A_12 = arith.constant dense<0.000000e+00> : vector<2000x32xf32>
    %dot_general3A_13 = tpu.matmul %get3A_8, %get3A_11, %dot_general3A_12 {dimension_numbers = #tpu.dot_dimension_numbers<[1], [0], [0], [1], [0, 0, 1, 1], [], []>, transpose_lhs_hint = false} : vector<2000x32xf32>, vector<32x32xf32>, vector<2000x32xf32> -> vector<2000x32xf32>
    %add3A = arith.addf %dot_general3A_5, %dot_general3A_13 : vector<2000x32xf32>
    %get3A_14 = arith.constant 0 : index
    %get3A_15 = arith.constant 0 : index
    %get3A_16 = vector.load %arg4[%get3A_14, %get3A_15] : memref<2000x32xf32, #tpu.memory_space<vmem>>, vector<2000x32xf32>
    %add3A_17 = arith.addf %add3A, %get3A_16 : vector<2000x32xf32>
    %gt3A = arith.constant 0.000000e+00 : f32
    %gt3A_18 = vector.broadcast %gt3A : f32 to vector<2000x32xf32>
    %gt3A_19 = arith.cmpf ogt, %add3A_17, %gt3A_18 : vector<2000x32xf32>
    %exp3A = math.exp %add3A_17 : vector<2000x32xf32>
    %sub3A = arith.constant 1.000000e+00 : f32
    %sub3A_20 = vector.broadcast %sub3A : f32 to vector<2000x32xf32>
    %sub3A_21 = arith.subf %exp3A, %sub3A_20 : vector<2000x32xf32>
    %select_n3A = arith.select %gt3A_19, %add3A_17, %sub3A_21 : vector<2000x32xi1>, vector<2000x32xf32>
    %get3A_22 = arith.constant 0 : index
    %get3A_23 = arith.constant 0 : index
    %get3A_24 = vector.load %arg3[%get3A_22, %get3A_23] : memref<2000x128xf32, #tpu.memory_space<vmem>>, vector<2000x32xf32>
    %get3A_25 = arith.constant 0 : index
    %get3A_26 = arith.constant 0 : index
    %get3A_27 = vector.load %arg7[%get3A_25, %get3A_26] : memref<32x32xf32, #tpu.memory_space<vmem>>, vector<32x32xf32>
    %dot_general3A_28 = arith.constant dense<0.000000e+00> : vector<2000x32xf32>
    %dot_general3A_29 = tpu.matmul %get3A_24, %get3A_27, %dot_general3A_28 {dimension_numbers = #tpu.dot_dimension_numbers<[1], [0], [0], [1], [0, 0, 1, 1], [], []>, transpose_lhs_hint = false} : vector<2000x32xf32>, vector<32x32xf32>, vector<2000x32xf32> -> vector<2000x32xf32>
    %get3A_30 = arith.constant 0 : index
    %get3A_31 = arith.constant 0 : index
    %get3A_32 = vector.load %arg8[%get3A_30, %get3A_31] : memref<32x32xf32, #tpu.memory_space<vmem>>, vector<32x32xf32>
    %dot_general3A_33 = arith.constant dense<0.000000e+00> : vector<2000x32xf32>
    %dot_general3A_34 = tpu.matmul %select_n3A, %get3A_32, %dot_general3A_33 {dimension_numbers = #tpu.dot_dimension_numbers<[1], [0], [0], [1], [0, 0, 1, 1], [], []>, transpose_lhs_hint = false} : vector<2000x32xf32>, vector<32x32xf32>, vector<2000x32xf32> -> vector<2000x32xf32>
    %add3A_35 = arith.addf %dot_general3A_29, %dot_general3A_34 : vector<2000x32xf32>
    %get3A_36 = arith.constant 0 : index
    %get3A_37 = arith.constant 0 : index
    %get3A_38 = vector.load %arg9[%get3A_36, %get3A_37] : memref<1x32xf32, #tpu.memory_space<vmem>>, vector<1x32xf32>
    %add3A_39 = vector.broadcast %get3A_38 : vector<1x32xf32> to vector<2000x32xf32>
    %add3A_40 = arith.addf %add3A_35, %add3A_39 : vector<2000x32xf32>
    %get3A_41 = arith.constant 0 : index
    %get3A_42 = arith.constant 0 : index
    %get3A_43 = vector.load %arg10[%get3A_41, %get3A_42] : memref<1x32xf32, #tpu.memory_space<vmem>>, vector<1x32xf32>
    %mul3A = vector.broadcast %get3A_43 : vector<1x32xf32> to vector<2000x32xf32>
    %mul3A_44 = arith.mulf %add3A_40, %mul3A : vector<2000x32xf32>
    %reduce_sum3A = arith.constant dense<0.000000e+00> : vector<2000xf32>
    %reduce_sum3A_45 = vector.multi_reduction <add>, %mul3A_44, %reduce_sum3A [1] : vector<2000x32xf32> to vector<2000xf32>
    %broadcast_in_dim3A = vector.shape_cast %reduce_sum3A_45 : vector<2000xf32> to vector<2000x1xf32>
    %ge3A = arith.constant 0.000000e+00 : f32
    %ge3A_46 = vector.broadcast %ge3A : f32 to vector<2000x1xf32>
    %ge3A_47 = arith.cmpf oge, %broadcast_in_dim3A, %ge3A_46 : vector<2000x1xf32>
    %mul3A_48 = arith.constant 2.000000e-01 : f32
    %mul3A_49 = vector.broadcast %mul3A_48 : f32 to vector<2000x1xf32>
    %mul3A_50 = arith.mulf %mul3A_49, %broadcast_in_dim3A : vector<2000x1xf32>
    %select_n3A_51 = arith.select %ge3A_47, %broadcast_in_dim3A, %mul3A_50 : vector<2000x1xi1>, vector<2000x1xf32>
    %exp3A_52 = math.exp %select_n3A_51 : vector<2000x1xf32>
    %mul3A_53 = vector.broadcast %exp3A_52 : vector<2000x1xf32> to vector<2000x32xf32>
    %mul3A_54 = arith.mulf %mul3A_53, %add3A_40 : vector<2000x32xf32>
    %broadcast_in_dim3A_55 = arith.constant 0.000000e+00 : f32
    %broadcast_in_dim3A_56 = vector.broadcast %broadcast_in_dim3A_55 : f32 to vector<2000x95xf32>
    %concatenate3A = tpu.concatenate %mul3A_54, %exp3A_52, %broadcast_in_dim3A_56 in 1 : vector<2000x32xf32>, vector<2000x1xf32>, vector<2000x95xf32> -> vector<2000x128xf32>
    %swap3A = arith.constant 0 : index
    %swap3A_57 = arith.constant 0 : index
    %swap3A_58 = vector.load %arg11[%swap3A, %swap3A_57] : memref<2000x128xf32, #tpu.memory_space<vmem>>, vector<2000x128xf32>
    tpu.vector_store %arg11[%swap3A, %swap3A_57], %concatenate3A {strides = array<i32>} : memref<2000x128xf32, #tpu.memory_space<vmem>>, vector<2000x128xf32>,
    return
  }
  func.func @transform_0(%arg0: i32) -> (i32, i32) {
    %c0_i32 = arith.constant 0 : i32
    %c0_i32_0 = arith.constant 0 : i32
    return %arg0, %c0_i32 : i32, i32
  }
  func.func @transform_1(%arg0: i32) -> (i32, i32) {
    %c0_i32 = arith.constant 0 : i32
    %c0_i32_0 = arith.constant 0 : i32
    return %arg0, %c0_i32 : i32, i32
  }
  func.func @transform_2(%arg0: i32) -> (i32, i32) {
    %c0_i32 = arith.constant 0 : i32
    %c0_i32_0 = arith.constant 0 : i32
    return %arg0, %c0_i32 : i32, i32
  }
  func.func @transform_3(%arg0: i32) -> (i32, i32) {
    %c0_i32 = arith.constant 0 : i32
    %c0_i32_0 = arith.constant 0 : i32
    return %arg0, %c0_i32 : i32, i32
  }
  func.func @transform_4(%arg0: i32) -> (i32, i32) {
    %c0_i32 = arith.constant 0 : i32
    %c0_i32_0 = arith.constant 0 : i32
    %c0_i32_1 = arith.constant 0 : i32
    return %c0_i32, %c0_i32_0 : i32, i32
  }
  func.func @transform_5(%arg0: i32) -> (i32, i32) {
    %c0_i32 = arith.constant 0 : i32
    %c0_i32_0 = arith.constant 0 : i32
    %c0_i32_1 = arith.constant 0 : i32
    return %c0_i32, %c0_i32_0 : i32, i32
  }
  func.func @transform_6(%arg0: i32) -> (i32, i32) {
    %c0_i32 = arith.constant 0 : i32
    %c0_i32_0 = arith.constant 0 : i32
    %c0_i32_1 = arith.constant 0 : i32
    return %c0_i32, %c0_i32_0 : i32, i32
  }
  func.func @transform_7(%arg0: i32) -> (i32, i32) {
    %c0_i32 = arith.constant 0 : i32
    %c0_i32_0 = arith.constant 0 : i32
    %c0_i32_1 = arith.constant 0 : i32
    return %c0_i32, %c0_i32_0 : i32, i32
  }
  func.func @transform_8(%arg0: i32) -> (i32, i32) {
    %c0_i32 = arith.constant 0 : i32
    %c0_i32_0 = arith.constant 0 : i32
    %c0_i32_1 = arith.constant 0 : i32
    return %c0_i32, %c0_i32_0 : i32, i32
  }
  func.func @transform_9(%arg0: i32) -> (i32, i32) {
    %c0_i32 = arith.constant 0 : i32
    %c0_i32_0 = arith.constant 0 : i32
    %c0_i32_1 = arith.constant 0 : i32
    return %c0_i32, %c0_i32_0 : i32, i32
  }
  func.func @transform_10(%arg0: i32) -> (i32, i32) {
    %c0_i32 = arith.constant 0 : i32
    %c0_i32_0 = arith.constant 0 : i32
    return %arg0, %c0_i32 : i32, i32
  }
}

module attributes {stable_mosaic.version = 14 : i64} {
  func.func @body(%arg0: i32, %arg1: memref<512x32x128xf32, #tpu.memory_space<vmem>>, %arg2: memref<512x32xf32, #tpu.memory_space<vmem>>) attributes {dimension_semantics = [#tpu.dimension_semantics<arbitrary>], iteration_bounds = array<i64: 1>, scalar_prefetch = 0 : i64, scratch_operands = 0 : i64, tpu.core_type = #tpu.core_type<tc>, window_params = [{pipeline_mode = #tpu.pipeline_mode<synchronous>, transform_indices = @transform_0, window_bounds = array<i64: 512, 32, 128>}, {pipeline_mode = #tpu.pipeline_mode<synchronous>, transform_indices = @transform_1, window_bounds = array<i64: 512, 32>}]} {
    %get3A = arith.constant 0 : index
    %get3A_0 = arith.constant 0 : index
    %get3A_1 = arith.constant 0 : index
    %get3A_2 = vector.load %arg1[%get3A, %get3A_0, %get3A_1] : memref<512x32x128xf32, #tpu.memory_space<vmem>>, vector<512x32x32xf32>
    %reduce_sum3A = arith.constant dense<0.000000e+00> : vector<512x32xf32>
    %reduce_sum3A_3 = vector.multi_reduction <add>, %get3A_2, %reduce_sum3A [1] : vector<512x32x32xf32> to vector<512x32xf32>
    %swap3A = arith.constant 0 : index
    %swap3A_4 = arith.constant 0 : index
    %swap3A_5 = vector.load %arg2[%swap3A, %swap3A_4] : memref<512x32xf32, #tpu.memory_space<vmem>>, vector<512x32xf32>
    tpu.vector_store %arg2[%swap3A, %swap3A_4], %reduce_sum3A_3 {strides = array<i32>} : memref<512x32xf32, #tpu.memory_space<vmem>>, vector<512x32xf32>,
    return
  }
  func.func @transform_0(%arg0: i32) -> (i32, i32, i32) {
    %c0_i32 = arith.constant 0 : i32
    %c0_i32_0 = arith.constant 0 : i32
    %c0_i32_1 = arith.constant 0 : i32
    %c0_i32_2 = arith.constant 0 : i32
    return %c0_i32, %c0_i32_0, %c0_i32_1 : i32, i32, i32
  }
  func.func @transform_1(%arg0: i32) -> (i32, i32) {
    %c0_i32 = arith.constant 0 : i32
    %c0_i32_0 = arith.constant 0 : i32
    %c0_i32_1 = arith.constant 0 : i32
    return %c0_i32, %c0_i32_0 : i32, i32
  }
}

</mosaic_0001>

<sc_bundles>
// kernel: kernel.22.cloned.1.call-start
scs
__scs_entry_jumppad:
0x0: {  	(pc) =	sbr.rel $0x88, $3  }
0x1: {  	(tag) =	ssettag $0x0;
	lr =	simm.s32 $0x1  }
0x2: {  	[smem:$0x3F91] =	sst lr;
	_ =	strace $0xD0000000  }
0x3: {  	_ = 	snop  }
0x4: {  	_ = 	snop  }
0x5: {  	_ = 	snop  }
0x6: {  	_ = 	snop  }
0x7: {  	_ = 	snop  }
__scs_overlays_trampoline_lowered:
0x8: {  	[smem:$0x3FA0] =	sst s0  }
0x9: {  	[smem:$0x3FA1] =	sst s1  }
0xa: {  	[smem:$0x3FA2] =	sst s2  }
0xb: {  	[smem:$0x3FA3] =	sst s3  }
0xc: {  	[smem:$0x3FA4] =	sst s4  }
0xd: {  	[smem:$0x3FA5] =	sst s5  }
0xe: {  	[smem:$0x3FA6] =	sst s6  }
0xf: {  	[smem:$0x3FA7] =	sst s7  }
0x10: {  	[smem:$0x3FA8] =	sst s8  }
0x11: {  	[smem:$0x3FA9] =	sst s9;
	s0 =	simm.s32 @!p0 $0x0  }
0x12: {  	s1 =	sld [smem:$0x3F8F];
	s0 =	simm.s32 @p0 $0x1  }
0x13: {  	[smem:$0x3FAA] =	sst s0;
	s0 =	simm.s32 @!p1 $0x0  }
0x14: {  	s2 =	sld [smem:$0x3F8E];
	s0 =	simm.s32 @p1 $0x1  }
0x15: {  	[smem:$0x3FAB] =	sst s0;
	s0 =	simm.s32 @!p2 $0x0  }
0x16: {  	s3 =	sld [smem:$0x3FDB];
	s0 =	simm.s32 @p2 $0x1  }
0x17: {  	s4 =	simm.s32 $0x1BF5;
	[smem:$0x3FAD] =	sst s0  }
0x18: {  	s0 =	sld [smem:$0x3F90];
	_ =	swait.ge [sflag:s4], $0x0  }
0x19: {  	s7 =	sld [smem:$0x3F91]  }
0x1a: {  	s8 =	sadd.s32 $0xFFFFE003, lr  }
0x1b: {  	s9 =	sadd.s32 $0xFFFFFEF7, lr;
	s5 =	simm.s32 $0xFFFFFFFF;
	p2 =	slt.u32 s8, $0xFFFFF086  }
0x1c: {  	p1 =	slt.u32 s9, $0xF7A;
	s5 =	simm.s32 @!p2 $0x0  }
0x1d: {  	s5 =	simm.s32 @p1 $0x1;
	p0 =	seq.s32 s7, s2  }
0x1e: {  	s7 =	smul.u32 @!p0 $0xF7A, s2;
	p2 =	seq.s32 @!p0 s5, $0x0  }
0x1f: {  	s9 =	smul.u32 $0xF7A, s1;
	s8 =	simm.s32 @!p0 $0x1BF5;
	p2 =	por !p2, p0  }
0x20: {  	[sflag:s8] =	ssyncset.s32 @!p0 $0xFFFFF086;
	s6 =	sadd.s32 @!p0 s3, s7;
	s7 =	simm.s32 @!p0 $0x108  }
0x21: {  	s3 =	sadd.s32 s3, s9;
	s6 =	sadd.s32 @!p0 $0x88, s6;
	s7 =	simm.s32 @p2 $0x1082  }
0x22: {  	[simem:s7], [sflag:s8] =	dma.local @!p0 [hbm:s6], $0xF7A  }
0x23: {  	s9 =	sor.u32 $0xD0000000, s2;
	s6 =	simm.s32 $0x108;
	_ =	swait.ge @!p0 [sflag:s8], $0x0  }
0x24: {  	s3 =	sadd.s32 $0x88, s3;
	s6 =	simm.s32 @!p1 $0x1082;
	[sflag:s4] =	ssyncset.s32 $0xFFFFF086  }
0x25: {  	[simem:s6], [sflag:s4] =	dma.local [hbm:s3], $0xF7A  }
0x26: {  	[smem:$0x3F91] =	sst s1;
	(tag) =	ssettag s2;
	_ =	strace s9  }
0x27: {  	s1 =	sld [smem:$0x3FA1]  }
0x28: {  	s2 =	sld [smem:$0x3FA2]  }
0x29: {  	s4 =	sld [smem:$0x3FA4]  }
0x2a: {  	p0 =	seq.s32 s5, $0x0;
	s5 =	sld [smem:$0x3FA5]  }
0x2b: {  	s6 =	sld [smem:$0x3FA6]  }
0x2c: {  	s7 =	sld [smem:$0x3FA7]  }
0x2d: {  	s3 =	simm.s32 $0x108;
	s8 =	sld [smem:$0x3FA8]  }
0x2e: {  	s3 =	simm.s32 @!p0 $0x1082;
	s9 =	sld [smem:$0x3FA9]  }
0x2f: {  	lr =	sadd.s32 s0, s3;
	s0 =	sld [smem:$0x3FA0]  }
0x30: {  	s3 =	sld [smem:$0x3FA3]  }
0x31: {  	[smem:$0x3FAC] =	sst s10  }
0x32: {  	s10 =	sld [smem:$0x3FAA];
	_ =	sdelay $0x3  }
0x33: {  	p0 =	seq.s32 s10, $0x1;
	s10 =	sld [smem:$0x3FAC];
	_ =	sdelay $0x3  }
0x34: {  	[smem:$0x3FAC] =	sst s10  }
0x35: {  	s10 =	sld [smem:$0x3FAB];
	_ =	sdelay $0x3  }
0x36: {  	p1 =	seq.s32 s10, $0x1;
	s10 =	sld [smem:$0x3FAC];
	_ =	sdelay $0x3  }
0x37: {  	[smem:$0x3FAC] =	sst s10  }
0x38: {  	s10 =	sld [smem:$0x3FAD]  }
0x39: {  	_ = 	snop;
	(pc) =	sbr.ind lr, $3  }
0x3a: {  	_ = 	snop  }
0x3b: {  	_ = 	snop  }
0x3c: {  	p2 =	seq.s32 s10, $0x1;
	s10 =	sld [smem:$0x3FAC]  }
0x3d: {  	_ =	shalt  }
0x3e: {  	_ =	shalt  }
0x3f: {  	_ =	shalt  }
0x40: {  	_ =	shalt  }
0x41: {  	_ =	shalt  }
0x42: {  	_ =	shalt  }
0x43: {  	_ =	shalt  }
0x44: {  	_ =	shalt  }
0x45: {  	_ =	shalt  }
0x46: {  	_ =	shalt  }
0x47: {  	_ =	shalt  }
0x48: {  	_ =	shalt  }
0x49: {  	_ =	shalt  }
0x4a: {  	_ =	shalt  }
0x4b: {  	_ =	shalt  }
0x4c: {  	_ =	shalt  }
0x4d: {  	_ =	shalt  }
0x4e: {  	_ =	shalt  }
0x4f: {  	_ =	shalt  }
0x50: {  	_ =	shalt  }
0x51: {  	_ =	shalt  }
0x52: {  	_ =	shalt  }
0x53: {  	_ =	shalt  }
0x54: {  	_ =	shalt  }
0x55: {  	_ =	shalt  }
0x56: {  	_ =	shalt  }
0x57: {  	_ =	shalt  }
0x58: {  	_ =	shalt  }
0x59: {  	_ =	shalt  }
0x5a: {  	_ =	shalt  }
0x5b: {  	_ =	shalt  }
0x5c: {  	_ =	shalt  }
0x5d: {  	_ =	shalt  }
0x5e: {  	_ =	shalt  }
0x5f: {  	_ =	shalt  }
0x60: {  	_ =	shalt  }
0x61: {  	_ =	shalt  }
0x62: {  	_ =	shalt  }
0x63: {  	_ =	shalt  }
0x64: {  	_ =	shalt  }
0x65: {  	_ =	shalt  }
0x66: {  	_ =	shalt  }
0x67: {  	_ =	shalt  }
0x68: {  	_ =	shalt  }
0x69: {  	_ =	shalt  }
0x6a: {  	_ =	shalt  }
0x6b: {  	_ =	shalt  }
0x6c: {  	_ =	shalt  }
0x6d: {  	_ =	shalt  }
0x6e: {  	_ =	shalt  }
0x6f: {  	_ =	shalt  }
0x70: {  	_ =	shalt  }
0x71: {  	_ =	shalt  }
0x72: {  	_ =	shalt  }
0x73: {  	_ =	shalt  }
0x74: {  	_ =	shalt  }
0x75: {  	_ =	shalt  }
0x76: {  	_ =	shalt  }
0x77: {  	_ =	shalt  }
0x78: {  	_ =	shalt  }
0x79: {  	_ =	shalt  }
0x7a: {  	_ =	shalt  }
0x7b: {  	_ =	shalt  }
0x7c: {  	_ =	shalt  }
0x7d: {  	_ =	shalt  }
0x7e: {  	_ =	shalt  }
0x7f: {  	_ =	shalt  }
0x80: {  	_ =	shalt  }
0x81: {  	_ =	shalt  }
0x82: {  	_ =	shalt  }
0x83: {  	_ =	shalt  }
0x84: {  	_ =	shalt  }
0x85: {  	_ =	shalt  }
0x86: {  	_ =	shalt  }
0x87: {  	_ =	shalt  }
.Lfunc_end0:
.L_simem_size_0:
called_computation_lowered:
.L_overlay_start_0:
0x88: {  	s2 =	sld [smem:$0x3FD9]  }
0x89: {  	s3 =	sld [smem:$0x3FFE];
	_ =	sdelay $0x1  }
0x8a: {  	s1 =	srdreg.scid  }
0x8b: {  	s0 =	sand.u32 $0x1, s1  }
0x8c: {  	s17 =	sshll.u32 s0, $0xA;
	s2 =	sadd.s32 s3, s2  }
0x8d: {  	s2 =	sadd.s32 s2, s17  }
0x8e: {  	[smem:$0x3FB8] =	sst s2  }
0x8f: {  	_ = 	snop  }
0x90: {  	s2 =	sld [smem:$0x3FC5];
	(tm) =	ssettm $0x1  }
0x91: {  	s18 =	sld [smem:$0x3FFB];
	_ =	sdelay $0x3  }
0x92: {  	_ =	strace s18  }
0x93: {  	s3 =	sld [smem:$0x3FFC];
	_ =	sdelay $0x3  }
0x94: {  	_ =	strace s3  }
0x95: {  	s3 =	sld [smem:$0x3FFD];
	_ =	sdelay $0x3  }
0x96: {  	_ =	strace s3  }
0x97: {  	_ =	strace $0x8FFFFFFF  }
0x98: {  	s19 =	sld [smem:$0x3FDB];
	_ =	sdelay $0x1  }
0x99: {  	s4 =	simm.s32 $_scs_section_size  }
0x9a: {  	s5 =	simm.s32 $_size__tile_overlayer_lowered;
	s6 =	simm.s32 $_tile_overlayer_lowered  }
0x9b: {  	s22 =	simm.s32 $0x1BFF;
	s21 =	sshll.u32 s6, $0x1;
	s3 =	sadd.s32 s4, s19  }
0x9c: {  	s7 =	simm.s32 $0x0;
	s20 =	sshll.u32 s5, $0x1;
	s5 =	sadd.s32 s21, s3  }
0x9d: {  	[timem:s7], [sflag:s22] =	dma.local [hbm:s5], s20  }
0x9e: {  	_ =	swait.ge [sflag:s22], s20  }
0x9f: {  	s4 =	ssub.s32 $0x0, s20;
	[sflag:s22] =	ssyncset.done $0x0  }
0xa0: {  	[sflag:s22] =	ssyncadd.s32 s4;
	_ =	sdelay $0x1  }
0xa1: {  	s23 =	simm.s32 $0x1B8B  }
0xa2: {  	_ =	swait.ge [sflag:s23], $0x1  }
0xa3: {  	[sflag:s23] =	ssyncset.done $0x0  }
0xa4: {  	s25 =	simm.s32 $0x1B8E;
	s24 =	sld [smem:$0x3FFE];
	[sflag:s23] =	ssyncadd.s32 $0xFFFFFFFF  }
0xa5: {  	s26 =	simm.s32 $execute0_lowered;
	[smem:$0x3FD2] =	sst s25  }
0xa6: {  	s5 =	sshll.u32 s26, $0x1;
	_ =	strace $0x80000046;
	[dreg:$0x1] =	wrdreg $0xFFFFFFFF  }
0xa7: {  	s28 =	simm.s32 $_size_execute0_lowered;
	s3 =	sadd.s32 s3, s5;
	[dreg:$0x0] =	wrdreg $0x0  }
0xa8: {  	s5 =	sshll.u32 s28, $0x1;
	[dreg:$0x2] =	wrdreg s3  }
0xa9: {  	[dreg:$0x3] =	wrdreg s5  }
0xaa: {  	[dreg:$0x4] =	wrdreg $0xC0  }
0xab: {  	_ =	task [dreg:s7], $0x5FFFF  }
0xac: {  	[dreg:$0x1] =	wrdreg $0xFFFFFFFF  }
0xad: {  	[dreg:$0x0] =	wrdreg $0x60  }
0xae: {  	[dreg:$0x2] =	wrdreg s24  }
0xaf: {  	[dreg:$0x3] =	wrdreg s2  }
0xb0: {  	[dreg:$0x4] =	wrdreg $0x9  }
0xb1: {  	_ =	task.clear_ibuf [dreg:s7], $0x5FFFF;
	_ =	strace $0x90000046  }
0xb2: {  	s29 =	simm.s32 $0x9;
	_ =	strace $0x80000048  }
0xb3: {  	_ =	swait.ge [sflag:s29], $0x1  }
0xb4: {  	[sflag:s29] =	ssyncadd.s32 $0xFFFFFFFF  }
0xb5: {  	_ =	strace $0x90000048  }
0xb6: {  	_ =	sfence  }
0xb7: {  	s30 =	sld [smem:$0x0];
	_ =	sdelay $0x2  }
0xb8: {  	s31 =	sshll.u32 s1, $0xD;
	s1 =	sshrl.u32 s1, $0x2  }
0xb9: {  	s3 =	sand.u32 $0x4000, s31;
	s1 =	sadd.s32 s1, s30  }
0xba: {  	s0 =	sor.u32 s3, s0;
	s1 =	sshll.u32 s1, $0x11  }
0xbb: {  	s0 =	sor.u32 s1, s0  }
0xbc: {  	s0 =	sadd.s32 $0x8F2B, s0  }
0xbd: {  	[sflag:s0] =	ssyncadd.remote.s32 $0x1  }
0xbe: {  	_ =	sfence.sel $0xFFFF  }
0xbf: {  	[dreg:$0x0] =	wrdreg $0xFFFFFFFF;
	(pc) =	sbr.abs _section_cstart, $3  }
0xc0: {  	[dreg:$0x1] =	wrdreg $0xFFFFFFFF  }
0xc1: {  	_ =	task.clear_ibuf [dreg:s7], $0x2FFFF;
	_ =	strace $0x9FFFFFFF  }
0xc2: {  	(tm) =	ssettm $0x7FFFFFFF  }
0xc3: {  	_ =	shalt  }
tec
execute0_lowered:
.L_overlay_start_1:
0x0: {  	(tag) =	ssettag $0x1  }
0x1: {  	s4 =	rddreg [dreg:$0x0]  }
0x2: {  	s0 =	stileid.u32;
	s1 =	srdreg.scid  }
0x3: {  	s6 =	rddreg [dreg:$0x1];
	s5 =	smul.u32 $0xC3500, s0  }
0x4: {  	s2 =	simm.s32 $0x0;
	s3 =	sand.u32 $0x1, s1;
	s8 =	smul.u32 $0xC350, s0  }
0x5: {  	s11 =	simm.s32 $0x0;
	s1 =	rddreg [dreg:$0x2];
	s7 =	smul.u32 $0x61A80, s3  }
0x6: {  	[smem:$0x7FF] =	sst s2;
	s9 =	ssub.s32 $0x2, s3;
	s10 =	smul.u32 $0x61A8, s3  }
0x7: {  	s3 =	sadd.s32 $0xC9600, s4;
	s4 =	sadd.s32 s5, s4;
	s30 =	sshrl.u32 s9, $0x1  }
0x8: {  	_ =	strace $0x80000047;
	s5 =	ssub.s32 s9, s30;
	s7 =	sadd.s32 s7, s4  }
0x9: {  	s8 =	sadd.s32 s10, s8;
	s9 =	simm.s32 $0x400;
	s10 =	simm.s32 $0x1  }
0xa: {  	s4 =	smax.u32 s5, $0x1;
	s5 =	sadd.s32 $0x18D600, s7;
	s31 =	sshrl.u32 s8, $0x3  }
0xb: {  	s7 =	simm.s32 $0x2;
	s8 =	simm.s32 $0x3E8;
	s6 =	sadd.s32 s31, s6  }
.LBB2_1:
0xc: {  	s12 =	sadd.s32 $0x0, s6  }
0xd: {  	[tilespmem:s2], [sflag:$0x2] =	stream.linear.gather [hbm4b:s12+s2], $0x3E8, $0x38;
	[tilespmem:$0x1F800] =	vst v63  }
0xe: {  	_ =	swait.ge [sflag:s7], $0x3E8  }
0xf: {  	[sflag:s7] =	ssyncset.done $0x0  }
0x10: {  	[sflag:s7] =	ssyncadd.s32 $0xFFFFFC18  }
0x11: {  	[tilespmem:s9], [sflag:$0x1] =	stream.indirect.gather [hbm4b:s3+s8], $0x80, s2, s8, $0xb8;
	[tilespmem:$0x1F800] =	vst v63  }
0x12: {  	_ =	swait.ge [sflag:s10], $0x1F400  }
0x13: {  	[sflag:s10] =	ssyncset.done $0x0  }
0x14: {  	[sflag:s10] =	ssyncadd.s32 $0xFFFE0C00  }
0x15: {  	[hbm4b:s5+s2] =	stream.linear.scatter [tilespmem:s9], [sflag:$0x2], $0x1F400, $0x38;
	[tilespmem:$0x1F800] =	vst v63  }
0x16: {  	s13 =	simm.s32 $0x7D;
	_ =	swait.ge [sflag:s7], $0x1F400  }
0x17: {  	s14 =	simm.s32 $0xFA;
	s12 =	sadd.s32 $0x3E80, s5;
	[sflag:s7] =	ssyncset.done $0x0  }
.LBB2_2:
0x18: {  	s15 =	sadd.s32 s13, s6  }
0x19: {  	[sflag:s7] =	ssyncadd.s32 $0xFFFE0C00;
	s13 =	smov.u32 s14;
	s16 =	sadd.s32 $0x7D, s14  }
0x1a: {  	[tilespmem:s2], [sflag:$0x2] =	stream.linear.gather [hbm4b:s15+s2], $0x3E8, $0x38;
	[tilespmem:$0x1F800] =	vst v63  }
0x1b: {  	p0 =	sne.s32 s14, $0xBB8;
	_ =	swait.ge [sflag:s7], $0x3E8  }
0x1c: {  	[sflag:s7] =	ssyncset.done $0x0  }
0x1d: {  	[sflag:s7] =	ssyncadd.s32 $0xFFFFFC18  }
0x1e: {  	[tilespmem:s9], [sflag:$0x1] =	stream.indirect.gather [hbm4b:s3+s8], $0x80, s2, s8, $0xb8;
	[tilespmem:$0x1F800] =	vst v63  }
0x1f: {  	_ =	swait.ge [sflag:s10], $0x1F400  }
.Ltmp0:
0x20: {  	[sflag:s10] =	ssyncset.done $0x0;
	(pc) =	sbr.rel @p0 .LBB2_2-.Ltmp0, $4  }
0x21: {  	[sflag:s10] =	ssyncadd.s32 $0xFFFE0C00  }
0x22: {  	[hbm4b:s12+s2] =	stream.linear.scatter [tilespmem:s9], [sflag:$0x2], $0x1F400, $0x38;
	[tilespmem:$0x1F800] =	vst v63  }
0x23: {  	_ =	swait.ge [sflag:s7], $0x1F400  }
0x24: {  	s14 =	smov.u32 s16;
	s12 =	sadd.s32 $0x3E80, s12;
	[sflag:s7] =	ssyncset.done $0x0  }
0x25: {  	s13 =	sadd.s32 s13, s6;
	[sflag:s7] =	ssyncadd.s32 $0xFFFE0C00  }
0x26: {  	[tilespmem:s2], [sflag:$0x2] =	stream.linear.gather [hbm4b:s13+s2], $0x3E8, $0x38;
	[tilespmem:$0x1F800] =	vst v63  }
0x27: {  	_ =	swait.ge [sflag:s7], $0x3E8  }
0x28: {  	[sflag:s7] =	ssyncset.done $0x0  }
0x29: {  	[sflag:s7] =	ssyncadd.s32 $0xFFFFFC18  }
0x2a: {  	[tilespmem:s9], [sflag:$0x1] =	stream.indirect.gather [hbm4b:s3+s8], $0x80, s2, s8, $0xb8;
	[tilespmem:$0x1F800] =	vst v63  }
0x2b: {  	s11 =	sadd.s32 $0x1, s11;
	_ =	swait.ge [sflag:s10], $0x1F400  }
0x2c: {  	p0 =	sne.s32 s11, s4;
	[sflag:s10] =	ssyncset.done $0x0  }
.Ltmp1:
0x2d: {  	[sflag:s10] =	ssyncadd.s32 $0xFFFE0C00;
	(pc) =	sbr.rel @p0 .LBB2_1-.Ltmp1, $4  }
0x2e: {  	[hbm4b:s12+s2] =	stream.linear.scatter [tilespmem:s9], [sflag:$0x2], $0x1F400, $0x38;
	[tilespmem:$0x1F800] =	vst v63  }
0x2f: {  	_ =	swait.ge [sflag:s7], $0x1F400  }
0x30: {  	[sflag:s7] =	ssyncset.done $0x0  }
0x31: {  	[sflag:s7] =	ssyncadd.s32 $0xFFFE0C00  }
0x32: {  	_ =	sfence.sel $0x180000  }
0x33: {  	[bflag:$0x0] =	sbarrier.arrive $0xFFFF  }
0x34: {  	p0 =	sne.s32 s0, $0x0;
	_ =	strace $0x90000047  }
0x35: {  	s0 =	sadd.s32 @!p0 $0x100000, s1;
	[bflag:$0x2] =	sbarrier.arrive $0xFFFF  }
0x36: {  	[sflag:s0] =	ssyncadd.tile.s32 @!p0 $0x1;
	_ =	shalt  }
.Lfunc_end2:
_tile_overlayer_lowered:
.L_overlay_start_2:
0x37: {  	(tag) =	ssettag $0x2  }
0x38: {  	s0 =	rddreg [dreg:$0x0];
	s2 =	stileid.u32  }
0x39: {  	s1 =	rddreg [dreg:$0x1];
	p0 =	sne.s32 s2, $0x0  }
0x3a: {  	s3 =	rddreg [dreg:$0x2];
	[bflag:$0x3] =	sbarrier.arrive $0xFFFF;
	s2 =	simm.s32 @!p0 $0x1C02  }
0x3b: {  	[timem:s3], [sflag:s2] =	dma.local @!p0 [hbm:s0], s1  }
0x3c: {  	s0 =	simm.s32 @!p0 $0x2  }
0x3d: {  	_ =	swait.ge @!p0 [sflag:s0], s1  }
0x3e: {  	s1 =	ssub.s32 @!p0 $0x0, s1;
	[sflag:s0] =	ssyncset.done @!p0 $0x0  }
0x3f: {  	[sflag:s0] =	ssyncadd.s32 @!p0 s1  }
0x40: {  	[bflag:$0x3] =	sbarrier.arrive $0xFFFF  }
0x41: {  	_ =	shalt  }

// kernel: kernel.25.cloned.1.call-start
scs
__scs_entry_jumppad:
0x0: {  	(pc) =	sbr.rel $0x88, $3  }
0x1: {  	(tag) =	ssettag $0x0;
	lr =	simm.s32 $0x1  }
0x2: {  	[smem:$0x3F91] =	sst lr;
	_ =	strace $0xD0000000  }
0x3: {  	_ = 	snop  }
0x4: {  	_ = 	snop  }
0x5: {  	_ = 	snop  }
0x6: {  	_ = 	snop  }
0x7: {  	_ = 	snop  }
__scs_overlays_trampoline_lowered:
0x8: {  	[smem:$0x3FA0] =	sst s0  }
0x9: {  	[smem:$0x3FA1] =	sst s1  }
0xa: {  	[smem:$0x3FA2] =	sst s2  }
0xb: {  	[smem:$0x3FA3] =	sst s3  }
0xc: {  	[smem:$0x3FA4] =	sst s4  }
0xd: {  	[smem:$0x3FA5] =	sst s5  }
0xe: {  	[smem:$0x3FA6] =	sst s6  }
0xf: {  	[smem:$0x3FA7] =	sst s7  }
0x10: {  	[smem:$0x3FA8] =	sst s8  }
0x11: {  	[smem:$0x3FA9] =	sst s9;
	s0 =	simm.s32 @!p0 $0x0  }
0x12: {  	s1 =	sld [smem:$0x3F8F];
	s0 =	simm.s32 @p0 $0x1  }
0x13: {  	[smem:$0x3FAA] =	sst s0;
	s0 =	simm.s32 @!p1 $0x0  }
0x14: {  	s2 =	sld [smem:$0x3F8E];
	s0 =	simm.s32 @p1 $0x1  }
0x15: {  	[smem:$0x3FAB] =	sst s0;
	s0 =	simm.s32 @!p2 $0x0  }
0x16: {  	s3 =	sld [smem:$0x3FDB];
	s0 =	simm.s32 @p2 $0x1  }
0x17: {  	s4 =	simm.s32 $0x1BF5;
	[smem:$0x3FAD] =	sst s0  }
0x18: {  	s0 =	sld [smem:$0x3F90];
	_ =	swait.ge [sflag:s4], $0x0  }
0x19: {  	s7 =	sld [smem:$0x3F91]  }
0x1a: {  	s8 =	sadd.s32 $0xFFFFE003, lr  }
0x1b: {  	s9 =	sadd.s32 $0xFFFFFEF7, lr;
	s5 =	simm.s32 $0xFFFFFFFF;
	p2 =	slt.u32 s8, $0xFFFFF086  }
0x1c: {  	p1 =	slt.u32 s9, $0xF7A;
	s5 =	simm.s32 @!p2 $0x0  }
0x1d: {  	s5 =	simm.s32 @p1 $0x1;
	p0 =	seq.s32 s7, s2  }
0x1e: {  	s7 =	smul.u32 @!p0 $0xF7A, s2;
	p2 =	seq.s32 @!p0 s5, $0x0  }
0x1f: {  	s9 =	smul.u32 $0xF7A, s1;
	s8 =	simm.s32 @!p0 $0x1BF5;
	p2 =	por !p2, p0  }
0x20: {  	[sflag:s8] =	ssyncset.s32 @!p0 $0xFFFFF086;
	s6 =	sadd.s32 @!p0 s3, s7;
	s7 =	simm.s32 @!p0 $0x108  }
0x21: {  	s3 =	sadd.s32 s3, s9;
	s6 =	sadd.s32 @!p0 $0x88, s6;
	s7 =	simm.s32 @p2 $0x1082  }
0x22: {  	[simem:s7], [sflag:s8] =	dma.local @!p0 [hbm:s6], $0xF7A  }
0x23: {  	s9 =	sor.u32 $0xD0000000, s2;
	s6 =	simm.s32 $0x108;
	_ =	swait.ge @!p0 [sflag:s8], $0x0  }
0x24: {  	s3 =	sadd.s32 $0x88, s3;
	s6 =	simm.s32 @!p1 $0x1082;
	[sflag:s4] =	ssyncset.s32 $0xFFFFF086  }
0x25: {  	[simem:s6], [sflag:s4] =	dma.local [hbm:s3], $0xF7A  }
0x26: {  	[smem:$0x3F91] =	sst s1;
	(tag) =	ssettag s2;
	_ =	strace s9  }
0x27: {  	s1 =	sld [smem:$0x3FA1]  }
0x28: {  	s2 =	sld [smem:$0x3FA2]  }
0x29: {  	s4 =	sld [smem:$0x3FA4]  }
0x2a: {  	p0 =	seq.s32 s5, $0x0;
	s5 =	sld [smem:$0x3FA5]  }
0x2b: {  	s6 =	sld [smem:$0x3FA6]  }
0x2c: {  	s7 =	sld [smem:$0x3FA7]  }
0x2d: {  	s3 =	simm.s32 $0x108;
	s8 =	sld [smem:$0x3FA8]  }
0x2e: {  	s3 =	simm.s32 @!p0 $0x1082;
	s9 =	sld [smem:$0x3FA9]  }
0x2f: {  	lr =	sadd.s32 s0, s3;
	s0 =	sld [smem:$0x3FA0]  }
0x30: {  	s3 =	sld [smem:$0x3FA3]  }
0x31: {  	[smem:$0x3FAC] =	sst s10  }
0x32: {  	s10 =	sld [smem:$0x3FAA];
	_ =	sdelay $0x3  }
0x33: {  	p0 =	seq.s32 s10, $0x1;
	s10 =	sld [smem:$0x3FAC];
	_ =	sdelay $0x3  }
0x34: {  	[smem:$0x3FAC] =	sst s10  }
0x35: {  	s10 =	sld [smem:$0x3FAB];
	_ =	sdelay $0x3  }
0x36: {  	p1 =	seq.s32 s10, $0x1;
	s10 =	sld [smem:$0x3FAC];
	_ =	sdelay $0x3  }
0x37: {  	[smem:$0x3FAC] =	sst s10  }
0x38: {  	s10 =	sld [smem:$0x3FAD]  }
0x39: {  	_ = 	snop;
	(pc) =	sbr.ind lr, $3  }
0x3a: {  	_ = 	snop  }
0x3b: {  	_ = 	snop  }
0x3c: {  	p2 =	seq.s32 s10, $0x1;
	s10 =	sld [smem:$0x3FAC]  }
0x3d: {  	_ =	shalt  }
0x3e: {  	_ =	shalt  }
0x3f: {  	_ =	shalt  }
0x40: {  	_ =	shalt  }
0x41: {  	_ =	shalt  }
0x42: {  	_ =	shalt  }
0x43: {  	_ =	shalt  }
0x44: {  	_ =	shalt  }
0x45: {  	_ =	shalt  }
0x46: {  	_ =	shalt  }
0x47: {  	_ =	shalt  }
0x48: {  	_ =	shalt  }
0x49: {  	_ =	shalt  }
0x4a: {  	_ =	shalt  }
0x4b: {  	_ =	shalt  }
0x4c: {  	_ =	shalt  }
0x4d: {  	_ =	shalt  }
0x4e: {  	_ =	shalt  }
0x4f: {  	_ =	shalt  }
0x50: {  	_ =	shalt  }
0x51: {  	_ =	shalt  }
0x52: {  	_ =	shalt  }
0x53: {  	_ =	shalt  }
0x54: {  	_ =	shalt  }
0x55: {  	_ =	shalt  }
0x56: {  	_ =	shalt  }
0x57: {  	_ =	shalt  }
0x58: {  	_ =	shalt  }
0x59: {  	_ =	shalt  }
0x5a: {  	_ =	shalt  }
0x5b: {  	_ =	shalt  }
0x5c: {  	_ =	shalt  }
0x5d: {  	_ =	shalt  }
0x5e: {  	_ =	shalt  }
0x5f: {  	_ =	shalt  }
0x60: {  	_ =	shalt  }
0x61: {  	_ =	shalt  }
0x62: {  	_ =	shalt  }
0x63: {  	_ =	shalt  }
0x64: {  	_ =	shalt  }
0x65: {  	_ =	shalt  }
0x66: {  	_ =	shalt  }
0x67: {  	_ =	shalt  }
0x68: {  	_ =	shalt  }
0x69: {  	_ =	shalt  }
0x6a: {  	_ =	shalt  }
0x6b: {  	_ =	shalt  }
0x6c: {  	_ =	shalt  }
0x6d: {  	_ =	shalt  }
0x6e: {  	_ =	shalt  }
0x6f: {  	_ =	shalt  }
0x70: {  	_ =	shalt  }
0x71: {  	_ =	shalt  }
0x72: {  	_ =	shalt  }
0x73: {  	_ =	shalt  }
0x74: {  	_ =	shalt  }
0x75: {  	_ =	shalt  }
0x76: {  	_ =	shalt  }
0x77: {  	_ =	shalt  }
0x78: {  	_ =	shalt  }
0x79: {  	_ =	shalt  }
0x7a: {  	_ =	shalt  }
0x7b: {  	_ =	shalt  }
0x7c: {  	_ =	shalt  }
0x7d: {  	_ =	shalt  }
0x7e: {  	_ =	shalt  }
0x7f: {  	_ =	shalt  }
0x80: {  	_ =	shalt  }
0x81: {  	_ =	shalt  }
0x82: {  	_ =	shalt  }
0x83: {  	_ =	shalt  }
0x84: {  	_ =	shalt  }
0x85: {  	_ =	shalt  }
0x86: {  	_ =	shalt  }
0x87: {  	_ =	shalt  }
.Lfunc_end0:
.L_simem_size_0:
called_computation.1_lowered:
.L_overlay_start_0:
0x88: {  	s2 =	sld [smem:$0x3FD9]  }
0x89: {  	s3 =	sld [smem:$0x3FFE];
	_ =	sdelay $0x1  }
0x8a: {  	s1 =	srdreg.scid  }
0x8b: {  	s0 =	sand.u32 $0x1, s1  }
0x8c: {  	s16 =	sshll.u32 s0, $0xA;
	s2 =	sadd.s32 s3, s2  }
0x8d: {  	s2 =	sadd.s32 s2, s16  }
0x8e: {  	[smem:$0x3FB8] =	sst s2  }
0x8f: {  	_ = 	snop  }
0x90: {  	(tm) =	ssettm $0x1  }
0x91: {  	s17 =	sld [smem:$0x3FFB];
	_ =	sdelay $0x3  }
0x92: {  	_ =	strace s17  }
0x93: {  	s2 =	sld [smem:$0x3FFC];
	_ =	sdelay $0x3  }
0x94: {  	_ =	strace s2  }
0x95: {  	s2 =	sld [smem:$0x3FFD];
	_ =	sdelay $0x3  }
0x96: {  	_ =	strace s2  }
0x97: {  	_ =	strace $0x8FFFFFFF  }
0x98: {  	s18 =	sld [smem:$0x3FDB];
	_ =	sdelay $0x1  }
0x99: {  	s19 =	simm.s32 $_scs_section_size  }
0x9a: {  	s4 =	simm.s32 $_size__tile_overlayer_lowered;
	s5 =	simm.s32 $_tile_overlayer_lowered  }
0x9b: {  	s22 =	simm.s32 $0x1BFF;
	s21 =	sshll.u32 s5, $0x1;
	s2 =	sadd.s32 s19, s18  }
0x9c: {  	s6 =	simm.s32 $0x0;
	s20 =	sshll.u32 s4, $0x1;
	s4 =	sadd.s32 s21, s2  }
0x9d: {  	[timem:s6], [sflag:s22] =	dma.local [hbm:s4], s20  }
0x9e: {  	_ =	swait.ge [sflag:s22], s20  }
0x9f: {  	s3 =	ssub.s32 $0x0, s20;
	[sflag:s22] =	ssyncset.done $0x0  }
0xa0: {  	[sflag:s22] =	ssyncadd.s32 s3;
	_ =	sdelay $0x1  }
0xa1: {  	s23 =	simm.s32 $0x1B8B  }
0xa2: {  	_ =	swait.ge [sflag:s23], $0x1  }
0xa3: {  	[sflag:s23] =	ssyncset.done $0x0  }
0xa4: {  	s25 =	simm.s32 $0x1B8E;
	s24 =	sld [smem:$0x3FFE];
	[sflag:s23] =	ssyncadd.s32 $0xFFFFFFFF  }
0xa5: {  	s26 =	simm.s32 $execute0_lowered;
	[smem:$0x3FD2] =	sst s25  }
0xa6: {  	s4 =	sshll.u32 s26, $0x1;
	_ =	strace $0x80000049;
	[dreg:$0x1] =	wrdreg $0xFFFFFFFF  }
0xa7: {  	s28 =	simm.s32 $_size_execute0_lowered;
	s2 =	sadd.s32 s2, s4;
	[dreg:$0x0] =	wrdreg $0x0  }
0xa8: {  	s4 =	sshll.u32 s28, $0x1;
	[dreg:$0x2] =	wrdreg s2  }
0xa9: {  	[dreg:$0x3] =	wrdreg s4  }
0xaa: {  	[dreg:$0x4] =	wrdreg $0xC0  }
0xab: {  	_ =	task [dreg:s6], $0x5FFFF  }
0xac: {  	[dreg:$0x1] =	wrdreg $0xFFFFFFFF  }
0xad: {  	[dreg:$0x0] =	wrdreg $0x60  }
0xae: {  	[dreg:$0x2] =	wrdreg s24  }
0xaf: {  	[dreg:$0x3] =	wrdreg $0x65000  }
0xb0: {  	[dreg:$0x4] =	wrdreg $0x9  }
0xb1: {  	_ =	task.clear_ibuf [dreg:s6], $0x5FFFF;
	_ =	strace $0x90000049  }
0xb2: {  	s29 =	simm.s32 $0x9;
	_ =	strace $0x8000004B  }
0xb3: {  	_ =	swait.ge [sflag:s29], $0x1  }
0xb4: {  	[sflag:s29] =	ssyncadd.s32 $0xFFFFFFFF  }
0xb5: {  	_ =	strace $0x9000004B  }
0xb6: {  	_ =	sfence  }
0xb7: {  	s30 =	sld [smem:$0x0];
	_ =	sdelay $0x2  }
0xb8: {  	s31 =	sshll.u32 s1, $0xD;
	s1 =	sshrl.u32 s1, $0x2  }
0xb9: {  	s3 =	sand.u32 $0x4000, s31;
	s1 =	sadd.s32 s1, s30  }
0xba: {  	s0 =	sor.u32 s3, s0;
	s1 =	sshll.u32 s1, $0x11  }
0xbb: {  	s0 =	sor.u32 s1, s0  }
0xbc: {  	s0 =	sadd.s32 $0x8F2B, s0  }
0xbd: {  	[sflag:s0] =	ssyncadd.remote.s32 $0x1  }
0xbe: {  	_ =	sfence.sel $0xFFFF  }
0xbf: {  	[dreg:$0x0] =	wrdreg $0xFFFFFFFF;
	(pc) =	sbr.abs _section_cstart, $3  }
0xc0: {  	[dreg:$0x1] =	wrdreg $0xFFFFFFFF  }
0xc1: {  	_ =	task.clear_ibuf [dreg:s6], $0x2FFFF;
	_ =	strace $0x9FFFFFFF  }
0xc2: {  	(tm) =	ssettm $0x7FFFFFFF  }
0xc3: {  	_ =	shalt  }
tec
execute0_lowered:
.L_overlay_start_1:
0x0: {  	(tag) =	ssettag $0x1  }
0x1: {  	s0 =	stileid.u32  }
0x2: {  	s1 =	srdreg.scid;
	s4 =	smul.u32 $0xC3500, s0  }
0x3: {  	s5 =	rddreg [dreg:$0x0];
	s7 =	smul.u32 $0xC350, s0  }
0x4: {  	s2 =	rddreg [dreg:$0x1];
	s3 =	simm.s32 $0x0;
	s22 =	smul.u32 $0x18C00, s0  }
0x5: {  	s13 =	simm.s32 $0xC8;
	s6 =	sand.u32 $0x1, s1;
	s26 =	smul.u32 $0x63000, s0  }
0x6: {  	s14 =	simm.s32 $0x0;
	s1 =	rddreg [dreg:$0x2];
	s8 =	smul.u32 $0x61A8, s6  }
0x7: {  	[smem:$0x7FF] =	sst s3;
	s30 =	sshll.u32 s0, $0x6;
	s9 =	smul.u32 $0x18C000, s6  }
0x8: {  	_ =	strace $0x8000004A;
	s25 =	ssub.s32 $0x2, s6;
	s6 =	smul.u32 $0x61A80, s6  }
0x9: {  	s10 =	sadd.s32 s4, s5;
	s4 =	sadd.s32 $0x19F7600, s5;
	s28 =	sshrl.u32 s25, $0x1  }
0xa: {  	s29 =	sshrl.u32 s26, $0x2;
	s7 =	sadd.s32 s8, s7;
	s24 =	sadd.s32 s22, s9  }
0xb: {  	s8 =	ssub.s32 s25, s28;
	s12 =	sadd.s32 s29, s2;
	s31 =	sadd.s32 s6, s10  }
0xc: {  	s23 =	sshrl.u32 s7, $0x3;
	s7 =	sshrl.u32 s24, $0x3;
	s10 =	sshrl.u32 s12, $0x3  }
0xd: {  	s12 =	simm.s32 $0x100;
	s11 =	sadd.s32 s23, s5;
	s7 =	sadd.s32 s7, s5  }
0xe: {  	s5 =	sor.u32 $0x1C01, s30;
	s6 =	sadd.s32 $0x19FA800, s7;
	s7 =	smax.u32 s8, $0x1  }
0xf: {  	s8 =	sadd.s32 $0xDC2600, s31;
	s9 =	sadd.s32 $0x6600, s11;
	s11 =	simm.s32 $0x1  }
.LBB2_1:
0x10: {  	[spmem:s10], [sflag:s5] =	dma.local [hbm:s4], $0x3180  }
0x11: {  	_ =	swait.ge [sflag:s11], $0x3180  }
0x12: {  	[sflag:s11] =	ssyncset.done $0x0  }
0x13: {  	[sflag:s11] =	ssyncadd.s32 $0xFFFFCE80  }
0x14: {  	s15 =	sadd.s32 $0x0, s9;
	[bflag:$0x0] =	sbarrier.arrive $0xFFFF  }
0x15: {  	[tilespmem:s3], [sflag:$0x1] =	stream.linear.gather [hbm4b:s15+s3], $0xC8, $0x38;
	[tilespmem:$0x1F100] =	vst v63  }
0x16: {  	_ =	swait.ge [sflag:s11], $0xC8  }
0x17: {  	[sflag:s11] =	ssyncset.done $0x0  }
0x18: {  	[sflag:s11] =	ssyncadd.s32 $0xFFFFFF38  }
0x19: {  	[tilespmem:s12], [sflag:$0x1] =	stream.linear.gather [hbm4b:s8+s3], $0x6400, $0x38;
	[tilespmem:$0x1F100] =	vst v63  }
0x1a: {  	_ =	swait.ge [sflag:s11], $0x6400  }
0x1b: {  	[sflag:s11] =	ssyncset.done $0x0  }
0x1c: {  	[sflag:s11] =	ssyncadd.s32 $0xFFFF9C00  }
0x1d: {  	[spmem:s2] =	stream.indirect.scatter.add.f32 [tilespmem:s12], [sflag:$0x1], $0x80, s3, s13, $0xb8;
	[tilespmem:$0x1F100] =	vst v63  }
0x1e: {  	s16 =	simm.s32 $0x19;
	_ =	swait.ge [sflag:s11], $0x6400  }
0x1f: {  	s17 =	simm.s32 $0x32;
	s15 =	sadd.s32 $0xC80, s8;
	[sflag:s11] =	ssyncset.done $0x0  }
.LBB2_2:
0x20: {  	s18 =	sadd.s32 s16, s9  }
0x21: {  	[sflag:s11] =	ssyncadd.s32 $0xFFFF9C00;
	s16 =	smov.u32 s17;
	s19 =	sadd.s32 $0x19, s17  }
0x22: {  	[tilespmem:s3], [sflag:$0x1] =	stream.linear.gather [hbm4b:s18+s3], $0xC8, $0x38;
	[tilespmem:$0x1F100] =	vst v63  }
0x23: {  	p0 =	sne.s32 s17, $0xC1C;
	_ =	swait.ge [sflag:s11], $0xC8  }
0x24: {  	[sflag:s11] =	ssyncset.done $0x0  }
0x25: {  	[sflag:s11] =	ssyncadd.s32 $0xFFFFFF38  }
0x26: {  	[tilespmem:s12], [sflag:$0x1] =	stream.linear.gather [hbm4b:s15+s3], $0x6400, $0x38;
	[tilespmem:$0x1F100] =	vst v63  }
0x27: {  	_ =	swait.ge [sflag:s11], $0x6400  }
.Ltmp0:
0x28: {  	[sflag:s11] =	ssyncset.done $0x0;
	(pc) =	sbr.rel @p0 .LBB2_2-.Ltmp0, $4  }
0x29: {  	[sflag:s11] =	ssyncadd.s32 $0xFFFF9C00  }
0x2a: {  	[spmem:s2] =	stream.indirect.scatter.add.f32 [tilespmem:s12], [sflag:$0x1], $0x80, s3, s13, $0xb8;
	[tilespmem:$0x1F100] =	vst v63  }
0x2b: {  	_ =	swait.ge [sflag:s11], $0x6400  }
0x2c: {  	s17 =	smov.u32 s19;
	s15 =	sadd.s32 $0xC80, s15;
	[sflag:s11] =	ssyncset.done $0x0  }
0x2d: {  	s16 =	sadd.s32 s16, s9;
	[sflag:s11] =	ssyncadd.s32 $0xFFFF9C00  }
0x2e: {  	[tilespmem:s3], [sflag:$0x1] =	stream.linear.gather [hbm4b:s16+s3], $0xC8, $0x38;
	[tilespmem:$0x1F100] =	vst v63  }
0x2f: {  	_ =	swait.ge [sflag:s11], $0xC8  }
0x30: {  	[sflag:s11] =	ssyncset.done $0x0  }
0x31: {  	[sflag:s11] =	ssyncadd.s32 $0xFFFFFF38  }
0x32: {  	[tilespmem:s12], [sflag:$0x1] =	stream.linear.gather [hbm4b:s15+s3], $0x6400, $0x38;
	[tilespmem:$0x1F100] =	vst v63  }
0x33: {  	_ =	swait.ge [sflag:s11], $0x6400  }
0x34: {  	[sflag:s11] =	ssyncset.done $0x0  }
0x35: {  	[sflag:s11] =	ssyncadd.s32 $0xFFFF9C00  }
0x36: {  	[spmem:s2] =	stream.indirect.scatter.add.f32 [tilespmem:s12], [sflag:$0x1], $0x80, s3, s13, $0xb8;
	[tilespmem:$0x1F100] =	vst v63  }
0x37: {  	_ =	swait.ge [sflag:s11], $0x6400  }
0x38: {  	s14 =	sadd.s32 $0x1, s14;
	[sflag:s11] =	ssyncset.done $0x0  }
0x39: {  	p0 =	sne.s32 s14, s7;
	[sflag:s11] =	ssyncadd.s32 $0xFFFF9C00  }
.Ltmp1:
0x3a: {  	[bflag:$0x0] =	sbarrier.arrive $0xFFFF;
	(pc) =	sbr.rel @p0 .LBB2_1-.Ltmp1, $4  }
0x3b: {  	[hbm:s6], [sflag:s5] =	dma.local [spmem:s10], $0x3180  }
0x3c: {  	_ =	swait.ge [sflag:s11], $0x3180  }
0x3d: {  	[sflag:s11] =	ssyncset.done $0x0  }
0x3e: {  	[sflag:s11] =	ssyncadd.s32 $0xFFFFCE80  }
0x3f: {  	_ =	sfence.sel $0x180000  }
0x40: {  	[bflag:$0x0] =	sbarrier.arrive $0xFFFF  }
0x41: {  	p0 =	sne.s32 s0, $0x0;
	_ =	strace $0x9000004A  }
0x42: {  	s0 =	sadd.s32 @!p0 $0x100000, s1;
	[bflag:$0x2] =	sbarrier.arrive $0xFFFF  }
0x43: {  	[sflag:s0] =	ssyncadd.tile.s32 @!p0 $0x1;
	_ =	shalt  }
.Lfunc_end2:
_tile_overlayer_lowered:
.L_overlay_start_2:
0x44: {  	(tag) =	ssettag $0x2  }
0x45: {  	s0 =	rddreg [dreg:$0x0];
	s2 =	stileid.u32  }
0x46: {  	s1 =	rddreg [dreg:$0x1];
	p0 =	sne.s32 s2, $0x0  }
0x47: {  	s3 =	rddreg [dreg:$0x2];
	[bflag:$0x3] =	sbarrier.arrive $0xFFFF;
	s2 =	simm.s32 @!p0 $0x1C01  }
0x48: {  	[timem:s3], [sflag:s2] =	dma.local @!p0 [hbm:s0], s1  }
0x49: {  	s0 =	simm.s32 @!p0 $0x1  }
0x4a: {  	_ =	swait.ge @!p0 [sflag:s0], s1  }
0x4b: {  	s1 =	ssub.s32 @!p0 $0x0, s1;
	[sflag:s0] =	ssyncset.done @!p0 $0x0  }
0x4c: {  	[sflag:s0] =	ssyncadd.s32 @!p0 s1  }
0x4d: {  	[bflag:$0x3] =	sbarrier.arrive $0xFFFF  }
0x4e: {  	_ =	shalt  }

// kernel: kernel.28.cloned.1.call-start
scs
__scs_entry_jumppad:
0x0: {  	(pc) =	sbr.rel $0x88, $3  }
0x1: {  	(tag) =	ssettag $0x0;
	lr =	simm.s32 $0x1  }
0x2: {  	[smem:$0x3F91] =	sst lr;
	_ =	strace $0xD0000000  }
0x3: {  	_ = 	snop  }
0x4: {  	_ = 	snop  }
0x5: {  	_ = 	snop  }
0x6: {  	_ = 	snop  }
0x7: {  	_ = 	snop  }
__scs_overlays_trampoline_lowered:
0x8: {  	[smem:$0x3FA0] =	sst s0  }
0x9: {  	[smem:$0x3FA1] =	sst s1  }
0xa: {  	[smem:$0x3FA2] =	sst s2  }
0xb: {  	[smem:$0x3FA3] =	sst s3  }
0xc: {  	[smem:$0x3FA4] =	sst s4  }
0xd: {  	[smem:$0x3FA5] =	sst s5  }
0xe: {  	[smem:$0x3FA6] =	sst s6  }
0xf: {  	[smem:$0x3FA7] =	sst s7  }
0x10: {  	[smem:$0x3FA8] =	sst s8  }
0x11: {  	[smem:$0x3FA9] =	sst s9;
	s0 =	simm.s32 @!p0 $0x0  }
0x12: {  	s1 =	sld [smem:$0x3F8F];
	s0 =	simm.s32 @p0 $0x1  }
0x13: {  	[smem:$0x3FAA] =	sst s0;
	s0 =	simm.s32 @!p1 $0x0  }
0x14: {  	s2 =	sld [smem:$0x3F8E];
	s0 =	simm.s32 @p1 $0x1  }
0x15: {  	[smem:$0x3FAB] =	sst s0;
	s0 =	simm.s32 @!p2 $0x0  }
0x16: {  	s3 =	sld [smem:$0x3FDB];
	s0 =	simm.s32 @p2 $0x1  }
0x17: {  	s4 =	simm.s32 $0x1BF5;
	[smem:$0x3FAD] =	sst s0  }
0x18: {  	s0 =	sld [smem:$0x3F90];
	_ =	swait.ge [sflag:s4], $0x0  }
0x19: {  	s7 =	sld [smem:$0x3F91]  }
0x1a: {  	s8 =	sadd.s32 $0xFFFFE003, lr  }
0x1b: {  	s9 =	sadd.s32 $0xFFFFFEF7, lr;
	s5 =	simm.s32 $0xFFFFFFFF;
	p2 =	slt.u32 s8, $0xFFFFF086  }
0x1c: {  	p1 =	slt.u32 s9, $0xF7A;
	s5 =	simm.s32 @!p2 $0x0  }
0x1d: {  	s5 =	simm.s32 @p1 $0x1;
	p0 =	seq.s32 s7, s2  }
0x1e: {  	s7 =	smul.u32 @!p0 $0xF7A, s2;
	p2 =	seq.s32 @!p0 s5, $0x0  }
0x1f: {  	s9 =	smul.u32 $0xF7A, s1;
	s8 =	simm.s32 @!p0 $0x1BF5;
	p2 =	por !p2, p0  }
0x20: {  	[sflag:s8] =	ssyncset.s32 @!p0 $0xFFFFF086;
	s6 =	sadd.s32 @!p0 s3, s7;
	s7 =	simm.s32 @!p0 $0x108  }
0x21: {  	s3 =	sadd.s32 s3, s9;
	s6 =	sadd.s32 @!p0 $0x88, s6;
	s7 =	simm.s32 @p2 $0x1082  }
0x22: {  	[simem:s7], [sflag:s8] =	dma.local @!p0 [hbm:s6], $0xF7A  }
0x23: {  	s9 =	sor.u32 $0xD0000000, s2;
	s6 =	simm.s32 $0x108;
	_ =	swait.ge @!p0 [sflag:s8], $0x0  }
0x24: {  	s3 =	sadd.s32 $0x88, s3;
	s6 =	simm.s32 @!p1 $0x1082;
	[sflag:s4] =	ssyncset.s32 $0xFFFFF086  }
0x25: {  	[simem:s6], [sflag:s4] =	dma.local [hbm:s3], $0xF7A  }
0x26: {  	[smem:$0x3F91] =	sst s1;
	(tag) =	ssettag s2;
	_ =	strace s9  }
0x27: {  	s1 =	sld [smem:$0x3FA1]  }
0x28: {  	s2 =	sld [smem:$0x3FA2]  }
0x29: {  	s4 =	sld [smem:$0x3FA4]  }
0x2a: {  	p0 =	seq.s32 s5, $0x0;
	s5 =	sld [smem:$0x3FA5]  }
0x2b: {  	s6 =	sld [smem:$0x3FA6]  }
0x2c: {  	s7 =	sld [smem:$0x3FA7]  }
0x2d: {  	s3 =	simm.s32 $0x108;
	s8 =	sld [smem:$0x3FA8]  }
0x2e: {  	s3 =	simm.s32 @!p0 $0x1082;
	s9 =	sld [smem:$0x3FA9]  }
0x2f: {  	lr =	sadd.s32 s0, s3;
	s0 =	sld [smem:$0x3FA0]  }
0x30: {  	s3 =	sld [smem:$0x3FA3]  }
0x31: {  	[smem:$0x3FAC] =	sst s10  }
0x32: {  	s10 =	sld [smem:$0x3FAA];
	_ =	sdelay $0x3  }
0x33: {  	p0 =	seq.s32 s10, $0x1;
	s10 =	sld [smem:$0x3FAC];
	_ =	sdelay $0x3  }
0x34: {  	[smem:$0x3FAC] =	sst s10  }
0x35: {  	s10 =	sld [smem:$0x3FAB];
	_ =	sdelay $0x3  }
0x36: {  	p1 =	seq.s32 s10, $0x1;
	s10 =	sld [smem:$0x3FAC];
	_ =	sdelay $0x3  }
0x37: {  	[smem:$0x3FAC] =	sst s10  }
0x38: {  	s10 =	sld [smem:$0x3FAD]  }
0x39: {  	_ = 	snop;
	(pc) =	sbr.ind lr, $3  }
0x3a: {  	_ = 	snop  }
0x3b: {  	_ = 	snop  }
0x3c: {  	p2 =	seq.s32 s10, $0x1;
	s10 =	sld [smem:$0x3FAC]  }
0x3d: {  	_ =	shalt  }
0x3e: {  	_ =	shalt  }
0x3f: {  	_ =	shalt  }
0x40: {  	_ =	shalt  }
0x41: {  	_ =	shalt  }
0x42: {  	_ =	shalt  }
0x43: {  	_ =	shalt  }
0x44: {  	_ =	shalt  }
0x45: {  	_ =	shalt  }
0x46: {  	_ =	shalt  }
0x47: {  	_ =	shalt  }
0x48: {  	_ =	shalt  }
0x49: {  	_ =	shalt  }
0x4a: {  	_ =	shalt  }
0x4b: {  	_ =	shalt  }
0x4c: {  	_ =	shalt  }
0x4d: {  	_ =	shalt  }
0x4e: {  	_ =	shalt  }
0x4f: {  	_ =	shalt  }
0x50: {  	_ =	shalt  }
0x51: {  	_ =	shalt  }
0x52: {  	_ =	shalt  }
0x53: {  	_ =	shalt  }
0x54: {  	_ =	shalt  }
0x55: {  	_ =	shalt  }
0x56: {  	_ =	shalt  }
0x57: {  	_ =	shalt  }
0x58: {  	_ =	shalt  }
0x59: {  	_ =	shalt  }
0x5a: {  	_ =	shalt  }
0x5b: {  	_ =	shalt  }
0x5c: {  	_ =	shalt  }
0x5d: {  	_ =	shalt  }
0x5e: {  	_ =	shalt  }
0x5f: {  	_ =	shalt  }
0x60: {  	_ =	shalt  }
0x61: {  	_ =	shalt  }
0x62: {  	_ =	shalt  }
0x63: {  	_ =	shalt  }
0x64: {  	_ =	shalt  }
0x65: {  	_ =	shalt  }
0x66: {  	_ =	shalt  }
0x67: {  	_ =	shalt  }
0x68: {  	_ =	shalt  }
0x69: {  	_ =	shalt  }
0x6a: {  	_ =	shalt  }
0x6b: {  	_ =	shalt  }
0x6c: {  	_ =	shalt  }
0x6d: {  	_ =	shalt  }
0x6e: {  	_ =	shalt  }
0x6f: {  	_ =	shalt  }
0x70: {  	_ =	shalt  }
0x71: {  	_ =	shalt  }
0x72: {  	_ =	shalt  }
0x73: {  	_ =	shalt  }
0x74: {  	_ =	shalt  }
0x75: {  	_ =	shalt  }
0x76: {  	_ =	shalt  }
0x77: {  	_ =	shalt  }
0x78: {  	_ =	shalt  }
0x79: {  	_ =	shalt  }
0x7a: {  	_ =	shalt  }
0x7b: {  	_ =	shalt  }
0x7c: {  	_ =	shalt  }
0x7d: {  	_ =	shalt  }
0x7e: {  	_ =	shalt  }
0x7f: {  	_ =	shalt  }
0x80: {  	_ =	shalt  }
0x81: {  	_ =	shalt  }
0x82: {  	_ =	shalt  }
0x83: {  	_ =	shalt  }
0x84: {  	_ =	shalt  }
0x85: {  	_ =	shalt  }
0x86: {  	_ =	shalt  }
0x87: {  	_ =	shalt  }
.Lfunc_end0:
.L_simem_size_0:
called_computation.2_lowered:
.L_overlay_start_0:
0x88: {  	s2 =	sld [smem:$0x3FD9]  }
0x89: {  	s3 =	sld [smem:$0x3FFE];
	_ =	sdelay $0x1  }
0x8a: {  	s1 =	srdreg.scid  }
0x8b: {  	s0 =	sand.u32 $0x1, s1  }
0x8c: {  	s17 =	sshll.u32 s0, $0xA;
	s2 =	sadd.s32 s3, s2  }
0x8d: {  	s2 =	sadd.s32 s2, s17  }
0x8e: {  	[smem:$0x3FB8] =	sst s2  }
0x8f: {  	_ = 	snop  }
0x90: {  	(tm) =	ssettm $0x1  }
0x91: {  	s18 =	sld [smem:$0x3FFB];
	_ =	sdelay $0x3  }
0x92: {  	_ =	strace s18  }
0x93: {  	s2 =	sld [smem:$0x3FFC];
	_ =	sdelay $0x3  }
0x94: {  	_ =	strace s2  }
0x95: {  	s2 =	sld [smem:$0x3FFD];
	_ =	sdelay $0x3  }
0x96: {  	_ =	strace s2  }
0x97: {  	_ =	strace $0x8FFFFFFF  }
0x98: {  	s19 =	sld [smem:$0x3FDB];
	_ =	sdelay $0x1  }
0x99: {  	s20 =	simm.s32 $_scs_section_size  }
0x9a: {  	s4 =	simm.s32 $_size__tile_overlayer_lowered;
	s5 =	simm.s32 $_tile_overlayer_lowered  }
0x9b: {  	s6 =	simm.s32 $0x1BFF;
	s21 =	sshll.u32 s5, $0x1;
	s3 =	sadd.s32 s20, s19  }
0x9c: {  	s22 =	simm.s32 $0x0;
	s4 =	sshll.u32 s4, $0x1;
	s5 =	sadd.s32 s21, s3  }
0x9d: {  	[timem:s22], [sflag:s6] =	dma.local [hbm:s5], s4  }
0x9e: {  	_ =	swait.ge [sflag:s6], s4  }
0x9f: {  	s4 =	ssub.s32 $0x0, s4;
	[sflag:s6] =	ssyncset.done $0x0  }
0xa0: {  	[sflag:s6] =	ssyncadd.s32 s4;
	_ =	sdelay $0x1  }
0xa1: {  	s23 =	simm.s32 $0x1B8B  }
0xa2: {  	_ =	swait.ge [sflag:s23], $0x1  }
0xa3: {  	[sflag:s23] =	ssyncset.done $0x0  }
0xa4: {  	[sflag:s23] =	ssyncadd.s32 $0xFFFFFFFF  }
0xa5: {  	s4 =	sld [smem:$0x0]  }
0xa6: {  	s5 =	sand.u32 $0xFFFFFFFE, s1  }
0xa7: {  	p0 =	sne.s32 s1, s5  }
0xa8: {  	s5 =	sshll.u32 @p0 s5, $0xE  }
0xa9: {  	s5 =	sadd.s32 @p0 $0x11B8D, s5;
	s6 =	sshll.u32 @p0 s4, $0x11  }
0xaa: {  	s5 =	sor.u32 @p0 s6, s5  }
0xab: {  	[sflag:s5] =	ssyncadd.remote.s32 @p0 $0x1;
	_ =	sdelay $0x1  }
0xac: {  	s5 =	simm.s32 @p0 $0x1B8D  }
0xad: {  	_ =	swait.eq @p0 [sflag:s5], $0x1  }
0xae: {  	[sflag:s5] =	ssyncadd.s32 @p0 $0xFFFFFFFF  }
0xaf: {  	s6 =	sshll.u32 @!p0 s1, $0xE  }
0xb0: {  	s6 =	sor.u32 @!p0 $0x4000, s6;
	s5 =	simm.s32 @!p0 $0x1B8D  }
0xb1: {  	s4 =	sshll.u32 @!p0 s4, $0x11;
	s6 =	sadd.s32 @!p0 $0x11B8D, s6;
	_ =	swait.eq @!p0 [sflag:s5], $0x1  }
0xb2: {  	s4 =	sor.u32 @!p0 s4, s6;
	[sflag:s5] =	ssyncadd.s32 @!p0 $0xFFFFFFFF  }
0xb3: {  	s25 =	simm.s32 $0x1B8E;
	s24 =	sld [smem:$0x3FFE];
	[sflag:s4] =	ssyncadd.remote.s32 @!p0 $0x1  }
0xb4: {  	s26 =	simm.s32 $execute0_lowered;
	[smem:$0x3FD2] =	sst s25  }
0xb5: {  	s5 =	sshll.u32 s26, $0x1;
	_ =	strace $0x8000004C;
	[dreg:$0x1] =	wrdreg $0xFFFFFFFF  }
0xb6: {  	s28 =	simm.s32 $_size_execute0_lowered;
	s3 =	sadd.s32 s3, s5;
	[dreg:$0x0] =	wrdreg $0x0  }
0xb7: {  	s5 =	sshll.u32 s28, $0x1;
	[dreg:$0x2] =	wrdreg s3  }
0xb8: {  	[dreg:$0x3] =	wrdreg s5  }
0xb9: {  	[dreg:$0x4] =	wrdreg $0xC0  }
0xba: {  	_ =	task [dreg:s22], $0x5FFFF  }
0xbb: {  	[dreg:$0x1] =	wrdreg $0xFFFFFFFF  }
0xbc: {  	[dreg:$0x0] =	wrdreg $0x60  }
0xbd: {  	[dreg:$0x2] =	wrdreg s24  }
0xbe: {  	[dreg:$0x3] =	wrdreg $0x65000  }
0xbf: {  	[dreg:$0x4] =	wrdreg $0xA  }
0xc0: {  	_ =	task.clear_ibuf [dreg:s22], $0x5FFFF;
	_ =	strace $0x9000004C  }
0xc1: {  	s29 =	simm.s32 $0xA;
	_ =	strace $0x8000004E  }
0xc2: {  	_ =	swait.ge [sflag:s29], $0x1  }
0xc3: {  	[sflag:s29] =	ssyncadd.s32 $0xFFFFFFFF  }
0xc4: {  	_ =	strace $0x9000004E  }
0xc5: {  	_ =	sfence  }
0xc6: {  	s30 =	sld [smem:$0x0];
	_ =	sdelay $0x2  }
0xc7: {  	s31 =	sshll.u32 s1, $0xD;
	s1 =	sshrl.u32 s1, $0x2  }
0xc8: {  	s4 =	sand.u32 $0x4000, s31;
	s1 =	sadd.s32 s1, s30  }
0xc9: {  	s0 =	sor.u32 s4, s0;
	s1 =	sshll.u32 s1, $0x11  }
0xca: {  	s0 =	sor.u32 s1, s0  }
0xcb: {  	s0 =	sadd.s32 $0x8F2B, s0  }
0xcc: {  	[sflag:s0] =	ssyncadd.remote.s32 $0x1  }
0xcd: {  	_ =	sfence.sel $0xFFFF  }
0xce: {  	[dreg:$0x0] =	wrdreg $0xFFFFFFFF;
	(pc) =	sbr.abs _section_cstart, $3  }
0xcf: {  	[dreg:$0x1] =	wrdreg $0xFFFFFFFF  }
0xd0: {  	_ =	task.clear_ibuf [dreg:s22], $0x2FFFF;
	_ =	strace $0x9FFFFFFF  }
0xd1: {  	(tm) =	ssettm $0x7FFFFFFF  }
tec
execute0_lowered:
.L_overlay_start_1:
0x0: {  	(tag) =	ssettag $0x1  }
0x1: {  	s0 =	stileid.u32  }
0x2: {  	s1 =	srdreg.scid;
	s4 =	smul.u32 $0xC3500, s0  }
0x3: {  	s5 =	rddreg [dreg:$0x0];
	s7 =	smul.u32 $0xC350, s0  }
0x4: {  	s2 =	rddreg [dreg:$0x1];
	s3 =	simm.s32 $0x0;
	s22 =	smul.u32 $0x18C00, s0  }
0x5: {  	s13 =	simm.s32 $0xC8;
	s6 =	sand.u32 $0x1, s1;
	s26 =	smul.u32 $0x63000, s0  }
0x6: {  	s14 =	simm.s32 $0x0;
	s1 =	rddreg [dreg:$0x2];
	s8 =	smul.u32 $0x61A8, s6  }
0x7: {  	[smem:$0x7FF] =	sst s3;
	s30 =	sshll.u32 s0, $0x6;
	s9 =	smul.u32 $0x18C000, s6  }
0x8: {  	_ =	strace $0x8000004D;
	s25 =	ssub.s32 $0x2, s6;
	s6 =	smul.u32 $0x61A80, s6  }
0x9: {  	s10 =	sadd.s32 s4, s5;
	s4 =	sadd.s32 $0x19F7600, s5;
	s28 =	sshrl.u32 s25, $0x1  }
0xa: {  	s29 =	sshrl.u32 s26, $0x2;
	s7 =	sadd.s32 s8, s7;
	s24 =	sadd.s32 s22, s9  }
0xb: {  	s8 =	ssub.s32 s25, s28;
	s12 =	sadd.s32 s29, s2;
	s31 =	sadd.s32 s6, s10  }
0xc: {  	s23 =	sshrl.u32 s7, $0x3;
	s7 =	sshrl.u32 s24, $0x3;
	s10 =	sshrl.u32 s12, $0x3  }
0xd: {  	s12 =	simm.s32 $0x100;
	s11 =	sadd.s32 s23, s5;
	s7 =	sadd.s32 s7, s5  }
0xe: {  	s5 =	sor.u32 $0x1C01, s30;
	s6 =	sadd.s32 $0x1A5D800, s7;
	s7 =	smax.u32 s8, $0x1  }
0xf: {  	s8 =	sadd.s32 $0xDC2600, s31;
	s9 =	sadd.s32 $0x1EE00, s11;
	s11 =	simm.s32 $0x1  }
.LBB2_1:
0x10: {  	[spmem:s10], [sflag:s5] =	dma.local [hbm:s4], $0x3180  }
0x11: {  	_ =	swait.ge [sflag:s11], $0x3180  }
0x12: {  	[sflag:s11] =	ssyncset.done $0x0  }
0x13: {  	[sflag:s11] =	ssyncadd.s32 $0xFFFFCE80  }
0x14: {  	s15 =	sadd.s32 $0x0, s9;
	[bflag:$0x0] =	sbarrier.arrive $0xFFFF  }
0x15: {  	[tilespmem:s3], [sflag:$0x1] =	stream.linear.gather [hbm4b:s15+s3], $0xC8, $0x38;
	[tilespmem:$0x1F100] =	vst v63  }
0x16: {  	_ =	swait.ge [sflag:s11], $0xC8  }
0x17: {  	[sflag:s11] =	ssyncset.done $0x0  }
0x18: {  	[sflag:s11] =	ssyncadd.s32 $0xFFFFFF38  }
0x19: {  	[tilespmem:s12], [sflag:$0x1] =	stream.linear.gather [hbm4b:s8+s3], $0x6400, $0x38;
	[tilespmem:$0x1F100] =	vst v63  }
0x1a: {  	_ =	swait.ge [sflag:s11], $0x6400  }
0x1b: {  	[sflag:s11] =	ssyncset.done $0x0  }
0x1c: {  	[sflag:s11] =	ssyncadd.s32 $0xFFFF9C00  }
0x1d: {  	[spmem:s2] =	stream.indirect.scatter.add.f32 [tilespmem:s12], [sflag:$0x1], $0x80, s3, s13, $0xb8;
	[tilespmem:$0x1F100] =	vst v63  }
0x1e: {  	s16 =	simm.s32 $0x19;
	_ =	swait.ge [sflag:s11], $0x6400  }
0x1f: {  	s17 =	simm.s32 $0x32;
	s15 =	sadd.s32 $0xC80, s8;
	[sflag:s11] =	ssyncset.done $0x0  }
.LBB2_2:
0x20: {  	s18 =	sadd.s32 s16, s9  }
0x21: {  	[sflag:s11] =	ssyncadd.s32 $0xFFFF9C00;
	s16 =	smov.u32 s17;
	s19 =	sadd.s32 $0x19, s17  }
0x22: {  	[tilespmem:s3], [sflag:$0x1] =	stream.linear.gather [hbm4b:s18+s3], $0xC8, $0x38;
	[tilespmem:$0x1F100] =	vst v63  }
0x23: {  	p0 =	sne.s32 s17, $0xC1C;
	_ =	swait.ge [sflag:s11], $0xC8  }
0x24: {  	[sflag:s11] =	ssyncset.done $0x0  }
0x25: {  	[sflag:s11] =	ssyncadd.s32 $0xFFFFFF38  }
0x26: {  	[tilespmem:s12], [sflag:$0x1] =	stream.linear.gather [hbm4b:s15+s3], $0x6400, $0x38;
	[tilespmem:$0x1F100] =	vst v63  }
0x27: {  	_ =	swait.ge [sflag:s11], $0x6400  }
.Ltmp0:
0x28: {  	[sflag:s11] =	ssyncset.done $0x0;
	(pc) =	sbr.rel @p0 .LBB2_2-.Ltmp0, $4  }
0x29: {  	[sflag:s11] =	ssyncadd.s32 $0xFFFF9C00  }
0x2a: {  	[spmem:s2] =	stream.indirect.scatter.add.f32 [tilespmem:s12], [sflag:$0x1], $0x80, s3, s13, $0xb8;
	[tilespmem:$0x1F100] =	vst v63  }
0x2b: {  	_ =	swait.ge [sflag:s11], $0x6400  }
0x2c: {  	s17 =	smov.u32 s19;
	s15 =	sadd.s32 $0xC80, s15;
	[sflag:s11] =	ssyncset.done $0x0  }
0x2d: {  	s16 =	sadd.s32 s16, s9;
	[sflag:s11] =	ssyncadd.s32 $0xFFFF9C00  }
0x2e: {  	[tilespmem:s3], [sflag:$0x1] =	stream.linear.gather [hbm4b:s16+s3], $0xC8, $0x38;
	[tilespmem:$0x1F100] =	vst v63  }
0x2f: {  	_ =	swait.ge [sflag:s11], $0xC8  }
0x30: {  	[sflag:s11] =	ssyncset.done $0x0  }
0x31: {  	[sflag:s11] =	ssyncadd.s32 $0xFFFFFF38  }
0x32: {  	[tilespmem:s12], [sflag:$0x1] =	stream.linear.gather [hbm4b:s15+s3], $0x6400, $0x38;
	[tilespmem:$0x1F100] =	vst v63  }
0x33: {  	_ =	swait.ge [sflag:s11], $0x6400  }
0x34: {  	[sflag:s11] =	ssyncset.done $0x0  }
0x35: {  	[sflag:s11] =	ssyncadd.s32 $0xFFFF9C00  }
0x36: {  	[spmem:s2] =	stream.indirect.scatter.add.f32 [tilespmem:s12], [sflag:$0x1], $0x80, s3, s13, $0xb8;
	[tilespmem:$0x1F100] =	vst v63  }
0x37: {  	_ =	swait.ge [sflag:s11], $0x6400  }
0x38: {  	s14 =	sadd.s32 $0x1, s14;
	[sflag:s11] =	ssyncset.done $0x0  }
0x39: {  	p0 =	sne.s32 s14, s7;
	[sflag:s11] =	ssyncadd.s32 $0xFFFF9C00  }
.Ltmp1:
0x3a: {  	[bflag:$0x0] =	sbarrier.arrive $0xFFFF;
	(pc) =	sbr.rel @p0 .LBB2_1-.Ltmp1, $4  }
0x3b: {  	[hbm:s6], [sflag:s5] =	dma.local [spmem:s10], $0x3180  }
0x3c: {  	_ =	swait.ge [sflag:s11], $0x3180  }
0x3d: {  	[sflag:s11] =	ssyncset.done $0x0  }
0x3e: {  	[sflag:s11] =	ssyncadd.s32 $0xFFFFCE80  }
0x3f: {  	_ =	sfence.sel $0x180000  }
0x40: {  	[bflag:$0x0] =	sbarrier.arrive $0xFFFF  }
0x41: {  	p0 =	sne.s32 s0, $0x0;
	_ =	strace $0x9000004D  }
0x42: {  	s0 =	sadd.s32 @!p0 $0x100000, s1;
	[bflag:$0x2] =	sbarrier.arrive $0xFFFF  }
0x43: {  	[sflag:s0] =	ssyncadd.tile.s32 @!p0 $0x1;
	_ =	shalt  }
.Lfunc_end2:
_tile_overlayer_lowered:
.L_overlay_start_2:
0x44: {  	(tag) =	ssettag $0x2  }
0x45: {  	s0 =	rddreg [dreg:$0x0];
	s2 =	stileid.u32  }
0x46: {  	s1 =	rddreg [dreg:$0x1];
	p0 =	sne.s32 s2, $0x0  }
0x47: {  	s3 =	rddreg [dreg:$0x2];
	[bflag:$0x3] =	sbarrier.arrive $0xFFFF;
	s2 =	simm.s32 @!p0 $0x1C01  }
0x48: {  	[timem:s3], [sflag:s2] =	dma.local @!p0 [hbm:s0], s1  }
0x49: {  	s0 =	simm.s32 @!p0 $0x1  }
0x4a: {  	_ =	swait.ge @!p0 [sflag:s0], s1  }
0x4b: {  	s1 =	ssub.s32 @!p0 $0x0, s1;
	[sflag:s0] =	ssyncset.done @!p0 $0x0  }
0x4c: {  	[sflag:s0] =	ssyncadd.s32 @!p0 s1  }
0x4d: {  	[bflag:$0x3] =	sbarrier.arrive $0xFFFF  }
0x4e: {  	_ =	shalt  }

// kernel: kernel.31.cloned.1.call-start
scs
__scs_entry_jumppad:
0x0: {  	(pc) =	sbr.rel $0x88, $3  }
0x1: {  	(tag) =	ssettag $0x0;
	lr =	simm.s32 $0x1  }
0x2: {  	[smem:$0x3F91] =	sst lr;
	_ =	strace $0xD0000000  }
0x3: {  	_ = 	snop  }
0x4: {  	_ = 	snop  }
0x5: {  	_ = 	snop  }
0x6: {  	_ = 	snop  }
0x7: {  	_ = 	snop  }
__scs_overlays_trampoline_lowered:
0x8: {  	[smem:$0x3FA0] =	sst s0  }
0x9: {  	[smem:$0x3FA1] =	sst s1  }
0xa: {  	[smem:$0x3FA2] =	sst s2  }
0xb: {  	[smem:$0x3FA3] =	sst s3  }
0xc: {  	[smem:$0x3FA4] =	sst s4  }
0xd: {  	[smem:$0x3FA5] =	sst s5  }
0xe: {  	[smem:$0x3FA6] =	sst s6  }
0xf: {  	[smem:$0x3FA7] =	sst s7  }
0x10: {  	[smem:$0x3FA8] =	sst s8  }
0x11: {  	[smem:$0x3FA9] =	sst s9;
	s0 =	simm.s32 @!p0 $0x0  }
0x12: {  	s1 =	sld [smem:$0x3F8F];
	s0 =	simm.s32 @p0 $0x1  }
0x13: {  	[smem:$0x3FAA] =	sst s0;
	s0 =	simm.s32 @!p1 $0x0  }
0x14: {  	s2 =	sld [smem:$0x3F8E];
	s0 =	simm.s32 @p1 $0x1  }
0x15: {  	[smem:$0x3FAB] =	sst s0;
	s0 =	simm.s32 @!p2 $0x0  }
0x16: {  	s3 =	sld [smem:$0x3FDB];
	s0 =	simm.s32 @p2 $0x1  }
0x17: {  	s4 =	simm.s32 $0x1BF5;
	[smem:$0x3FAD] =	sst s0  }
0x18: {  	s0 =	sld [smem:$0x3F90];
	_ =	swait.ge [sflag:s4], $0x0  }
0x19: {  	s7 =	sld [smem:$0x3F91]  }
0x1a: {  	s8 =	sadd.s32 $0xFFFFE003, lr  }
0x1b: {  	s9 =	sadd.s32 $0xFFFFFEF7, lr;
	s5 =	simm.s32 $0xFFFFFFFF;
	p2 =	slt.u32 s8, $0xFFFFF086  }
0x1c: {  	p1 =	slt.u32 s9, $0xF7A;
	s5 =	simm.s32 @!p2 $0x0  }
0x1d: {  	s5 =	simm.s32 @p1 $0x1;
	p0 =	seq.s32 s7, s2  }
0x1e: {  	s7 =	smul.u32 @!p0 $0xF7A, s2;
	p2 =	seq.s32 @!p0 s5, $0x0  }
0x1f: {  	s9 =	smul.u32 $0xF7A, s1;
	s8 =	simm.s32 @!p0 $0x1BF5;
	p2 =	por !p2, p0  }
0x20: {  	[sflag:s8] =	ssyncset.s32 @!p0 $0xFFFFF086;
	s6 =	sadd.s32 @!p0 s3, s7;
	s7 =	simm.s32 @!p0 $0x108  }
0x21: {  	s3 =	sadd.s32 s3, s9;
	s6 =	sadd.s32 @!p0 $0x88, s6;
	s7 =	simm.s32 @p2 $0x1082  }
0x22: {  	[simem:s7], [sflag:s8] =	dma.local @!p0 [hbm:s6], $0xF7A  }
0x23: {  	s9 =	sor.u32 $0xD0000000, s2;
	s6 =	simm.s32 $0x108;
	_ =	swait.ge @!p0 [sflag:s8], $0x0  }
0x24: {  	s3 =	sadd.s32 $0x88, s3;
	s6 =	simm.s32 @!p1 $0x1082;
	[sflag:s4] =	ssyncset.s32 $0xFFFFF086  }
0x25: {  	[simem:s6], [sflag:s4] =	dma.local [hbm:s3], $0xF7A  }
0x26: {  	[smem:$0x3F91] =	sst s1;
	(tag) =	ssettag s2;
	_ =	strace s9  }
0x27: {  	s1 =	sld [smem:$0x3FA1]  }
0x28: {  	s2 =	sld [smem:$0x3FA2]  }
0x29: {  	s4 =	sld [smem:$0x3FA4]  }
0x2a: {  	p0 =	seq.s32 s5, $0x0;
	s5 =	sld [smem:$0x3FA5]  }
0x2b: {  	s6 =	sld [smem:$0x3FA6]  }
0x2c: {  	s7 =	sld [smem:$0x3FA7]  }
0x2d: {  	s3 =	simm.s32 $0x108;
	s8 =	sld [smem:$0x3FA8]  }
0x2e: {  	s3 =	simm.s32 @!p0 $0x1082;
	s9 =	sld [smem:$0x3FA9]  }
0x2f: {  	lr =	sadd.s32 s0, s3;
	s0 =	sld [smem:$0x3FA0]  }
0x30: {  	s3 =	sld [smem:$0x3FA3]  }
0x31: {  	[smem:$0x3FAC] =	sst s10  }
0x32: {  	s10 =	sld [smem:$0x3FAA];
	_ =	sdelay $0x3  }
0x33: {  	p0 =	seq.s32 s10, $0x1;
	s10 =	sld [smem:$0x3FAC];
	_ =	sdelay $0x3  }
0x34: {  	[smem:$0x3FAC] =	sst s10  }
0x35: {  	s10 =	sld [smem:$0x3FAB];
	_ =	sdelay $0x3  }
0x36: {  	p1 =	seq.s32 s10, $0x1;
	s10 =	sld [smem:$0x3FAC];
	_ =	sdelay $0x3  }
0x37: {  	[smem:$0x3FAC] =	sst s10  }
0x38: {  	s10 =	sld [smem:$0x3FAD]  }
0x39: {  	_ = 	snop;
	(pc) =	sbr.ind lr, $3  }
0x3a: {  	_ = 	snop  }
0x3b: {  	_ = 	snop  }
0x3c: {  	p2 =	seq.s32 s10, $0x1;
	s10 =	sld [smem:$0x3FAC]  }
0x3d: {  	_ =	shalt  }
0x3e: {  	_ =	shalt  }
0x3f: {  	_ =	shalt  }
0x40: {  	_ =	shalt  }
0x41: {  	_ =	shalt  }
0x42: {  	_ =	shalt  }
0x43: {  	_ =	shalt  }
0x44: {  	_ =	shalt  }
0x45: {  	_ =	shalt  }
0x46: {  	_ =	shalt  }
0x47: {  	_ =	shalt  }
0x48: {  	_ =	shalt  }
0x49: {  	_ =	shalt  }
0x4a: {  	_ =	shalt  }
0x4b: {  	_ =	shalt  }
0x4c: {  	_ =	shalt  }
0x4d: {  	_ =	shalt  }
0x4e: {  	_ =	shalt  }
0x4f: {  	_ =	shalt  }
0x50: {  	_ =	shalt  }
0x51: {  	_ =	shalt  }
0x52: {  	_ =	shalt  }
0x53: {  	_ =	shalt  }
0x54: {  	_ =	shalt  }
0x55: {  	_ =	shalt  }
0x56: {  	_ =	shalt  }
0x57: {  	_ =	shalt  }
0x58: {  	_ =	shalt  }
0x59: {  	_ =	shalt  }
0x5a: {  	_ =	shalt  }
0x5b: {  	_ =	shalt  }
0x5c: {  	_ =	shalt  }
0x5d: {  	_ =	shalt  }
0x5e: {  	_ =	shalt  }
0x5f: {  	_ =	shalt  }
0x60: {  	_ =	shalt  }
0x61: {  	_ =	shalt  }
0x62: {  	_ =	shalt  }
0x63: {  	_ =	shalt  }
0x64: {  	_ =	shalt  }
0x65: {  	_ =	shalt  }
0x66: {  	_ =	shalt  }
0x67: {  	_ =	shalt  }
0x68: {  	_ =	shalt  }
0x69: {  	_ =	shalt  }
0x6a: {  	_ =	shalt  }
0x6b: {  	_ =	shalt  }
0x6c: {  	_ =	shalt  }
0x6d: {  	_ =	shalt  }
0x6e: {  	_ =	shalt  }
0x6f: {  	_ =	shalt  }
0x70: {  	_ =	shalt  }
0x71: {  	_ =	shalt  }
0x72: {  	_ =	shalt  }
0x73: {  	_ =	shalt  }
0x74: {  	_ =	shalt  }
0x75: {  	_ =	shalt  }
0x76: {  	_ =	shalt  }
0x77: {  	_ =	shalt  }
0x78: {  	_ =	shalt  }
0x79: {  	_ =	shalt  }
0x7a: {  	_ =	shalt  }
0x7b: {  	_ =	shalt  }
0x7c: {  	_ =	shalt  }
0x7d: {  	_ =	shalt  }
0x7e: {  	_ =	shalt  }
0x7f: {  	_ =	shalt  }
0x80: {  	_ =	shalt  }
0x81: {  	_ =	shalt  }
0x82: {  	_ =	shalt  }
0x83: {  	_ =	shalt  }
0x84: {  	_ =	shalt  }
0x85: {  	_ =	shalt  }
0x86: {  	_ =	shalt  }
0x87: {  	_ =	shalt  }
.Lfunc_end0:
.L_simem_size_0:
called_computation.3_lowered:
.L_overlay_start_0:
0x88: {  	s2 =	sld [smem:$0x3FD9]  }
0x89: {  	s3 =	sld [smem:$0x3FFE];
	_ =	sdelay $0x1  }
0x8a: {  	s1 =	srdreg.scid  }
0x8b: {  	s0 =	sand.u32 $0x1, s1  }
0x8c: {  	s17 =	sshll.u32 s0, $0xA;
	s2 =	sadd.s32 s3, s2  }
0x8d: {  	s2 =	sadd.s32 s2, s17  }
0x8e: {  	[smem:$0x3FB8] =	sst s2  }
0x8f: {  	_ = 	snop  }
0x90: {  	(tm) =	ssettm $0x1  }
0x91: {  	s18 =	sld [smem:$0x3FFB];
	_ =	sdelay $0x3  }
0x92: {  	_ =	strace s18  }
0x93: {  	s2 =	sld [smem:$0x3FFC];
	_ =	sdelay $0x3  }
0x94: {  	_ =	strace s2  }
0x95: {  	s2 =	sld [smem:$0x3FFD];
	_ =	sdelay $0x3  }
0x96: {  	_ =	strace s2  }
0x97: {  	_ =	strace $0x8FFFFFFF  }
0x98: {  	s19 =	sld [smem:$0x3FDB];
	_ =	sdelay $0x1  }
0x99: {  	s20 =	simm.s32 $_scs_section_size  }
0x9a: {  	s4 =	simm.s32 $_size__tile_overlayer_lowered;
	s5 =	simm.s32 $_tile_overlayer_lowered  }
0x9b: {  	s6 =	simm.s32 $0x1BFF;
	s21 =	sshll.u32 s5, $0x1;
	s3 =	sadd.s32 s20, s19  }
0x9c: {  	s22 =	simm.s32 $0x0;
	s4 =	sshll.u32 s4, $0x1;
	s5 =	sadd.s32 s21, s3  }
0x9d: {  	[timem:s22], [sflag:s6] =	dma.local [hbm:s5], s4  }
0x9e: {  	_ =	swait.ge [sflag:s6], s4  }
0x9f: {  	s4 =	ssub.s32 $0x0, s4;
	[sflag:s6] =	ssyncset.done $0x0  }
0xa0: {  	[sflag:s6] =	ssyncadd.s32 s4;
	_ =	sdelay $0x1  }
0xa1: {  	s23 =	simm.s32 $0x1B8B  }
0xa2: {  	_ =	swait.ge [sflag:s23], $0x1  }
0xa3: {  	[sflag:s23] =	ssyncset.done $0x0  }
0xa4: {  	[sflag:s23] =	ssyncadd.s32 $0xFFFFFFFF  }
0xa5: {  	s4 =	sld [smem:$0x0]  }
0xa6: {  	s5 =	sand.u32 $0xFFFFFFFE, s1  }
0xa7: {  	p0 =	sne.s32 s1, s5  }
0xa8: {  	s5 =	sshll.u32 @p0 s5, $0xE  }
0xa9: {  	s5 =	sadd.s32 @p0 $0x11B8D, s5;
	s6 =	sshll.u32 @p0 s4, $0x11  }
0xaa: {  	s5 =	sor.u32 @p0 s6, s5  }
0xab: {  	[sflag:s5] =	ssyncadd.remote.s32 @p0 $0x1;
	_ =	sdelay $0x1  }
0xac: {  	s5 =	simm.s32 @p0 $0x1B8D  }
0xad: {  	_ =	swait.eq @p0 [sflag:s5], $0x1  }
0xae: {  	[sflag:s5] =	ssyncadd.s32 @p0 $0xFFFFFFFF  }
0xaf: {  	s6 =	sshll.u32 @!p0 s1, $0xE  }
0xb0: {  	s6 =	sor.u32 @!p0 $0x4000, s6;
	s5 =	simm.s32 @!p0 $0x1B8D  }
0xb1: {  	s4 =	sshll.u32 @!p0 s4, $0x11;
	s6 =	sadd.s32 @!p0 $0x11B8D, s6;
	_ =	swait.eq @!p0 [sflag:s5], $0x1  }
0xb2: {  	s4 =	sor.u32 @!p0 s4, s6;
	[sflag:s5] =	ssyncadd.s32 @!p0 $0xFFFFFFFF  }
0xb3: {  	s25 =	simm.s32 $0x1B8E;
	s24 =	sld [smem:$0x3FFE];
	[sflag:s4] =	ssyncadd.remote.s32 @!p0 $0x1  }
0xb4: {  	s26 =	simm.s32 $execute0_lowered;
	[smem:$0x3FD2] =	sst s25  }
0xb5: {  	s5 =	sshll.u32 s26, $0x1;
	_ =	strace $0x8000004F;
	[dreg:$0x1] =	wrdreg $0xFFFFFFFF  }
0xb6: {  	s28 =	simm.s32 $_size_execute0_lowered;
	s3 =	sadd.s32 s3, s5;
	[dreg:$0x0] =	wrdreg $0x0  }
0xb7: {  	s5 =	sshll.u32 s28, $0x1;
	[dreg:$0x2] =	wrdreg s3  }
0xb8: {  	[dreg:$0x3] =	wrdreg s5  }
0xb9: {  	[dreg:$0x4] =	wrdreg $0xC0  }
0xba: {  	_ =	task [dreg:s22], $0x5FFFF  }
0xbb: {  	[dreg:$0x1] =	wrdreg $0xFFFFFFFF  }
0xbc: {  	[dreg:$0x0] =	wrdreg $0x60  }
0xbd: {  	[dreg:$0x2] =	wrdreg s24  }
0xbe: {  	[dreg:$0x3] =	wrdreg $0x65000  }
0xbf: {  	[dreg:$0x4] =	wrdreg $0xB  }
0xc0: {  	_ =	task.clear_ibuf [dreg:s22], $0x5FFFF;
	_ =	strace $0x9000004F  }
0xc1: {  	s29 =	simm.s32 $0xB;
	_ =	strace $0x80000051  }
0xc2: {  	_ =	swait.ge [sflag:s29], $0x1  }
0xc3: {  	[sflag:s29] =	ssyncadd.s32 $0xFFFFFFFF  }
0xc4: {  	_ =	strace $0x90000051  }
0xc5: {  	_ =	sfence  }
0xc6: {  	s30 =	sld [smem:$0x0];
	_ =	sdelay $0x2  }
0xc7: {  	s31 =	sshll.u32 s1, $0xD;
	s1 =	sshrl.u32 s1, $0x2  }
0xc8: {  	s4 =	sand.u32 $0x4000, s31;
	s1 =	sadd.s32 s1, s30  }
0xc9: {  	s0 =	sor.u32 s4, s0;
	s1 =	sshll.u32 s1, $0x11  }
0xca: {  	s0 =	sor.u32 s1, s0  }
0xcb: {  	s0 =	sadd.s32 $0x8F2B, s0  }
0xcc: {  	[sflag:s0] =	ssyncadd.remote.s32 $0x1  }
0xcd: {  	_ =	sfence.sel $0xFFFF  }
0xce: {  	[dreg:$0x0] =	wrdreg $0xFFFFFFFF;
	(pc) =	sbr.abs _section_cstart, $3  }
0xcf: {  	[dreg:$0x1] =	wrdreg $0xFFFFFFFF  }
0xd0: {  	_ =	task.clear_ibuf [dreg:s22], $0x2FFFF;
	_ =	strace $0x9FFFFFFF  }
0xd1: {  	(tm) =	ssettm $0x7FFFFFFF  }
tec
execute0_lowered:
.L_overlay_start_1:
0x0: {  	(tag) =	ssettag $0x1  }
0x1: {  	s0 =	stileid.u32  }
0x2: {  	s1 =	srdreg.scid;
	s4 =	smul.u32 $0xC3500, s0  }
0x3: {  	s5 =	rddreg [dreg:$0x0];
	s7 =	smul.u32 $0xC350, s0  }
0x4: {  	s2 =	rddreg [dreg:$0x1];
	s3 =	simm.s32 $0x0;
	s22 =	smul.u32 $0x18C00, s0  }
0x5: {  	s13 =	simm.s32 $0xC8;
	s6 =	sand.u32 $0x1, s1;
	s26 =	smul.u32 $0x63000, s0  }
0x6: {  	s14 =	simm.s32 $0x0;
	s1 =	rddreg [dreg:$0x2];
	s8 =	smul.u32 $0x61A8, s6  }
0x7: {  	[smem:$0x7FF] =	sst s3;
	s30 =	sshll.u32 s0, $0x6;
	s9 =	smul.u32 $0x18C000, s6  }
0x8: {  	_ =	strace $0x80000050;
	s25 =	ssub.s32 $0x2, s6;
	s6 =	smul.u32 $0x61A80, s6  }
0x9: {  	s10 =	sadd.s32 s4, s5;
	s4 =	sadd.s32 $0x19F7600, s5;
	s28 =	sshrl.u32 s25, $0x1  }
0xa: {  	s29 =	sshrl.u32 s26, $0x2;
	s7 =	sadd.s32 s8, s7;
	s24 =	sadd.s32 s22, s9  }
0xb: {  	s8 =	ssub.s32 s25, s28;
	s12 =	sadd.s32 s29, s2;
	s31 =	sadd.s32 s6, s10  }
0xc: {  	s23 =	sshrl.u32 s7, $0x3;
	s7 =	sshrl.u32 s24, $0x3;
	s10 =	sshrl.u32 s12, $0x3  }
0xd: {  	s12 =	simm.s32 $0x100;
	s11 =	sadd.s32 s23, s5;
	s7 =	sadd.s32 s7, s5  }
0xe: {  	s5 =	sor.u32 $0x1C01, s30;
	s6 =	sadd.s32 $0x1AC0800, s7;
	s7 =	smax.u32 s8, $0x1  }
0xf: {  	s8 =	sadd.s32 $0xDC2600, s31;
	s9 =	sadd.s32 $0x37600, s11;
	s11 =	simm.s32 $0x1  }
.LBB2_1:
0x10: {  	[spmem:s10], [sflag:s5] =	dma.local [hbm:s4], $0x3180  }
0x11: {  	_ =	swait.ge [sflag:s11], $0x3180  }
0x12: {  	[sflag:s11] =	ssyncset.done $0x0  }
0x13: {  	[sflag:s11] =	ssyncadd.s32 $0xFFFFCE80  }
0x14: {  	s15 =	sadd.s32 $0x0, s9;
	[bflag:$0x0] =	sbarrier.arrive $0xFFFF  }
0x15: {  	[tilespmem:s3], [sflag:$0x1] =	stream.linear.gather [hbm4b:s15+s3], $0xC8, $0x38;
	[tilespmem:$0x1F100] =	vst v63  }
0x16: {  	_ =	swait.ge [sflag:s11], $0xC8  }
0x17: {  	[sflag:s11] =	ssyncset.done $0x0  }
0x18: {  	[sflag:s11] =	ssyncadd.s32 $0xFFFFFF38  }
0x19: {  	[tilespmem:s12], [sflag:$0x1] =	stream.linear.gather [hbm4b:s8+s3], $0x6400, $0x38;
	[tilespmem:$0x1F100] =	vst v63  }
0x1a: {  	_ =	swait.ge [sflag:s11], $0x6400  }
0x1b: {  	[sflag:s11] =	ssyncset.done $0x0  }
0x1c: {  	[sflag:s11] =	ssyncadd.s32 $0xFFFF9C00  }
0x1d: {  	[spmem:s2] =	stream.indirect.scatter.add.f32 [tilespmem:s12], [sflag:$0x1], $0x80, s3, s13, $0xb8;
	[tilespmem:$0x1F100] =	vst v63  }
0x1e: {  	s16 =	simm.s32 $0x19;
	_ =	swait.ge [sflag:s11], $0x6400  }
0x1f: {  	s17 =	simm.s32 $0x32;
	s15 =	sadd.s32 $0xC80, s8;
	[sflag:s11] =	ssyncset.done $0x0  }
.LBB2_2:
0x20: {  	s18 =	sadd.s32 s16, s9  }
0x21: {  	[sflag:s11] =	ssyncadd.s32 $0xFFFF9C00;
	s16 =	smov.u32 s17;
	s19 =	sadd.s32 $0x19, s17  }
0x22: {  	[tilespmem:s3], [sflag:$0x1] =	stream.linear.gather [hbm4b:s18+s3], $0xC8, $0x38;
	[tilespmem:$0x1F100] =	vst v63  }
0x23: {  	p0 =	sne.s32 s17, $0xC1C;
	_ =	swait.ge [sflag:s11], $0xC8  }
0x24: {  	[sflag:s11] =	ssyncset.done $0x0  }
0x25: {  	[sflag:s11] =	ssyncadd.s32 $0xFFFFFF38  }
0x26: {  	[tilespmem:s12], [sflag:$0x1] =	stream.linear.gather [hbm4b:s15+s3], $0x6400, $0x38;
	[tilespmem:$0x1F100] =	vst v63  }
0x27: {  	_ =	swait.ge [sflag:s11], $0x6400  }
.Ltmp0:
0x28: {  	[sflag:s11] =	ssyncset.done $0x0;
	(pc) =	sbr.rel @p0 .LBB2_2-.Ltmp0, $4  }
0x29: {  	[sflag:s11] =	ssyncadd.s32 $0xFFFF9C00  }
0x2a: {  	[spmem:s2] =	stream.indirect.scatter.add.f32 [tilespmem:s12], [sflag:$0x1], $0x80, s3, s13, $0xb8;
	[tilespmem:$0x1F100] =	vst v63  }
0x2b: {  	_ =	swait.ge [sflag:s11], $0x6400  }
0x2c: {  	s17 =	smov.u32 s19;
	s15 =	sadd.s32 $0xC80, s15;
	[sflag:s11] =	ssyncset.done $0x0  }
0x2d: {  	s16 =	sadd.s32 s16, s9;
	[sflag:s11] =	ssyncadd.s32 $0xFFFF9C00  }
0x2e: {  	[tilespmem:s3], [sflag:$0x1] =	stream.linear.gather [hbm4b:s16+s3], $0xC8, $0x38;
	[tilespmem:$0x1F100] =	vst v63  }
0x2f: {  	_ =	swait.ge [sflag:s11], $0xC8  }
0x30: {  	[sflag:s11] =	ssyncset.done $0x0  }
0x31: {  	[sflag:s11] =	ssyncadd.s32 $0xFFFFFF38  }
0x32: {  	[tilespmem:s12], [sflag:$0x1] =	stream.linear.gather [hbm4b:s15+s3], $0x6400, $0x38;
	[tilespmem:$0x1F100] =	vst v63  }
0x33: {  	_ =	swait.ge [sflag:s11], $0x6400  }
0x34: {  	[sflag:s11] =	ssyncset.done $0x0  }
0x35: {  	[sflag:s11] =	ssyncadd.s32 $0xFFFF9C00  }
0x36: {  	[spmem:s2] =	stream.indirect.scatter.add.f32 [tilespmem:s12], [sflag:$0x1], $0x80, s3, s13, $0xb8;
	[tilespmem:$0x1F100] =	vst v63  }
0x37: {  	_ =	swait.ge [sflag:s11], $0x6400  }
0x38: {  	s14 =	sadd.s32 $0x1, s14;
	[sflag:s11] =	ssyncset.done $0x0  }
0x39: {  	p0 =	sne.s32 s14, s7;
	[sflag:s11] =	ssyncadd.s32 $0xFFFF9C00  }
.Ltmp1:
0x3a: {  	[bflag:$0x0] =	sbarrier.arrive $0xFFFF;
	(pc) =	sbr.rel @p0 .LBB2_1-.Ltmp1, $4  }
0x3b: {  	[hbm:s6], [sflag:s5] =	dma.local [spmem:s10], $0x3180  }
0x3c: {  	_ =	swait.ge [sflag:s11], $0x3180  }
0x3d: {  	[sflag:s11] =	ssyncset.done $0x0  }
0x3e: {  	[sflag:s11] =	ssyncadd.s32 $0xFFFFCE80  }
0x3f: {  	_ =	sfence.sel $0x180000  }
0x40: {  	[bflag:$0x0] =	sbarrier.arrive $0xFFFF  }
0x41: {  	p0 =	sne.s32 s0, $0x0;
	_ =	strace $0x90000050  }
0x42: {  	s0 =	sadd.s32 @!p0 $0x100000, s1;
	[bflag:$0x2] =	sbarrier.arrive $0xFFFF  }
0x43: {  	[sflag:s0] =	ssyncadd.tile.s32 @!p0 $0x1;
	_ =	shalt  }
.Lfunc_end2:
_tile_overlayer_lowered:
.L_overlay_start_2:
0x44: {  	(tag) =	ssettag $0x2  }
0x45: {  	s0 =	rddreg [dreg:$0x0];
	s2 =	stileid.u32  }
0x46: {  	s1 =	rddreg [dreg:$0x1];
	p0 =	sne.s32 s2, $0x0  }
0x47: {  	s3 =	rddreg [dreg:$0x2];
	[bflag:$0x3] =	sbarrier.arrive $0xFFFF;
	s2 =	simm.s32 @!p0 $0x1C01  }
0x48: {  	[timem:s3], [sflag:s2] =	dma.local @!p0 [hbm:s0], s1  }
0x49: {  	s0 =	simm.s32 @!p0 $0x1  }
0x4a: {  	_ =	swait.ge @!p0 [sflag:s0], s1  }
0x4b: {  	s1 =	ssub.s32 @!p0 $0x0, s1;
	[sflag:s0] =	ssyncset.done @!p0 $0x0  }
0x4c: {  	[sflag:s0] =	ssyncadd.s32 @!p0 s1  }
0x4d: {  	[bflag:$0x3] =	sbarrier.arrive $0xFFFF  }
0x4e: {  	_ =	shalt  }

// kernel: kernel.34.cloned.1.call-start
scs
__scs_entry_jumppad:
0x0: {  	(pc) =	sbr.rel $0x88, $3  }
0x1: {  	(tag) =	ssettag $0x0;
	lr =	simm.s32 $0x1  }
0x2: {  	[smem:$0x3F91] =	sst lr;
	_ =	strace $0xD0000000  }
0x3: {  	_ = 	snop  }
0x4: {  	_ = 	snop  }
0x5: {  	_ = 	snop  }
0x6: {  	_ = 	snop  }
0x7: {  	_ = 	snop  }
__scs_overlays_trampoline_lowered:
0x8: {  	[smem:$0x3FA0] =	sst s0  }
0x9: {  	[smem:$0x3FA1] =	sst s1  }
0xa: {  	[smem:$0x3FA2] =	sst s2  }
0xb: {  	[smem:$0x3FA3] =	sst s3  }
0xc: {  	[smem:$0x3FA4] =	sst s4  }
0xd: {  	[smem:$0x3FA5] =	sst s5  }
0xe: {  	[smem:$0x3FA6] =	sst s6  }
0xf: {  	[smem:$0x3FA7] =	sst s7  }
0x10: {  	[smem:$0x3FA8] =	sst s8  }
0x11: {  	[smem:$0x3FA9] =	sst s9;
	s0 =	simm.s32 @!p0 $0x0  }
0x12: {  	s1 =	sld [smem:$0x3F8F];
	s0 =	simm.s32 @p0 $0x1  }
0x13: {  	[smem:$0x3FAA] =	sst s0;
	s0 =	simm.s32 @!p1 $0x0  }
0x14: {  	s2 =	sld [smem:$0x3F8E];
	s0 =	simm.s32 @p1 $0x1  }
0x15: {  	[smem:$0x3FAB] =	sst s0;
	s0 =	simm.s32 @!p2 $0x0  }
0x16: {  	s3 =	sld [smem:$0x3FDB];
	s0 =	simm.s32 @p2 $0x1  }
0x17: {  	s4 =	simm.s32 $0x1BF5;
	[smem:$0x3FAD] =	sst s0  }
0x18: {  	s0 =	sld [smem:$0x3F90];
	_ =	swait.ge [sflag:s4], $0x0  }
0x19: {  	s7 =	sld [smem:$0x3F91]  }
0x1a: {  	s8 =	sadd.s32 $0xFFFFE003, lr  }
0x1b: {  	s9 =	sadd.s32 $0xFFFFFEF7, lr;
	s5 =	simm.s32 $0xFFFFFFFF;
	p2 =	slt.u32 s8, $0xFFFFF086  }
0x1c: {  	p1 =	slt.u32 s9, $0xF7A;
	s5 =	simm.s32 @!p2 $0x0  }
0x1d: {  	s5 =	simm.s32 @p1 $0x1;
	p0 =	seq.s32 s7, s2  }
0x1e: {  	s7 =	smul.u32 @!p0 $0xF7A, s2;
	p2 =	seq.s32 @!p0 s5, $0x0  }
0x1f: {  	s9 =	smul.u32 $0xF7A, s1;
	s8 =	simm.s32 @!p0 $0x1BF5;
	p2 =	por !p2, p0  }
0x20: {  	[sflag:s8] =	ssyncset.s32 @!p0 $0xFFFFF086;
	s6 =	sadd.s32 @!p0 s3, s7;
	s7 =	simm.s32 @!p0 $0x108  }
0x21: {  	s3 =	sadd.s32 s3, s9;
	s6 =	sadd.s32 @!p0 $0x88, s6;
	s7 =	simm.s32 @p2 $0x1082  }
0x22: {  	[simem:s7], [sflag:s8] =	dma.local @!p0 [hbm:s6], $0xF7A  }
0x23: {  	s9 =	sor.u32 $0xD0000000, s2;
	s6 =	simm.s32 $0x108;
	_ =	swait.ge @!p0 [sflag:s8], $0x0  }
0x24: {  	s3 =	sadd.s32 $0x88, s3;
	s6 =	simm.s32 @!p1 $0x1082;
	[sflag:s4] =	ssyncset.s32 $0xFFFFF086  }
0x25: {  	[simem:s6], [sflag:s4] =	dma.local [hbm:s3], $0xF7A  }
0x26: {  	[smem:$0x3F91] =	sst s1;
	(tag) =	ssettag s2;
	_ =	strace s9  }
0x27: {  	s1 =	sld [smem:$0x3FA1]  }
0x28: {  	s2 =	sld [smem:$0x3FA2]  }
0x29: {  	s4 =	sld [smem:$0x3FA4]  }
0x2a: {  	p0 =	seq.s32 s5, $0x0;
	s5 =	sld [smem:$0x3FA5]  }
0x2b: {  	s6 =	sld [smem:$0x3FA6]  }
0x2c: {  	s7 =	sld [smem:$0x3FA7]  }
0x2d: {  	s3 =	simm.s32 $0x108;
	s8 =	sld [smem:$0x3FA8]  }
0x2e: {  	s3 =	simm.s32 @!p0 $0x1082;
	s9 =	sld [smem:$0x3FA9]  }
0x2f: {  	lr =	sadd.s32 s0, s3;
	s0 =	sld [smem:$0x3FA0]  }
0x30: {  	s3 =	sld [smem:$0x3FA3]  }
0x31: {  	[smem:$0x3FAC] =	sst s10  }
0x32: {  	s10 =	sld [smem:$0x3FAA];
	_ =	sdelay $0x3  }
0x33: {  	p0 =	seq.s32 s10, $0x1;
	s10 =	sld [smem:$0x3FAC];
	_ =	sdelay $0x3  }
0x34: {  	[smem:$0x3FAC] =	sst s10  }
0x35: {  	s10 =	sld [smem:$0x3FAB];
	_ =	sdelay $0x3  }
0x36: {  	p1 =	seq.s32 s10, $0x1;
	s10 =	sld [smem:$0x3FAC];
	_ =	sdelay $0x3  }
0x37: {  	[smem:$0x3FAC] =	sst s10  }
0x38: {  	s10 =	sld [smem:$0x3FAD]  }
0x39: {  	_ = 	snop;
	(pc) =	sbr.ind lr, $3  }
0x3a: {  	_ = 	snop  }
0x3b: {  	_ = 	snop  }
0x3c: {  	p2 =	seq.s32 s10, $0x1;
	s10 =	sld [smem:$0x3FAC]  }
0x3d: {  	_ =	shalt  }
0x3e: {  	_ =	shalt  }
0x3f: {  	_ =	shalt  }
0x40: {  	_ =	shalt  }
0x41: {  	_ =	shalt  }
0x42: {  	_ =	shalt  }
0x43: {  	_ =	shalt  }
0x44: {  	_ =	shalt  }
0x45: {  	_ =	shalt  }
0x46: {  	_ =	shalt  }
0x47: {  	_ =	shalt  }
0x48: {  	_ =	shalt  }
0x49: {  	_ =	shalt  }
0x4a: {  	_ =	shalt  }
0x4b: {  	_ =	shalt  }
0x4c: {  	_ =	shalt  }
0x4d: {  	_ =	shalt  }
0x4e: {  	_ =	shalt  }
0x4f: {  	_ =	shalt  }
0x50: {  	_ =	shalt  }
0x51: {  	_ =	shalt  }
0x52: {  	_ =	shalt  }
0x53: {  	_ =	shalt  }
0x54: {  	_ =	shalt  }
0x55: {  	_ =	shalt  }
0x56: {  	_ =	shalt  }
0x57: {  	_ =	shalt  }
0x58: {  	_ =	shalt  }
0x59: {  	_ =	shalt  }
0x5a: {  	_ =	shalt  }
0x5b: {  	_ =	shalt  }
0x5c: {  	_ =	shalt  }
0x5d: {  	_ =	shalt  }
0x5e: {  	_ =	shalt  }
0x5f: {  	_ =	shalt  }
0x60: {  	_ =	shalt  }
0x61: {  	_ =	shalt  }
0x62: {  	_ =	shalt  }
0x63: {  	_ =	shalt  }
0x64: {  	_ =	shalt  }
0x65: {  	_ =	shalt  }
0x66: {  	_ =	shalt  }
0x67: {  	_ =	shalt  }
0x68: {  	_ =	shalt  }
0x69: {  	_ =	shalt  }
0x6a: {  	_ =	shalt  }
0x6b: {  	_ =	shalt  }
0x6c: {  	_ =	shalt  }
0x6d: {  	_ =	shalt  }
0x6e: {  	_ =	shalt  }
0x6f: {  	_ =	shalt  }
0x70: {  	_ =	shalt  }
0x71: {  	_ =	shalt  }
0x72: {  	_ =	shalt  }
0x73: {  	_ =	shalt  }
0x74: {  	_ =	shalt  }
0x75: {  	_ =	shalt  }
0x76: {  	_ =	shalt  }
0x77: {  	_ =	shalt  }
0x78: {  	_ =	shalt  }
0x79: {  	_ =	shalt  }
0x7a: {  	_ =	shalt  }
0x7b: {  	_ =	shalt  }
0x7c: {  	_ =	shalt  }
0x7d: {  	_ =	shalt  }
0x7e: {  	_ =	shalt  }
0x7f: {  	_ =	shalt  }
0x80: {  	_ =	shalt  }
0x81: {  	_ =	shalt  }
0x82: {  	_ =	shalt  }
0x83: {  	_ =	shalt  }
0x84: {  	_ =	shalt  }
0x85: {  	_ =	shalt  }
0x86: {  	_ =	shalt  }
0x87: {  	_ =	shalt  }
.Lfunc_end0:
.L_simem_size_0:
called_computation.4_lowered:
.L_overlay_start_0:
0x88: {  	s2 =	sld [smem:$0x3FD9]  }
0x89: {  	s3 =	sld [smem:$0x3FFE];
	_ =	sdelay $0x1  }
0x8a: {  	s1 =	srdreg.scid  }
0x8b: {  	s0 =	sand.u32 $0x1, s1  }
0x8c: {  	s17 =	sshll.u32 s0, $0xA;
	s2 =	sadd.s32 s3, s2  }
0x8d: {  	s2 =	sadd.s32 s2, s17  }
0x8e: {  	[smem:$0x3FB8] =	sst s2  }
0x8f: {  	_ = 	snop  }
0x90: {  	(tm) =	ssettm $0x1  }
0x91: {  	s18 =	sld [smem:$0x3FFB];
	_ =	sdelay $0x3  }
0x92: {  	_ =	strace s18  }
0x93: {  	s2 =	sld [smem:$0x3FFC];
	_ =	sdelay $0x3  }
0x94: {  	_ =	strace s2  }
0x95: {  	s2 =	sld [smem:$0x3FFD];
	_ =	sdelay $0x3  }
0x96: {  	_ =	strace s2  }
0x97: {  	_ =	strace $0x8FFFFFFF  }
0x98: {  	s19 =	sld [smem:$0x3FDB];
	_ =	sdelay $0x1  }
0x99: {  	s20 =	simm.s32 $_scs_section_size  }
0x9a: {  	s4 =	simm.s32 $_size__tile_overlayer_lowered;
	s5 =	simm.s32 $_tile_overlayer_lowered  }
0x9b: {  	s6 =	simm.s32 $0x1BFF;
	s21 =	sshll.u32 s5, $0x1;
	s3 =	sadd.s32 s20, s19  }
0x9c: {  	s22 =	simm.s32 $0x0;
	s4 =	sshll.u32 s4, $0x1;
	s5 =	sadd.s32 s21, s3  }
0x9d: {  	[timem:s22], [sflag:s6] =	dma.local [hbm:s5], s4  }
0x9e: {  	_ =	swait.ge [sflag:s6], s4  }
0x9f: {  	s4 =	ssub.s32 $0x0, s4;
	[sflag:s6] =	ssyncset.done $0x0  }
0xa0: {  	[sflag:s6] =	ssyncadd.s32 s4;
	_ =	sdelay $0x1  }
0xa1: {  	s23 =	simm.s32 $0x1B8B  }
0xa2: {  	_ =	swait.ge [sflag:s23], $0x1  }
0xa3: {  	[sflag:s23] =	ssyncset.done $0x0  }
0xa4: {  	[sflag:s23] =	ssyncadd.s32 $0xFFFFFFFF  }
0xa5: {  	s4 =	sld [smem:$0x0]  }
0xa6: {  	s5 =	sand.u32 $0xFFFFFFFE, s1  }
0xa7: {  	p0 =	sne.s32 s1, s5  }
0xa8: {  	s5 =	sshll.u32 @p0 s5, $0xE  }
0xa9: {  	s5 =	sadd.s32 @p0 $0x11B8D, s5;
	s6 =	sshll.u32 @p0 s4, $0x11  }
0xaa: {  	s5 =	sor.u32 @p0 s6, s5  }
0xab: {  	[sflag:s5] =	ssyncadd.remote.s32 @p0 $0x1;
	_ =	sdelay $0x1  }
0xac: {  	s5 =	simm.s32 @p0 $0x1B8D  }
0xad: {  	_ =	swait.eq @p0 [sflag:s5], $0x1  }
0xae: {  	[sflag:s5] =	ssyncadd.s32 @p0 $0xFFFFFFFF  }
0xaf: {  	s6 =	sshll.u32 @!p0 s1, $0xE  }
0xb0: {  	s6 =	sor.u32 @!p0 $0x4000, s6;
	s5 =	simm.s32 @!p0 $0x1B8D  }
0xb1: {  	s4 =	sshll.u32 @!p0 s4, $0x11;
	s6 =	sadd.s32 @!p0 $0x11B8D, s6;
	_ =	swait.eq @!p0 [sflag:s5], $0x1  }
0xb2: {  	s4 =	sor.u32 @!p0 s4, s6;
	[sflag:s5] =	ssyncadd.s32 @!p0 $0xFFFFFFFF  }
0xb3: {  	s25 =	simm.s32 $0x1B8E;
	s24 =	sld [smem:$0x3FFE];
	[sflag:s4] =	ssyncadd.remote.s32 @!p0 $0x1  }
0xb4: {  	s26 =	simm.s32 $execute0_lowered;
	[smem:$0x3FD2] =	sst s25  }
0xb5: {  	s5 =	sshll.u32 s26, $0x1;
	_ =	strace $0x80000052;
	[dreg:$0x1] =	wrdreg $0xFFFFFFFF  }
0xb6: {  	s28 =	simm.s32 $_size_execute0_lowered;
	s3 =	sadd.s32 s3, s5;
	[dreg:$0x0] =	wrdreg $0x0  }
0xb7: {  	s5 =	sshll.u32 s28, $0x1;
	[dreg:$0x2] =	wrdreg s3  }
0xb8: {  	[dreg:$0x3] =	wrdreg s5  }
0xb9: {  	[dreg:$0x4] =	wrdreg $0xC0  }
0xba: {  	_ =	task [dreg:s22], $0x5FFFF  }
0xbb: {  	[dreg:$0x1] =	wrdreg $0xFFFFFFFF  }
0xbc: {  	[dreg:$0x0] =	wrdreg $0x60  }
0xbd: {  	[dreg:$0x2] =	wrdreg s24  }
0xbe: {  	[dreg:$0x3] =	wrdreg $0x65000  }
0xbf: {  	[dreg:$0x4] =	wrdreg $0xC  }
0xc0: {  	_ =	task.clear_ibuf [dreg:s22], $0x5FFFF;
	_ =	strace $0x90000052  }
0xc1: {  	s29 =	simm.s32 $0xC;
	_ =	strace $0x80000054  }
0xc2: {  	_ =	swait.ge [sflag:s29], $0x1  }
0xc3: {  	[sflag:s29] =	ssyncadd.s32 $0xFFFFFFFF  }
0xc4: {  	_ =	strace $0x90000054  }
0xc5: {  	_ =	sfence  }
0xc6: {  	s30 =	sld [smem:$0x0];
	_ =	sdelay $0x2  }
0xc7: {  	s31 =	sshll.u32 s1, $0xD;
	s1 =	sshrl.u32 s1, $0x2  }
0xc8: {  	s4 =	sand.u32 $0x4000, s31;
	s1 =	sadd.s32 s1, s30  }
0xc9: {  	s0 =	sor.u32 s4, s0;
	s1 =	sshll.u32 s1, $0x11  }
0xca: {  	s0 =	sor.u32 s1, s0  }
0xcb: {  	s0 =	sadd.s32 $0x8F2B, s0  }
0xcc: {  	[sflag:s0] =	ssyncadd.remote.s32 $0x1  }
0xcd: {  	_ =	sfence.sel $0xFFFF  }
0xce: {  	[dreg:$0x0] =	wrdreg $0xFFFFFFFF;
	(pc) =	sbr.abs _section_cstart, $3  }
0xcf: {  	[dreg:$0x1] =	wrdreg $0xFFFFFFFF  }
0xd0: {  	_ =	task.clear_ibuf [dreg:s22], $0x2FFFF;
	_ =	strace $0x9FFFFFFF  }
0xd1: {  	(tm) =	ssettm $0x7FFFFFFF  }
tec
execute0_lowered:
.L_overlay_start_1:
0x0: {  	(tag) =	ssettag $0x1  }
0x1: {  	s0 =	stileid.u32  }
0x2: {  	s1 =	srdreg.scid;
	s4 =	smul.u32 $0xC3500, s0  }
0x3: {  	s5 =	rddreg [dreg:$0x0];
	s7 =	smul.u32 $0xC350, s0  }
0x4: {  	s2 =	rddreg [dreg:$0x1];
	s3 =	simm.s32 $0x0;
	s22 =	smul.u32 $0x18C00, s0  }
0x5: {  	s13 =	simm.s32 $0xC8;
	s6 =	sand.u32 $0x1, s1;
	s26 =	smul.u32 $0x63000, s0  }
0x6: {  	s14 =	simm.s32 $0x0;
	s1 =	rddreg [dreg:$0x2];
	s8 =	smul.u32 $0x61A8, s6  }
0x7: {  	[smem:$0x7FF] =	sst s3;
	s30 =	sshll.u32 s0, $0x6;
	s9 =	smul.u32 $0x18C000, s6  }
0x8: {  	_ =	strace $0x80000053;
	s25 =	ssub.s32 $0x2, s6;
	s6 =	smul.u32 $0x61A80, s6  }
0x9: {  	s10 =	sadd.s32 s4, s5;
	s4 =	sadd.s32 $0x19F7600, s5;
	s28 =	sshrl.u32 s25, $0x1  }
0xa: {  	s29 =	sshrl.u32 s26, $0x2;
	s7 =	sadd.s32 s8, s7;
	s24 =	sadd.s32 s22, s9  }
0xb: {  	s8 =	ssub.s32 s25, s28;
	s12 =	sadd.s32 s29, s2;
	s31 =	sadd.s32 s6, s10  }
0xc: {  	s23 =	sshrl.u32 s7, $0x3;
	s7 =	sshrl.u32 s24, $0x3;
	s10 =	sshrl.u32 s12, $0x3  }
0xd: {  	s12 =	simm.s32 $0x100;
	s11 =	sadd.s32 s23, s5;
	s7 =	sadd.s32 s7, s5  }
0xe: {  	s5 =	sor.u32 $0x1C01, s30;
	s6 =	sadd.s32 $0x1B23800, s7;
	s7 =	smax.u32 s8, $0x1  }
0xf: {  	s8 =	sadd.s32 $0xDC2600, s31;
	s9 =	sadd.s32 $0x4FE00, s11;
	s11 =	simm.s32 $0x1  }
.LBB2_1:
0x10: {  	[spmem:s10], [sflag:s5] =	dma.local [hbm:s4], $0x3180  }
0x11: {  	_ =	swait.ge [sflag:s11], $0x3180  }
0x12: {  	[sflag:s11] =	ssyncset.done $0x0  }
0x13: {  	[sflag:s11] =	ssyncadd.s32 $0xFFFFCE80  }
0x14: {  	s15 =	sadd.s32 $0x0, s9;
	[bflag:$0x0] =	sbarrier.arrive $0xFFFF  }
0x15: {  	[tilespmem:s3], [sflag:$0x1] =	stream.linear.gather [hbm4b:s15+s3], $0xC8, $0x38;
	[tilespmem:$0x1F100] =	vst v63  }
0x16: {  	_ =	swait.ge [sflag:s11], $0xC8  }
0x17: {  	[sflag:s11] =	ssyncset.done $0x0  }
0x18: {  	[sflag:s11] =	ssyncadd.s32 $0xFFFFFF38  }
0x19: {  	[tilespmem:s12], [sflag:$0x1] =	stream.linear.gather [hbm4b:s8+s3], $0x6400, $0x38;
	[tilespmem:$0x1F100] =	vst v63  }
0x1a: {  	_ =	swait.ge [sflag:s11], $0x6400  }
0x1b: {  	[sflag:s11] =	ssyncset.done $0x0  }
0x1c: {  	[sflag:s11] =	ssyncadd.s32 $0xFFFF9C00  }
0x1d: {  	[spmem:s2] =	stream.indirect.scatter.add.f32 [tilespmem:s12], [sflag:$0x1], $0x80, s3, s13, $0xb8;
	[tilespmem:$0x1F100] =	vst v63  }
0x1e: {  	s16 =	simm.s32 $0x19;
	_ =	swait.ge [sflag:s11], $0x6400  }
0x1f: {  	s17 =	simm.s32 $0x32;
	s15 =	sadd.s32 $0xC80, s8;
	[sflag:s11] =	ssyncset.done $0x0  }
.LBB2_2:
0x20: {  	s18 =	sadd.s32 s16, s9  }
0x21: {  	[sflag:s11] =	ssyncadd.s32 $0xFFFF9C00;
	s16 =	smov.u32 s17;
	s19 =	sadd.s32 $0x19, s17  }
0x22: {  	[tilespmem:s3], [sflag:$0x1] =	stream.linear.gather [hbm4b:s18+s3], $0xC8, $0x38;
	[tilespmem:$0x1F100] =	vst v63  }
0x23: {  	p0 =	sne.s32 s17, $0xC1C;
	_ =	swait.ge [sflag:s11], $0xC8  }
0x24: {  	[sflag:s11] =	ssyncset.done $0x0  }
0x25: {  	[sflag:s11] =	ssyncadd.s32 $0xFFFFFF38  }
0x26: {  	[tilespmem:s12], [sflag:$0x1] =	stream.linear.gather [hbm4b:s15+s3], $0x6400, $0x38;
	[tilespmem:$0x1F100] =	vst v63  }
0x27: {  	_ =	swait.ge [sflag:s11], $0x6400  }
.Ltmp0:
0x28: {  	[sflag:s11] =	ssyncset.done $0x0;
	(pc) =	sbr.rel @p0 .LBB2_2-.Ltmp0, $4  }
0x29: {  	[sflag:s11] =	ssyncadd.s32 $0xFFFF9C00  }
0x2a: {  	[spmem:s2] =	stream.indirect.scatter.add.f32 [tilespmem:s12], [sflag:$0x1], $0x80, s3, s13, $0xb8;
	[tilespmem:$0x1F100] =	vst v63  }
0x2b: {  	_ =	swait.ge [sflag:s11], $0x6400  }
0x2c: {  	s17 =	smov.u32 s19;
	s15 =	sadd.s32 $0xC80, s15;
	[sflag:s11] =	ssyncset.done $0x0  }
0x2d: {  	s16 =	sadd.s32 s16, s9;
	[sflag:s11] =	ssyncadd.s32 $0xFFFF9C00  }
0x2e: {  	[tilespmem:s3], [sflag:$0x1] =	stream.linear.gather [hbm4b:s16+s3], $0xC8, $0x38;
	[tilespmem:$0x1F100] =	vst v63  }
0x2f: {  	_ =	swait.ge [sflag:s11], $0xC8  }
0x30: {  	[sflag:s11] =	ssyncset.done $0x0  }
0x31: {  	[sflag:s11] =	ssyncadd.s32 $0xFFFFFF38  }
0x32: {  	[tilespmem:s12], [sflag:$0x1] =	stream.linear.gather [hbm4b:s15+s3], $0x6400, $0x38;
	[tilespmem:$0x1F100] =	vst v63  }
0x33: {  	_ =	swait.ge [sflag:s11], $0x6400  }
0x34: {  	[sflag:s11] =	ssyncset.done $0x0  }
0x35: {  	[sflag:s11] =	ssyncadd.s32 $0xFFFF9C00  }
0x36: {  	[spmem:s2] =	stream.indirect.scatter.add.f32 [tilespmem:s12], [sflag:$0x1], $0x80, s3, s13, $0xb8;
	[tilespmem:$0x1F100] =	vst v63  }
0x37: {  	_ =	swait.ge [sflag:s11], $0x6400  }
0x38: {  	s14 =	sadd.s32 $0x1, s14;
	[sflag:s11] =	ssyncset.done $0x0  }
0x39: {  	p0 =	sne.s32 s14, s7;
	[sflag:s11] =	ssyncadd.s32 $0xFFFF9C00  }
.Ltmp1:
0x3a: {  	[bflag:$0x0] =	sbarrier.arrive $0xFFFF;
	(pc) =	sbr.rel @p0 .LBB2_1-.Ltmp1, $4  }
0x3b: {  	[hbm:s6], [sflag:s5] =	dma.local [spmem:s10], $0x3180  }
0x3c: {  	_ =	swait.ge [sflag:s11], $0x3180  }
0x3d: {  	[sflag:s11] =	ssyncset.done $0x0  }
0x3e: {  	[sflag:s11] =	ssyncadd.s32 $0xFFFFCE80  }
0x3f: {  	_ =	sfence.sel $0x180000  }
0x40: {  	[bflag:$0x0] =	sbarrier.arrive $0xFFFF  }
0x41: {  	p0 =	sne.s32 s0, $0x0;
	_ =	strace $0x90000053  }
0x42: {  	s0 =	sadd.s32 @!p0 $0x100000, s1;
	[bflag:$0x2] =	sbarrier.arrive $0xFFFF  }
0x43: {  	[sflag:s0] =	ssyncadd.tile.s32 @!p0 $0x1;
	_ =	shalt  }
.Lfunc_end2:
_tile_overlayer_lowered:
.L_overlay_start_2:
0x44: {  	(tag) =	ssettag $0x2  }
0x45: {  	s0 =	rddreg [dreg:$0x0];
	s2 =	stileid.u32  }
0x46: {  	s1 =	rddreg [dreg:$0x1];
	p0 =	sne.s32 s2, $0x0  }
0x47: {  	s3 =	rddreg [dreg:$0x2];
	[bflag:$0x3] =	sbarrier.arrive $0xFFFF;
	s2 =	simm.s32 @!p0 $0x1C01  }
0x48: {  	[timem:s3], [sflag:s2] =	dma.local @!p0 [hbm:s0], s1  }
0x49: {  	s0 =	simm.s32 @!p0 $0x1  }
0x4a: {  	_ =	swait.ge @!p0 [sflag:s0], s1  }
0x4b: {  	s1 =	ssub.s32 @!p0 $0x0, s1;
	[sflag:s0] =	ssyncset.done @!p0 $0x0  }
0x4c: {  	[sflag:s0] =	ssyncadd.s32 @!p0 s1  }
0x4d: {  	[bflag:$0x3] =	sbarrier.arrive $0xFFFF  }
0x4e: {  	_ =	shalt  }

// kernel: kernel.37.cloned.1.call-start
scs
__scs_entry_jumppad:
0x0: {  	(pc) =	sbr.rel $0x88, $3  }
0x1: {  	(tag) =	ssettag $0x0;
	lr =	simm.s32 $0x1  }
0x2: {  	[smem:$0x3F91] =	sst lr;
	_ =	strace $0xD0000000  }
0x3: {  	_ = 	snop  }
0x4: {  	_ = 	snop  }
0x5: {  	_ = 	snop  }
0x6: {  	_ = 	snop  }
0x7: {  	_ = 	snop  }
__scs_overlays_trampoline_lowered:
0x8: {  	[smem:$0x3FA0] =	sst s0  }
0x9: {  	[smem:$0x3FA1] =	sst s1  }
0xa: {  	[smem:$0x3FA2] =	sst s2  }
0xb: {  	[smem:$0x3FA3] =	sst s3  }
0xc: {  	[smem:$0x3FA4] =	sst s4  }
0xd: {  	[smem:$0x3FA5] =	sst s5  }
0xe: {  	[smem:$0x3FA6] =	sst s6  }
0xf: {  	[smem:$0x3FA7] =	sst s7  }
0x10: {  	[smem:$0x3FA8] =	sst s8  }
0x11: {  	[smem:$0x3FA9] =	sst s9;
	s0 =	simm.s32 @!p0 $0x0  }
0x12: {  	s1 =	sld [smem:$0x3F8F];
	s0 =	simm.s32 @p0 $0x1  }
0x13: {  	[smem:$0x3FAA] =	sst s0;
	s0 =	simm.s32 @!p1 $0x0  }
0x14: {  	s2 =	sld [smem:$0x3F8E];
	s0 =	simm.s32 @p1 $0x1  }
0x15: {  	[smem:$0x3FAB] =	sst s0;
	s0 =	simm.s32 @!p2 $0x0  }
0x16: {  	s3 =	sld [smem:$0x3FDB];
	s0 =	simm.s32 @p2 $0x1  }
0x17: {  	s4 =	simm.s32 $0x1BF5;
	[smem:$0x3FAD] =	sst s0  }
0x18: {  	s0 =	sld [smem:$0x3F90];
	_ =	swait.ge [sflag:s4], $0x0  }
0x19: {  	s7 =	sld [smem:$0x3F91]  }
0x1a: {  	s8 =	sadd.s32 $0xFFFFE003, lr  }
0x1b: {  	s9 =	sadd.s32 $0xFFFFFEF7, lr;
	s5 =	simm.s32 $0xFFFFFFFF;
	p2 =	slt.u32 s8, $0xFFFFF086  }
0x1c: {  	p1 =	slt.u32 s9, $0xF7A;
	s5 =	simm.s32 @!p2 $0x0  }
0x1d: {  	s5 =	simm.s32 @p1 $0x1;
	p0 =	seq.s32 s7, s2  }
0x1e: {  	s7 =	smul.u32 @!p0 $0xF7A, s2;
	p2 =	seq.s32 @!p0 s5, $0x0  }
0x1f: {  	s9 =	smul.u32 $0xF7A, s1;
	s8 =	simm.s32 @!p0 $0x1BF5;
	p2 =	por !p2, p0  }
0x20: {  	[sflag:s8] =	ssyncset.s32 @!p0 $0xFFFFF086;
	s6 =	sadd.s32 @!p0 s3, s7;
	s7 =	simm.s32 @!p0 $0x108  }
0x21: {  	s3 =	sadd.s32 s3, s9;
	s6 =	sadd.s32 @!p0 $0x88, s6;
	s7 =	simm.s32 @p2 $0x1082  }
0x22: {  	[simem:s7], [sflag:s8] =	dma.local @!p0 [hbm:s6], $0xF7A  }
0x23: {  	s9 =	sor.u32 $0xD0000000, s2;
	s6 =	simm.s32 $0x108;
	_ =	swait.ge @!p0 [sflag:s8], $0x0  }
0x24: {  	s3 =	sadd.s32 $0x88, s3;
	s6 =	simm.s32 @!p1 $0x1082;
	[sflag:s4] =	ssyncset.s32 $0xFFFFF086  }
0x25: {  	[simem:s6], [sflag:s4] =	dma.local [hbm:s3], $0xF7A  }
0x26: {  	[smem:$0x3F91] =	sst s1;
	(tag) =	ssettag s2;
	_ =	strace s9  }
0x27: {  	s1 =	sld [smem:$0x3FA1]  }
0x28: {  	s2 =	sld [smem:$0x3FA2]  }
0x29: {  	s4 =	sld [smem:$0x3FA4]  }
0x2a: {  	p0 =	seq.s32 s5, $0x0;
	s5 =	sld [smem:$0x3FA5]  }
0x2b: {  	s6 =	sld [smem:$0x3FA6]  }
0x2c: {  	s7 =	sld [smem:$0x3FA7]  }
0x2d: {  	s3 =	simm.s32 $0x108;
	s8 =	sld [smem:$0x3FA8]  }
0x2e: {  	s3 =	simm.s32 @!p0 $0x1082;
	s9 =	sld [smem:$0x3FA9]  }
0x2f: {  	lr =	sadd.s32 s0, s3;
	s0 =	sld [smem:$0x3FA0]  }
0x30: {  	s3 =	sld [smem:$0x3FA3]  }
0x31: {  	[smem:$0x3FAC] =	sst s10  }
0x32: {  	s10 =	sld [smem:$0x3FAA];
	_ =	sdelay $0x3  }
0x33: {  	p0 =	seq.s32 s10, $0x1;
	s10 =	sld [smem:$0x3FAC];
	_ =	sdelay $0x3  }
0x34: {  	[smem:$0x3FAC] =	sst s10  }
0x35: {  	s10 =	sld [smem:$0x3FAB];
	_ =	sdelay $0x3  }
0x36: {  	p1 =	seq.s32 s10, $0x1;
	s10 =	sld [smem:$0x3FAC];
	_ =	sdelay $0x3  }
0x37: {  	[smem:$0x3FAC] =	sst s10  }
0x38: {  	s10 =	sld [smem:$0x3FAD]  }
0x39: {  	_ = 	snop;
	(pc) =	sbr.ind lr, $3  }
0x3a: {  	_ = 	snop  }
0x3b: {  	_ = 	snop  }
0x3c: {  	p2 =	seq.s32 s10, $0x1;
	s10 =	sld [smem:$0x3FAC]  }
0x3d: {  	_ =	shalt  }
0x3e: {  	_ =	shalt  }
0x3f: {  	_ =	shalt  }
0x40: {  	_ =	shalt  }
0x41: {  	_ =	shalt  }
0x42: {  	_ =	shalt  }
0x43: {  	_ =	shalt  }
0x44: {  	_ =	shalt  }
0x45: {  	_ =	shalt  }
0x46: {  	_ =	shalt  }
0x47: {  	_ =	shalt  }
0x48: {  	_ =	shalt  }
0x49: {  	_ =	shalt  }
0x4a: {  	_ =	shalt  }
0x4b: {  	_ =	shalt  }
0x4c: {  	_ =	shalt  }
0x4d: {  	_ =	shalt  }
0x4e: {  	_ =	shalt  }
0x4f: {  	_ =	shalt  }
0x50: {  	_ =	shalt  }
0x51: {  	_ =	shalt  }
0x52: {  	_ =	shalt  }
0x53: {  	_ =	shalt  }
0x54: {  	_ =	shalt  }
0x55: {  	_ =	shalt  }
0x56: {  	_ =	shalt  }
0x57: {  	_ =	shalt  }
0x58: {  	_ =	shalt  }
0x59: {  	_ =	shalt  }
0x5a: {  	_ =	shalt  }
0x5b: {  	_ =	shalt  }
0x5c: {  	_ =	shalt  }
0x5d: {  	_ =	shalt  }
0x5e: {  	_ =	shalt  }
0x5f: {  	_ =	shalt  }
0x60: {  	_ =	shalt  }
0x61: {  	_ =	shalt  }
0x62: {  	_ =	shalt  }
0x63: {  	_ =	shalt  }
0x64: {  	_ =	shalt  }
0x65: {  	_ =	shalt  }
0x66: {  	_ =	shalt  }
0x67: {  	_ =	shalt  }
0x68: {  	_ =	shalt  }
0x69: {  	_ =	shalt  }
0x6a: {  	_ =	shalt  }
0x6b: {  	_ =	shalt  }
0x6c: {  	_ =	shalt  }
0x6d: {  	_ =	shalt  }
0x6e: {  	_ =	shalt  }
0x6f: {  	_ =	shalt  }
0x70: {  	_ =	shalt  }
0x71: {  	_ =	shalt  }
0x72: {  	_ =	shalt  }
0x73: {  	_ =	shalt  }
0x74: {  	_ =	shalt  }
0x75: {  	_ =	shalt  }
0x76: {  	_ =	shalt  }
0x77: {  	_ =	shalt  }
0x78: {  	_ =	shalt  }
0x79: {  	_ =	shalt  }
0x7a: {  	_ =	shalt  }
0x7b: {  	_ =	shalt  }
0x7c: {  	_ =	shalt  }
0x7d: {  	_ =	shalt  }
0x7e: {  	_ =	shalt  }
0x7f: {  	_ =	shalt  }
0x80: {  	_ =	shalt  }
0x81: {  	_ =	shalt  }
0x82: {  	_ =	shalt  }
0x83: {  	_ =	shalt  }
0x84: {  	_ =	shalt  }
0x85: {  	_ =	shalt  }
0x86: {  	_ =	shalt  }
0x87: {  	_ =	shalt  }
.Lfunc_end0:
.L_simem_size_0:
called_computation.5_lowered:
.L_overlay_start_0:
0x88: {  	s2 =	sld [smem:$0x3FD9]  }
0x89: {  	s3 =	sld [smem:$0x3FFE];
	_ =	sdelay $0x1  }
0x8a: {  	s1 =	srdreg.scid  }
0x8b: {  	s0 =	sand.u32 $0x1, s1  }
0x8c: {  	s17 =	sshll.u32 s0, $0xA;
	s2 =	sadd.s32 s3, s2  }
0x8d: {  	s2 =	sadd.s32 s2, s17  }
0x8e: {  	[smem:$0x3FB8] =	sst s2  }
0x8f: {  	_ = 	snop  }
0x90: {  	s2 =	sld [smem:$0x3FC3];
	(tm) =	ssettm $0x1  }
0x91: {  	s18 =	sld [smem:$0x3FFB];
	_ =	sdelay $0x3  }
0x92: {  	_ =	strace s18  }
0x93: {  	s3 =	sld [smem:$0x3FFC];
	_ =	sdelay $0x3  }
0x94: {  	_ =	strace s3  }
0x95: {  	s3 =	sld [smem:$0x3FFD];
	_ =	sdelay $0x3  }
0x96: {  	_ =	strace s3  }
0x97: {  	_ =	strace $0x8FFFFFFF  }
0x98: {  	s19 =	sld [smem:$0x3FDB];
	_ =	sdelay $0x1  }
0x99: {  	s4 =	simm.s32 $_scs_section_size  }
0x9a: {  	s5 =	simm.s32 $_size__tile_overlayer_lowered;
	s6 =	simm.s32 $_tile_overlayer_lowered  }
0x9b: {  	s22 =	simm.s32 $0x1BFF;
	s21 =	sshll.u32 s6, $0x1;
	s3 =	sadd.s32 s4, s19  }
0x9c: {  	s7 =	simm.s32 $0x0;
	s20 =	sshll.u32 s5, $0x1;
	s5 =	sadd.s32 s21, s3  }
0x9d: {  	[timem:s7], [sflag:s22] =	dma.local [hbm:s5], s20  }
0x9e: {  	_ =	swait.ge [sflag:s22], s20  }
0x9f: {  	s4 =	ssub.s32 $0x0, s20;
	[sflag:s22] =	ssyncset.done $0x0  }
0xa0: {  	[sflag:s22] =	ssyncadd.s32 s4;
	_ =	sdelay $0x1  }
0xa1: {  	s23 =	simm.s32 $0x1B8B  }
0xa2: {  	_ =	swait.ge [sflag:s23], $0x1  }
0xa3: {  	[sflag:s23] =	ssyncset.done $0x0  }
0xa4: {  	s25 =	simm.s32 $0x1B8E;
	s24 =	sld [smem:$0x3FFE];
	[sflag:s23] =	ssyncadd.s32 $0xFFFFFFFF  }
0xa5: {  	s26 =	simm.s32 $execute0_lowered;
	[smem:$0x3FD2] =	sst s25  }
0xa6: {  	s5 =	sshll.u32 s26, $0x1;
	_ =	strace $0x80000055;
	[dreg:$0x1] =	wrdreg $0xFFFFFFFF  }
0xa7: {  	s28 =	simm.s32 $_size_execute0_lowered;
	s3 =	sadd.s32 s3, s5;
	[dreg:$0x0] =	wrdreg $0x0  }
0xa8: {  	s5 =	sshll.u32 s28, $0x1;
	[dreg:$0x2] =	wrdreg s3  }
0xa9: {  	[dreg:$0x3] =	wrdreg s5  }
0xaa: {  	[dreg:$0x4] =	wrdreg $0xC0  }
0xab: {  	_ =	task [dreg:s7], $0x5FFFF  }
0xac: {  	[dreg:$0x1] =	wrdreg $0xFFFFFFFF  }
0xad: {  	[dreg:$0x0] =	wrdreg $0x60  }
0xae: {  	[dreg:$0x2] =	wrdreg s24  }
0xaf: {  	[dreg:$0x3] =	wrdreg s2  }
0xb0: {  	[dreg:$0x4] =	wrdreg $0x9  }
0xb1: {  	_ =	task.clear_ibuf [dreg:s7], $0x5FFFF;
	_ =	strace $0x90000055  }
0xb2: {  	s29 =	simm.s32 $0x9;
	_ =	strace $0x80000057  }
0xb3: {  	_ =	swait.ge [sflag:s29], $0x1  }
0xb4: {  	[sflag:s29] =	ssyncadd.s32 $0xFFFFFFFF  }
0xb5: {  	_ =	strace $0x90000057  }
0xb6: {  	_ =	sfence  }
0xb7: {  	s30 =	sld [smem:$0x0];
	_ =	sdelay $0x2  }
0xb8: {  	s31 =	sshll.u32 s1, $0xD;
	s1 =	sshrl.u32 s1, $0x2  }
0xb9: {  	s3 =	sand.u32 $0x4000, s31;
	s1 =	sadd.s32 s1, s30  }
0xba: {  	s0 =	sor.u32 s3, s0;
	s1 =	sshll.u32 s1, $0x11  }
0xbb: {  	s0 =	sor.u32 s1, s0  }
0xbc: {  	s0 =	sadd.s32 $0x8F2B, s0  }
0xbd: {  	[sflag:s0] =	ssyncadd.remote.s32 $0x1  }
0xbe: {  	_ =	sfence.sel $0xFFFF  }
0xbf: {  	[dreg:$0x0] =	wrdreg $0xFFFFFFFF;
	(pc) =	sbr.abs _section_cstart, $3  }
0xc0: {  	[dreg:$0x1] =	wrdreg $0xFFFFFFFF  }
0xc1: {  	_ =	task.clear_ibuf [dreg:s7], $0x2FFFF;
	_ =	strace $0x9FFFFFFF  }
0xc2: {  	(tm) =	ssettm $0x7FFFFFFF  }
0xc3: {  	_ =	shalt  }
tec
execute0_lowered:
.L_overlay_start_1:
0x0: {  	(tag) =	ssettag $0x1  }
0x1: {  	s4 =	rddreg [dreg:$0x0]  }
0x2: {  	s0 =	stileid.u32;
	s1 =	srdreg.scid  }
0x3: {  	s6 =	rddreg [dreg:$0x1];
	s5 =	smul.u32 $0xC3500, s0  }
0x4: {  	s2 =	simm.s32 $0x0;
	s3 =	sand.u32 $0x1, s1;
	s8 =	smul.u32 $0xC350, s0  }
0x5: {  	s11 =	simm.s32 $0x0;
	s1 =	rddreg [dreg:$0x2];
	s7 =	smul.u32 $0x61A80, s3  }
0x6: {  	[smem:$0x7FF] =	sst s2;
	s9 =	ssub.s32 $0x2, s3;
	s10 =	smul.u32 $0x61A8, s3  }
0x7: {  	s3 =	sadd.s32 $0x19FA800, s4;
	s4 =	sadd.s32 s5, s4;
	s30 =	sshrl.u32 s9, $0x1  }
0x8: {  	_ =	strace $0x80000056;
	s5 =	ssub.s32 s9, s30;
	s7 =	sadd.s32 s7, s4  }
0x9: {  	s8 =	sadd.s32 s10, s8;
	s9 =	simm.s32 $0x400;
	s10 =	simm.s32 $0x1  }
0xa: {  	s4 =	smax.u32 s5, $0x1;
	s5 =	sadd.s32 $0x68600, s7;
	s31 =	sshrl.u32 s8, $0x3  }
0xb: {  	s7 =	simm.s32 $0x2;
	s8 =	simm.s32 $0x3E8;
	s6 =	sadd.s32 s31, s6  }
.LBB2_1:
0xc: {  	s12 =	sadd.s32 $0x0, s6  }
0xd: {  	[tilespmem:s2], [sflag:$0x2] =	stream.linear.gather [hbm4b:s12+s2], $0x3E8, $0x38;
	[tilespmem:$0x1F800] =	vst v63  }
0xe: {  	_ =	swait.ge [sflag:s7], $0x3E8  }
0xf: {  	[sflag:s7] =	ssyncset.done $0x0  }
0x10: {  	[sflag:s7] =	ssyncadd.s32 $0xFFFFFC18  }
0x11: {  	[tilespmem:s9], [sflag:$0x1] =	stream.indirect.gather [hbm4b:s3+s8], $0x80, s2, s8, $0xb8;
	[tilespmem:$0x1F800] =	vst v63  }
0x12: {  	_ =	swait.ge [sflag:s10], $0x1F400  }
0x13: {  	[sflag:s10] =	ssyncset.done $0x0  }
0x14: {  	[sflag:s10] =	ssyncadd.s32 $0xFFFE0C00  }
0x15: {  	[hbm4b:s5+s2] =	stream.linear.scatter [tilespmem:s9], [sflag:$0x2], $0x1F400, $0x38;
	[tilespmem:$0x1F800] =	vst v63  }
0x16: {  	s13 =	simm.s32 $0x7D;
	_ =	swait.ge [sflag:s7], $0x1F400  }
0x17: {  	s14 =	simm.s32 $0xFA;
	s12 =	sadd.s32 $0x3E80, s5;
	[sflag:s7] =	ssyncset.done $0x0  }
.LBB2_2:
0x18: {  	s15 =	sadd.s32 s13, s6  }
0x19: {  	[sflag:s7] =	ssyncadd.s32 $0xFFFE0C00;
	s13 =	smov.u32 s14;
	s16 =	sadd.s32 $0x7D, s14  }
0x1a: {  	[tilespmem:s2], [sflag:$0x2] =	stream.linear.gather [hbm4b:s15+s2], $0x3E8, $0x38;
	[tilespmem:$0x1F800] =	vst v63  }
0x1b: {  	p0 =	sne.s32 s14, $0xBB8;
	_ =	swait.ge [sflag:s7], $0x3E8  }
0x1c: {  	[sflag:s7] =	ssyncset.done $0x0  }
0x1d: {  	[sflag:s7] =	ssyncadd.s32 $0xFFFFFC18  }
0x1e: {  	[tilespmem:s9], [sflag:$0x1] =	stream.indirect.gather [hbm4b:s3+s8], $0x80, s2, s8, $0xb8;
	[tilespmem:$0x1F800] =	vst v63  }
0x1f: {  	_ =	swait.ge [sflag:s10], $0x1F400  }
.Ltmp0:
0x20: {  	[sflag:s10] =	ssyncset.done $0x0;
	(pc) =	sbr.rel @p0 .LBB2_2-.Ltmp0, $4  }
0x21: {  	[sflag:s10] =	ssyncadd.s32 $0xFFFE0C00  }
0x22: {  	[hbm4b:s12+s2] =	stream.linear.scatter [tilespmem:s9], [sflag:$0x2], $0x1F400, $0x38;
	[tilespmem:$0x1F800] =	vst v63  }
0x23: {  	_ =	swait.ge [sflag:s7], $0x1F400  }
0x24: {  	s14 =	smov.u32 s16;
	s12 =	sadd.s32 $0x3E80, s12;
	[sflag:s7] =	ssyncset.done $0x0  }
0x25: {  	s13 =	sadd.s32 s13, s6;
	[sflag:s7] =	ssyncadd.s32 $0xFFFE0C00  }
0x26: {  	[tilespmem:s2], [sflag:$0x2] =	stream.linear.gather [hbm4b:s13+s2], $0x3E8, $0x38;
	[tilespmem:$0x1F800] =	vst v63  }
0x27: {  	_ =	swait.ge [sflag:s7], $0x3E8  }
0x28: {  	[sflag:s7] =	ssyncset.done $0x0  }
0x29: {  	[sflag:s7] =	ssyncadd.s32 $0xFFFFFC18  }
0x2a: {  	[tilespmem:s9], [sflag:$0x1] =	stream.indirect.gather [hbm4b:s3+s8], $0x80, s2, s8, $0xb8;
	[tilespmem:$0x1F800] =	vst v63  }
0x2b: {  	s11 =	sadd.s32 $0x1, s11;
	_ =	swait.ge [sflag:s10], $0x1F400  }
0x2c: {  	p0 =	sne.s32 s11, s4;
	[sflag:s10] =	ssyncset.done $0x0  }
.Ltmp1:
0x2d: {  	[sflag:s10] =	ssyncadd.s32 $0xFFFE0C00;
	(pc) =	sbr.rel @p0 .LBB2_1-.Ltmp1, $4  }
0x2e: {  	[hbm4b:s12+s2] =	stream.linear.scatter [tilespmem:s9], [sflag:$0x2], $0x1F400, $0x38;
	[tilespmem:$0x1F800] =	vst v63  }
0x2f: {  	_ =	swait.ge [sflag:s7], $0x1F400  }
0x30: {  	[sflag:s7] =	ssyncset.done $0x0  }
0x31: {  	[sflag:s7] =	ssyncadd.s32 $0xFFFE0C00  }
0x32: {  	_ =	sfence.sel $0x180000  }
0x33: {  	[bflag:$0x0] =	sbarrier.arrive $0xFFFF  }
0x34: {  	p0 =	sne.s32 s0, $0x0;
	_ =	strace $0x90000056  }
0x35: {  	s0 =	sadd.s32 @!p0 $0x100000, s1;
	[bflag:$0x2] =	sbarrier.arrive $0xFFFF  }
0x36: {  	[sflag:s0] =	ssyncadd.tile.s32 @!p0 $0x1;
	_ =	shalt  }
.Lfunc_end2:
_tile_overlayer_lowered:
.L_overlay_start_2:
0x37: {  	(tag) =	ssettag $0x2  }
0x38: {  	s0 =	rddreg [dreg:$0x0];
	s2 =	stileid.u32  }
0x39: {  	s1 =	rddreg [dreg:$0x1];
	p0 =	sne.s32 s2, $0x0  }
0x3a: {  	s3 =	rddreg [dreg:$0x2];
	[bflag:$0x3] =	sbarrier.arrive $0xFFFF;
	s2 =	simm.s32 @!p0 $0x1C02  }
0x3b: {  	[timem:s3], [sflag:s2] =	dma.local @!p0 [hbm:s0], s1  }
0x3c: {  	s0 =	simm.s32 @!p0 $0x2  }
0x3d: {  	_ =	swait.ge @!p0 [sflag:s0], s1  }
0x3e: {  	s1 =	ssub.s32 @!p0 $0x0, s1;
	[sflag:s0] =	ssyncset.done @!p0 $0x0  }
0x3f: {  	[sflag:s0] =	ssyncadd.s32 @!p0 s1  }
0x40: {  	[bflag:$0x3] =	sbarrier.arrive $0xFFFF  }
0x41: {  	_ =	shalt  }

// kernel: kernel.40.cloned.1.call-start
scs
__scs_entry_jumppad:
0x0: {  	(pc) =	sbr.rel $0x88, $3  }
0x1: {  	(tag) =	ssettag $0x0;
	lr =	simm.s32 $0x1  }
0x2: {  	[smem:$0x3F91] =	sst lr;
	_ =	strace $0xD0000000  }
0x3: {  	_ = 	snop  }
0x4: {  	_ = 	snop  }
0x5: {  	_ = 	snop  }
0x6: {  	_ = 	snop  }
0x7: {  	_ = 	snop  }
__scs_overlays_trampoline_lowered:
0x8: {  	[smem:$0x3FA0] =	sst s0  }
0x9: {  	[smem:$0x3FA1] =	sst s1  }
0xa: {  	[smem:$0x3FA2] =	sst s2  }
0xb: {  	[smem:$0x3FA3] =	sst s3  }
0xc: {  	[smem:$0x3FA4] =	sst s4  }
0xd: {  	[smem:$0x3FA5] =	sst s5  }
0xe: {  	[smem:$0x3FA6] =	sst s6  }
0xf: {  	[smem:$0x3FA7] =	sst s7  }
0x10: {  	[smem:$0x3FA8] =	sst s8  }
0x11: {  	[smem:$0x3FA9] =	sst s9;
	s0 =	simm.s32 @!p0 $0x0  }
0x12: {  	s1 =	sld [smem:$0x3F8F];
	s0 =	simm.s32 @p0 $0x1  }
0x13: {  	[smem:$0x3FAA] =	sst s0;
	s0 =	simm.s32 @!p1 $0x0  }
0x14: {  	s2 =	sld [smem:$0x3F8E];
	s0 =	simm.s32 @p1 $0x1  }
0x15: {  	[smem:$0x3FAB] =	sst s0;
	s0 =	simm.s32 @!p2 $0x0  }
0x16: {  	s3 =	sld [smem:$0x3FDB];
	s0 =	simm.s32 @p2 $0x1  }
0x17: {  	s4 =	simm.s32 $0x1BF5;
	[smem:$0x3FAD] =	sst s0  }
0x18: {  	s0 =	sld [smem:$0x3F90];
	_ =	swait.ge [sflag:s4], $0x0  }
0x19: {  	s7 =	sld [smem:$0x3F91]  }
0x1a: {  	s8 =	sadd.s32 $0xFFFFE003, lr  }
0x1b: {  	s9 =	sadd.s32 $0xFFFFFEF7, lr;
	s5 =	simm.s32 $0xFFFFFFFF;
	p2 =	slt.u32 s8, $0xFFFFF086  }
0x1c: {  	p1 =	slt.u32 s9, $0xF7A;
	s5 =	simm.s32 @!p2 $0x0  }
0x1d: {  	s5 =	simm.s32 @p1 $0x1;
	p0 =	seq.s32 s7, s2  }
0x1e: {  	s7 =	smul.u32 @!p0 $0xF7A, s2;
	p2 =	seq.s32 @!p0 s5, $0x0  }
0x1f: {  	s9 =	smul.u32 $0xF7A, s1;
	s8 =	simm.s32 @!p0 $0x1BF5;
	p2 =	por !p2, p0  }
0x20: {  	[sflag:s8] =	ssyncset.s32 @!p0 $0xFFFFF086;
	s6 =	sadd.s32 @!p0 s3, s7;
	s7 =	simm.s32 @!p0 $0x108  }
0x21: {  	s3 =	sadd.s32 s3, s9;
	s6 =	sadd.s32 @!p0 $0x88, s6;
	s7 =	simm.s32 @p2 $0x1082  }
0x22: {  	[simem:s7], [sflag:s8] =	dma.local @!p0 [hbm:s6], $0xF7A  }
0x23: {  	s9 =	sor.u32 $0xD0000000, s2;
	s6 =	simm.s32 $0x108;
	_ =	swait.ge @!p0 [sflag:s8], $0x0  }
0x24: {  	s3 =	sadd.s32 $0x88, s3;
	s6 =	simm.s32 @!p1 $0x1082;
	[sflag:s4] =	ssyncset.s32 $0xFFFFF086  }
0x25: {  	[simem:s6], [sflag:s4] =	dma.local [hbm:s3], $0xF7A  }
0x26: {  	[smem:$0x3F91] =	sst s1;
	(tag) =	ssettag s2;
	_ =	strace s9  }
0x27: {  	s1 =	sld [smem:$0x3FA1]  }
0x28: {  	s2 =	sld [smem:$0x3FA2]  }
0x29: {  	s4 =	sld [smem:$0x3FA4]  }
0x2a: {  	p0 =	seq.s32 s5, $0x0;
	s5 =	sld [smem:$0x3FA5]  }
0x2b: {  	s6 =	sld [smem:$0x3FA6]  }
0x2c: {  	s7 =	sld [smem:$0x3FA7]  }
0x2d: {  	s3 =	simm.s32 $0x108;
	s8 =	sld [smem:$0x3FA8]  }
0x2e: {  	s3 =	simm.s32 @!p0 $0x1082;
	s9 =	sld [smem:$0x3FA9]  }
0x2f: {  	lr =	sadd.s32 s0, s3;
	s0 =	sld [smem:$0x3FA0]  }
0x30: {  	s3 =	sld [smem:$0x3FA3]  }
0x31: {  	[smem:$0x3FAC] =	sst s10  }
0x32: {  	s10 =	sld [smem:$0x3FAA];
	_ =	sdelay $0x3  }
0x33: {  	p0 =	seq.s32 s10, $0x1;
	s10 =	sld [smem:$0x3FAC];
	_ =	sdelay $0x3  }
0x34: {  	[smem:$0x3FAC] =	sst s10  }
0x35: {  	s10 =	sld [smem:$0x3FAB];
	_ =	sdelay $0x3  }
0x36: {  	p1 =	seq.s32 s10, $0x1;
	s10 =	sld [smem:$0x3FAC];
	_ =	sdelay $0x3  }
0x37: {  	[smem:$0x3FAC] =	sst s10  }
0x38: {  	s10 =	sld [smem:$0x3FAD]  }
0x39: {  	_ = 	snop;
	(pc) =	sbr.ind lr, $3  }
0x3a: {  	_ = 	snop  }
0x3b: {  	_ = 	snop  }
0x3c: {  	p2 =	seq.s32 s10, $0x1;
	s10 =	sld [smem:$0x3FAC]  }
0x3d: {  	_ =	shalt  }
0x3e: {  	_ =	shalt  }
0x3f: {  	_ =	shalt  }
0x40: {  	_ =	shalt  }
0x41: {  	_ =	shalt  }
0x42: {  	_ =	shalt  }
0x43: {  	_ =	shalt  }
0x44: {  	_ =	shalt  }
0x45: {  	_ =	shalt  }
0x46: {  	_ =	shalt  }
0x47: {  	_ =	shalt  }
0x48: {  	_ =	shalt  }
0x49: {  	_ =	shalt  }
0x4a: {  	_ =	shalt  }
0x4b: {  	_ =	shalt  }
0x4c: {  	_ =	shalt  }
0x4d: {  	_ =	shalt  }
0x4e: {  	_ =	shalt  }
0x4f: {  	_ =	shalt  }
0x50: {  	_ =	shalt  }
0x51: {  	_ =	shalt  }
0x52: {  	_ =	shalt  }
0x53: {  	_ =	shalt  }
0x54: {  	_ =	shalt  }
0x55: {  	_ =	shalt  }
0x56: {  	_ =	shalt  }
0x57: {  	_ =	shalt  }
0x58: {  	_ =	shalt  }
0x59: {  	_ =	shalt  }
0x5a: {  	_ =	shalt  }
0x5b: {  	_ =	shalt  }
0x5c: {  	_ =	shalt  }
0x5d: {  	_ =	shalt  }
0x5e: {  	_ =	shalt  }
0x5f: {  	_ =	shalt  }
0x60: {  	_ =	shalt  }
0x61: {  	_ =	shalt  }
0x62: {  	_ =	shalt  }
0x63: {  	_ =	shalt  }
0x64: {  	_ =	shalt  }
0x65: {  	_ =	shalt  }
0x66: {  	_ =	shalt  }
0x67: {  	_ =	shalt  }
0x68: {  	_ =	shalt  }
0x69: {  	_ =	shalt  }
0x6a: {  	_ =	shalt  }
0x6b: {  	_ =	shalt  }
0x6c: {  	_ =	shalt  }
0x6d: {  	_ =	shalt  }
0x6e: {  	_ =	shalt  }
0x6f: {  	_ =	shalt  }
0x70: {  	_ =	shalt  }
0x71: {  	_ =	shalt  }
0x72: {  	_ =	shalt  }
0x73: {  	_ =	shalt  }
0x74: {  	_ =	shalt  }
0x75: {  	_ =	shalt  }
0x76: {  	_ =	shalt  }
0x77: {  	_ =	shalt  }
0x78: {  	_ =	shalt  }
0x79: {  	_ =	shalt  }
0x7a: {  	_ =	shalt  }
0x7b: {  	_ =	shalt  }
0x7c: {  	_ =	shalt  }
0x7d: {  	_ =	shalt  }
0x7e: {  	_ =	shalt  }
0x7f: {  	_ =	shalt  }
0x80: {  	_ =	shalt  }
0x81: {  	_ =	shalt  }
0x82: {  	_ =	shalt  }
0x83: {  	_ =	shalt  }
0x84: {  	_ =	shalt  }
0x85: {  	_ =	shalt  }
0x86: {  	_ =	shalt  }
0x87: {  	_ =	shalt  }
.Lfunc_end0:
.L_simem_size_0:
called_computation.6_lowered:
.L_overlay_start_0:
0x88: {  	s2 =	sld [smem:$0x3FD9]  }
0x89: {  	s3 =	sld [smem:$0x3FFE];
	_ =	sdelay $0x1  }
0x8a: {  	s1 =	srdreg.scid  }
0x8b: {  	s0 =	sand.u32 $0x1, s1  }
0x8c: {  	s17 =	sshll.u32 s0, $0xA;
	s2 =	sadd.s32 s3, s2  }
0x8d: {  	s2 =	sadd.s32 s2, s17  }
0x8e: {  	[smem:$0x3FB8] =	sst s2  }
0x8f: {  	_ = 	snop  }
0x90: {  	s18 =	sld [smem:$0x3FC2];
	(tm) =	ssettm $0x1  }
0x91: {  	s19 =	sld [smem:$0x3FFB];
	_ =	sdelay $0x3  }
0x92: {  	_ =	strace s19  }
0x93: {  	s2 =	sld [smem:$0x3FFC];
	_ =	sdelay $0x3  }
0x94: {  	_ =	strace s2  }
0x95: {  	s2 =	sld [smem:$0x3FFD];
	_ =	sdelay $0x3  }
0x96: {  	_ =	strace s2  }
0x97: {  	_ =	strace $0x8FFFFFFF  }
0x98: {  	s20 =	sld [smem:$0x3FDB];
	_ =	sdelay $0x1  }
0x99: {  	s4 =	simm.s32 $_scs_section_size  }
0x9a: {  	s5 =	simm.s32 $_size__tile_overlayer_lowered;
	s6 =	simm.s32 $_tile_overlayer_lowered  }
0x9b: {  	s7 =	simm.s32 $0x1BFF;
	s21 =	sshll.u32 s6, $0x1;
	s4 =	sadd.s32 s4, s20  }
0x9c: {  	s22 =	simm.s32 $0x0;
	s5 =	sshll.u32 s5, $0x1;
	s6 =	sadd.s32 s21, s4  }
0x9d: {  	[timem:s22], [sflag:s7] =	dma.local [hbm:s6], s5  }
0x9e: {  	_ =	swait.ge [sflag:s7], s5  }
0x9f: {  	s5 =	ssub.s32 $0x0, s5;
	[sflag:s7] =	ssyncset.done $0x0  }
0xa0: {  	[sflag:s7] =	ssyncadd.s32 s5;
	_ =	sdelay $0x1  }
0xa1: {  	s23 =	simm.s32 $0x1B8B  }
0xa2: {  	_ =	swait.ge [sflag:s23], $0x1  }
0xa3: {  	[sflag:s23] =	ssyncset.done $0x0  }
0xa4: {  	[sflag:s23] =	ssyncadd.s32 $0xFFFFFFFF  }
0xa5: {  	s5 =	sld [smem:$0x0]  }
0xa6: {  	s6 =	sand.u32 $0xFFFFFFFE, s1  }
0xa7: {  	p0 =	sne.s32 s1, s6  }
0xa8: {  	s6 =	sshll.u32 @p0 s6, $0xE  }
0xa9: {  	s6 =	sadd.s32 @p0 $0x11B8D, s6;
	s7 =	sshll.u32 @p0 s5, $0x11  }
0xaa: {  	s6 =	sor.u32 @p0 s7, s6  }
0xab: {  	[sflag:s6] =	ssyncadd.remote.s32 @p0 $0x1;
	_ =	sdelay $0x1  }
0xac: {  	s6 =	simm.s32 @p0 $0x1B8D  }
0xad: {  	_ =	swait.eq @p0 [sflag:s6], $0x1  }
0xae: {  	[sflag:s6] =	ssyncadd.s32 @p0 $0xFFFFFFFF  }
0xaf: {  	s7 =	sshll.u32 @!p0 s1, $0xE  }
0xb0: {  	s7 =	sor.u32 @!p0 $0x4000, s7;
	s6 =	simm.s32 @!p0 $0x1B8D  }
0xb1: {  	s5 =	sshll.u32 @!p0 s5, $0x11;
	s7 =	sadd.s32 @!p0 $0x11B8D, s7;
	_ =	swait.eq @!p0 [sflag:s6], $0x1  }
0xb2: {  	s5 =	sor.u32 @!p0 s5, s7;
	[sflag:s6] =	ssyncadd.s32 @!p0 $0xFFFFFFFF  }
0xb3: {  	s25 =	simm.s32 $0x1B8E;
	s24 =	sld [smem:$0x3FFE];
	[sflag:s5] =	ssyncadd.remote.s32 @!p0 $0x1  }
0xb4: {  	s26 =	simm.s32 $execute0_lowered;
	[smem:$0x3FD2] =	sst s25  }
0xb5: {  	s6 =	sshll.u32 s26, $0x1;
	_ =	strace $0x80000058;
	[dreg:$0x1] =	wrdreg $0xFFFFFFFF  }
0xb6: {  	s28 =	simm.s32 $_size_execute0_lowered;
	s4 =	sadd.s32 s4, s6;
	[dreg:$0x0] =	wrdreg $0x0  }
0xb7: {  	s6 =	sshll.u32 s28, $0x1;
	[dreg:$0x2] =	wrdreg s4  }
0xb8: {  	[dreg:$0x3] =	wrdreg s6  }
0xb9: {  	[dreg:$0x4] =	wrdreg $0xC0  }
0xba: {  	_ =	task [dreg:s22], $0x5FFFF  }
0xbb: {  	[dreg:$0x1] =	wrdreg $0xFFFFFFFF  }
0xbc: {  	[dreg:$0x0] =	wrdreg $0x60  }
0xbd: {  	[dreg:$0x2] =	wrdreg s24  }
0xbe: {  	[dreg:$0x3] =	wrdreg s18  }
0xbf: {  	[dreg:$0x4] =	wrdreg $0xA  }
0xc0: {  	_ =	task.clear_ibuf [dreg:s22], $0x5FFFF;
	_ =	strace $0x90000058  }
0xc1: {  	s29 =	simm.s32 $0xA;
	_ =	strace $0x8000005A  }
0xc2: {  	_ =	swait.ge [sflag:s29], $0x1  }
0xc3: {  	[sflag:s29] =	ssyncadd.s32 $0xFFFFFFFF  }
0xc4: {  	_ =	strace $0x9000005A  }
0xc5: {  	_ =	sfence  }
0xc6: {  	s30 =	sld [smem:$0x0];
	_ =	sdelay $0x2  }
0xc7: {  	s31 =	sshll.u32 s1, $0xD;
	s1 =	sshrl.u32 s1, $0x2  }
0xc8: {  	s4 =	sand.u32 $0x4000, s31;
	s1 =	sadd.s32 s1, s30  }
0xc9: {  	s0 =	sor.u32 s4, s0;
	s1 =	sshll.u32 s1, $0x11  }
0xca: {  	s0 =	sor.u32 s1, s0  }
0xcb: {  	s0 =	sadd.s32 $0x8F2B, s0  }
0xcc: {  	[sflag:s0] =	ssyncadd.remote.s32 $0x1  }
0xcd: {  	_ =	sfence.sel $0xFFFF  }
0xce: {  	[dreg:$0x0] =	wrdreg $0xFFFFFFFF;
	(pc) =	sbr.abs _section_cstart, $3  }
0xcf: {  	[dreg:$0x1] =	wrdreg $0xFFFFFFFF  }
0xd0: {  	_ =	task.clear_ibuf [dreg:s22], $0x2FFFF;
	_ =	strace $0x9FFFFFFF  }
0xd1: {  	(tm) =	ssettm $0x7FFFFFFF  }
tec
execute0_lowered:
.L_overlay_start_1:
0x0: {  	(tag) =	ssettag $0x1  }
0x1: {  	s4 =	rddreg [dreg:$0x0]  }
0x2: {  	s0 =	stileid.u32;
	s1 =	srdreg.scid  }
0x3: {  	s6 =	rddreg [dreg:$0x1];
	s5 =	smul.u32 $0xC3500, s0  }
0x4: {  	s2 =	simm.s32 $0x0;
	s3 =	sand.u32 $0x1, s1;
	s8 =	smul.u32 $0xC350, s0  }
0x5: {  	s11 =	simm.s32 $0x0;
	s1 =	rddreg [dreg:$0x2];
	s7 =	smul.u32 $0x61A80, s3  }
0x6: {  	[smem:$0x7FF] =	sst s2;
	s9 =	ssub.s32 $0x2, s3;
	s10 =	smul.u32 $0x61A8, s3  }
0x7: {  	s3 =	sadd.s32 $0x19FA800, s4;
	s4 =	sadd.s32 s5, s4;
	s30 =	sshrl.u32 s9, $0x1  }
0x8: {  	_ =	strace $0x80000059;
	s5 =	ssub.s32 s9, s30;
	s7 =	sadd.s32 s7, s4  }
0x9: {  	s8 =	sadd.s32 s10, s8;
	s9 =	simm.s32 $0x400;
	s10 =	simm.s32 $0x1  }
0xa: {  	s4 =	smax.u32 s5, $0x1;
	s5 =	sadd.s32 $0xC9D600, s7;
	s31 =	sshrl.u32 s8, $0x3  }
0xb: {  	s7 =	simm.s32 $0x2;
	s8 =	simm.s32 $0x3E8;
	s6 =	sadd.s32 s31, s6  }
.LBB2_1:
0xc: {  	s12 =	sadd.s32 $0x0, s6  }
0xd: {  	[tilespmem:s2], [sflag:$0x2] =	stream.linear.gather [hbm4b:s12+s2], $0x3E8, $0x38;
	[tilespmem:$0x1F800] =	vst v63  }
0xe: {  	_ =	swait.ge [sflag:s7], $0x3E8  }
0xf: {  	[sflag:s7] =	ssyncset.done $0x0  }
0x10: {  	[sflag:s7] =	ssyncadd.s32 $0xFFFFFC18  }
0x11: {  	[tilespmem:s9], [sflag:$0x1] =	stream.indirect.gather [hbm4b:s3+s8], $0x80, s2, s8, $0xb8;
	[tilespmem:$0x1F800] =	vst v63  }
0x12: {  	_ =	swait.ge [sflag:s10], $0x1F400  }
0x13: {  	[sflag:s10] =	ssyncset.done $0x0  }
0x14: {  	[sflag:s10] =	ssyncadd.s32 $0xFFFE0C00  }
0x15: {  	[hbm4b:s5+s2] =	stream.linear.scatter [tilespmem:s9], [sflag:$0x2], $0x1F400, $0x38;
	[tilespmem:$0x1F800] =	vst v63  }
0x16: {  	s13 =	simm.s32 $0x7D;
	_ =	swait.ge [sflag:s7], $0x1F400  }
0x17: {  	s14 =	simm.s32 $0xFA;
	s12 =	sadd.s32 $0x3E80, s5;
	[sflag:s7] =	ssyncset.done $0x0  }
.LBB2_2:
0x18: {  	s15 =	sadd.s32 s13, s6  }
0x19: {  	[sflag:s7] =	ssyncadd.s32 $0xFFFE0C00;
	s13 =	smov.u32 s14;
	s16 =	sadd.s32 $0x7D, s14  }
0x1a: {  	[tilespmem:s2], [sflag:$0x2] =	stream.linear.gather [hbm4b:s15+s2], $0x3E8, $0x38;
	[tilespmem:$0x1F800] =	vst v63  }
0x1b: {  	p0 =	sne.s32 s14, $0xBB8;
	_ =	swait.ge [sflag:s7], $0x3E8  }
0x1c: {  	[sflag:s7] =	ssyncset.done $0x0  }
0x1d: {  	[sflag:s7] =	ssyncadd.s32 $0xFFFFFC18  }
0x1e: {  	[tilespmem:s9], [sflag:$0x1] =	stream.indirect.gather [hbm4b:s3+s8], $0x80, s2, s8, $0xb8;
	[tilespmem:$0x1F800] =	vst v63  }
0x1f: {  	_ =	swait.ge [sflag:s10], $0x1F400  }
.Ltmp0:
0x20: {  	[sflag:s10] =	ssyncset.done $0x0;
	(pc) =	sbr.rel @p0 .LBB2_2-.Ltmp0, $4  }
0x21: {  	[sflag:s10] =	ssyncadd.s32 $0xFFFE0C00  }
0x22: {  	[hbm4b:s12+s2] =	stream.linear.scatter [tilespmem:s9], [sflag:$0x2], $0x1F400, $0x38;
	[tilespmem:$0x1F800] =	vst v63  }
0x23: {  	_ =	swait.ge [sflag:s7], $0x1F400  }
0x24: {  	s14 =	smov.u32 s16;
	s12 =	sadd.s32 $0x3E80, s12;
	[sflag:s7] =	ssyncset.done $0x0  }
0x25: {  	s13 =	sadd.s32 s13, s6;
	[sflag:s7] =	ssyncadd.s32 $0xFFFE0C00  }
0x26: {  	[tilespmem:s2], [sflag:$0x2] =	stream.linear.gather [hbm4b:s13+s2], $0x3E8, $0x38;
	[tilespmem:$0x1F800] =	vst v63  }
0x27: {  	_ =	swait.ge [sflag:s7], $0x3E8  }
0x28: {  	[sflag:s7] =	ssyncset.done $0x0  }
0x29: {  	[sflag:s7] =	ssyncadd.s32 $0xFFFFFC18  }
0x2a: {  	[tilespmem:s9], [sflag:$0x1] =	stream.indirect.gather [hbm4b:s3+s8], $0x80, s2, s8, $0xb8;
	[tilespmem:$0x1F800] =	vst v63  }
0x2b: {  	s11 =	sadd.s32 $0x1, s11;
	_ =	swait.ge [sflag:s10], $0x1F400  }
0x2c: {  	p0 =	sne.s32 s11, s4;
	[sflag:s10] =	ssyncset.done $0x0  }
.Ltmp1:
0x2d: {  	[sflag:s10] =	ssyncadd.s32 $0xFFFE0C00;
	(pc) =	sbr.rel @p0 .LBB2_1-.Ltmp1, $4  }
0x2e: {  	[hbm4b:s12+s2] =	stream.linear.scatter [tilespmem:s9], [sflag:$0x2], $0x1F400, $0x38;
	[tilespmem:$0x1F800] =	vst v63  }
0x2f: {  	_ =	swait.ge [sflag:s7], $0x1F400  }
0x30: {  	[sflag:s7] =	ssyncset.done $0x0  }
0x31: {  	[sflag:s7] =	ssyncadd.s32 $0xFFFE0C00  }
0x32: {  	_ =	sfence.sel $0x180000  }
0x33: {  	[bflag:$0x0] =	sbarrier.arrive $0xFFFF  }
0x34: {  	p0 =	sne.s32 s0, $0x0;
	_ =	strace $0x90000059  }
0x35: {  	s0 =	sadd.s32 @!p0 $0x100000, s1;
	[bflag:$0x2] =	sbarrier.arrive $0xFFFF  }
0x36: {  	[sflag:s0] =	ssyncadd.tile.s32 @!p0 $0x1;
	_ =	shalt  }
.Lfunc_end2:
_tile_overlayer_lowered:
.L_overlay_start_2:
0x37: {  	(tag) =	ssettag $0x2  }
0x38: {  	s0 =	rddreg [dreg:$0x0];
	s2 =	stileid.u32  }
0x39: {  	s1 =	rddreg [dreg:$0x1];
	p0 =	sne.s32 s2, $0x0  }
0x3a: {  	s3 =	rddreg [dreg:$0x2];
	[bflag:$0x3] =	sbarrier.arrive $0xFFFF;
	s2 =	simm.s32 @!p0 $0x1C02  }
0x3b: {  	[timem:s3], [sflag:s2] =	dma.local @!p0 [hbm:s0], s1  }
0x3c: {  	s0 =	simm.s32 @!p0 $0x2  }
0x3d: {  	_ =	swait.ge @!p0 [sflag:s0], s1  }
0x3e: {  	s1 =	ssub.s32 @!p0 $0x0, s1;
	[sflag:s0] =	ssyncset.done @!p0 $0x0  }
0x3f: {  	[sflag:s0] =	ssyncadd.s32 @!p0 s1  }
0x40: {  	[bflag:$0x3] =	sbarrier.arrive $0xFFFF  }
0x41: {  	_ =	shalt  }

// kernel: kernel.43.cloned.1.call-start
scs
__scs_entry_jumppad:
0x0: {  	(pc) =	sbr.rel $0x88, $3  }
0x1: {  	(tag) =	ssettag $0x0;
	lr =	simm.s32 $0x1  }
0x2: {  	[smem:$0x3F91] =	sst lr;
	_ =	strace $0xD0000000  }
0x3: {  	_ = 	snop  }
0x4: {  	_ = 	snop  }
0x5: {  	_ = 	snop  }
0x6: {  	_ = 	snop  }
0x7: {  	_ = 	snop  }
__scs_overlays_trampoline_lowered:
0x8: {  	[smem:$0x3FA0] =	sst s0  }
0x9: {  	[smem:$0x3FA1] =	sst s1  }
0xa: {  	[smem:$0x3FA2] =	sst s2  }
0xb: {  	[smem:$0x3FA3] =	sst s3  }
0xc: {  	[smem:$0x3FA4] =	sst s4  }
0xd: {  	[smem:$0x3FA5] =	sst s5  }
0xe: {  	[smem:$0x3FA6] =	sst s6  }
0xf: {  	[smem:$0x3FA7] =	sst s7  }
0x10: {  	[smem:$0x3FA8] =	sst s8  }
0x11: {  	[smem:$0x3FA9] =	sst s9;
	s0 =	simm.s32 @!p0 $0x0  }
0x12: {  	s1 =	sld [smem:$0x3F8F];
	s0 =	simm.s32 @p0 $0x1  }
0x13: {  	[smem:$0x3FAA] =	sst s0;
	s0 =	simm.s32 @!p1 $0x0  }
0x14: {  	s2 =	sld [smem:$0x3F8E];
	s0 =	simm.s32 @p1 $0x1  }
0x15: {  	[smem:$0x3FAB] =	sst s0;
	s0 =	simm.s32 @!p2 $0x0  }
0x16: {  	s3 =	sld [smem:$0x3FDB];
	s0 =	simm.s32 @p2 $0x1  }
0x17: {  	s4 =	simm.s32 $0x1BF5;
	[smem:$0x3FAD] =	sst s0  }
0x18: {  	s0 =	sld [smem:$0x3F90];
	_ =	swait.ge [sflag:s4], $0x0  }
0x19: {  	s7 =	sld [smem:$0x3F91]  }
0x1a: {  	s8 =	sadd.s32 $0xFFFFE003, lr  }
0x1b: {  	s9 =	sadd.s32 $0xFFFFFEF7, lr;
	s5 =	simm.s32 $0xFFFFFFFF;
	p2 =	slt.u32 s8, $0xFFFFF086  }
0x1c: {  	p1 =	slt.u32 s9, $0xF7A;
	s5 =	simm.s32 @!p2 $0x0  }
0x1d: {  	s5 =	simm.s32 @p1 $0x1;
	p0 =	seq.s32 s7, s2  }
0x1e: {  	s7 =	smul.u32 @!p0 $0xF7A, s2;
	p2 =	seq.s32 @!p0 s5, $0x0  }
0x1f: {  	s9 =	smul.u32 $0xF7A, s1;
	s8 =	simm.s32 @!p0 $0x1BF5;
	p2 =	por !p2, p0  }
0x20: {  	[sflag:s8] =	ssyncset.s32 @!p0 $0xFFFFF086;
	s6 =	sadd.s32 @!p0 s3, s7;
	s7 =	simm.s32 @!p0 $0x108  }
0x21: {  	s3 =	sadd.s32 s3, s9;
	s6 =	sadd.s32 @!p0 $0x88, s6;
	s7 =	simm.s32 @p2 $0x1082  }
0x22: {  	[simem:s7], [sflag:s8] =	dma.local @!p0 [hbm:s6], $0xF7A  }
0x23: {  	s9 =	sor.u32 $0xD0000000, s2;
	s6 =	simm.s32 $0x108;
	_ =	swait.ge @!p0 [sflag:s8], $0x0  }
0x24: {  	s3 =	sadd.s32 $0x88, s3;
	s6 =	simm.s32 @!p1 $0x1082;
	[sflag:s4] =	ssyncset.s32 $0xFFFFF086  }
0x25: {  	[simem:s6], [sflag:s4] =	dma.local [hbm:s3], $0xF7A  }
0x26: {  	[smem:$0x3F91] =	sst s1;
	(tag) =	ssettag s2;
	_ =	strace s9  }
0x27: {  	s1 =	sld [smem:$0x3FA1]  }
0x28: {  	s2 =	sld [smem:$0x3FA2]  }
0x29: {  	s4 =	sld [smem:$0x3FA4]  }
0x2a: {  	p0 =	seq.s32 s5, $0x0;
	s5 =	sld [smem:$0x3FA5]  }
0x2b: {  	s6 =	sld [smem:$0x3FA6]  }
0x2c: {  	s7 =	sld [smem:$0x3FA7]  }
0x2d: {  	s3 =	simm.s32 $0x108;
	s8 =	sld [smem:$0x3FA8]  }
0x2e: {  	s3 =	simm.s32 @!p0 $0x1082;
	s9 =	sld [smem:$0x3FA9]  }
0x2f: {  	lr =	sadd.s32 s0, s3;
	s0 =	sld [smem:$0x3FA0]  }
0x30: {  	s3 =	sld [smem:$0x3FA3]  }
0x31: {  	[smem:$0x3FAC] =	sst s10  }
0x32: {  	s10 =	sld [smem:$0x3FAA];
	_ =	sdelay $0x3  }
0x33: {  	p0 =	seq.s32 s10, $0x1;
	s10 =	sld [smem:$0x3FAC];
	_ =	sdelay $0x3  }
0x34: {  	[smem:$0x3FAC] =	sst s10  }
0x35: {  	s10 =	sld [smem:$0x3FAB];
	_ =	sdelay $0x3  }
0x36: {  	p1 =	seq.s32 s10, $0x1;
	s10 =	sld [smem:$0x3FAC];
	_ =	sdelay $0x3  }
0x37: {  	[smem:$0x3FAC] =	sst s10  }
0x38: {  	s10 =	sld [smem:$0x3FAD]  }
0x39: {  	_ = 	snop;
	(pc) =	sbr.ind lr, $3  }
0x3a: {  	_ = 	snop  }
0x3b: {  	_ = 	snop  }
0x3c: {  	p2 =	seq.s32 s10, $0x1;
	s10 =	sld [smem:$0x3FAC]  }
0x3d: {  	_ =	shalt  }
0x3e: {  	_ =	shalt  }
0x3f: {  	_ =	shalt  }
0x40: {  	_ =	shalt  }
0x41: {  	_ =	shalt  }
0x42: {  	_ =	shalt  }
0x43: {  	_ =	shalt  }
0x44: {  	_ =	shalt  }
0x45: {  	_ =	shalt  }
0x46: {  	_ =	shalt  }
0x47: {  	_ =	shalt  }
0x48: {  	_ =	shalt  }
0x49: {  	_ =	shalt  }
0x4a: {  	_ =	shalt  }
0x4b: {  	_ =	shalt  }
0x4c: {  	_ =	shalt  }
0x4d: {  	_ =	shalt  }
0x4e: {  	_ =	shalt  }
0x4f: {  	_ =	shalt  }
0x50: {  	_ =	shalt  }
0x51: {  	_ =	shalt  }
0x52: {  	_ =	shalt  }
0x53: {  	_ =	shalt  }
0x54: {  	_ =	shalt  }
0x55: {  	_ =	shalt  }
0x56: {  	_ =	shalt  }
0x57: {  	_ =	shalt  }
0x58: {  	_ =	shalt  }
0x59: {  	_ =	shalt  }
0x5a: {  	_ =	shalt  }
0x5b: {  	_ =	shalt  }
0x5c: {  	_ =	shalt  }
0x5d: {  	_ =	shalt  }
0x5e: {  	_ =	shalt  }
0x5f: {  	_ =	shalt  }
0x60: {  	_ =	shalt  }
0x61: {  	_ =	shalt  }
0x62: {  	_ =	shalt  }
0x63: {  	_ =	shalt  }
0x64: {  	_ =	shalt  }
0x65: {  	_ =	shalt  }
0x66: {  	_ =	shalt  }
0x67: {  	_ =	shalt  }
0x68: {  	_ =	shalt  }
0x69: {  	_ =	shalt  }
0x6a: {  	_ =	shalt  }
0x6b: {  	_ =	shalt  }
0x6c: {  	_ =	shalt  }
0x6d: {  	_ =	shalt  }
0x6e: {  	_ =	shalt  }
0x6f: {  	_ =	shalt  }
0x70: {  	_ =	shalt  }
0x71: {  	_ =	shalt  }
0x72: {  	_ =	shalt  }
0x73: {  	_ =	shalt  }
0x74: {  	_ =	shalt  }
0x75: {  	_ =	shalt  }
0x76: {  	_ =	shalt  }
0x77: {  	_ =	shalt  }
0x78: {  	_ =	shalt  }
0x79: {  	_ =	shalt  }
0x7a: {  	_ =	shalt  }
0x7b: {  	_ =	shalt  }
0x7c: {  	_ =	shalt  }
0x7d: {  	_ =	shalt  }
0x7e: {  	_ =	shalt  }
0x7f: {  	_ =	shalt  }
0x80: {  	_ =	shalt  }
0x81: {  	_ =	shalt  }
0x82: {  	_ =	shalt  }
0x83: {  	_ =	shalt  }
0x84: {  	_ =	shalt  }
0x85: {  	_ =	shalt  }
0x86: {  	_ =	shalt  }
0x87: {  	_ =	shalt  }
.Lfunc_end0:
.L_simem_size_0:
called_computation.7_lowered:
.L_overlay_start_0:
0x88: {  	s2 =	sld [smem:$0x3FD9]  }
0x89: {  	s3 =	sld [smem:$0x3FFE];
	_ =	sdelay $0x1  }
0x8a: {  	s1 =	srdreg.scid  }
0x8b: {  	s0 =	sand.u32 $0x1, s1  }
0x8c: {  	s17 =	sshll.u32 s0, $0xA;
	s2 =	sadd.s32 s3, s2  }
0x8d: {  	s2 =	sadd.s32 s2, s17  }
0x8e: {  	[smem:$0x3FB8] =	sst s2  }
0x8f: {  	_ = 	snop  }
0x90: {  	s18 =	sld [smem:$0x3FC5];
	(tm) =	ssettm $0x1  }
0x91: {  	s19 =	sld [smem:$0x3FFB];
	_ =	sdelay $0x3  }
0x92: {  	_ =	strace s19  }
0x93: {  	s2 =	sld [smem:$0x3FFC];
	_ =	sdelay $0x3  }
0x94: {  	_ =	strace s2  }
0x95: {  	s2 =	sld [smem:$0x3FFD];
	_ =	sdelay $0x3  }
0x96: {  	_ =	strace s2  }
0x97: {  	_ =	strace $0x8FFFFFFF  }
0x98: {  	s20 =	sld [smem:$0x3FDB];
	_ =	sdelay $0x1  }
0x99: {  	s4 =	simm.s32 $_scs_section_size  }
0x9a: {  	s5 =	simm.s32 $_size__tile_overlayer_lowered;
	s6 =	simm.s32 $_tile_overlayer_lowered  }
0x9b: {  	s7 =	simm.s32 $0x1BFF;
	s21 =	sshll.u32 s6, $0x1;
	s4 =	sadd.s32 s4, s20  }
0x9c: {  	s22 =	simm.s32 $0x0;
	s5 =	sshll.u32 s5, $0x1;
	s6 =	sadd.s32 s21, s4  }
0x9d: {  	[timem:s22], [sflag:s7] =	dma.local [hbm:s6], s5  }
0x9e: {  	_ =	swait.ge [sflag:s7], s5  }
0x9f: {  	s5 =	ssub.s32 $0x0, s5;
	[sflag:s7] =	ssyncset.done $0x0  }
0xa0: {  	[sflag:s7] =	ssyncadd.s32 s5;
	_ =	sdelay $0x1  }
0xa1: {  	s23 =	simm.s32 $0x1B8B  }
0xa2: {  	_ =	swait.ge [sflag:s23], $0x1  }
0xa3: {  	[sflag:s23] =	ssyncset.done $0x0  }
0xa4: {  	[sflag:s23] =	ssyncadd.s32 $0xFFFFFFFF  }
0xa5: {  	s5 =	sld [smem:$0x0]  }
0xa6: {  	s6 =	sand.u32 $0xFFFFFFFE, s1  }
0xa7: {  	p0 =	sne.s32 s1, s6  }
0xa8: {  	s6 =	sshll.u32 @p0 s6, $0xE  }
0xa9: {  	s6 =	sadd.s32 @p0 $0x11B8D, s6;
	s7 =	sshll.u32 @p0 s5, $0x11  }
0xaa: {  	s6 =	sor.u32 @p0 s7, s6  }
0xab: {  	[sflag:s6] =	ssyncadd.remote.s32 @p0 $0x1;
	_ =	sdelay $0x1  }
0xac: {  	s6 =	simm.s32 @p0 $0x1B8D  }
0xad: {  	_ =	swait.eq @p0 [sflag:s6], $0x1  }
0xae: {  	[sflag:s6] =	ssyncadd.s32 @p0 $0xFFFFFFFF  }
0xaf: {  	s7 =	sshll.u32 @!p0 s1, $0xE  }
0xb0: {  	s7 =	sor.u32 @!p0 $0x4000, s7;
	s6 =	simm.s32 @!p0 $0x1B8D  }
0xb1: {  	s5 =	sshll.u32 @!p0 s5, $0x11;
	s7 =	sadd.s32 @!p0 $0x11B8D, s7;
	_ =	swait.eq @!p0 [sflag:s6], $0x1  }
0xb2: {  	s5 =	sor.u32 @!p0 s5, s7;
	[sflag:s6] =	ssyncadd.s32 @!p0 $0xFFFFFFFF  }
0xb3: {  	s25 =	simm.s32 $0x1B8E;
	s24 =	sld [smem:$0x3FFE];
	[sflag:s5] =	ssyncadd.remote.s32 @!p0 $0x1  }
0xb4: {  	s26 =	simm.s32 $execute0_lowered;
	[smem:$0x3FD2] =	sst s25  }
0xb5: {  	s6 =	sshll.u32 s26, $0x1;
	_ =	strace $0x8000005B;
	[dreg:$0x1] =	wrdreg $0xFFFFFFFF  }
0xb6: {  	s28 =	simm.s32 $_size_execute0_lowered;
	s4 =	sadd.s32 s4, s6;
	[dreg:$0x0] =	wrdreg $0x0  }
0xb7: {  	s6 =	sshll.u32 s28, $0x1;
	[dreg:$0x2] =	wrdreg s4  }
0xb8: {  	[dreg:$0x3] =	wrdreg s6  }
0xb9: {  	[dreg:$0x4] =	wrdreg $0xC0  }
0xba: {  	_ =	task [dreg:s22], $0x5FFFF  }
0xbb: {  	[dreg:$0x1] =	wrdreg $0xFFFFFFFF  }
0xbc: {  	[dreg:$0x0] =	wrdreg $0x60  }
0xbd: {  	[dreg:$0x2] =	wrdreg s24  }
0xbe: {  	[dreg:$0x3] =	wrdreg s18  }
0xbf: {  	[dreg:$0x4] =	wrdreg $0xB  }
0xc0: {  	_ =	task.clear_ibuf [dreg:s22], $0x5FFFF;
	_ =	strace $0x9000005B  }
0xc1: {  	s29 =	simm.s32 $0xB;
	_ =	strace $0x8000005D  }
0xc2: {  	_ =	swait.ge [sflag:s29], $0x1  }
0xc3: {  	[sflag:s29] =	ssyncadd.s32 $0xFFFFFFFF  }
0xc4: {  	_ =	strace $0x9000005D  }
0xc5: {  	_ =	sfence  }
0xc6: {  	s30 =	sld [smem:$0x0];
	_ =	sdelay $0x2  }
0xc7: {  	s31 =	sshll.u32 s1, $0xD;
	s1 =	sshrl.u32 s1, $0x2  }
0xc8: {  	s4 =	sand.u32 $0x4000, s31;
	s1 =	sadd.s32 s1, s30  }
0xc9: {  	s0 =	sor.u32 s4, s0;
	s1 =	sshll.u32 s1, $0x11  }
0xca: {  	s0 =	sor.u32 s1, s0  }
0xcb: {  	s0 =	sadd.s32 $0x8F2B, s0  }
0xcc: {  	[sflag:s0] =	ssyncadd.remote.s32 $0x1  }
0xcd: {  	_ =	sfence.sel $0xFFFF  }
0xce: {  	[dreg:$0x0] =	wrdreg $0xFFFFFFFF;
	(pc) =	sbr.abs _section_cstart, $3  }
0xcf: {  	[dreg:$0x1] =	wrdreg $0xFFFFFFFF  }
0xd0: {  	_ =	task.clear_ibuf [dreg:s22], $0x2FFFF;
	_ =	strace $0x9FFFFFFF  }
0xd1: {  	(tm) =	ssettm $0x7FFFFFFF  }
tec
execute0_lowered:
.L_overlay_start_1:
0x0: {  	(tag) =	ssettag $0x1  }
0x1: {  	s4 =	rddreg [dreg:$0x0]  }
0x2: {  	s0 =	stileid.u32;
	s1 =	srdreg.scid  }
0x3: {  	s6 =	rddreg [dreg:$0x1];
	s5 =	smul.u32 $0xC3500, s0  }
0x4: {  	s2 =	simm.s32 $0x0;
	s3 =	sand.u32 $0x1, s1;
	s8 =	smul.u32 $0xC350, s0  }
0x5: {  	s11 =	simm.s32 $0x0;
	s1 =	rddreg [dreg:$0x2];
	s7 =	smul.u32 $0x61A80, s3  }
0x6: {  	[smem:$0x7FF] =	sst s2;
	s9 =	ssub.s32 $0x2, s3;
	s10 =	smul.u32 $0x61A8, s3  }
0x7: {  	s3 =	sadd.s32 $0x19FA800, s4;
	s4 =	sadd.s32 s5, s4;
	s30 =	sshrl.u32 s9, $0x1  }
0x8: {  	_ =	strace $0x8000005C;
	s5 =	ssub.s32 s9, s30;
	s7 =	sadd.s32 s7, s4  }
0x9: {  	s8 =	sadd.s32 s10, s8;
	s9 =	simm.s32 $0x400;
	s10 =	simm.s32 $0x1  }
0xa: {  	s4 =	smax.u32 s5, $0x1;
	s5 =	sadd.s32 $0x3261600, s7;
	s31 =	sshrl.u32 s8, $0x3  }
0xb: {  	s7 =	simm.s32 $0x2;
	s8 =	simm.s32 $0x3E8;
	s6 =	sadd.s32 s31, s6  }
.LBB2_1:
0xc: {  	s12 =	sadd.s32 $0x0, s6  }
0xd: {  	[tilespmem:s2], [sflag:$0x2] =	stream.linear.gather [hbm4b:s12+s2], $0x3E8, $0x38;
	[tilespmem:$0x1F800] =	vst v63  }
0xe: {  	_ =	swait.ge [sflag:s7], $0x3E8  }
0xf: {  	[sflag:s7] =	ssyncset.done $0x0  }
0x10: {  	[sflag:s7] =	ssyncadd.s32 $0xFFFFFC18  }
0x11: {  	[tilespmem:s9], [sflag:$0x1] =	stream.indirect.gather [hbm4b:s3+s8], $0x80, s2, s8, $0xb8;
	[tilespmem:$0x1F800] =	vst v63  }
0x12: {  	_ =	swait.ge [sflag:s10], $0x1F400  }
0x13: {  	[sflag:s10] =	ssyncset.done $0x0  }
0x14: {  	[sflag:s10] =	ssyncadd.s32 $0xFFFE0C00  }
0x15: {  	[hbm4b:s5+s2] =	stream.linear.scatter [tilespmem:s9], [sflag:$0x2], $0x1F400, $0x38;
	[tilespmem:$0x1F800] =	vst v63  }
0x16: {  	s13 =	simm.s32 $0x7D;
	_ =	swait.ge [sflag:s7], $0x1F400  }
0x17: {  	s14 =	simm.s32 $0xFA;
	s12 =	sadd.s32 $0x3E80, s5;
	[sflag:s7] =	ssyncset.done $0x0  }
.LBB2_2:
0x18: {  	s15 =	sadd.s32 s13, s6  }
0x19: {  	[sflag:s7] =	ssyncadd.s32 $0xFFFE0C00;
	s13 =	smov.u32 s14;
	s16 =	sadd.s32 $0x7D, s14  }
0x1a: {  	[tilespmem:s2], [sflag:$0x2] =	stream.linear.gather [hbm4b:s15+s2], $0x3E8, $0x38;
	[tilespmem:$0x1F800] =	vst v63  }
0x1b: {  	p0 =	sne.s32 s14, $0xBB8;
	_ =	swait.ge [sflag:s7], $0x3E8  }
0x1c: {  	[sflag:s7] =	ssyncset.done $0x0  }
0x1d: {  	[sflag:s7] =	ssyncadd.s32 $0xFFFFFC18  }
0x1e: {  	[tilespmem:s9], [sflag:$0x1] =	stream.indirect.gather [hbm4b:s3+s8], $0x80, s2, s8, $0xb8;
	[tilespmem:$0x1F800] =	vst v63  }
0x1f: {  	_ =	swait.ge [sflag:s10], $0x1F400  }
.Ltmp0:
0x20: {  	[sflag:s10] =	ssyncset.done $0x0;
	(pc) =	sbr.rel @p0 .LBB2_2-.Ltmp0, $4  }
0x21: {  	[sflag:s10] =	ssyncadd.s32 $0xFFFE0C00  }
0x22: {  	[hbm4b:s12+s2] =	stream.linear.scatter [tilespmem:s9], [sflag:$0x2], $0x1F400, $0x38;
	[tilespmem:$0x1F800] =	vst v63  }
0x23: {  	_ =	swait.ge [sflag:s7], $0x1F400  }
0x24: {  	s14 =	smov.u32 s16;
	s12 =	sadd.s32 $0x3E80, s12;
	[sflag:s7] =	ssyncset.done $0x0  }
0x25: {  	s13 =	sadd.s32 s13, s6;
	[sflag:s7] =	ssyncadd.s32 $0xFFFE0C00  }
0x26: {  	[tilespmem:s2], [sflag:$0x2] =	stream.linear.gather [hbm4b:s13+s2], $0x3E8, $0x38;
	[tilespmem:$0x1F800] =	vst v63  }
0x27: {  	_ =	swait.ge [sflag:s7], $0x3E8  }
0x28: {  	[sflag:s7] =	ssyncset.done $0x0  }
0x29: {  	[sflag:s7] =	ssyncadd.s32 $0xFFFFFC18  }
0x2a: {  	[tilespmem:s9], [sflag:$0x1] =	stream.indirect.gather [hbm4b:s3+s8], $0x80, s2, s8, $0xb8;
	[tilespmem:$0x1F800] =	vst v63  }
0x2b: {  	s11 =	sadd.s32 $0x1, s11;
	_ =	swait.ge [sflag:s10], $0x1F400  }
0x2c: {  	p0 =	sne.s32 s11, s4;
	[sflag:s10] =	ssyncset.done $0x0  }
.Ltmp1:
0x2d: {  	[sflag:s10] =	ssyncadd.s32 $0xFFFE0C00;
	(pc) =	sbr.rel @p0 .LBB2_1-.Ltmp1, $4  }
0x2e: {  	[hbm4b:s12+s2] =	stream.linear.scatter [tilespmem:s9], [sflag:$0x2], $0x1F400, $0x38;
	[tilespmem:$0x1F800] =	vst v63  }
0x2f: {  	_ =	swait.ge [sflag:s7], $0x1F400  }
0x30: {  	[sflag:s7] =	ssyncset.done $0x0  }
0x31: {  	[sflag:s7] =	ssyncadd.s32 $0xFFFE0C00  }
0x32: {  	_ =	sfence.sel $0x180000  }
0x33: {  	[bflag:$0x0] =	sbarrier.arrive $0xFFFF  }
0x34: {  	p0 =	sne.s32 s0, $0x0;
	_ =	strace $0x9000005C  }
0x35: {  	s0 =	sadd.s32 @!p0 $0x100000, s1;
	[bflag:$0x2] =	sbarrier.arrive $0xFFFF  }
0x36: {  	[sflag:s0] =	ssyncadd.tile.s32 @!p0 $0x1;
	_ =	shalt  }
.Lfunc_end2:
_tile_overlayer_lowered:
.L_overlay_start_2:
0x37: {  	(tag) =	ssettag $0x2  }
0x38: {  	s0 =	rddreg [dreg:$0x0];
	s2 =	stileid.u32  }
0x39: {  	s1 =	rddreg [dreg:$0x1];
	p0 =	sne.s32 s2, $0x0  }
0x3a: {  	s3 =	rddreg [dreg:$0x2];
	[bflag:$0x3] =	sbarrier.arrive $0xFFFF;
	s2 =	simm.s32 @!p0 $0x1C02  }
0x3b: {  	[timem:s3], [sflag:s2] =	dma.local @!p0 [hbm:s0], s1  }
0x3c: {  	s0 =	simm.s32 @!p0 $0x2  }
0x3d: {  	_ =	swait.ge @!p0 [sflag:s0], s1  }
0x3e: {  	s1 =	ssub.s32 @!p0 $0x0, s1;
	[sflag:s0] =	ssyncset.done @!p0 $0x0  }
0x3f: {  	[sflag:s0] =	ssyncadd.s32 @!p0 s1  }
0x40: {  	[bflag:$0x3] =	sbarrier.arrive $0xFFFF  }
0x41: {  	_ =	shalt  }

// kernel: kernel.46.cloned.1.call-start
scs
__scs_entry_jumppad:
0x0: {  	(pc) =	sbr.rel $0x88, $3  }
0x1: {  	(tag) =	ssettag $0x0;
	lr =	simm.s32 $0x1  }
0x2: {  	[smem:$0x3F91] =	sst lr;
	_ =	strace $0xD0000000  }
0x3: {  	_ = 	snop  }
0x4: {  	_ = 	snop  }
0x5: {  	_ = 	snop  }
0x6: {  	_ = 	snop  }
0x7: {  	_ = 	snop  }
__scs_overlays_trampoline_lowered:
0x8: {  	[smem:$0x3FA0] =	sst s0  }
0x9: {  	[smem:$0x3FA1] =	sst s1  }
0xa: {  	[smem:$0x3FA2] =	sst s2  }
0xb: {  	[smem:$0x3FA3] =	sst s3  }
0xc: {  	[smem:$0x3FA4] =	sst s4  }
0xd: {  	[smem:$0x3FA5] =	sst s5  }
0xe: {  	[smem:$0x3FA6] =	sst s6  }
0xf: {  	[smem:$0x3FA7] =	sst s7  }
0x10: {  	[smem:$0x3FA8] =	sst s8  }
0x11: {  	[smem:$0x3FA9] =	sst s9;
	s0 =	simm.s32 @!p0 $0x0  }
0x12: {  	s1 =	sld [smem:$0x3F8F];
	s0 =	simm.s32 @p0 $0x1  }
0x13: {  	[smem:$0x3FAA] =	sst s0;
	s0 =	simm.s32 @!p1 $0x0  }
0x14: {  	s2 =	sld [smem:$0x3F8E];
	s0 =	simm.s32 @p1 $0x1  }
0x15: {  	[smem:$0x3FAB] =	sst s0;
	s0 =	simm.s32 @!p2 $0x0  }
0x16: {  	s3 =	sld [smem:$0x3FDB];
	s0 =	simm.s32 @p2 $0x1  }
0x17: {  	s4 =	simm.s32 $0x1BF5;
	[smem:$0x3FAD] =	sst s0  }
0x18: {  	s0 =	sld [smem:$0x3F90];
	_ =	swait.ge [sflag:s4], $0x0  }
0x19: {  	s7 =	sld [smem:$0x3F91]  }
0x1a: {  	s8 =	sadd.s32 $0xFFFFE003, lr  }
0x1b: {  	s9 =	sadd.s32 $0xFFFFFEF7, lr;
	s5 =	simm.s32 $0xFFFFFFFF;
	p2 =	slt.u32 s8, $0xFFFFF086  }
0x1c: {  	p1 =	slt.u32 s9, $0xF7A;
	s5 =	simm.s32 @!p2 $0x0  }
0x1d: {  	s5 =	simm.s32 @p1 $0x1;
	p0 =	seq.s32 s7, s2  }
0x1e: {  	s7 =	smul.u32 @!p0 $0xF7A, s2;
	p2 =	seq.s32 @!p0 s5, $0x0  }
0x1f: {  	s9 =	smul.u32 $0xF7A, s1;
	s8 =	simm.s32 @!p0 $0x1BF5;
	p2 =	por !p2, p0  }
0x20: {  	[sflag:s8] =	ssyncset.s32 @!p0 $0xFFFFF086;
	s6 =	sadd.s32 @!p0 s3, s7;
	s7 =	simm.s32 @!p0 $0x108  }
0x21: {  	s3 =	sadd.s32 s3, s9;
	s6 =	sadd.s32 @!p0 $0x88, s6;
	s7 =	simm.s32 @p2 $0x1082  }
0x22: {  	[simem:s7], [sflag:s8] =	dma.local @!p0 [hbm:s6], $0xF7A  }
0x23: {  	s9 =	sor.u32 $0xD0000000, s2;
	s6 =	simm.s32 $0x108;
	_ =	swait.ge @!p0 [sflag:s8], $0x0  }
0x24: {  	s3 =	sadd.s32 $0x88, s3;
	s6 =	simm.s32 @!p1 $0x1082;
	[sflag:s4] =	ssyncset.s32 $0xFFFFF086  }
0x25: {  	[simem:s6], [sflag:s4] =	dma.local [hbm:s3], $0xF7A  }
0x26: {  	[smem:$0x3F91] =	sst s1;
	(tag) =	ssettag s2;
	_ =	strace s9  }
0x27: {  	s1 =	sld [smem:$0x3FA1]  }
0x28: {  	s2 =	sld [smem:$0x3FA2]  }
0x29: {  	s4 =	sld [smem:$0x3FA4]  }
0x2a: {  	p0 =	seq.s32 s5, $0x0;
	s5 =	sld [smem:$0x3FA5]  }
0x2b: {  	s6 =	sld [smem:$0x3FA6]  }
0x2c: {  	s7 =	sld [smem:$0x3FA7]  }
0x2d: {  	s3 =	simm.s32 $0x108;
	s8 =	sld [smem:$0x3FA8]  }
0x2e: {  	s3 =	simm.s32 @!p0 $0x1082;
	s9 =	sld [smem:$0x3FA9]  }
0x2f: {  	lr =	sadd.s32 s0, s3;
	s0 =	sld [smem:$0x3FA0]  }
0x30: {  	s3 =	sld [smem:$0x3FA3]  }
0x31: {  	[smem:$0x3FAC] =	sst s10  }
0x32: {  	s10 =	sld [smem:$0x3FAA];
	_ =	sdelay $0x3  }
0x33: {  	p0 =	seq.s32 s10, $0x1;
	s10 =	sld [smem:$0x3FAC];
	_ =	sdelay $0x3  }
0x34: {  	[smem:$0x3FAC] =	sst s10  }
0x35: {  	s10 =	sld [smem:$0x3FAB];
	_ =	sdelay $0x3  }
0x36: {  	p1 =	seq.s32 s10, $0x1;
	s10 =	sld [smem:$0x3FAC];
	_ =	sdelay $0x3  }
0x37: {  	[smem:$0x3FAC] =	sst s10  }
0x38: {  	s10 =	sld [smem:$0x3FAD]  }
0x39: {  	_ = 	snop;
	(pc) =	sbr.ind lr, $3  }
0x3a: {  	_ = 	snop  }
0x3b: {  	_ = 	snop  }
0x3c: {  	p2 =	seq.s32 s10, $0x1;
	s10 =	sld [smem:$0x3FAC]  }
0x3d: {  	_ =	shalt  }
0x3e: {  	_ =	shalt  }
0x3f: {  	_ =	shalt  }
0x40: {  	_ =	shalt  }
0x41: {  	_ =	shalt  }
0x42: {  	_ =	shalt  }
0x43: {  	_ =	shalt  }
0x44: {  	_ =	shalt  }
0x45: {  	_ =	shalt  }
0x46: {  	_ =	shalt  }
0x47: {  	_ =	shalt  }
0x48: {  	_ =	shalt  }
0x49: {  	_ =	shalt  }
0x4a: {  	_ =	shalt  }
0x4b: {  	_ =	shalt  }
0x4c: {  	_ =	shalt  }
0x4d: {  	_ =	shalt  }
0x4e: {  	_ =	shalt  }
0x4f: {  	_ =	shalt  }
0x50: {  	_ =	shalt  }
0x51: {  	_ =	shalt  }
0x52: {  	_ =	shalt  }
0x53: {  	_ =	shalt  }
0x54: {  	_ =	shalt  }
0x55: {  	_ =	shalt  }
0x56: {  	_ =	shalt  }
0x57: {  	_ =	shalt  }
0x58: {  	_ =	shalt  }
0x59: {  	_ =	shalt  }
0x5a: {  	_ =	shalt  }
0x5b: {  	_ =	shalt  }
0x5c: {  	_ =	shalt  }
0x5d: {  	_ =	shalt  }
0x5e: {  	_ =	shalt  }
0x5f: {  	_ =	shalt  }
0x60: {  	_ =	shalt  }
0x61: {  	_ =	shalt  }
0x62: {  	_ =	shalt  }
0x63: {  	_ =	shalt  }
0x64: {  	_ =	shalt  }
0x65: {  	_ =	shalt  }
0x66: {  	_ =	shalt  }
0x67: {  	_ =	shalt  }
0x68: {  	_ =	shalt  }
0x69: {  	_ =	shalt  }
0x6a: {  	_ =	shalt  }
0x6b: {  	_ =	shalt  }
0x6c: {  	_ =	shalt  }
0x6d: {  	_ =	shalt  }
0x6e: {  	_ =	shalt  }
0x6f: {  	_ =	shalt  }
0x70: {  	_ =	shalt  }
0x71: {  	_ =	shalt  }
0x72: {  	_ =	shalt  }
0x73: {  	_ =	shalt  }
0x74: {  	_ =	shalt  }
0x75: {  	_ =	shalt  }
0x76: {  	_ =	shalt  }
0x77: {  	_ =	shalt  }
0x78: {  	_ =	shalt  }
0x79: {  	_ =	shalt  }
0x7a: {  	_ =	shalt  }
0x7b: {  	_ =	shalt  }
0x7c: {  	_ =	shalt  }
0x7d: {  	_ =	shalt  }
0x7e: {  	_ =	shalt  }
0x7f: {  	_ =	shalt  }
0x80: {  	_ =	shalt  }
0x81: {  	_ =	shalt  }
0x82: {  	_ =	shalt  }
0x83: {  	_ =	shalt  }
0x84: {  	_ =	shalt  }
0x85: {  	_ =	shalt  }
0x86: {  	_ =	shalt  }
0x87: {  	_ =	shalt  }
.Lfunc_end0:
.L_simem_size_0:
called_computation.8_lowered:
.L_overlay_start_0:
0x88: {  	s2 =	sld [smem:$0x3FD9]  }
0x89: {  	s3 =	sld [smem:$0x3FFE];
	_ =	sdelay $0x1  }
0x8a: {  	s1 =	srdreg.scid  }
0x8b: {  	s0 =	sand.u32 $0x1, s1  }
0x8c: {  	s16 =	sshll.u32 s0, $0xA;
	s2 =	sadd.s32 s3, s2  }
0x8d: {  	s2 =	sadd.s32 s2, s16  }
0x8e: {  	[smem:$0x3FB8] =	sst s2  }
0x8f: {  	_ = 	snop  }
0x90: {  	(tm) =	ssettm $0x1  }
0x91: {  	s17 =	sld [smem:$0x3FFB];
	_ =	sdelay $0x3  }
0x92: {  	_ =	strace s17  }
0x93: {  	s2 =	sld [smem:$0x3FFC];
	_ =	sdelay $0x3  }
0x94: {  	_ =	strace s2  }
0x95: {  	s2 =	sld [smem:$0x3FFD];
	_ =	sdelay $0x3  }
0x96: {  	_ =	strace s2  }
0x97: {  	_ =	strace $0x8FFFFFFF  }
0x98: {  	s18 =	sld [smem:$0x3FDB];
	_ =	sdelay $0x1  }
0x99: {  	s19 =	simm.s32 $_scs_section_size  }
0x9a: {  	s4 =	simm.s32 $_size__tile_overlayer_lowered;
	s5 =	simm.s32 $_tile_overlayer_lowered  }
0x9b: {  	s22 =	simm.s32 $0x1BFF;
	s21 =	sshll.u32 s5, $0x1;
	s2 =	sadd.s32 s19, s18  }
0x9c: {  	s6 =	simm.s32 $0x0;
	s20 =	sshll.u32 s4, $0x1;
	s4 =	sadd.s32 s21, s2  }
0x9d: {  	[timem:s6], [sflag:s22] =	dma.local [hbm:s4], s20  }
0x9e: {  	_ =	swait.ge [sflag:s22], s20  }
0x9f: {  	s3 =	ssub.s32 $0x0, s20;
	[sflag:s22] =	ssyncset.done $0x0  }
0xa0: {  	[sflag:s22] =	ssyncadd.s32 s3;
	_ =	sdelay $0x1  }
0xa1: {  	s23 =	simm.s32 $0x1B8B  }
0xa2: {  	_ =	swait.ge [sflag:s23], $0x1  }
0xa3: {  	[sflag:s23] =	ssyncset.done $0x0  }
0xa4: {  	s25 =	simm.s32 $0x1B8E;
	s24 =	sld [smem:$0x3FFE];
	[sflag:s23] =	ssyncadd.s32 $0xFFFFFFFF  }
0xa5: {  	s26 =	simm.s32 $execute0_lowered;
	[smem:$0x3FD2] =	sst s25  }
0xa6: {  	s4 =	sshll.u32 s26, $0x1;
	_ =	strace $0x8000005E;
	[dreg:$0x1] =	wrdreg $0xFFFFFFFF  }
0xa7: {  	s28 =	simm.s32 $_size_execute0_lowered;
	s2 =	sadd.s32 s2, s4;
	[dreg:$0x0] =	wrdreg $0x0  }
0xa8: {  	s4 =	sshll.u32 s28, $0x1;
	[dreg:$0x2] =	wrdreg s2  }
0xa9: {  	[dreg:$0x3] =	wrdreg s4  }
0xaa: {  	[dreg:$0x4] =	wrdreg $0xC0  }
0xab: {  	_ =	task [dreg:s6], $0x5FFFF  }
0xac: {  	[dreg:$0x1] =	wrdreg $0xFFFFFFFF  }
0xad: {  	[dreg:$0x0] =	wrdreg $0x60  }
0xae: {  	[dreg:$0x2] =	wrdreg s24  }
0xaf: {  	[dreg:$0x3] =	wrdreg $0x65000  }
0xb0: {  	[dreg:$0x4] =	wrdreg $0x9  }
0xb1: {  	_ =	task.clear_ibuf [dreg:s6], $0x5FFFF;
	_ =	strace $0x9000005E  }
0xb2: {  	s29 =	simm.s32 $0x9;
	_ =	strace $0x80000060  }
0xb3: {  	_ =	swait.ge [sflag:s29], $0x1  }
0xb4: {  	[sflag:s29] =	ssyncadd.s32 $0xFFFFFFFF  }
0xb5: {  	_ =	strace $0x90000060  }
0xb6: {  	_ =	sfence  }
0xb7: {  	s30 =	sld [smem:$0x0];
	_ =	sdelay $0x2  }
0xb8: {  	s31 =	sshll.u32 s1, $0xD;
	s1 =	sshrl.u32 s1, $0x2  }
0xb9: {  	s3 =	sand.u32 $0x4000, s31;
	s1 =	sadd.s32 s1, s30  }
0xba: {  	s0 =	sor.u32 s3, s0;
	s1 =	sshll.u32 s1, $0x11  }
0xbb: {  	s0 =	sor.u32 s1, s0  }
0xbc: {  	s0 =	sadd.s32 $0x8F2B, s0  }
0xbd: {  	[sflag:s0] =	ssyncadd.remote.s32 $0x1  }
0xbe: {  	_ =	sfence.sel $0xFFFF  }
0xbf: {  	[dreg:$0x0] =	wrdreg $0xFFFFFFFF;
	(pc) =	sbr.abs _section_cstart, $3  }
0xc0: {  	[dreg:$0x1] =	wrdreg $0xFFFFFFFF  }
0xc1: {  	_ =	task.clear_ibuf [dreg:s6], $0x2FFFF;
	_ =	strace $0x9FFFFFFF  }
0xc2: {  	(tm) =	ssettm $0x7FFFFFFF  }
0xc3: {  	_ =	shalt  }
tec
execute0_lowered:
.L_overlay_start_1:
0x0: {  	(tag) =	ssettag $0x1  }
0x1: {  	s0 =	stileid.u32  }
0x2: {  	s1 =	srdreg.scid;
	s4 =	smul.u32 $0xC3500, s0  }
0x3: {  	s5 =	rddreg [dreg:$0x0];
	s7 =	smul.u32 $0xC350, s0  }
0x4: {  	s2 =	rddreg [dreg:$0x1];
	s3 =	simm.s32 $0x0;
	s22 =	smul.u32 $0x18C00, s0  }
0x5: {  	s13 =	simm.s32 $0xC8;
	s6 =	sand.u32 $0x1, s1;
	s26 =	smul.u32 $0x63000, s0  }
0x6: {  	s14 =	simm.s32 $0x0;
	s1 =	rddreg [dreg:$0x2];
	s8 =	smul.u32 $0x61A8, s6  }
0x7: {  	[smem:$0x7FF] =	sst s3;
	s30 =	sshll.u32 s0, $0x6;
	s9 =	smul.u32 $0x18C000, s6  }
0x8: {  	_ =	strace $0x8000005F;
	s25 =	ssub.s32 $0x2, s6;
	s6 =	smul.u32 $0x61A80, s6  }
0x9: {  	s10 =	sadd.s32 s4, s5;
	s4 =	sadd.s32 $0x19F7600, s5;
	s28 =	sshrl.u32 s25, $0x1  }
0xa: {  	s29 =	sshrl.u32 s26, $0x2;
	s7 =	sadd.s32 s8, s7;
	s24 =	sadd.s32 s22, s9  }
0xb: {  	s8 =	ssub.s32 s25, s28;
	s12 =	sadd.s32 s29, s2;
	s31 =	sadd.s32 s6, s10  }
0xc: {  	s23 =	sshrl.u32 s7, $0x3;
	s7 =	sshrl.u32 s24, $0x3;
	s10 =	sshrl.u32 s12, $0x3  }
0xd: {  	s12 =	simm.s32 $0x100;
	s11 =	sadd.s32 s23, s5;
	s7 =	sadd.s32 s7, s5  }
0xe: {  	s5 =	sor.u32 $0x1C01, s30;
	s6 =	sadd.s32 $0x68600, s7;
	s7 =	smax.u32 s8, $0x1  }
0xf: {  	s8 =	sadd.s32 $0x3E96600, s31;
	s9 =	sadd.s32 $0x6600, s11;
	s11 =	simm.s32 $0x1  }
.LBB2_1:
0x10: {  	[spmem:s10], [sflag:s5] =	dma.local [hbm:s4], $0x3180  }
0x11: {  	_ =	swait.ge [sflag:s11], $0x3180  }
0x12: {  	[sflag:s11] =	ssyncset.done $0x0  }
0x13: {  	[sflag:s11] =	ssyncadd.s32 $0xFFFFCE80  }
0x14: {  	s15 =	sadd.s32 $0x0, s9;
	[bflag:$0x0] =	sbarrier.arrive $0xFFFF  }
0x15: {  	[tilespmem:s3], [sflag:$0x1] =	stream.linear.gather [hbm4b:s15+s3], $0xC8, $0x38;
	[tilespmem:$0x1F100] =	vst v63  }
0x16: {  	_ =	swait.ge [sflag:s11], $0xC8  }
0x17: {  	[sflag:s11] =	ssyncset.done $0x0  }
0x18: {  	[sflag:s11] =	ssyncadd.s32 $0xFFFFFF38  }
0x19: {  	[tilespmem:s12], [sflag:$0x1] =	stream.linear.gather [hbm4b:s8+s3], $0x6400, $0x38;
	[tilespmem:$0x1F100] =	vst v63  }
0x1a: {  	_ =	swait.ge [sflag:s11], $0x6400  }
0x1b: {  	[sflag:s11] =	ssyncset.done $0x0  }
0x1c: {  	[sflag:s11] =	ssyncadd.s32 $0xFFFF9C00  }
0x1d: {  	[spmem:s2] =	stream.indirect.scatter.add.f32 [tilespmem:s12], [sflag:$0x1], $0x80, s3, s13, $0xb8;
	[tilespmem:$0x1F100] =	vst v63  }
0x1e: {  	s16 =	simm.s32 $0x19;
	_ =	swait.ge [sflag:s11], $0x6400  }
0x1f: {  	s17 =	simm.s32 $0x32;
	s15 =	sadd.s32 $0xC80, s8;
	[sflag:s11] =	ssyncset.done $0x0  }
.LBB2_2:
0x20: {  	s18 =	sadd.s32 s16, s9  }
0x21: {  	[sflag:s11] =	ssyncadd.s32 $0xFFFF9C00;
	s16 =	smov.u32 s17;
	s19 =	sadd.s32 $0x19, s17  }
0x22: {  	[tilespmem:s3], [sflag:$0x1] =	stream.linear.gather [hbm4b:s18+s3], $0xC8, $0x38;
	[tilespmem:$0x1F100] =	vst v63  }
0x23: {  	p0 =	sne.s32 s17, $0xC1C;
	_ =	swait.ge [sflag:s11], $0xC8  }
0x24: {  	[sflag:s11] =	ssyncset.done $0x0  }
0x25: {  	[sflag:s11] =	ssyncadd.s32 $0xFFFFFF38  }
0x26: {  	[tilespmem:s12], [sflag:$0x1] =	stream.linear.gather [hbm4b:s15+s3], $0x6400, $0x38;
	[tilespmem:$0x1F100] =	vst v63  }
0x27: {  	_ =	swait.ge [sflag:s11], $0x6400  }
.Ltmp0:
0x28: {  	[sflag:s11] =	ssyncset.done $0x0;
	(pc) =	sbr.rel @p0 .LBB2_2-.Ltmp0, $4  }
0x29: {  	[sflag:s11] =	ssyncadd.s32 $0xFFFF9C00  }
0x2a: {  	[spmem:s2] =	stream.indirect.scatter.add.f32 [tilespmem:s12], [sflag:$0x1], $0x80, s3, s13, $0xb8;
	[tilespmem:$0x1F100] =	vst v63  }
0x2b: {  	_ =	swait.ge [sflag:s11], $0x6400  }
0x2c: {  	s17 =	smov.u32 s19;
	s15 =	sadd.s32 $0xC80, s15;
	[sflag:s11] =	ssyncset.done $0x0  }
0x2d: {  	s16 =	sadd.s32 s16, s9;
	[sflag:s11] =	ssyncadd.s32 $0xFFFF9C00  }
0x2e: {  	[tilespmem:s3], [sflag:$0x1] =	stream.linear.gather [hbm4b:s16+s3], $0xC8, $0x38;
	[tilespmem:$0x1F100] =	vst v63  }
0x2f: {  	_ =	swait.ge [sflag:s11], $0xC8  }
0x30: {  	[sflag:s11] =	ssyncset.done $0x0  }
0x31: {  	[sflag:s11] =	ssyncadd.s32 $0xFFFFFF38  }
0x32: {  	[tilespmem:s12], [sflag:$0x1] =	stream.linear.gather [hbm4b:s15+s3], $0x6400, $0x38;
	[tilespmem:$0x1F100] =	vst v63  }
0x33: {  	_ =	swait.ge [sflag:s11], $0x6400  }
0x34: {  	[sflag:s11] =	ssyncset.done $0x0  }
0x35: {  	[sflag:s11] =	ssyncadd.s32 $0xFFFF9C00  }
0x36: {  	[spmem:s2] =	stream.indirect.scatter.add.f32 [tilespmem:s12], [sflag:$0x1], $0x80, s3, s13, $0xb8;
	[tilespmem:$0x1F100] =	vst v63  }
0x37: {  	_ =	swait.ge [sflag:s11], $0x6400  }
0x38: {  	s14 =	sadd.s32 $0x1, s14;
	[sflag:s11] =	ssyncset.done $0x0  }
0x39: {  	p0 =	sne.s32 s14, s7;
	[sflag:s11] =	ssyncadd.s32 $0xFFFF9C00  }
.Ltmp1:
0x3a: {  	[bflag:$0x0] =	sbarrier.arrive $0xFFFF;
	(pc) =	sbr.rel @p0 .LBB2_1-.Ltmp1, $4  }
0x3b: {  	[hbm:s6], [sflag:s5] =	dma.local [spmem:s10], $0x3180  }
0x3c: {  	_ =	swait.ge [sflag:s11], $0x3180  }
0x3d: {  	[sflag:s11] =	ssyncset.done $0x0  }
0x3e: {  	[sflag:s11] =	ssyncadd.s32 $0xFFFFCE80  }
0x3f: {  	_ =	sfence.sel $0x180000  }
0x40: {  	[bflag:$0x0] =	sbarrier.arrive $0xFFFF  }
0x41: {  	p0 =	sne.s32 s0, $0x0;
	_ =	strace $0x9000005F  }
0x42: {  	s0 =	sadd.s32 @!p0 $0x100000, s1;
	[bflag:$0x2] =	sbarrier.arrive $0xFFFF  }
0x43: {  	[sflag:s0] =	ssyncadd.tile.s32 @!p0 $0x1;
	_ =	shalt  }
.Lfunc_end2:
_tile_overlayer_lowered:
.L_overlay_start_2:
0x44: {  	(tag) =	ssettag $0x2  }
0x45: {  	s0 =	rddreg [dreg:$0x0];
	s2 =	stileid.u32  }
0x46: {  	s1 =	rddreg [dreg:$0x1];
	p0 =	sne.s32 s2, $0x0  }
0x47: {  	s3 =	rddreg [dreg:$0x2];
	[bflag:$0x3] =	sbarrier.arrive $0xFFFF;
	s2 =	simm.s32 @!p0 $0x1C01  }
0x48: {  	[timem:s3], [sflag:s2] =	dma.local @!p0 [hbm:s0], s1  }
0x49: {  	s0 =	simm.s32 @!p0 $0x1  }
0x4a: {  	_ =	swait.ge @!p0 [sflag:s0], s1  }
0x4b: {  	s1 =	ssub.s32 @!p0 $0x0, s1;
	[sflag:s0] =	ssyncset.done @!p0 $0x0  }
0x4c: {  	[sflag:s0] =	ssyncadd.s32 @!p0 s1  }
0x4d: {  	[bflag:$0x3] =	sbarrier.arrive $0xFFFF  }
0x4e: {  	_ =	shalt  }

// kernel: kernel.49.cloned.1.call-start
scs
__scs_entry_jumppad:
0x0: {  	(pc) =	sbr.rel $0x88, $3  }
0x1: {  	(tag) =	ssettag $0x0;
	lr =	simm.s32 $0x1  }
0x2: {  	[smem:$0x3F91] =	sst lr;
	_ =	strace $0xD0000000  }
0x3: {  	_ = 	snop  }
0x4: {  	_ = 	snop  }
0x5: {  	_ = 	snop  }
0x6: {  	_ = 	snop  }
0x7: {  	_ = 	snop  }
__scs_overlays_trampoline_lowered:
0x8: {  	[smem:$0x3FA0] =	sst s0  }
0x9: {  	[smem:$0x3FA1] =	sst s1  }
0xa: {  	[smem:$0x3FA2] =	sst s2  }
0xb: {  	[smem:$0x3FA3] =	sst s3  }
0xc: {  	[smem:$0x3FA4] =	sst s4  }
0xd: {  	[smem:$0x3FA5] =	sst s5  }
0xe: {  	[smem:$0x3FA6] =	sst s6  }
0xf: {  	[smem:$0x3FA7] =	sst s7  }
0x10: {  	[smem:$0x3FA8] =	sst s8  }
0x11: {  	[smem:$0x3FA9] =	sst s9;
	s0 =	simm.s32 @!p0 $0x0  }
0x12: {  	s1 =	sld [smem:$0x3F8F];
	s0 =	simm.s32 @p0 $0x1  }
0x13: {  	[smem:$0x3FAA] =	sst s0;
	s0 =	simm.s32 @!p1 $0x0  }
0x14: {  	s2 =	sld [smem:$0x3F8E];
	s0 =	simm.s32 @p1 $0x1  }
0x15: {  	[smem:$0x3FAB] =	sst s0;
	s0 =	simm.s32 @!p2 $0x0  }
0x16: {  	s3 =	sld [smem:$0x3FDB];
	s0 =	simm.s32 @p2 $0x1  }
0x17: {  	s4 =	simm.s32 $0x1BF5;
	[smem:$0x3FAD] =	sst s0  }
0x18: {  	s0 =	sld [smem:$0x3F90];
	_ =	swait.ge [sflag:s4], $0x0  }
0x19: {  	s7 =	sld [smem:$0x3F91]  }
0x1a: {  	s8 =	sadd.s32 $0xFFFFE003, lr  }
0x1b: {  	s9 =	sadd.s32 $0xFFFFFEF7, lr;
	s5 =	simm.s32 $0xFFFFFFFF;
	p2 =	slt.u32 s8, $0xFFFFF086  }
0x1c: {  	p1 =	slt.u32 s9, $0xF7A;
	s5 =	simm.s32 @!p2 $0x0  }
0x1d: {  	s5 =	simm.s32 @p1 $0x1;
	p0 =	seq.s32 s7, s2  }
0x1e: {  	s7 =	smul.u32 @!p0 $0xF7A, s2;
	p2 =	seq.s32 @!p0 s5, $0x0  }
0x1f: {  	s9 =	smul.u32 $0xF7A, s1;
	s8 =	simm.s32 @!p0 $0x1BF5;
	p2 =	por !p2, p0  }
0x20: {  	[sflag:s8] =	ssyncset.s32 @!p0 $0xFFFFF086;
	s6 =	sadd.s32 @!p0 s3, s7;
	s7 =	simm.s32 @!p0 $0x108  }
0x21: {  	s3 =	sadd.s32 s3, s9;
	s6 =	sadd.s32 @!p0 $0x88, s6;
	s7 =	simm.s32 @p2 $0x1082  }
0x22: {  	[simem:s7], [sflag:s8] =	dma.local @!p0 [hbm:s6], $0xF7A  }
0x23: {  	s9 =	sor.u32 $0xD0000000, s2;
	s6 =	simm.s32 $0x108;
	_ =	swait.ge @!p0 [sflag:s8], $0x0  }
0x24: {  	s3 =	sadd.s32 $0x88, s3;
	s6 =	simm.s32 @!p1 $0x1082;
	[sflag:s4] =	ssyncset.s32 $0xFFFFF086  }
0x25: {  	[simem:s6], [sflag:s4] =	dma.local [hbm:s3], $0xF7A  }
0x26: {  	[smem:$0x3F91] =	sst s1;
	(tag) =	ssettag s2;
	_ =	strace s9  }
0x27: {  	s1 =	sld [smem:$0x3FA1]  }
0x28: {  	s2 =	sld [smem:$0x3FA2]  }
0x29: {  	s4 =	sld [smem:$0x3FA4]  }
0x2a: {  	p0 =	seq.s32 s5, $0x0;
	s5 =	sld [smem:$0x3FA5]  }
0x2b: {  	s6 =	sld [smem:$0x3FA6]  }
0x2c: {  	s7 =	sld [smem:$0x3FA7]  }
0x2d: {  	s3 =	simm.s32 $0x108;
	s8 =	sld [smem:$0x3FA8]  }
0x2e: {  	s3 =	simm.s32 @!p0 $0x1082;
	s9 =	sld [smem:$0x3FA9]  }
0x2f: {  	lr =	sadd.s32 s0, s3;
	s0 =	sld [smem:$0x3FA0]  }
0x30: {  	s3 =	sld [smem:$0x3FA3]  }
0x31: {  	[smem:$0x3FAC] =	sst s10  }
0x32: {  	s10 =	sld [smem:$0x3FAA];
	_ =	sdelay $0x3  }
0x33: {  	p0 =	seq.s32 s10, $0x1;
	s10 =	sld [smem:$0x3FAC];
	_ =	sdelay $0x3  }
0x34: {  	[smem:$0x3FAC] =	sst s10  }
0x35: {  	s10 =	sld [smem:$0x3FAB];
	_ =	sdelay $0x3  }
0x36: {  	p1 =	seq.s32 s10, $0x1;
	s10 =	sld [smem:$0x3FAC];
	_ =	sdelay $0x3  }
0x37: {  	[smem:$0x3FAC] =	sst s10  }
0x38: {  	s10 =	sld [smem:$0x3FAD]  }
0x39: {  	_ = 	snop;
	(pc) =	sbr.ind lr, $3  }
0x3a: {  	_ = 	snop  }
0x3b: {  	_ = 	snop  }
0x3c: {  	p2 =	seq.s32 s10, $0x1;
	s10 =	sld [smem:$0x3FAC]  }
0x3d: {  	_ =	shalt  }
0x3e: {  	_ =	shalt  }
0x3f: {  	_ =	shalt  }
0x40: {  	_ =	shalt  }
0x41: {  	_ =	shalt  }
0x42: {  	_ =	shalt  }
0x43: {  	_ =	shalt  }
0x44: {  	_ =	shalt  }
0x45: {  	_ =	shalt  }
0x46: {  	_ =	shalt  }
0x47: {  	_ =	shalt  }
0x48: {  	_ =	shalt  }
0x49: {  	_ =	shalt  }
0x4a: {  	_ =	shalt  }
0x4b: {  	_ =	shalt  }
0x4c: {  	_ =	shalt  }
0x4d: {  	_ =	shalt  }
0x4e: {  	_ =	shalt  }
0x4f: {  	_ =	shalt  }
0x50: {  	_ =	shalt  }
0x51: {  	_ =	shalt  }
0x52: {  	_ =	shalt  }
0x53: {  	_ =	shalt  }
0x54: {  	_ =	shalt  }
0x55: {  	_ =	shalt  }
0x56: {  	_ =	shalt  }
0x57: {  	_ =	shalt  }
0x58: {  	_ =	shalt  }
0x59: {  	_ =	shalt  }
0x5a: {  	_ =	shalt  }
0x5b: {  	_ =	shalt  }
0x5c: {  	_ =	shalt  }
0x5d: {  	_ =	shalt  }
0x5e: {  	_ =	shalt  }
0x5f: {  	_ =	shalt  }
0x60: {  	_ =	shalt  }
0x61: {  	_ =	shalt  }
0x62: {  	_ =	shalt  }
0x63: {  	_ =	shalt  }
0x64: {  	_ =	shalt  }
0x65: {  	_ =	shalt  }
0x66: {  	_ =	shalt  }
0x67: {  	_ =	shalt  }
0x68: {  	_ =	shalt  }
0x69: {  	_ =	shalt  }
0x6a: {  	_ =	shalt  }
0x6b: {  	_ =	shalt  }
0x6c: {  	_ =	shalt  }
0x6d: {  	_ =	shalt  }
0x6e: {  	_ =	shalt  }
0x6f: {  	_ =	shalt  }
0x70: {  	_ =	shalt  }
0x71: {  	_ =	shalt  }
0x72: {  	_ =	shalt  }
0x73: {  	_ =	shalt  }
0x74: {  	_ =	shalt  }
0x75: {  	_ =	shalt  }
0x76: {  	_ =	shalt  }
0x77: {  	_ =	shalt  }
0x78: {  	_ =	shalt  }
0x79: {  	_ =	shalt  }
0x7a: {  	_ =	shalt  }
0x7b: {  	_ =	shalt  }
0x7c: {  	_ =	shalt  }
0x7d: {  	_ =	shalt  }
0x7e: {  	_ =	shalt  }
0x7f: {  	_ =	shalt  }
0x80: {  	_ =	shalt  }
0x81: {  	_ =	shalt  }
0x82: {  	_ =	shalt  }
0x83: {  	_ =	shalt  }
0x84: {  	_ =	shalt  }
0x85: {  	_ =	shalt  }
0x86: {  	_ =	shalt  }
0x87: {  	_ =	shalt  }
.Lfunc_end0:
.L_simem_size_0:
called_computation.9_lowered:
.L_overlay_start_0:
0x88: {  	s2 =	sld [smem:$0x3FD9]  }
0x89: {  	s3 =	sld [smem:$0x3FFE];
	_ =	sdelay $0x1  }
0x8a: {  	s1 =	srdreg.scid  }
0x8b: {  	s0 =	sand.u32 $0x1, s1  }
0x8c: {  	s17 =	sshll.u32 s0, $0xA;
	s2 =	sadd.s32 s3, s2  }
0x8d: {  	s2 =	sadd.s32 s2, s17  }
0x8e: {  	[smem:$0x3FB8] =	sst s2  }
0x8f: {  	_ = 	snop  }
0x90: {  	(tm) =	ssettm $0x1  }
0x91: {  	s18 =	sld [smem:$0x3FFB];
	_ =	sdelay $0x3  }
0x92: {  	_ =	strace s18  }
0x93: {  	s2 =	sld [smem:$0x3FFC];
	_ =	sdelay $0x3  }
0x94: {  	_ =	strace s2  }
0x95: {  	s2 =	sld [smem:$0x3FFD];
	_ =	sdelay $0x3  }
0x96: {  	_ =	strace s2  }
0x97: {  	_ =	strace $0x8FFFFFFF  }
0x98: {  	s19 =	sld [smem:$0x3FDB];
	_ =	sdelay $0x1  }
0x99: {  	s20 =	simm.s32 $_scs_section_size  }
0x9a: {  	s4 =	simm.s32 $_size__tile_overlayer_lowered;
	s5 =	simm.s32 $_tile_overlayer_lowered  }
0x9b: {  	s6 =	simm.s32 $0x1BFF;
	s21 =	sshll.u32 s5, $0x1;
	s3 =	sadd.s32 s20, s19  }
0x9c: {  	s22 =	simm.s32 $0x0;
	s4 =	sshll.u32 s4, $0x1;
	s5 =	sadd.s32 s21, s3  }
0x9d: {  	[timem:s22], [sflag:s6] =	dma.local [hbm:s5], s4  }
0x9e: {  	_ =	swait.ge [sflag:s6], s4  }
0x9f: {  	s4 =	ssub.s32 $0x0, s4;
	[sflag:s6] =	ssyncset.done $0x0  }
0xa0: {  	[sflag:s6] =	ssyncadd.s32 s4;
	_ =	sdelay $0x1  }
0xa1: {  	s23 =	simm.s32 $0x1B8B  }
0xa2: {  	_ =	swait.ge [sflag:s23], $0x1  }
0xa3: {  	[sflag:s23] =	ssyncset.done $0x0  }
0xa4: {  	[sflag:s23] =	ssyncadd.s32 $0xFFFFFFFF  }
0xa5: {  	s4 =	sld [smem:$0x0]  }
0xa6: {  	s5 =	sand.u32 $0xFFFFFFFE, s1  }
0xa7: {  	p0 =	sne.s32 s1, s5  }
0xa8: {  	s5 =	sshll.u32 @p0 s5, $0xE  }
0xa9: {  	s5 =	sadd.s32 @p0 $0x11B8D, s5;
	s6 =	sshll.u32 @p0 s4, $0x11  }
0xaa: {  	s5 =	sor.u32 @p0 s6, s5  }
0xab: {  	[sflag:s5] =	ssyncadd.remote.s32 @p0 $0x1;
	_ =	sdelay $0x1  }
0xac: {  	s5 =	simm.s32 @p0 $0x1B8D  }
0xad: {  	_ =	swait.eq @p0 [sflag:s5], $0x1  }
0xae: {  	[sflag:s5] =	ssyncadd.s32 @p0 $0xFFFFFFFF  }
0xaf: {  	s6 =	sshll.u32 @!p0 s1, $0xE  }
0xb0: {  	s6 =	sor.u32 @!p0 $0x4000, s6;
	s5 =	simm.s32 @!p0 $0x1B8D  }
0xb1: {  	s4 =	sshll.u32 @!p0 s4, $0x11;
	s6 =	sadd.s32 @!p0 $0x11B8D, s6;
	_ =	swait.eq @!p0 [sflag:s5], $0x1  }
0xb2: {  	s4 =	sor.u32 @!p0 s4, s6;
	[sflag:s5] =	ssyncadd.s32 @!p0 $0xFFFFFFFF  }
0xb3: {  	s25 =	simm.s32 $0x1B8E;
	s24 =	sld [smem:$0x3FFE];
	[sflag:s4] =	ssyncadd.remote.s32 @!p0 $0x1  }
0xb4: {  	s26 =	simm.s32 $execute0_lowered;
	[smem:$0x3FD2] =	sst s25  }
0xb5: {  	s5 =	sshll.u32 s26, $0x1;
	_ =	strace $0x80000061;
	[dreg:$0x1] =	wrdreg $0xFFFFFFFF  }
0xb6: {  	s28 =	simm.s32 $_size_execute0_lowered;
	s3 =	sadd.s32 s3, s5;
	[dreg:$0x0] =	wrdreg $0x0  }
0xb7: {  	s5 =	sshll.u32 s28, $0x1;
	[dreg:$0x2] =	wrdreg s3  }
0xb8: {  	[dreg:$0x3] =	wrdreg s5  }
0xb9: {  	[dreg:$0x4] =	wrdreg $0xC0  }
0xba: {  	_ =	task [dreg:s22], $0x5FFFF  }
0xbb: {  	[dreg:$0x1] =	wrdreg $0xFFFFFFFF  }
0xbc: {  	[dreg:$0x0] =	wrdreg $0x60  }
0xbd: {  	[dreg:$0x2] =	wrdreg s24  }
0xbe: {  	[dreg:$0x3] =	wrdreg $0x65000  }
0xbf: {  	[dreg:$0x4] =	wrdreg $0xA  }
0xc0: {  	_ =	task.clear_ibuf [dreg:s22], $0x5FFFF;
	_ =	strace $0x90000061  }
0xc1: {  	s29 =	simm.s32 $0xA;
	_ =	strace $0x80000063  }
0xc2: {  	_ =	swait.ge [sflag:s29], $0x1  }
0xc3: {  	[sflag:s29] =	ssyncadd.s32 $0xFFFFFFFF  }
0xc4: {  	_ =	strace $0x90000063  }
0xc5: {  	_ =	sfence  }
0xc6: {  	s30 =	sld [smem:$0x0];
	_ =	sdelay $0x2  }
0xc7: {  	s31 =	sshll.u32 s1, $0xD;
	s1 =	sshrl.u32 s1, $0x2  }
0xc8: {  	s4 =	sand.u32 $0x4000, s31;
	s1 =	sadd.s32 s1, s30  }
0xc9: {  	s0 =	sor.u32 s4, s0;
	s1 =	sshll.u32 s1, $0x11  }
0xca: {  	s0 =	sor.u32 s1, s0  }
0xcb: {  	s0 =	sadd.s32 $0x8F2B, s0  }
0xcc: {  	[sflag:s0] =	ssyncadd.remote.s32 $0x1  }
0xcd: {  	_ =	sfence.sel $0xFFFF  }
0xce: {  	[dreg:$0x0] =	wrdreg $0xFFFFFFFF;
	(pc) =	sbr.abs _section_cstart, $3  }
0xcf: {  	[dreg:$0x1] =	wrdreg $0xFFFFFFFF  }
0xd0: {  	_ =	task.clear_ibuf [dreg:s22], $0x2FFFF;
	_ =	strace $0x9FFFFFFF  }
0xd1: {  	(tm) =	ssettm $0x7FFFFFFF  }
tec
execute0_lowered:
.L_overlay_start_1:
0x0: {  	(tag) =	ssettag $0x1  }
0x1: {  	s0 =	stileid.u32  }
0x2: {  	s1 =	srdreg.scid;
	s4 =	smul.u32 $0xC3500, s0  }
0x3: {  	s5 =	rddreg [dreg:$0x0];
	s7 =	smul.u32 $0xC350, s0  }
0x4: {  	s2 =	rddreg [dreg:$0x1];
	s3 =	simm.s32 $0x0;
	s22 =	smul.u32 $0x18C00, s0  }
0x5: {  	s13 =	simm.s32 $0xC8;
	s6 =	sand.u32 $0x1, s1;
	s26 =	smul.u32 $0x63000, s0  }
0x6: {  	s14 =	simm.s32 $0x0;
	s1 =	rddreg [dreg:$0x2];
	s8 =	smul.u32 $0x61A8, s6  }
0x7: {  	[smem:$0x7FF] =	sst s3;
	s30 =	sshll.u32 s0, $0x6;
	s9 =	smul.u32 $0x18C000, s6  }
0x8: {  	_ =	strace $0x80000062;
	s25 =	ssub.s32 $0x2, s6;
	s6 =	smul.u32 $0x61A80, s6  }
0x9: {  	s10 =	sadd.s32 s4, s5;
	s4 =	sadd.s32 $0x19F7600, s5;
	s28 =	sshrl.u32 s25, $0x1  }
0xa: {  	s29 =	sshrl.u32 s26, $0x2;
	s7 =	sadd.s32 s8, s7;
	s24 =	sadd.s32 s22, s9  }
0xb: {  	s8 =	ssub.s32 s25, s28;
	s12 =	sadd.s32 s29, s2;
	s31 =	sadd.s32 s6, s10  }
0xc: {  	s23 =	sshrl.u32 s7, $0x3;
	s7 =	sshrl.u32 s24, $0x3;
	s10 =	sshrl.u32 s12, $0x3  }
0xd: {  	s12 =	simm.s32 $0x100;
	s11 =	sadd.s32 s23, s5;
	s7 =	sadd.s32 s7, s5  }
0xe: {  	s5 =	sor.u32 $0x1C01, s30;
	s6 =	sadd.s32 $0xCB600, s7;
	s7 =	smax.u32 s8, $0x1  }
0xf: {  	s8 =	sadd.s32 $0x3E96600, s31;
	s9 =	sadd.s32 $0x1EE00, s11;
	s11 =	simm.s32 $0x1  }
.LBB2_1:
0x10: {  	[spmem:s10], [sflag:s5] =	dma.local [hbm:s4], $0x3180  }
0x11: {  	_ =	swait.ge [sflag:s11], $0x3180  }
0x12: {  	[sflag:s11] =	ssyncset.done $0x0  }
0x13: {  	[sflag:s11] =	ssyncadd.s32 $0xFFFFCE80  }
0x14: {  	s15 =	sadd.s32 $0x0, s9;
	[bflag:$0x0] =	sbarrier.arrive $0xFFFF  }
0x15: {  	[tilespmem:s3], [sflag:$0x1] =	stream.linear.gather [hbm4b:s15+s3], $0xC8, $0x38;
	[tilespmem:$0x1F100] =	vst v63  }
0x16: {  	_ =	swait.ge [sflag:s11], $0xC8  }
0x17: {  	[sflag:s11] =	ssyncset.done $0x0  }
0x18: {  	[sflag:s11] =	ssyncadd.s32 $0xFFFFFF38  }
0x19: {  	[tilespmem:s12], [sflag:$0x1] =	stream.linear.gather [hbm4b:s8+s3], $0x6400, $0x38;
	[tilespmem:$0x1F100] =	vst v63  }
0x1a: {  	_ =	swait.ge [sflag:s11], $0x6400  }
0x1b: {  	[sflag:s11] =	ssyncset.done $0x0  }
0x1c: {  	[sflag:s11] =	ssyncadd.s32 $0xFFFF9C00  }
0x1d: {  	[spmem:s2] =	stream.indirect.scatter.add.f32 [tilespmem:s12], [sflag:$0x1], $0x80, s3, s13, $0xb8;
	[tilespmem:$0x1F100] =	vst v63  }
0x1e: {  	s16 =	simm.s32 $0x19;
	_ =	swait.ge [sflag:s11], $0x6400  }
0x1f: {  	s17 =	simm.s32 $0x32;
	s15 =	sadd.s32 $0xC80, s8;
	[sflag:s11] =	ssyncset.done $0x0  }
.LBB2_2:
0x20: {  	s18 =	sadd.s32 s16, s9  }
0x21: {  	[sflag:s11] =	ssyncadd.s32 $0xFFFF9C00;
	s16 =	smov.u32 s17;
	s19 =	sadd.s32 $0x19, s17  }
0x22: {  	[tilespmem:s3], [sflag:$0x1] =	stream.linear.gather [hbm4b:s18+s3], $0xC8, $0x38;
	[tilespmem:$0x1F100] =	vst v63  }
0x23: {  	p0 =	sne.s32 s17, $0xC1C;
	_ =	swait.ge [sflag:s11], $0xC8  }
0x24: {  	[sflag:s11] =	ssyncset.done $0x0  }
0x25: {  	[sflag:s11] =	ssyncadd.s32 $0xFFFFFF38  }
0x26: {  	[tilespmem:s12], [sflag:$0x1] =	stream.linear.gather [hbm4b:s15+s3], $0x6400, $0x38;
	[tilespmem:$0x1F100] =	vst v63  }
0x27: {  	_ =	swait.ge [sflag:s11], $0x6400  }
.Ltmp0:
0x28: {  	[sflag:s11] =	ssyncset.done $0x0;
	(pc) =	sbr.rel @p0 .LBB2_2-.Ltmp0, $4  }
0x29: {  	[sflag:s11] =	ssyncadd.s32 $0xFFFF9C00  }
0x2a: {  	[spmem:s2] =	stream.indirect.scatter.add.f32 [tilespmem:s12], [sflag:$0x1], $0x80, s3, s13, $0xb8;
	[tilespmem:$0x1F100] =	vst v63  }
0x2b: {  	_ =	swait.ge [sflag:s11], $0x6400  }
0x2c: {  	s17 =	smov.u32 s19;
	s15 =	sadd.s32 $0xC80, s15;
	[sflag:s11] =	ssyncset.done $0x0  }
0x2d: {  	s16 =	sadd.s32 s16, s9;
	[sflag:s11] =	ssyncadd.s32 $0xFFFF9C00  }
0x2e: {  	[tilespmem:s3], [sflag:$0x1] =	stream.linear.gather [hbm4b:s16+s3], $0xC8, $0x38;
	[tilespmem:$0x1F100] =	vst v63  }
0x2f: {  	_ =	swait.ge [sflag:s11], $0xC8  }
0x30: {  	[sflag:s11] =	ssyncset.done $0x0  }
0x31: {  	[sflag:s11] =	ssyncadd.s32 $0xFFFFFF38  }
0x32: {  	[tilespmem:s12], [sflag:$0x1] =	stream.linear.gather [hbm4b:s15+s3], $0x6400, $0x38;
	[tilespmem:$0x1F100] =	vst v63  }
0x33: {  	_ =	swait.ge [sflag:s11], $0x6400  }
0x34: {  	[sflag:s11] =	ssyncset.done $0x0  }
0x35: {  	[sflag:s11] =	ssyncadd.s32 $0xFFFF9C00  }
0x36: {  	[spmem:s2] =	stream.indirect.scatter.add.f32 [tilespmem:s12], [sflag:$0x1], $0x80, s3, s13, $0xb8;
	[tilespmem:$0x1F100] =	vst v63  }
0x37: {  	_ =	swait.ge [sflag:s11], $0x6400  }
0x38: {  	s14 =	sadd.s32 $0x1, s14;
	[sflag:s11] =	ssyncset.done $0x0  }
0x39: {  	p0 =	sne.s32 s14, s7;
	[sflag:s11] =	ssyncadd.s32 $0xFFFF9C00  }
.Ltmp1:
0x3a: {  	[bflag:$0x0] =	sbarrier.arrive $0xFFFF;
	(pc) =	sbr.rel @p0 .LBB2_1-.Ltmp1, $4  }
0x3b: {  	[hbm:s6], [sflag:s5] =	dma.local [spmem:s10], $0x3180  }
0x3c: {  	_ =	swait.ge [sflag:s11], $0x3180  }
0x3d: {  	[sflag:s11] =	ssyncset.done $0x0  }
0x3e: {  	[sflag:s11] =	ssyncadd.s32 $0xFFFFCE80  }
0x3f: {  	_ =	sfence.sel $0x180000  }
0x40: {  	[bflag:$0x0] =	sbarrier.arrive $0xFFFF  }
0x41: {  	p0 =	sne.s32 s0, $0x0;
	_ =	strace $0x90000062  }
0x42: {  	s0 =	sadd.s32 @!p0 $0x100000, s1;
	[bflag:$0x2] =	sbarrier.arrive $0xFFFF  }
0x43: {  	[sflag:s0] =	ssyncadd.tile.s32 @!p0 $0x1;
	_ =	shalt  }
.Lfunc_end2:
_tile_overlayer_lowered:
.L_overlay_start_2:
0x44: {  	(tag) =	ssettag $0x2  }
0x45: {  	s0 =	rddreg [dreg:$0x0];
	s2 =	stileid.u32  }
0x46: {  	s1 =	rddreg [dreg:$0x1];
	p0 =	sne.s32 s2, $0x0  }
0x47: {  	s3 =	rddreg [dreg:$0x2];
	[bflag:$0x3] =	sbarrier.arrive $0xFFFF;
	s2 =	simm.s32 @!p0 $0x1C01  }
0x48: {  	[timem:s3], [sflag:s2] =	dma.local @!p0 [hbm:s0], s1  }
0x49: {  	s0 =	simm.s32 @!p0 $0x1  }
0x4a: {  	_ =	swait.ge @!p0 [sflag:s0], s1  }
0x4b: {  	s1 =	ssub.s32 @!p0 $0x0, s1;
	[sflag:s0] =	ssyncset.done @!p0 $0x0  }
0x4c: {  	[sflag:s0] =	ssyncadd.s32 @!p0 s1  }
0x4d: {  	[bflag:$0x3] =	sbarrier.arrive $0xFFFF  }
0x4e: {  	_ =	shalt  }

// kernel: kernel.52.cloned.1.call-start
scs
__scs_entry_jumppad:
0x0: {  	(pc) =	sbr.rel $0x88, $3  }
0x1: {  	(tag) =	ssettag $0x0;
	lr =	simm.s32 $0x1  }
0x2: {  	[smem:$0x3F91] =	sst lr;
	_ =	strace $0xD0000000  }
0x3: {  	_ = 	snop  }
0x4: {  	_ = 	snop  }
0x5: {  	_ = 	snop  }
0x6: {  	_ = 	snop  }
0x7: {  	_ = 	snop  }
__scs_overlays_trampoline_lowered:
0x8: {  	[smem:$0x3FA0] =	sst s0  }
0x9: {  	[smem:$0x3FA1] =	sst s1  }
0xa: {  	[smem:$0x3FA2] =	sst s2  }
0xb: {  	[smem:$0x3FA3] =	sst s3  }
0xc: {  	[smem:$0x3FA4] =	sst s4  }
0xd: {  	[smem:$0x3FA5] =	sst s5  }
0xe: {  	[smem:$0x3FA6] =	sst s6  }
0xf: {  	[smem:$0x3FA7] =	sst s7  }
0x10: {  	[smem:$0x3FA8] =	sst s8  }
0x11: {  	[smem:$0x3FA9] =	sst s9;
	s0 =	simm.s32 @!p0 $0x0  }
0x12: {  	s1 =	sld [smem:$0x3F8F];
	s0 =	simm.s32 @p0 $0x1  }
0x13: {  	[smem:$0x3FAA] =	sst s0;
	s0 =	simm.s32 @!p1 $0x0  }
0x14: {  	s2 =	sld [smem:$0x3F8E];
	s0 =	simm.s32 @p1 $0x1  }
0x15: {  	[smem:$0x3FAB] =	sst s0;
	s0 =	simm.s32 @!p2 $0x0  }
0x16: {  	s3 =	sld [smem:$0x3FDB];
	s0 =	simm.s32 @p2 $0x1  }
0x17: {  	s4 =	simm.s32 $0x1BF5;
	[smem:$0x3FAD] =	sst s0  }
0x18: {  	s0 =	sld [smem:$0x3F90];
	_ =	swait.ge [sflag:s4], $0x0  }
0x19: {  	s7 =	sld [smem:$0x3F91]  }
0x1a: {  	s8 =	sadd.s32 $0xFFFFE003, lr  }
0x1b: {  	s9 =	sadd.s32 $0xFFFFFEF7, lr;
	s5 =	simm.s32 $0xFFFFFFFF;
	p2 =	slt.u32 s8, $0xFFFFF086  }
0x1c: {  	p1 =	slt.u32 s9, $0xF7A;
	s5 =	simm.s32 @!p2 $0x0  }
0x1d: {  	s5 =	simm.s32 @p1 $0x1;
	p0 =	seq.s32 s7, s2  }
0x1e: {  	s7 =	smul.u32 @!p0 $0xF7A, s2;
	p2 =	seq.s32 @!p0 s5, $0x0  }
0x1f: {  	s9 =	smul.u32 $0xF7A, s1;
	s8 =	simm.s32 @!p0 $0x1BF5;
	p2 =	por !p2, p0  }
0x20: {  	[sflag:s8] =	ssyncset.s32 @!p0 $0xFFFFF086;
	s6 =	sadd.s32 @!p0 s3, s7;
	s7 =	simm.s32 @!p0 $0x108  }
0x21: {  	s3 =	sadd.s32 s3, s9;
	s6 =	sadd.s32 @!p0 $0x88, s6;
	s7 =	simm.s32 @p2 $0x1082  }
0x22: {  	[simem:s7], [sflag:s8] =	dma.local @!p0 [hbm:s6], $0xF7A  }
0x23: {  	s9 =	sor.u32 $0xD0000000, s2;
	s6 =	simm.s32 $0x108;
	_ =	swait.ge @!p0 [sflag:s8], $0x0  }
0x24: {  	s3 =	sadd.s32 $0x88, s3;
	s6 =	simm.s32 @!p1 $0x1082;
	[sflag:s4] =	ssyncset.s32 $0xFFFFF086  }
0x25: {  	[simem:s6], [sflag:s4] =	dma.local [hbm:s3], $0xF7A  }
0x26: {  	[smem:$0x3F91] =	sst s1;
	(tag) =	ssettag s2;
	_ =	strace s9  }
0x27: {  	s1 =	sld [smem:$0x3FA1]  }
0x28: {  	s2 =	sld [smem:$0x3FA2]  }
0x29: {  	s4 =	sld [smem:$0x3FA4]  }
0x2a: {  	p0 =	seq.s32 s5, $0x0;
	s5 =	sld [smem:$0x3FA5]  }
0x2b: {  	s6 =	sld [smem:$0x3FA6]  }
0x2c: {  	s7 =	sld [smem:$0x3FA7]  }
0x2d: {  	s3 =	simm.s32 $0x108;
	s8 =	sld [smem:$0x3FA8]  }
0x2e: {  	s3 =	simm.s32 @!p0 $0x1082;
	s9 =	sld [smem:$0x3FA9]  }
0x2f: {  	lr =	sadd.s32 s0, s3;
	s0 =	sld [smem:$0x3FA0]  }
0x30: {  	s3 =	sld [smem:$0x3FA3]  }
0x31: {  	[smem:$0x3FAC] =	sst s10  }
0x32: {  	s10 =	sld [smem:$0x3FAA];
	_ =	sdelay $0x3  }
0x33: {  	p0 =	seq.s32 s10, $0x1;
	s10 =	sld [smem:$0x3FAC];
	_ =	sdelay $0x3  }
0x34: {  	[smem:$0x3FAC] =	sst s10  }
0x35: {  	s10 =	sld [smem:$0x3FAB];
	_ =	sdelay $0x3  }
0x36: {  	p1 =	seq.s32 s10, $0x1;
	s10 =	sld [smem:$0x3FAC];
	_ =	sdelay $0x3  }
0x37: {  	[smem:$0x3FAC] =	sst s10  }
0x38: {  	s10 =	sld [smem:$0x3FAD]  }
0x39: {  	_ = 	snop;
	(pc) =	sbr.ind lr, $3  }
0x3a: {  	_ = 	snop  }
0x3b: {  	_ = 	snop  }
0x3c: {  	p2 =	seq.s32 s10, $0x1;
	s10 =	sld [smem:$0x3FAC]  }
0x3d: {  	_ =	shalt  }
0x3e: {  	_ =	shalt  }
0x3f: {  	_ =	shalt  }
0x40: {  	_ =	shalt  }
0x41: {  	_ =	shalt  }
0x42: {  	_ =	shalt  }
0x43: {  	_ =	shalt  }
0x44: {  	_ =	shalt  }
0x45: {  	_ =	shalt  }
0x46: {  	_ =	shalt  }
0x47: {  	_ =	shalt  }
0x48: {  	_ =	shalt  }
0x49: {  	_ =	shalt  }
0x4a: {  	_ =	shalt  }
0x4b: {  	_ =	shalt  }
0x4c: {  	_ =	shalt  }
0x4d: {  	_ =	shalt  }
0x4e: {  	_ =	shalt  }
0x4f: {  	_ =	shalt  }
0x50: {  	_ =	shalt  }
0x51: {  	_ =	shalt  }
0x52: {  	_ =	shalt  }
0x53: {  	_ =	shalt  }
0x54: {  	_ =	shalt  }
0x55: {  	_ =	shalt  }
0x56: {  	_ =	shalt  }
0x57: {  	_ =	shalt  }
0x58: {  	_ =	shalt  }
0x59: {  	_ =	shalt  }
0x5a: {  	_ =	shalt  }
0x5b: {  	_ =	shalt  }
0x5c: {  	_ =	shalt  }
0x5d: {  	_ =	shalt  }
0x5e: {  	_ =	shalt  }
0x5f: {  	_ =	shalt  }
0x60: {  	_ =	shalt  }
0x61: {  	_ =	shalt  }
0x62: {  	_ =	shalt  }
0x63: {  	_ =	shalt  }
0x64: {  	_ =	shalt  }
0x65: {  	_ =	shalt  }
0x66: {  	_ =	shalt  }
0x67: {  	_ =	shalt  }
0x68: {  	_ =	shalt  }
0x69: {  	_ =	shalt  }
0x6a: {  	_ =	shalt  }
0x6b: {  	_ =	shalt  }
0x6c: {  	_ =	shalt  }
0x6d: {  	_ =	shalt  }
0x6e: {  	_ =	shalt  }
0x6f: {  	_ =	shalt  }
0x70: {  	_ =	shalt  }
0x71: {  	_ =	shalt  }
0x72: {  	_ =	shalt  }
0x73: {  	_ =	shalt  }
0x74: {  	_ =	shalt  }
0x75: {  	_ =	shalt  }
0x76: {  	_ =	shalt  }
0x77: {  	_ =	shalt  }
0x78: {  	_ =	shalt  }
0x79: {  	_ =	shalt  }
0x7a: {  	_ =	shalt  }
0x7b: {  	_ =	shalt  }
0x7c: {  	_ =	shalt  }
0x7d: {  	_ =	shalt  }
0x7e: {  	_ =	shalt  }
0x7f: {  	_ =	shalt  }
0x80: {  	_ =	shalt  }
0x81: {  	_ =	shalt  }
0x82: {  	_ =	shalt  }
0x83: {  	_ =	shalt  }
0x84: {  	_ =	shalt  }
0x85: {  	_ =	shalt  }
0x86: {  	_ =	shalt  }
0x87: {  	_ =	shalt  }
.Lfunc_end0:
.L_simem_size_0:
called_computation.10_lowered:
.L_overlay_start_0:
0x88: {  	s2 =	sld [smem:$0x3FD9]  }
0x89: {  	s3 =	sld [smem:$0x3FFE];
	_ =	sdelay $0x1  }
0x8a: {  	s1 =	srdreg.scid  }
0x8b: {  	s0 =	sand.u32 $0x1, s1  }
0x8c: {  	s17 =	sshll.u32 s0, $0xA;
	s2 =	sadd.s32 s3, s2  }
0x8d: {  	s2 =	sadd.s32 s2, s17  }
0x8e: {  	[smem:$0x3FB8] =	sst s2  }
0x8f: {  	_ = 	snop  }
0x90: {  	(tm) =	ssettm $0x1  }
0x91: {  	s18 =	sld [smem:$0x3FFB];
	_ =	sdelay $0x3  }
0x92: {  	_ =	strace s18  }
0x93: {  	s2 =	sld [smem:$0x3FFC];
	_ =	sdelay $0x3  }
0x94: {  	_ =	strace s2  }
0x95: {  	s2 =	sld [smem:$0x3FFD];
	_ =	sdelay $0x3  }
0x96: {  	_ =	strace s2  }
0x97: {  	_ =	strace $0x8FFFFFFF  }
0x98: {  	s19 =	sld [smem:$0x3FDB];
	_ =	sdelay $0x1  }
0x99: {  	s20 =	simm.s32 $_scs_section_size  }
0x9a: {  	s4 =	simm.s32 $_size__tile_overlayer_lowered;
	s5 =	simm.s32 $_tile_overlayer_lowered  }
0x9b: {  	s6 =	simm.s32 $0x1BFF;
	s21 =	sshll.u32 s5, $0x1;
	s3 =	sadd.s32 s20, s19  }
0x9c: {  	s22 =	simm.s32 $0x0;
	s4 =	sshll.u32 s4, $0x1;
	s5 =	sadd.s32 s21, s3  }
0x9d: {  	[timem:s22], [sflag:s6] =	dma.local [hbm:s5], s4  }
0x9e: {  	_ =	swait.ge [sflag:s6], s4  }
0x9f: {  	s4 =	ssub.s32 $0x0, s4;
	[sflag:s6] =	ssyncset.done $0x0  }
0xa0: {  	[sflag:s6] =	ssyncadd.s32 s4;
	_ =	sdelay $0x1  }
0xa1: {  	s23 =	simm.s32 $0x1B8B  }
0xa2: {  	_ =	swait.ge [sflag:s23], $0x1  }
0xa3: {  	[sflag:s23] =	ssyncset.done $0x0  }
0xa4: {  	[sflag:s23] =	ssyncadd.s32 $0xFFFFFFFF  }
0xa5: {  	s4 =	sld [smem:$0x0]  }
0xa6: {  	s5 =	sand.u32 $0xFFFFFFFE, s1  }
0xa7: {  	p0 =	sne.s32 s1, s5  }
0xa8: {  	s5 =	sshll.u32 @p0 s5, $0xE  }
0xa9: {  	s5 =	sadd.s32 @p0 $0x11B8D, s5;
	s6 =	sshll.u32 @p0 s4, $0x11  }
0xaa: {  	s5 =	sor.u32 @p0 s6, s5  }
0xab: {  	[sflag:s5] =	ssyncadd.remote.s32 @p0 $0x1;
	_ =	sdelay $0x1  }
0xac: {  	s5 =	simm.s32 @p0 $0x1B8D  }
0xad: {  	_ =	swait.eq @p0 [sflag:s5], $0x1  }
0xae: {  	[sflag:s5] =	ssyncadd.s32 @p0 $0xFFFFFFFF  }
0xaf: {  	s6 =	sshll.u32 @!p0 s1, $0xE  }
0xb0: {  	s6 =	sor.u32 @!p0 $0x4000, s6;
	s5 =	simm.s32 @!p0 $0x1B8D  }
0xb1: {  	s4 =	sshll.u32 @!p0 s4, $0x11;
	s6 =	sadd.s32 @!p0 $0x11B8D, s6;
	_ =	swait.eq @!p0 [sflag:s5], $0x1  }
0xb2: {  	s4 =	sor.u32 @!p0 s4, s6;
	[sflag:s5] =	ssyncadd.s32 @!p0 $0xFFFFFFFF  }
0xb3: {  	s25 =	simm.s32 $0x1B8E;
	s24 =	sld [smem:$0x3FFE];
	[sflag:s4] =	ssyncadd.remote.s32 @!p0 $0x1  }
0xb4: {  	s26 =	simm.s32 $execute0_lowered;
	[smem:$0x3FD2] =	sst s25  }
0xb5: {  	s5 =	sshll.u32 s26, $0x1;
	_ =	strace $0x80000064;
	[dreg:$0x1] =	wrdreg $0xFFFFFFFF  }
0xb6: {  	s28 =	simm.s32 $_size_execute0_lowered;
	s3 =	sadd.s32 s3, s5;
	[dreg:$0x0] =	wrdreg $0x0  }
0xb7: {  	s5 =	sshll.u32 s28, $0x1;
	[dreg:$0x2] =	wrdreg s3  }
0xb8: {  	[dreg:$0x3] =	wrdreg s5  }
0xb9: {  	[dreg:$0x4] =	wrdreg $0xC0  }
0xba: {  	_ =	task [dreg:s22], $0x5FFFF  }
0xbb: {  	[dreg:$0x1] =	wrdreg $0xFFFFFFFF  }
0xbc: {  	[dreg:$0x0] =	wrdreg $0x60  }
0xbd: {  	[dreg:$0x2] =	wrdreg s24  }
0xbe: {  	[dreg:$0x3] =	wrdreg $0x65000  }
0xbf: {  	[dreg:$0x4] =	wrdreg $0xB  }
0xc0: {  	_ =	task.clear_ibuf [dreg:s22], $0x5FFFF;
	_ =	strace $0x90000064  }
0xc1: {  	s29 =	simm.s32 $0xB;
	_ =	strace $0x80000066  }
0xc2: {  	_ =	swait.ge [sflag:s29], $0x1  }
0xc3: {  	[sflag:s29] =	ssyncadd.s32 $0xFFFFFFFF  }
0xc4: {  	_ =	strace $0x90000066  }
0xc5: {  	_ =	sfence  }
0xc6: {  	s30 =	sld [smem:$0x0];
	_ =	sdelay $0x2  }
0xc7: {  	s31 =	sshll.u32 s1, $0xD;
	s1 =	sshrl.u32 s1, $0x2  }
0xc8: {  	s4 =	sand.u32 $0x4000, s31;
	s1 =	sadd.s32 s1, s30  }
0xc9: {  	s0 =	sor.u32 s4, s0;
	s1 =	sshll.u32 s1, $0x11  }
0xca: {  	s0 =	sor.u32 s1, s0  }
0xcb: {  	s0 =	sadd.s32 $0x8F2B, s0  }
0xcc: {  	[sflag:s0] =	ssyncadd.remote.s32 $0x1  }
0xcd: {  	_ =	sfence.sel $0xFFFF  }
0xce: {  	[dreg:$0x0] =	wrdreg $0xFFFFFFFF;
	(pc) =	sbr.abs _section_cstart, $3  }
0xcf: {  	[dreg:$0x1] =	wrdreg $0xFFFFFFFF  }
0xd0: {  	_ =	task.clear_ibuf [dreg:s22], $0x2FFFF;
	_ =	strace $0x9FFFFFFF  }
0xd1: {  	(tm) =	ssettm $0x7FFFFFFF  }
tec
execute0_lowered:
.L_overlay_start_1:
0x0: {  	(tag) =	ssettag $0x1  }
0x1: {  	s0 =	stileid.u32  }
0x2: {  	s1 =	srdreg.scid;
	s4 =	smul.u32 $0xC3500, s0  }
0x3: {  	s5 =	rddreg [dreg:$0x0];
	s7 =	smul.u32 $0xC350, s0  }
0x4: {  	s2 =	rddreg [dreg:$0x1];
	s3 =	simm.s32 $0x0;
	s22 =	smul.u32 $0x18C00, s0  }
0x5: {  	s13 =	simm.s32 $0xC8;
	s6 =	sand.u32 $0x1, s1;
	s26 =	smul.u32 $0x63000, s0  }
0x6: {  	s14 =	simm.s32 $0x0;
	s1 =	rddreg [dreg:$0x2];
	s8 =	smul.u32 $0x61A8, s6  }
0x7: {  	[smem:$0x7FF] =	sst s3;
	s30 =	sshll.u32 s0, $0x6;
	s9 =	smul.u32 $0x18C000, s6  }
0x8: {  	_ =	strace $0x80000065;
	s25 =	ssub.s32 $0x2, s6;
	s6 =	smul.u32 $0x61A80, s6  }
0x9: {  	s10 =	sadd.s32 s4, s5;
	s4 =	sadd.s32 $0x19F7600, s5;
	s28 =	sshrl.u32 s25, $0x1  }
0xa: {  	s29 =	sshrl.u32 s26, $0x2;
	s7 =	sadd.s32 s8, s7;
	s24 =	sadd.s32 s22, s9  }
0xb: {  	s8 =	ssub.s32 s25, s28;
	s12 =	sadd.s32 s29, s2;
	s31 =	sadd.s32 s6, s10  }
0xc: {  	s23 =	sshrl.u32 s7, $0x3;
	s7 =	sshrl.u32 s24, $0x3;
	s10 =	sshrl.u32 s12, $0x3  }
0xd: {  	s12 =	simm.s32 $0x100;
	s11 =	sadd.s32 s23, s5;
	s7 =	sadd.s32 s7, s5  }
0xe: {  	s5 =	sor.u32 $0x1C01, s30;
	s6 =	sadd.s32 $0x12E600, s7;
	s7 =	smax.u32 s8, $0x1  }
0xf: {  	s8 =	sadd.s32 $0x3E96600, s31;
	s9 =	sadd.s32 $0x37600, s11;
	s11 =	simm.s32 $0x1  }
.LBB2_1:
0x10: {  	[spmem:s10], [sflag:s5] =	dma.local [hbm:s4], $0x3180  }
0x11: {  	_ =	swait.ge [sflag:s11], $0x3180  }
0x12: {  	[sflag:s11] =	ssyncset.done $0x0  }
0x13: {  	[sflag:s11] =	ssyncadd.s32 $0xFFFFCE80  }
0x14: {  	s15 =	sadd.s32 $0x0, s9;
	[bflag:$0x0] =	sbarrier.arrive $0xFFFF  }
0x15: {  	[tilespmem:s3], [sflag:$0x1] =	stream.linear.gather [hbm4b:s15+s3], $0xC8, $0x38;
	[tilespmem:$0x1F100] =	vst v63  }
0x16: {  	_ =	swait.ge [sflag:s11], $0xC8  }
0x17: {  	[sflag:s11] =	ssyncset.done $0x0  }
0x18: {  	[sflag:s11] =	ssyncadd.s32 $0xFFFFFF38  }
0x19: {  	[tilespmem:s12], [sflag:$0x1] =	stream.linear.gather [hbm4b:s8+s3], $0x6400, $0x38;
	[tilespmem:$0x1F100] =	vst v63  }
0x1a: {  	_ =	swait.ge [sflag:s11], $0x6400  }
0x1b: {  	[sflag:s11] =	ssyncset.done $0x0  }
0x1c: {  	[sflag:s11] =	ssyncadd.s32 $0xFFFF9C00  }
0x1d: {  	[spmem:s2] =	stream.indirect.scatter.add.f32 [tilespmem:s12], [sflag:$0x1], $0x80, s3, s13, $0xb8;
	[tilespmem:$0x1F100] =	vst v63  }
0x1e: {  	s16 =	simm.s32 $0x19;
	_ =	swait.ge [sflag:s11], $0x6400  }
0x1f: {  	s17 =	simm.s32 $0x32;
	s15 =	sadd.s32 $0xC80, s8;
	[sflag:s11] =	ssyncset.done $0x0  }
.LBB2_2:
0x20: {  	s18 =	sadd.s32 s16, s9  }
0x21: {  	[sflag:s11] =	ssyncadd.s32 $0xFFFF9C00;
	s16 =	smov.u32 s17;
	s19 =	sadd.s32 $0x19, s17  }
0x22: {  	[tilespmem:s3], [sflag:$0x1] =	stream.linear.gather [hbm4b:s18+s3], $0xC8, $0x38;
	[tilespmem:$0x1F100] =	vst v63  }
0x23: {  	p0 =	sne.s32 s17, $0xC1C;
	_ =	swait.ge [sflag:s11], $0xC8  }
0x24: {  	[sflag:s11] =	ssyncset.done $0x0  }
0x25: {  	[sflag:s11] =	ssyncadd.s32 $0xFFFFFF38  }
0x26: {  	[tilespmem:s12], [sflag:$0x1] =	stream.linear.gather [hbm4b:s15+s3], $0x6400, $0x38;
	[tilespmem:$0x1F100] =	vst v63  }
0x27: {  	_ =	swait.ge [sflag:s11], $0x6400  }
.Ltmp0:
0x28: {  	[sflag:s11] =	ssyncset.done $0x0;
	(pc) =	sbr.rel @p0 .LBB2_2-.Ltmp0, $4  }
0x29: {  	[sflag:s11] =	ssyncadd.s32 $0xFFFF9C00  }
0x2a: {  	[spmem:s2] =	stream.indirect.scatter.add.f32 [tilespmem:s12], [sflag:$0x1], $0x80, s3, s13, $0xb8;
	[tilespmem:$0x1F100] =	vst v63  }
0x2b: {  	_ =	swait.ge [sflag:s11], $0x6400  }
0x2c: {  	s17 =	smov.u32 s19;
	s15 =	sadd.s32 $0xC80, s15;
	[sflag:s11] =	ssyncset.done $0x0  }
0x2d: {  	s16 =	sadd.s32 s16, s9;
	[sflag:s11] =	ssyncadd.s32 $0xFFFF9C00  }
0x2e: {  	[tilespmem:s3], [sflag:$0x1] =	stream.linear.gather [hbm4b:s16+s3], $0xC8, $0x38;
	[tilespmem:$0x1F100] =	vst v63  }
0x2f: {  	_ =	swait.ge [sflag:s11], $0xC8  }
0x30: {  	[sflag:s11] =	ssyncset.done $0x0  }
0x31: {  	[sflag:s11] =	ssyncadd.s32 $0xFFFFFF38  }
0x32: {  	[tilespmem:s12], [sflag:$0x1] =	stream.linear.gather [hbm4b:s15+s3], $0x6400, $0x38;
	[tilespmem:$0x1F100] =	vst v63  }
0x33: {  	_ =	swait.ge [sflag:s11], $0x6400  }
0x34: {  	[sflag:s11] =	ssyncset.done $0x0  }
0x35: {  	[sflag:s11] =	ssyncadd.s32 $0xFFFF9C00  }
0x36: {  	[spmem:s2] =	stream.indirect.scatter.add.f32 [tilespmem:s12], [sflag:$0x1], $0x80, s3, s13, $0xb8;
	[tilespmem:$0x1F100] =	vst v63  }
0x37: {  	_ =	swait.ge [sflag:s11], $0x6400  }
0x38: {  	s14 =	sadd.s32 $0x1, s14;
	[sflag:s11] =	ssyncset.done $0x0  }
0x39: {  	p0 =	sne.s32 s14, s7;
	[sflag:s11] =	ssyncadd.s32 $0xFFFF9C00  }
.Ltmp1:
0x3a: {  	[bflag:$0x0] =	sbarrier.arrive $0xFFFF;
	(pc) =	sbr.rel @p0 .LBB2_1-.Ltmp1, $4  }
0x3b: {  	[hbm:s6], [sflag:s5] =	dma.local [spmem:s10], $0x3180  }
0x3c: {  	_ =	swait.ge [sflag:s11], $0x3180  }
0x3d: {  	[sflag:s11] =	ssyncset.done $0x0  }
0x3e: {  	[sflag:s11] =	ssyncadd.s32 $0xFFFFCE80  }
0x3f: {  	_ =	sfence.sel $0x180000  }
0x40: {  	[bflag:$0x0] =	sbarrier.arrive $0xFFFF  }
0x41: {  	p0 =	sne.s32 s0, $0x0;
	_ =	strace $0x90000065  }
0x42: {  	s0 =	sadd.s32 @!p0 $0x100000, s1;
	[bflag:$0x2] =	sbarrier.arrive $0xFFFF  }
0x43: {  	[sflag:s0] =	ssyncadd.tile.s32 @!p0 $0x1;
	_ =	shalt  }
.Lfunc_end2:
_tile_overlayer_lowered:
.L_overlay_start_2:
0x44: {  	(tag) =	ssettag $0x2  }
0x45: {  	s0 =	rddreg [dreg:$0x0];
	s2 =	stileid.u32  }
0x46: {  	s1 =	rddreg [dreg:$0x1];
	p0 =	sne.s32 s2, $0x0  }
0x47: {  	s3 =	rddreg [dreg:$0x2];
	[bflag:$0x3] =	sbarrier.arrive $0xFFFF;
	s2 =	simm.s32 @!p0 $0x1C01  }
0x48: {  	[timem:s3], [sflag:s2] =	dma.local @!p0 [hbm:s0], s1  }
0x49: {  	s0 =	simm.s32 @!p0 $0x1  }
0x4a: {  	_ =	swait.ge @!p0 [sflag:s0], s1  }
0x4b: {  	s1 =	ssub.s32 @!p0 $0x0, s1;
	[sflag:s0] =	ssyncset.done @!p0 $0x0  }
0x4c: {  	[sflag:s0] =	ssyncadd.s32 @!p0 s1  }
0x4d: {  	[bflag:$0x3] =	sbarrier.arrive $0xFFFF  }
0x4e: {  	_ =	shalt  }

// kernel: kernel.55.cloned.1.call-start
scs
__scs_entry_jumppad:
0x0: {  	(pc) =	sbr.rel $0x88, $3  }
0x1: {  	(tag) =	ssettag $0x0;
	lr =	simm.s32 $0x1  }
0x2: {  	[smem:$0x3F91] =	sst lr;
	_ =	strace $0xD0000000  }
0x3: {  	_ = 	snop  }
0x4: {  	_ = 	snop  }
0x5: {  	_ = 	snop  }
0x6: {  	_ = 	snop  }
0x7: {  	_ = 	snop  }
__scs_overlays_trampoline_lowered:
0x8: {  	[smem:$0x3FA0] =	sst s0  }
0x9: {  	[smem:$0x3FA1] =	sst s1  }
0xa: {  	[smem:$0x3FA2] =	sst s2  }
0xb: {  	[smem:$0x3FA3] =	sst s3  }
0xc: {  	[smem:$0x3FA4] =	sst s4  }
0xd: {  	[smem:$0x3FA5] =	sst s5  }
0xe: {  	[smem:$0x3FA6] =	sst s6  }
0xf: {  	[smem:$0x3FA7] =	sst s7  }
0x10: {  	[smem:$0x3FA8] =	sst s8  }
0x11: {  	[smem:$0x3FA9] =	sst s9;
	s0 =	simm.s32 @!p0 $0x0  }
0x12: {  	s1 =	sld [smem:$0x3F8F];
	s0 =	simm.s32 @p0 $0x1  }
0x13: {  	[smem:$0x3FAA] =	sst s0;
	s0 =	simm.s32 @!p1 $0x0  }
0x14: {  	s2 =	sld [smem:$0x3F8E];
	s0 =	simm.s32 @p1 $0x1  }
0x15: {  	[smem:$0x3FAB] =	sst s0;
	s0 =	simm.s32 @!p2 $0x0  }
0x16: {  	s3 =	sld [smem:$0x3FDB];
	s0 =	simm.s32 @p2 $0x1  }
0x17: {  	s4 =	simm.s32 $0x1BF5;
	[smem:$0x3FAD] =	sst s0  }
0x18: {  	s0 =	sld [smem:$0x3F90];
	_ =	swait.ge [sflag:s4], $0x0  }
0x19: {  	s7 =	sld [smem:$0x3F91]  }
0x1a: {  	s8 =	sadd.s32 $0xFFFFE003, lr  }
0x1b: {  	s9 =	sadd.s32 $0xFFFFFEF7, lr;
	s5 =	simm.s32 $0xFFFFFFFF;
	p2 =	slt.u32 s8, $0xFFFFF086  }
0x1c: {  	p1 =	slt.u32 s9, $0xF7A;
	s5 =	simm.s32 @!p2 $0x0  }
0x1d: {  	s5 =	simm.s32 @p1 $0x1;
	p0 =	seq.s32 s7, s2  }
0x1e: {  	s7 =	smul.u32 @!p0 $0xF7A, s2;
	p2 =	seq.s32 @!p0 s5, $0x0  }
0x1f: {  	s9 =	smul.u32 $0xF7A, s1;
	s8 =	simm.s32 @!p0 $0x1BF5;
	p2 =	por !p2, p0  }
0x20: {  	[sflag:s8] =	ssyncset.s32 @!p0 $0xFFFFF086;
	s6 =	sadd.s32 @!p0 s3, s7;
	s7 =	simm.s32 @!p0 $0x108  }
0x21: {  	s3 =	sadd.s32 s3, s9;
	s6 =	sadd.s32 @!p0 $0x88, s6;
	s7 =	simm.s32 @p2 $0x1082  }
0x22: {  	[simem:s7], [sflag:s8] =	dma.local @!p0 [hbm:s6], $0xF7A  }
0x23: {  	s9 =	sor.u32 $0xD0000000, s2;
	s6 =	simm.s32 $0x108;
	_ =	swait.ge @!p0 [sflag:s8], $0x0  }
0x24: {  	s3 =	sadd.s32 $0x88, s3;
	s6 =	simm.s32 @!p1 $0x1082;
	[sflag:s4] =	ssyncset.s32 $0xFFFFF086  }
0x25: {  	[simem:s6], [sflag:s4] =	dma.local [hbm:s3], $0xF7A  }
0x26: {  	[smem:$0x3F91] =	sst s1;
	(tag) =	ssettag s2;
	_ =	strace s9  }
0x27: {  	s1 =	sld [smem:$0x3FA1]  }
0x28: {  	s2 =	sld [smem:$0x3FA2]  }
0x29: {  	s4 =	sld [smem:$0x3FA4]  }
0x2a: {  	p0 =	seq.s32 s5, $0x0;
	s5 =	sld [smem:$0x3FA5]  }
0x2b: {  	s6 =	sld [smem:$0x3FA6]  }
0x2c: {  	s7 =	sld [smem:$0x3FA7]  }
0x2d: {  	s3 =	simm.s32 $0x108;
	s8 =	sld [smem:$0x3FA8]  }
0x2e: {  	s3 =	simm.s32 @!p0 $0x1082;
	s9 =	sld [smem:$0x3FA9]  }
0x2f: {  	lr =	sadd.s32 s0, s3;
	s0 =	sld [smem:$0x3FA0]  }
0x30: {  	s3 =	sld [smem:$0x3FA3]  }
0x31: {  	[smem:$0x3FAC] =	sst s10  }
0x32: {  	s10 =	sld [smem:$0x3FAA];
	_ =	sdelay $0x3  }
0x33: {  	p0 =	seq.s32 s10, $0x1;
	s10 =	sld [smem:$0x3FAC];
	_ =	sdelay $0x3  }
0x34: {  	[smem:$0x3FAC] =	sst s10  }
0x35: {  	s10 =	sld [smem:$0x3FAB];
	_ =	sdelay $0x3  }
0x36: {  	p1 =	seq.s32 s10, $0x1;
	s10 =	sld [smem:$0x3FAC];
	_ =	sdelay $0x3  }
0x37: {  	[smem:$0x3FAC] =	sst s10  }
0x38: {  	s10 =	sld [smem:$0x3FAD]  }
0x39: {  	_ = 	snop;
	(pc) =	sbr.ind lr, $3  }
0x3a: {  	_ = 	snop  }
0x3b: {  	_ = 	snop  }
0x3c: {  	p2 =	seq.s32 s10, $0x1;
	s10 =	sld [smem:$0x3FAC]  }
0x3d: {  	_ =	shalt  }
0x3e: {  	_ =	shalt  }
0x3f: {  	_ =	shalt  }
0x40: {  	_ =	shalt  }
0x41: {  	_ =	shalt  }
0x42: {  	_ =	shalt  }
0x43: {  	_ =	shalt  }
0x44: {  	_ =	shalt  }
0x45: {  	_ =	shalt  }
0x46: {  	_ =	shalt  }
0x47: {  	_ =	shalt  }
0x48: {  	_ =	shalt  }
0x49: {  	_ =	shalt  }
0x4a: {  	_ =	shalt  }
0x4b: {  	_ =	shalt  }
0x4c: {  	_ =	shalt  }
0x4d: {  	_ =	shalt  }
0x4e: {  	_ =	shalt  }
0x4f: {  	_ =	shalt  }
0x50: {  	_ =	shalt  }
0x51: {  	_ =	shalt  }
0x52: {  	_ =	shalt  }
0x53: {  	_ =	shalt  }
0x54: {  	_ =	shalt  }
0x55: {  	_ =	shalt  }
0x56: {  	_ =	shalt  }
0x57: {  	_ =	shalt  }
0x58: {  	_ =	shalt  }
0x59: {  	_ =	shalt  }
0x5a: {  	_ =	shalt  }
0x5b: {  	_ =	shalt  }
0x5c: {  	_ =	shalt  }
0x5d: {  	_ =	shalt  }
0x5e: {  	_ =	shalt  }
0x5f: {  	_ =	shalt  }
0x60: {  	_ =	shalt  }
0x61: {  	_ =	shalt  }
0x62: {  	_ =	shalt  }
0x63: {  	_ =	shalt  }
0x64: {  	_ =	shalt  }
0x65: {  	_ =	shalt  }
0x66: {  	_ =	shalt  }
0x67: {  	_ =	shalt  }
0x68: {  	_ =	shalt  }
0x69: {  	_ =	shalt  }
0x6a: {  	_ =	shalt  }
0x6b: {  	_ =	shalt  }
0x6c: {  	_ =	shalt  }
0x6d: {  	_ =	shalt  }
0x6e: {  	_ =	shalt  }
0x6f: {  	_ =	shalt  }
0x70: {  	_ =	shalt  }
0x71: {  	_ =	shalt  }
0x72: {  	_ =	shalt  }
0x73: {  	_ =	shalt  }
0x74: {  	_ =	shalt  }
0x75: {  	_ =	shalt  }
0x76: {  	_ =	shalt  }
0x77: {  	_ =	shalt  }
0x78: {  	_ =	shalt  }
0x79: {  	_ =	shalt  }
0x7a: {  	_ =	shalt  }
0x7b: {  	_ =	shalt  }
0x7c: {  	_ =	shalt  }
0x7d: {  	_ =	shalt  }
0x7e: {  	_ =	shalt  }
0x7f: {  	_ =	shalt  }
0x80: {  	_ =	shalt  }
0x81: {  	_ =	shalt  }
0x82: {  	_ =	shalt  }
0x83: {  	_ =	shalt  }
0x84: {  	_ =	shalt  }
0x85: {  	_ =	shalt  }
0x86: {  	_ =	shalt  }
0x87: {  	_ =	shalt  }
.Lfunc_end0:
.L_simem_size_0:
called_computation.11_lowered:
.L_overlay_start_0:
0x88: {  	s2 =	sld [smem:$0x3FD9]  }
0x89: {  	s3 =	sld [smem:$0x3FFE];
	_ =	sdelay $0x1  }
0x8a: {  	s1 =	srdreg.scid  }
0x8b: {  	s0 =	sand.u32 $0x1, s1  }
0x8c: {  	s17 =	sshll.u32 s0, $0xA;
	s2 =	sadd.s32 s3, s2  }
0x8d: {  	s2 =	sadd.s32 s2, s17  }
0x8e: {  	[smem:$0x3FB8] =	sst s2  }
0x8f: {  	_ = 	snop  }
0x90: {  	(tm) =	ssettm $0x1  }
0x91: {  	s18 =	sld [smem:$0x3FFB];
	_ =	sdelay $0x3  }
0x92: {  	_ =	strace s18  }
0x93: {  	s2 =	sld [smem:$0x3FFC];
	_ =	sdelay $0x3  }
0x94: {  	_ =	strace s2  }
0x95: {  	s2 =	sld [smem:$0x3FFD];
	_ =	sdelay $0x3  }
0x96: {  	_ =	strace s2  }
0x97: {  	_ =	strace $0x8FFFFFFF  }
0x98: {  	s19 =	sld [smem:$0x3FDB];
	_ =	sdelay $0x1  }
0x99: {  	s20 =	simm.s32 $_scs_section_size  }
0x9a: {  	s4 =	simm.s32 $_size__tile_overlayer_lowered;
	s5 =	simm.s32 $_tile_overlayer_lowered  }
0x9b: {  	s6 =	simm.s32 $0x1BFF;
	s21 =	sshll.u32 s5, $0x1;
	s3 =	sadd.s32 s20, s19  }
0x9c: {  	s22 =	simm.s32 $0x0;
	s4 =	sshll.u32 s4, $0x1;
	s5 =	sadd.s32 s21, s3  }
0x9d: {  	[timem:s22], [sflag:s6] =	dma.local [hbm:s5], s4  }
0x9e: {  	_ =	swait.ge [sflag:s6], s4  }
0x9f: {  	s4 =	ssub.s32 $0x0, s4;
	[sflag:s6] =	ssyncset.done $0x0  }
0xa0: {  	[sflag:s6] =	ssyncadd.s32 s4;
	_ =	sdelay $0x1  }
0xa1: {  	s23 =	simm.s32 $0x1B8B  }
0xa2: {  	_ =	swait.ge [sflag:s23], $0x1  }
0xa3: {  	[sflag:s23] =	ssyncset.done $0x0  }
0xa4: {  	[sflag:s23] =	ssyncadd.s32 $0xFFFFFFFF  }
0xa5: {  	s4 =	sld [smem:$0x0]  }
0xa6: {  	s5 =	sand.u32 $0xFFFFFFFE, s1  }
0xa7: {  	p0 =	sne.s32 s1, s5  }
0xa8: {  	s5 =	sshll.u32 @p0 s5, $0xE  }
0xa9: {  	s5 =	sadd.s32 @p0 $0x11B8D, s5;
	s6 =	sshll.u32 @p0 s4, $0x11  }
0xaa: {  	s5 =	sor.u32 @p0 s6, s5  }
0xab: {  	[sflag:s5] =	ssyncadd.remote.s32 @p0 $0x1;
	_ =	sdelay $0x1  }
0xac: {  	s5 =	simm.s32 @p0 $0x1B8D  }
0xad: {  	_ =	swait.eq @p0 [sflag:s5], $0x1  }
0xae: {  	[sflag:s5] =	ssyncadd.s32 @p0 $0xFFFFFFFF  }
0xaf: {  	s6 =	sshll.u32 @!p0 s1, $0xE  }
0xb0: {  	s6 =	sor.u32 @!p0 $0x4000, s6;
	s5 =	simm.s32 @!p0 $0x1B8D  }
0xb1: {  	s4 =	sshll.u32 @!p0 s4, $0x11;
	s6 =	sadd.s32 @!p0 $0x11B8D, s6;
	_ =	swait.eq @!p0 [sflag:s5], $0x1  }
0xb2: {  	s4 =	sor.u32 @!p0 s4, s6;
	[sflag:s5] =	ssyncadd.s32 @!p0 $0xFFFFFFFF  }
0xb3: {  	s25 =	simm.s32 $0x1B8E;
	s24 =	sld [smem:$0x3FFE];
	[sflag:s4] =	ssyncadd.remote.s32 @!p0 $0x1  }
0xb4: {  	s26 =	simm.s32 $execute0_lowered;
	[smem:$0x3FD2] =	sst s25  }
0xb5: {  	s5 =	sshll.u32 s26, $0x1;
	_ =	strace $0x80000067;
	[dreg:$0x1] =	wrdreg $0xFFFFFFFF  }
0xb6: {  	s28 =	simm.s32 $_size_execute0_lowered;
	s3 =	sadd.s32 s3, s5;
	[dreg:$0x0] =	wrdreg $0x0  }
0xb7: {  	s5 =	sshll.u32 s28, $0x1;
	[dreg:$0x2] =	wrdreg s3  }
0xb8: {  	[dreg:$0x3] =	wrdreg s5  }
0xb9: {  	[dreg:$0x4] =	wrdreg $0xC0  }
0xba: {  	_ =	task [dreg:s22], $0x5FFFF  }
0xbb: {  	[dreg:$0x1] =	wrdreg $0xFFFFFFFF  }
0xbc: {  	[dreg:$0x0] =	wrdreg $0x60  }
0xbd: {  	[dreg:$0x2] =	wrdreg s24  }
0xbe: {  	[dreg:$0x3] =	wrdreg $0x65000  }
0xbf: {  	[dreg:$0x4] =	wrdreg $0xC  }
0xc0: {  	_ =	task.clear_ibuf [dreg:s22], $0x5FFFF;
	_ =	strace $0x90000067  }
0xc1: {  	s29 =	simm.s32 $0xC;
	_ =	strace $0x80000069  }
0xc2: {  	_ =	swait.ge [sflag:s29], $0x1  }
0xc3: {  	[sflag:s29] =	ssyncadd.s32 $0xFFFFFFFF  }
0xc4: {  	_ =	strace $0x90000069  }
0xc5: {  	_ =	sfence  }
0xc6: {  	s30 =	sld [smem:$0x0];
	_ =	sdelay $0x2  }
0xc7: {  	s31 =	sshll.u32 s1, $0xD;
	s1 =	sshrl.u32 s1, $0x2  }
0xc8: {  	s4 =	sand.u32 $0x4000, s31;
	s1 =	sadd.s32 s1, s30  }
0xc9: {  	s0 =	sor.u32 s4, s0;
	s1 =	sshll.u32 s1, $0x11  }
0xca: {  	s0 =	sor.u32 s1, s0  }
0xcb: {  	s0 =	sadd.s32 $0x8F2B, s0  }
0xcc: {  	[sflag:s0] =	ssyncadd.remote.s32 $0x1  }
0xcd: {  	_ =	sfence.sel $0xFFFF  }
0xce: {  	[dreg:$0x0] =	wrdreg $0xFFFFFFFF;
	(pc) =	sbr.abs _section_cstart, $3  }
0xcf: {  	[dreg:$0x1] =	wrdreg $0xFFFFFFFF  }
0xd0: {  	_ =	task.clear_ibuf [dreg:s22], $0x2FFFF;
	_ =	strace $0x9FFFFFFF  }
0xd1: {  	(tm) =	ssettm $0x7FFFFFFF  }
tec
execute0_lowered:
.L_overlay_start_1:
0x0: {  	(tag) =	ssettag $0x1  }
0x1: {  	s0 =	stileid.u32  }
0x2: {  	s1 =	srdreg.scid;
	s4 =	smul.u32 $0xC3500, s0  }
0x3: {  	s5 =	rddreg [dreg:$0x0];
	s7 =	smul.u32 $0xC350, s0  }
0x4: {  	s2 =	rddreg [dreg:$0x1];
	s3 =	simm.s32 $0x0;
	s22 =	smul.u32 $0x18C00, s0  }
0x5: {  	s13 =	simm.s32 $0xC8;
	s6 =	sand.u32 $0x1, s1;
	s26 =	smul.u32 $0x63000, s0  }
0x6: {  	s14 =	simm.s32 $0x0;
	s1 =	rddreg [dreg:$0x2];
	s8 =	smul.u32 $0x61A8, s6  }
0x7: {  	[smem:$0x7FF] =	sst s3;
	s30 =	sshll.u32 s0, $0x6;
	s9 =	smul.u32 $0x18C000, s6  }
0x8: {  	_ =	strace $0x80000068;
	s25 =	ssub.s32 $0x2, s6;
	s6 =	smul.u32 $0x61A80, s6  }
0x9: {  	s10 =	sadd.s32 s4, s5;
	s4 =	sadd.s32 $0x19F7600, s5;
	s28 =	sshrl.u32 s25, $0x1  }
0xa: {  	s29 =	sshrl.u32 s26, $0x2;
	s7 =	sadd.s32 s8, s7;
	s24 =	sadd.s32 s22, s9  }
0xb: {  	s8 =	ssub.s32 s25, s28;
	s12 =	sadd.s32 s29, s2;
	s31 =	sadd.s32 s6, s10  }
0xc: {  	s23 =	sshrl.u32 s7, $0x3;
	s7 =	sshrl.u32 s24, $0x3;
	s10 =	sshrl.u32 s12, $0x3  }
0xd: {  	s12 =	simm.s32 $0x100;
	s11 =	sadd.s32 s23, s5;
	s7 =	sadd.s32 s7, s5  }
0xe: {  	s5 =	sor.u32 $0x1C01, s30;
	s6 =	sadd.s32 $0x191600, s7;
	s7 =	smax.u32 s8, $0x1  }
0xf: {  	s8 =	sadd.s32 $0x3E96600, s31;
	s9 =	sadd.s32 $0x4FE00, s11;
	s11 =	simm.s32 $0x1  }
.LBB2_1:
0x10: {  	[spmem:s10], [sflag:s5] =	dma.local [hbm:s4], $0x3180  }
0x11: {  	_ =	swait.ge [sflag:s11], $0x3180  }
0x12: {  	[sflag:s11] =	ssyncset.done $0x0  }
0x13: {  	[sflag:s11] =	ssyncadd.s32 $0xFFFFCE80  }
0x14: {  	s15 =	sadd.s32 $0x0, s9;
	[bflag:$0x0] =	sbarrier.arrive $0xFFFF  }
0x15: {  	[tilespmem:s3], [sflag:$0x1] =	stream.linear.gather [hbm4b:s15+s3], $0xC8, $0x38;
	[tilespmem:$0x1F100] =	vst v63  }
0x16: {  	_ =	swait.ge [sflag:s11], $0xC8  }
0x17: {  	[sflag:s11] =	ssyncset.done $0x0  }
0x18: {  	[sflag:s11] =	ssyncadd.s32 $0xFFFFFF38  }
0x19: {  	[tilespmem:s12], [sflag:$0x1] =	stream.linear.gather [hbm4b:s8+s3], $0x6400, $0x38;
	[tilespmem:$0x1F100] =	vst v63  }
0x1a: {  	_ =	swait.ge [sflag:s11], $0x6400  }
0x1b: {  	[sflag:s11] =	ssyncset.done $0x0  }
0x1c: {  	[sflag:s11] =	ssyncadd.s32 $0xFFFF9C00  }
0x1d: {  	[spmem:s2] =	stream.indirect.scatter.add.f32 [tilespmem:s12], [sflag:$0x1], $0x80, s3, s13, $0xb8;
	[tilespmem:$0x1F100] =	vst v63  }
0x1e: {  	s16 =	simm.s32 $0x19;
	_ =	swait.ge [sflag:s11], $0x6400  }
0x1f: {  	s17 =	simm.s32 $0x32;
	s15 =	sadd.s32 $0xC80, s8;
	[sflag:s11] =	ssyncset.done $0x0  }
.LBB2_2:
0x20: {  	s18 =	sadd.s32 s16, s9  }
0x21: {  	[sflag:s11] =	ssyncadd.s32 $0xFFFF9C00;
	s16 =	smov.u32 s17;
	s19 =	sadd.s32 $0x19, s17  }
0x22: {  	[tilespmem:s3], [sflag:$0x1] =	stream.linear.gather [hbm4b:s18+s3], $0xC8, $0x38;
	[tilespmem:$0x1F100] =	vst v63  }
0x23: {  	p0 =	sne.s32 s17, $0xC1C;
	_ =	swait.ge [sflag:s11], $0xC8  }
0x24: {  	[sflag:s11] =	ssyncset.done $0x0  }
0x25: {  	[sflag:s11] =	ssyncadd.s32 $0xFFFFFF38  }
0x26: {  	[tilespmem:s12], [sflag:$0x1] =	stream.linear.gather [hbm4b:s15+s3], $0x6400, $0x38;
	[tilespmem:$0x1F100] =	vst v63  }
0x27: {  	_ =	swait.ge [sflag:s11], $0x6400  }
.Ltmp0:
0x28: {  	[sflag:s11] =	ssyncset.done $0x0;
	(pc) =	sbr.rel @p0 .LBB2_2-.Ltmp0, $4  }
0x29: {  	[sflag:s11] =	ssyncadd.s32 $0xFFFF9C00  }
0x2a: {  	[spmem:s2] =	stream.indirect.scatter.add.f32 [tilespmem:s12], [sflag:$0x1], $0x80, s3, s13, $0xb8;
	[tilespmem:$0x1F100] =	vst v63  }
0x2b: {  	_ =	swait.ge [sflag:s11], $0x6400  }
0x2c: {  	s17 =	smov.u32 s19;
	s15 =	sadd.s32 $0xC80, s15;
	[sflag:s11] =	ssyncset.done $0x0  }
0x2d: {  	s16 =	sadd.s32 s16, s9;
	[sflag:s11] =	ssyncadd.s32 $0xFFFF9C00  }
0x2e: {  	[tilespmem:s3], [sflag:$0x1] =	stream.linear.gather [hbm4b:s16+s3], $0xC8, $0x38;
	[tilespmem:$0x1F100] =	vst v63  }
0x2f: {  	_ =	swait.ge [sflag:s11], $0xC8  }
0x30: {  	[sflag:s11] =	ssyncset.done $0x0  }
0x31: {  	[sflag:s11] =	ssyncadd.s32 $0xFFFFFF38  }
0x32: {  	[tilespmem:s12], [sflag:$0x1] =	stream.linear.gather [hbm4b:s15+s3], $0x6400, $0x38;
	[tilespmem:$0x1F100] =	vst v63  }
0x33: {  	_ =	swait.ge [sflag:s11], $0x6400  }
0x34: {  	[sflag:s11] =	ssyncset.done $0x0  }
0x35: {  	[sflag:s11] =	ssyncadd.s32 $0xFFFF9C00  }
0x36: {  	[spmem:s2] =	stream.indirect.scatter.add.f32 [tilespmem:s12], [sflag:$0x1], $0x80, s3, s13, $0xb8;
	[tilespmem:$0x1F100] =	vst v63  }
0x37: {  	_ =	swait.ge [sflag:s11], $0x6400  }
0x38: {  	s14 =	sadd.s32 $0x1, s14;
	[sflag:s11] =	ssyncset.done $0x0  }
0x39: {  	p0 =	sne.s32 s14, s7;
	[sflag:s11] =	ssyncadd.s32 $0xFFFF9C00  }
.Ltmp1:
0x3a: {  	[bflag:$0x0] =	sbarrier.arrive $0xFFFF;
	(pc) =	sbr.rel @p0 .LBB2_1-.Ltmp1, $4  }
0x3b: {  	[hbm:s6], [sflag:s5] =	dma.local [spmem:s10], $0x3180  }
0x3c: {  	_ =	swait.ge [sflag:s11], $0x3180  }
0x3d: {  	[sflag:s11] =	ssyncset.done $0x0  }
0x3e: {  	[sflag:s11] =	ssyncadd.s32 $0xFFFFCE80  }
0x3f: {  	_ =	sfence.sel $0x180000  }
0x40: {  	[bflag:$0x0] =	sbarrier.arrive $0xFFFF  }
0x41: {  	p0 =	sne.s32 s0, $0x0;
	_ =	strace $0x90000068  }
0x42: {  	s0 =	sadd.s32 @!p0 $0x100000, s1;
	[bflag:$0x2] =	sbarrier.arrive $0xFFFF  }
0x43: {  	[sflag:s0] =	ssyncadd.tile.s32 @!p0 $0x1;
	_ =	shalt  }
.Lfunc_end2:
_tile_overlayer_lowered:
.L_overlay_start_2:
0x44: {  	(tag) =	ssettag $0x2  }
0x45: {  	s0 =	rddreg [dreg:$0x0];
	s2 =	stileid.u32  }
0x46: {  	s1 =	rddreg [dreg:$0x1];
	p0 =	sne.s32 s2, $0x0  }
0x47: {  	s3 =	rddreg [dreg:$0x2];
	[bflag:$0x3] =	sbarrier.arrive $0xFFFF;
	s2 =	simm.s32 @!p0 $0x1C01  }
0x48: {  	[timem:s3], [sflag:s2] =	dma.local @!p0 [hbm:s0], s1  }
0x49: {  	s0 =	simm.s32 @!p0 $0x1  }
0x4a: {  	_ =	swait.ge @!p0 [sflag:s0], s1  }
0x4b: {  	s1 =	ssub.s32 @!p0 $0x0, s1;
	[sflag:s0] =	ssyncset.done @!p0 $0x0  }
0x4c: {  	[sflag:s0] =	ssyncadd.s32 @!p0 s1  }
0x4d: {  	[bflag:$0x3] =	sbarrier.arrive $0xFFFF  }
0x4e: {  	_ =	shalt  }

// kernel: kernel.58.cloned.1.call-start
scs
__scs_entry_jumppad:
0x0: {  	(pc) =	sbr.rel $0x88, $3  }
0x1: {  	(tag) =	ssettag $0x0;
	lr =	simm.s32 $0x1  }
0x2: {  	[smem:$0x3F91] =	sst lr;
	_ =	strace $0xD0000000  }
0x3: {  	_ = 	snop  }
0x4: {  	_ = 	snop  }
0x5: {  	_ = 	snop  }
0x6: {  	_ = 	snop  }
0x7: {  	_ = 	snop  }
__scs_overlays_trampoline_lowered:
0x8: {  	[smem:$0x3FA0] =	sst s0  }
0x9: {  	[smem:$0x3FA1] =	sst s1  }
0xa: {  	[smem:$0x3FA2] =	sst s2  }
0xb: {  	[smem:$0x3FA3] =	sst s3  }
0xc: {  	[smem:$0x3FA4] =	sst s4  }
0xd: {  	[smem:$0x3FA5] =	sst s5  }
0xe: {  	[smem:$0x3FA6] =	sst s6  }
0xf: {  	[smem:$0x3FA7] =	sst s7  }
0x10: {  	[smem:$0x3FA8] =	sst s8  }
0x11: {  	[smem:$0x3FA9] =	sst s9;
	s0 =	simm.s32 @!p0 $0x0  }
0x12: {  	s1 =	sld [smem:$0x3F8F];
	s0 =	simm.s32 @p0 $0x1  }
0x13: {  	[smem:$0x3FAA] =	sst s0;
	s0 =	simm.s32 @!p1 $0x0  }
0x14: {  	s2 =	sld [smem:$0x3F8E];
	s0 =	simm.s32 @p1 $0x1  }
0x15: {  	[smem:$0x3FAB] =	sst s0;
	s0 =	simm.s32 @!p2 $0x0  }
0x16: {  	s3 =	sld [smem:$0x3FDB];
	s0 =	simm.s32 @p2 $0x1  }
0x17: {  	s4 =	simm.s32 $0x1BF5;
	[smem:$0x3FAD] =	sst s0  }
0x18: {  	s0 =	sld [smem:$0x3F90];
	_ =	swait.ge [sflag:s4], $0x0  }
0x19: {  	s7 =	sld [smem:$0x3F91]  }
0x1a: {  	s8 =	sadd.s32 $0xFFFFE003, lr  }
0x1b: {  	s9 =	sadd.s32 $0xFFFFFEF7, lr;
	s5 =	simm.s32 $0xFFFFFFFF;
	p2 =	slt.u32 s8, $0xFFFFF086  }
0x1c: {  	p1 =	slt.u32 s9, $0xF7A;
	s5 =	simm.s32 @!p2 $0x0  }
0x1d: {  	s5 =	simm.s32 @p1 $0x1;
	p0 =	seq.s32 s7, s2  }
0x1e: {  	s7 =	smul.u32 @!p0 $0xF7A, s2;
	p2 =	seq.s32 @!p0 s5, $0x0  }
0x1f: {  	s9 =	smul.u32 $0xF7A, s1;
	s8 =	simm.s32 @!p0 $0x1BF5;
	p2 =	por !p2, p0  }
0x20: {  	[sflag:s8] =	ssyncset.s32 @!p0 $0xFFFFF086;
	s6 =	sadd.s32 @!p0 s3, s7;
	s7 =	simm.s32 @!p0 $0x108  }
0x21: {  	s3 =	sadd.s32 s3, s9;
	s6 =	sadd.s32 @!p0 $0x88, s6;
	s7 =	simm.s32 @p2 $0x1082  }
0x22: {  	[simem:s7], [sflag:s8] =	dma.local @!p0 [hbm:s6], $0xF7A  }
0x23: {  	s9 =	sor.u32 $0xD0000000, s2;
	s6 =	simm.s32 $0x108;
	_ =	swait.ge @!p0 [sflag:s8], $0x0  }
0x24: {  	s3 =	sadd.s32 $0x88, s3;
	s6 =	simm.s32 @!p1 $0x1082;
	[sflag:s4] =	ssyncset.s32 $0xFFFFF086  }
0x25: {  	[simem:s6], [sflag:s4] =	dma.local [hbm:s3], $0xF7A  }
0x26: {  	[smem:$0x3F91] =	sst s1;
	(tag) =	ssettag s2;
	_ =	strace s9  }
0x27: {  	s1 =	sld [smem:$0x3FA1]  }
0x28: {  	s2 =	sld [smem:$0x3FA2]  }
0x29: {  	s4 =	sld [smem:$0x3FA4]  }
0x2a: {  	p0 =	seq.s32 s5, $0x0;
	s5 =	sld [smem:$0x3FA5]  }
0x2b: {  	s6 =	sld [smem:$0x3FA6]  }
0x2c: {  	s7 =	sld [smem:$0x3FA7]  }
0x2d: {  	s3 =	simm.s32 $0x108;
	s8 =	sld [smem:$0x3FA8]  }
0x2e: {  	s3 =	simm.s32 @!p0 $0x1082;
	s9 =	sld [smem:$0x3FA9]  }
0x2f: {  	lr =	sadd.s32 s0, s3;
	s0 =	sld [smem:$0x3FA0]  }
0x30: {  	s3 =	sld [smem:$0x3FA3]  }
0x31: {  	[smem:$0x3FAC] =	sst s10  }
0x32: {  	s10 =	sld [smem:$0x3FAA];
	_ =	sdelay $0x3  }
0x33: {  	p0 =	seq.s32 s10, $0x1;
	s10 =	sld [smem:$0x3FAC];
	_ =	sdelay $0x3  }
0x34: {  	[smem:$0x3FAC] =	sst s10  }
0x35: {  	s10 =	sld [smem:$0x3FAB];
	_ =	sdelay $0x3  }
0x36: {  	p1 =	seq.s32 s10, $0x1;
	s10 =	sld [smem:$0x3FAC];
	_ =	sdelay $0x3  }
0x37: {  	[smem:$0x3FAC] =	sst s10  }
0x38: {  	s10 =	sld [smem:$0x3FAD]  }
0x39: {  	_ = 	snop;
	(pc) =	sbr.ind lr, $3  }
0x3a: {  	_ = 	snop  }
0x3b: {  	_ = 	snop  }
0x3c: {  	p2 =	seq.s32 s10, $0x1;
	s10 =	sld [smem:$0x3FAC]  }
0x3d: {  	_ =	shalt  }
0x3e: {  	_ =	shalt  }
0x3f: {  	_ =	shalt  }
0x40: {  	_ =	shalt  }
0x41: {  	_ =	shalt  }
0x42: {  	_ =	shalt  }
0x43: {  	_ =	shalt  }
0x44: {  	_ =	shalt  }
0x45: {  	_ =	shalt  }
0x46: {  	_ =	shalt  }
0x47: {  	_ =	shalt  }
0x48: {  	_ =	shalt  }
0x49: {  	_ =	shalt  }
0x4a: {  	_ =	shalt  }
0x4b: {  	_ =	shalt  }
0x4c: {  	_ =	shalt  }
0x4d: {  	_ =	shalt  }
0x4e: {  	_ =	shalt  }
0x4f: {  	_ =	shalt  }
0x50: {  	_ =	shalt  }
0x51: {  	_ =	shalt  }
0x52: {  	_ =	shalt  }
0x53: {  	_ =	shalt  }
0x54: {  	_ =	shalt  }
0x55: {  	_ =	shalt  }
0x56: {  	_ =	shalt  }
0x57: {  	_ =	shalt  }
0x58: {  	_ =	shalt  }
0x59: {  	_ =	shalt  }
0x5a: {  	_ =	shalt  }
0x5b: {  	_ =	shalt  }
0x5c: {  	_ =	shalt  }
0x5d: {  	_ =	shalt  }
0x5e: {  	_ =	shalt  }
0x5f: {  	_ =	shalt  }
0x60: {  	_ =	shalt  }
0x61: {  	_ =	shalt  }
0x62: {  	_ =	shalt  }
0x63: {  	_ =	shalt  }
0x64: {  	_ =	shalt  }
0x65: {  	_ =	shalt  }
0x66: {  	_ =	shalt  }
0x67: {  	_ =	shalt  }
0x68: {  	_ =	shalt  }
0x69: {  	_ =	shalt  }
0x6a: {  	_ =	shalt  }
0x6b: {  	_ =	shalt  }
0x6c: {  	_ =	shalt  }
0x6d: {  	_ =	shalt  }
0x6e: {  	_ =	shalt  }
0x6f: {  	_ =	shalt  }
0x70: {  	_ =	shalt  }
0x71: {  	_ =	shalt  }
0x72: {  	_ =	shalt  }
0x73: {  	_ =	shalt  }
0x74: {  	_ =	shalt  }
0x75: {  	_ =	shalt  }
0x76: {  	_ =	shalt  }
0x77: {  	_ =	shalt  }
0x78: {  	_ =	shalt  }
0x79: {  	_ =	shalt  }
0x7a: {  	_ =	shalt  }
0x7b: {  	_ =	shalt  }
0x7c: {  	_ =	shalt  }
0x7d: {  	_ =	shalt  }
0x7e: {  	_ =	shalt  }
0x7f: {  	_ =	shalt  }
0x80: {  	_ =	shalt  }
0x81: {  	_ =	shalt  }
0x82: {  	_ =	shalt  }
0x83: {  	_ =	shalt  }
0x84: {  	_ =	shalt  }
0x85: {  	_ =	shalt  }
0x86: {  	_ =	shalt  }
0x87: {  	_ =	shalt  }
.Lfunc_end0:
.L_simem_size_0:
called_computation.12_lowered:
.L_overlay_start_0:
0x88: {  	s2 =	sld [smem:$0x3FD9]  }
0x89: {  	s3 =	sld [smem:$0x3FFE];
	_ =	sdelay $0x1  }
0x8a: {  	s1 =	srdreg.scid  }
0x8b: {  	s0 =	sand.u32 $0x1, s1  }
0x8c: {  	s17 =	sshll.u32 s0, $0xA;
	s2 =	sadd.s32 s3, s2  }
0x8d: {  	s2 =	sadd.s32 s2, s17  }
0x8e: {  	[smem:$0x3FB8] =	sst s2  }
0x8f: {  	_ = 	snop  }
0x90: {  	s2 =	sld [smem:$0x3FD0];
	(tm) =	ssettm $0x1  }
0x91: {  	s18 =	sld [smem:$0x3FFB];
	_ =	sdelay $0x3  }
0x92: {  	_ =	strace s18  }
0x93: {  	s3 =	sld [smem:$0x3FFC];
	_ =	sdelay $0x3  }
0x94: {  	_ =	strace s3  }
0x95: {  	s3 =	sld [smem:$0x3FFD];
	_ =	sdelay $0x3  }
0x96: {  	_ =	strace s3  }
0x97: {  	_ =	strace $0x8FFFFFFF  }
0x98: {  	s19 =	sld [smem:$0x3FDB];
	_ =	sdelay $0x1  }
0x99: {  	s4 =	simm.s32 $_scs_section_size  }
0x9a: {  	s5 =	simm.s32 $_size__tile_overlayer_lowered;
	s6 =	simm.s32 $_tile_overlayer_lowered  }
0x9b: {  	s22 =	simm.s32 $0x1BFF;
	s21 =	sshll.u32 s6, $0x1;
	s3 =	sadd.s32 s4, s19  }
0x9c: {  	s7 =	simm.s32 $0x0;
	s20 =	sshll.u32 s5, $0x1;
	s5 =	sadd.s32 s21, s3  }
0x9d: {  	[timem:s7], [sflag:s22] =	dma.local [hbm:s5], s20  }
0x9e: {  	_ =	swait.ge [sflag:s22], s20  }
0x9f: {  	s4 =	ssub.s32 $0x0, s20;
	[sflag:s22] =	ssyncset.done $0x0  }
0xa0: {  	[sflag:s22] =	ssyncadd.s32 s4;
	_ =	sdelay $0x1  }
0xa1: {  	s23 =	simm.s32 $0x1B8B  }
0xa2: {  	_ =	swait.ge [sflag:s23], $0x1  }
0xa3: {  	[sflag:s23] =	ssyncset.done $0x0  }
0xa4: {  	s25 =	simm.s32 $0x1B8E;
	s24 =	sld [smem:$0x3FFE];
	[sflag:s23] =	ssyncadd.s32 $0xFFFFFFFF  }
0xa5: {  	s26 =	simm.s32 $execute0_lowered;
	[smem:$0x3FD2] =	sst s25  }
0xa6: {  	s5 =	sshll.u32 s26, $0x1;
	_ =	strace $0x8000006A;
	[dreg:$0x1] =	wrdreg $0xFFFFFFFF  }
0xa7: {  	s28 =	simm.s32 $_size_execute0_lowered;
	s3 =	sadd.s32 s3, s5;
	[dreg:$0x0] =	wrdreg $0x0  }
0xa8: {  	s5 =	sshll.u32 s28, $0x1;
	[dreg:$0x2] =	wrdreg s3  }
0xa9: {  	[dreg:$0x3] =	wrdreg s5  }
0xaa: {  	[dreg:$0x4] =	wrdreg $0xC0  }
0xab: {  	_ =	task [dreg:s7], $0x5FFFF  }
0xac: {  	[dreg:$0x1] =	wrdreg $0xFFFFFFFF  }
0xad: {  	[dreg:$0x0] =	wrdreg $0x60  }
0xae: {  	[dreg:$0x2] =	wrdreg s24  }
0xaf: {  	[dreg:$0x3] =	wrdreg s2  }
0xb0: {  	[dreg:$0x4] =	wrdreg $0x9  }
0xb1: {  	_ =	task.clear_ibuf [dreg:s7], $0x5FFFF;
	_ =	strace $0x9000006A  }
0xb2: {  	s29 =	simm.s32 $0x9;
	_ =	strace $0x8000006C  }
0xb3: {  	_ =	swait.ge [sflag:s29], $0x1  }
0xb4: {  	[sflag:s29] =	ssyncadd.s32 $0xFFFFFFFF  }
0xb5: {  	_ =	strace $0x9000006C  }
0xb6: {  	_ =	sfence  }
0xb7: {  	s30 =	sld [smem:$0x0];
	_ =	sdelay $0x2  }
0xb8: {  	s31 =	sshll.u32 s1, $0xD;
	s1 =	sshrl.u32 s1, $0x2  }
0xb9: {  	s3 =	sand.u32 $0x4000, s31;
	s1 =	sadd.s32 s1, s30  }
0xba: {  	s0 =	sor.u32 s3, s0;
	s1 =	sshll.u32 s1, $0x11  }
0xbb: {  	s0 =	sor.u32 s1, s0  }
0xbc: {  	s0 =	sadd.s32 $0x8F2B, s0  }
0xbd: {  	[sflag:s0] =	ssyncadd.remote.s32 $0x1  }
0xbe: {  	_ =	sfence.sel $0xFFFF  }
0xbf: {  	[dreg:$0x0] =	wrdreg $0xFFFFFFFF;
	(pc) =	sbr.abs _section_cstart, $3  }
0xc0: {  	[dreg:$0x1] =	wrdreg $0xFFFFFFFF  }
0xc1: {  	_ =	task.clear_ibuf [dreg:s7], $0x2FFFF;
	_ =	strace $0x9FFFFFFF  }
0xc2: {  	(tm) =	ssettm $0x7FFFFFFF  }
0xc3: {  	_ =	shalt  }
tec
execute0_lowered:
.L_overlay_start_1:
0x0: {  	(tag) =	ssettag $0x1  }
0x1: {  	s1 =	srdreg.scid  }
0x2: {  	s8 =	rddreg [dreg:$0x0];
	s0 =	stileid.u32  }
0x3: {  	s3 =	rddreg [dreg:$0x1];
	s2 =	simm.s32 $0x0;
	s6 =	sand.u32 $0x1, s1  }
0x4: {  	s4 =	sshll.u32 s0, $0xA;
	s1 =	rddreg [dreg:$0x2];
	s5 =	sshll.u32 s6, $0x9  }
0x5: {  	s7 =	simm.s32 $0x1;
	[smem:$0x7FF] =	sst s2;
	s9 =	sor.u32 s5, s4  }
0x6: {  	_ =	strace $0x8000006B;
	s10 =	ssub.s32 $0x2, s6;
	s4 =	sshrl.u32 s9, $0x3  }
0x7: {  	s6 =	simm.s32 $0x200;
	s4 =	sadd.s32 s3, s4;
	s3 =	simm.s32 $0x2  }
0x8: {  	[tilespmem:s2], [sflag:$0x2] =	stream.linear.gather [hbm4b:s4+s2], $0x200, $0x38;
	[tilespmem:$0x10200] =	vst v63  }
0x9: {  	s5 =	sadd.s32 $0x6000, s8;
	s11 =	sshrl.u32 s10, $0x1;
	_ =	swait.ge [sflag:s3], $0x200  }
0xa: {  	s9 =	sshll.u32 s9, $0x4;
	s31 =	ssub.s32 s10, s11;
	[sflag:s3] =	ssyncset.done $0x0  }
0xb: {  	s8 =	sadd.s32 s9, s8;
	s9 =	smax.u32 s31, $0x1;
	[sflag:s3] =	ssyncadd.s32 $0xFFFFFE00  }
0xc: {  	[tilespmem:s6], [sflag:$0x1] =	stream.indirect.gather [hbm4b:s5+s6], $0x80, s2, s6, $0xb8;
	[tilespmem:$0x10200] =	vst v63  }
0xd: {  	p0 =	sne.s32 s9, $0x1;
	_ =	swait.ge [sflag:s7], $0x10000  }
.Ltmp0:
0xe: {  	[sflag:s7] =	ssyncset.done $0x0;
	(pc) =	sbr.rel @!p0 .LBB2_2-.Ltmp0, $4  }
0xf: {  	s8 =	sadd.s32 $0xCA000, s8;
	[sflag:s7] =	ssyncadd.s32 $0xFFFF0000  }
0x10: {  	[hbm4b:s8+s2] =	stream.linear.scatter [tilespmem:s6], [sflag:$0x2], $0x10000, $0x38;
	[tilespmem:$0x10200] =	vst v63  }
0x11: {  	_ =	swait.ge [sflag:s3], $0x10000  }
0x12: {  	s9 =	sadd.s32 $0xFFFFFFFF, s9;
	[sflag:s3] =	ssyncset.done $0x0  }
.LBB2_1:
0x13: {  	p0 =	sne.s32 s9, $0x1;
	s9 =	sadd.s32 $0xFFFFFFFF, s9;
	[sflag:s3] =	ssyncadd.s32 $0xFFFF0000  }
0x14: {  	[tilespmem:s2], [sflag:$0x2] =	stream.linear.gather [hbm4b:s4+s2], $0x200, $0x38;
	[tilespmem:$0x10200] =	vst v63  }
0x15: {  	_ =	swait.ge [sflag:s3], $0x200  }
0x16: {  	[sflag:s3] =	ssyncset.done $0x0  }
0x17: {  	[sflag:s3] =	ssyncadd.s32 $0xFFFFFE00  }
0x18: {  	[tilespmem:s6], [sflag:$0x1] =	stream.indirect.gather [hbm4b:s5+s6], $0x80, s2, s6, $0xb8;
	[tilespmem:$0x10200] =	vst v63  }
0x19: {  	_ =	swait.ge [sflag:s7], $0x10000  }
.Ltmp1:
0x1a: {  	[sflag:s7] =	ssyncset.done $0x0;
	(pc) =	sbr.rel @p0 .LBB2_1-.Ltmp1, $4  }
0x1b: {  	[sflag:s7] =	ssyncadd.s32 $0xFFFF0000  }
0x1c: {  	[hbm4b:s8+s2] =	stream.linear.scatter [tilespmem:s6], [sflag:$0x2], $0x10000, $0x38;
	[tilespmem:$0x10200] =	vst v63  }
0x1d: {  	_ =	swait.ge [sflag:s3], $0x10000  }
0x1e: {  	[sflag:s3] =	ssyncset.done $0x0  }
.LBB2_2:
0x1f: {  	[sflag:s3] =	ssyncadd.s32 $0xFFFF0000  }
0x20: {  	_ =	sfence.sel $0x180000  }
0x21: {  	[bflag:$0x0] =	sbarrier.arrive $0xFFFF  }
0x22: {  	p0 =	sne.s32 s0, $0x0;
	_ =	strace $0x9000006B  }
0x23: {  	s0 =	sadd.s32 @!p0 $0x100000, s1;
	[bflag:$0x2] =	sbarrier.arrive $0xFFFF  }
0x24: {  	[sflag:s0] =	ssyncadd.tile.s32 @!p0 $0x1;
	_ =	shalt  }
.Lfunc_end2:
_tile_overlayer_lowered:
.L_overlay_start_2:
0x25: {  	(tag) =	ssettag $0x2  }
0x26: {  	s0 =	rddreg [dreg:$0x0];
	s2 =	stileid.u32  }
0x27: {  	s1 =	rddreg [dreg:$0x1];
	p0 =	sne.s32 s2, $0x0  }
0x28: {  	s3 =	rddreg [dreg:$0x2];
	[bflag:$0x3] =	sbarrier.arrive $0xFFFF;
	s2 =	simm.s32 @!p0 $0x1C02  }
0x29: {  	[timem:s3], [sflag:s2] =	dma.local @!p0 [hbm:s0], s1  }
0x2a: {  	s0 =	simm.s32 @!p0 $0x2  }
0x2b: {  	_ =	swait.ge @!p0 [sflag:s0], s1  }
0x2c: {  	s1 =	ssub.s32 @!p0 $0x0, s1;
	[sflag:s0] =	ssyncset.done @!p0 $0x0  }
0x2d: {  	[sflag:s0] =	ssyncadd.s32 @!p0 s1  }
0x2e: {  	[bflag:$0x3] =	sbarrier.arrive $0xFFFF  }
0x2f: {  	_ =	shalt  }

</sc_bundles>
